<compile_context>
chip_gen: v7x
topology: tpu7x:2x2x1
jax: 0.10.2.dev20260603
libtpu: 0.0.44.dev20260713+nightly
codegen_flags: <defaults>
</compile_context>

<pallas_src>
import math

import jax
import jax.numpy as jnp
from jax import lax
from jax.experimental import pallas as pl
from jax.experimental.pallas import tpu as pltpu
from jax.experimental.pallas import tpu_sc as plsc

_HALF_PI = math.pi / 2
_NC, _NS, _LANES = 2, 16, 16
_NW = _NC * _NS
_NBUF = 8
_PADDED = 128


def _make_lookup(b0: int, b1: int, dim: int):
    assert b0 % _NW == 0
    rows_w = b0 // _NW
    nchunk = rows_w
    nbuf = _NBUF
    while nchunk % nbuf or nchunk <= nbuf:
        nbuf //= 2
    vecs_per_row = dim // _LANES
    assert dim % _LANES == 0

    mesh = plsc.VectorSubcoreMesh(core_axis_name="c", subcore_axis_name="s")

    def body(x_hbm, w_hbm, out_hbm, idx_v, *bufs_and_sems):
        g = bufs_and_sems[:nbuf]
        ob = bufs_and_sems[nbuf:2 * nbuf]
        gsems = bufs_and_sems[2 * nbuf:3 * nbuf]
        ssems = bufs_and_sems[3 * nbuf:4 * nbuf]

        wid = lax.axis_index("s") * _NC + lax.axis_index("c")
        base = wid * rows_w
        pltpu.sync_copy(x_hbm.at[pl.ds(base, rows_w), :], idx_v)

        def gather(c, b):
            return pltpu.make_async_copy(
                w_hbm.at[idx_v.at[c]], g[b], gsems[b])

        def store(c, b):
            return pltpu.make_async_copy(
                ob[b], out_hbm.at[base + c], ssems[b])

        def scale(b):
            src, dst = g[b], ob[b]

            @plsc.parallel_loop(0, b1, unroll=2)
            def _(k):
                for j in range(vecs_per_row):
                    dst[pl.ds(k * dim + j * _LANES, _LANES)] = (
                        src[k, pl.ds(j * _LANES, _LANES)] * _HALF_PI)

        def step(c, b):
            gather(c, b).wait()
            scale(b)
            store(c, b).start()

        for b in range(nbuf):
            gather(b, b).start()

        if nchunk > nbuf:
            def outer(gi, carry):
                for b in range(nbuf):
                    c = gi * nbuf + b
                    step(c, b)
                    store(c, b).wait()
                    gather(c + nbuf, b).start()
                return carry

            lax.fori_loop(0, nchunk // nbuf - 1, outer, 0)

        for b in range(nbuf):
            c = nchunk - nbuf + b
            step(c, b)
        for b in range(nbuf):
            store(nchunk - nbuf + b, b).wait()

    scratch = [pltpu.VMEM((rows_w, b1), jnp.int32)]
    scratch += [pltpu.VMEM((b1, _PADDED), jnp.float32) for _ in range(nbuf)]
    scratch += [pltpu.VMEM((b1 * dim,), jnp.float32) for _ in range(nbuf)]
    scratch += [pltpu.SemaphoreType.DMA for _ in range(2 * nbuf)]

    return pl.kernel(
        body,
        out_type=jax.ShapeDtypeStruct((b0, b1 * dim), jnp.float32),
        mesh=mesh,
        scratch_types=scratch,
        compiler_params=pltpu.CompilerParams(use_tc_tiling_on_sc=True),
    )


def kernel(x, weight):
    b0, b1 = x.shape
    n, dim = weight.shape
    wp = jnp.pad(weight, ((0, 0), (0, _PADDED - dim)))
    flat = _make_lookup(b0, b1, dim)(x.astype(jnp.int32), wp)
    return flat.reshape(b0, b1, dim)

# --- scband reference (transcript-rebuilt; emitter-appended) ---
"""Pipeline reference for scband-pi2-embedding-10471130267930 (READ-ONLY COPY).

The authoritative reference and input builder live on the scoring server;
editing this copy changes nothing except your own understanding.
"""

import jax, jax.numpy as jnp
import numpy as np
import math

HALF_PI = math.pi / 2
NUM_EMBEDDINGS = 100000
EMBEDDING_DIM = 64


def setup_inputs(seed: int = 0) -> dict:
    key = jax.random.key(seed)
    k_idx, k_w = jax.random.split(key)
    x = jax.random.randint(k_idx, (4096, 26), 0, NUM_EMBEDDINGS, dtype=jnp.int64 if jax.config.jax_enable_x64 else jnp.int32)
    # _init_weights: scale = max(1, round(2/sqrt(dim))); randint(-scale, scale+1)
    scale = max(1, int(round(2.0 / EMBEDDING_DIM ** 0.5)))
    weight = jax.random.randint(k_w, (NUM_EMBEDDINGS, EMBEDDING_DIM), -scale, scale + 1).astype(jnp.float32)
    return {"x": x, "weight": weight}


def reference(x, weight):
    w = weight * HALF_PI
    return jnp.take(w, x, axis=0)

if __name__ == "__main__":
    import jax
    _d = setup_inputs()
    print(jax.jit(kernel)(*tuple(_d.values())))

</pallas_src>

<mosaic_0001>
#map = affine_map<(d0, d1) -> (0, 0)>
module attributes {stable_mosaic.version = 14 : i64} {
  func.func @body(%arg0: i32, %arg1: i32, %arg2: memref<4096x26xi32, #tpu.memory_space<hbm>>, %arg3: memref<100000x128xf32, #tpu.memory_space<hbm>>, %arg4: memref<4096x1664xf32, #tpu.memory_space<hbm>>, %arg5: memref<128x26xi32, #tpu.memory_space<vmem>>, %arg6: memref<26x128xf32, #tpu.memory_space<vmem>>, %arg7: memref<26x128xf32, #tpu.memory_space<vmem>>, %arg8: memref<26x128xf32, #tpu.memory_space<vmem>>, %arg9: memref<26x128xf32, #tpu.memory_space<vmem>>, %arg10: memref<26x128xf32, #tpu.memory_space<vmem>>, %arg11: memref<26x128xf32, #tpu.memory_space<vmem>>, %arg12: memref<26x128xf32, #tpu.memory_space<vmem>>, %arg13: memref<26x128xf32, #tpu.memory_space<vmem>>, %arg14: memref<1664xf32, #tpu.memory_space<vmem>>, %arg15: memref<1664xf32, #tpu.memory_space<vmem>>, %arg16: memref<1664xf32, #tpu.memory_space<vmem>>, %arg17: memref<1664xf32, #tpu.memory_space<vmem>>, %arg18: memref<1664xf32, #tpu.memory_space<vmem>>, %arg19: memref<1664xf32, #tpu.memory_space<vmem>>, %arg20: memref<1664xf32, #tpu.memory_space<vmem>>, %arg21: memref<1664xf32, #tpu.memory_space<vmem>>, %arg22: memref<!tpu.dma_semaphore, #tpu.memory_space<semaphore_mem>>, %arg23: memref<!tpu.dma_semaphore, #tpu.memory_space<semaphore_mem>>, %arg24: memref<!tpu.dma_semaphore, #tpu.memory_space<semaphore_mem>>, %arg25: memref<!tpu.dma_semaphore, #tpu.memory_space<semaphore_mem>>, %arg26: memref<!tpu.dma_semaphore, #tpu.memory_space<semaphore_mem>>, %arg27: memref<!tpu.dma_semaphore, #tpu.memory_space<semaphore_mem>>, %arg28: memref<!tpu.dma_semaphore, #tpu.memory_space<semaphore_mem>>, %arg29: memref<!tpu.dma_semaphore, #tpu.memory_space<semaphore_mem>>, %arg30: memref<!tpu.dma_semaphore, #tpu.memory_space<semaphore_mem>>, %arg31: memref<!tpu.dma_semaphore, #tpu.memory_space<semaphore_mem>>, %arg32: memref<!tpu.dma_semaphore, #tpu.memory_space<semaphore_mem>>, %arg33: memref<!tpu.dma_semaphore, #tpu.memory_space<semaphore_mem>>, %arg34: memref<!tpu.dma_semaphore, #tpu.memory_space<semaphore_mem>>, %arg35: memref<!tpu.dma_semaphore, #tpu.memory_space<semaphore_mem>>, %arg36: memref<!tpu.dma_semaphore, #tpu.memory_space<semaphore_mem>>, %arg37: memref<!tpu.dma_semaphore, #tpu.memory_space<semaphore_mem>>) attributes {dimension_semantics = [#tpu.dimension_semantics<core_parallel>, #tpu.dimension_semantics<subcore_parallel>], iteration_bounds = array<i64: 2, 16>, scalar_prefetch = 0 : i64, scratch_operands = 33 : i64, tpu.core_type = #tpu.core_type<sc_vector_subcore>, window_params = [{transform_indices = #map}, {transform_indices = #map}, {transform_indices = #map}]} {
    %mul3A = arith.constant 2 : i32
    %mul3A_0 = arith.muli %arg1, %mul3A : i32
    %add3A = arith.addi %mul3A_0, %arg0 : i32
    %mul3A_1 = arith.constant 128 : i32
    %mul3A_2 = arith.muli %add3A, %mul3A_1 : i32
    "tpu.region"() ({
      %run_scoped3A = tpu.sem_alloc : memref<!tpu.dma_semaphore, #tpu.memory_space<semaphore_mem>>
      %dma_start3A_269 = arith.constant 0 : i32
      %dma_start3A_270 = tpu.memref_slice %arg2[%mul3A_2, %dma_start3A_269] : memref<4096x26xi32, #tpu.memory_space<hbm>> -> memref<128x26xi32, #tpu.memory_space<hbm>>
      %dma_start3A_271 = arith.constant 0 : i32
      %dma_start3A_272 = tpu.memref_slice %arg2[%mul3A_2, %dma_start3A_271] : memref<4096x26xi32, #tpu.memory_space<hbm>> -> memref<128x26xi32, #tpu.memory_space<hbm>>
      tpu.enqueue_dma source(%dma_start3A_272 : memref<128x26xi32, #tpu.memory_space<hbm>>) target(%arg5 : memref<128x26xi32, #tpu.memory_space<vmem>>) target_semaphore(%run_scoped3A : memref<!tpu.dma_semaphore, #tpu.memory_space<semaphore_mem>>)
      %dma_wait3A_273 = arith.constant 0 : i32
      %dma_wait3A_274 = tpu.memref_slice %arg2[%mul3A_2, %dma_wait3A_273] : memref<4096x26xi32, #tpu.memory_space<hbm>> -> memref<128x26xi32, #tpu.memory_space<hbm>>
      %dma_wait3A_275 = arith.constant 0 : i32
      %dma_wait3A_276 = tpu.memref_slice %arg2[%mul3A_2, %dma_wait3A_275] : memref<4096x26xi32, #tpu.memory_space<hbm>> -> memref<128x26xi32, #tpu.memory_space<hbm>>
      tpu.wait_dma2 semaphore(%run_scoped3A : memref<!tpu.dma_semaphore, #tpu.memory_space<semaphore_mem>>) src(%dma_wait3A_276 : memref<128x26xi32, #tpu.memory_space<hbm>>) dst(%arg5 : memref<128x26xi32, #tpu.memory_space<vmem>>)
      tpu.yield
    }) : () -> ()
    %dma_start3A = arith.constant 0 : i32
    %dma_start3A_3 = arith.constant 0 : i32
    %dma_start3A_4 = tpu.memref_slice %arg5[%dma_start3A, %dma_start3A_3] : memref<128x26xi32, #tpu.memory_space<vmem>> -> memref<1x26xi32, #tpu.memory_space<vmem>>
    %dma_start3A_5 = tpu.memref_squeeze %dma_start3A_4 : memref<1x26xi32, #tpu.memory_space<vmem>> -> memref<26xi32, #tpu.memory_space<vmem>>
    %dma_start3A_6 = arith.constant 0 : i32
    %dma_start3A_7 = arith.constant 0 : i32
    %dma_start3A_8 = tpu.memref_slice %arg3[%dma_start3A_6, %dma_start3A_7] : memref<100000x128xf32, #tpu.memory_space<hbm>> -> memref<100000x128xf32, #tpu.memory_space<hbm>>
    tpu.enqueue_indirect_dma source(%dma_start3A_8 : memref<100000x128xf32, #tpu.memory_space<hbm>>) target(%arg6 : memref<26x128xf32, #tpu.memory_space<vmem>>) offsets(%dma_start3A_5 : memref<26xi32, #tpu.memory_space<vmem>>) semaphore(%arg22 : memref<!tpu.dma_semaphore, #tpu.memory_space<semaphore_mem>>)
    %dma_start3A_9 = arith.constant 1 : i32
    %dma_start3A_10 = arith.constant 0 : i32
    %dma_start3A_11 = tpu.memref_slice %arg5[%dma_start3A_9, %dma_start3A_10] : memref<128x26xi32, #tpu.memory_space<vmem>> -> memref<1x26xi32, #tpu.memory_space<vmem>>
    %dma_start3A_12 = tpu.memref_squeeze %dma_start3A_11 : memref<1x26xi32, #tpu.memory_space<vmem>> -> memref<26xi32, #tpu.memory_space<vmem>>
    %dma_start3A_13 = arith.constant 0 : i32
    %dma_start3A_14 = arith.constant 0 : i32
    %dma_start3A_15 = tpu.memref_slice %arg3[%dma_start3A_13, %dma_start3A_14] : memref<100000x128xf32, #tpu.memory_space<hbm>> -> memref<100000x128xf32, #tpu.memory_space<hbm>>
    tpu.enqueue_indirect_dma source(%dma_start3A_15 : memref<100000x128xf32, #tpu.memory_space<hbm>>) target(%arg7 : memref<26x128xf32, #tpu.memory_space<vmem>>) offsets(%dma_start3A_12 : memref<26xi32, #tpu.memory_space<vmem>>) semaphore(%arg23 : memref<!tpu.dma_semaphore, #tpu.memory_space<semaphore_mem>>)
    %dma_start3A_16 = arith.constant 2 : i32
    %dma_start3A_17 = arith.constant 0 : i32
    %dma_start3A_18 = tpu.memref_slice %arg5[%dma_start3A_16, %dma_start3A_17] : memref<128x26xi32, #tpu.memory_space<vmem>> -> memref<1x26xi32, #tpu.memory_space<vmem>>
    %dma_start3A_19 = tpu.memref_squeeze %dma_start3A_18 : memref<1x26xi32, #tpu.memory_space<vmem>> -> memref<26xi32, #tpu.memory_space<vmem>>
    %dma_start3A_20 = arith.constant 0 : i32
    %dma_start3A_21 = arith.constant 0 : i32
    %dma_start3A_22 = tpu.memref_slice %arg3[%dma_start3A_20, %dma_start3A_21] : memref<100000x128xf32, #tpu.memory_space<hbm>> -> memref<100000x128xf32, #tpu.memory_space<hbm>>
    tpu.enqueue_indirect_dma source(%dma_start3A_22 : memref<100000x128xf32, #tpu.memory_space<hbm>>) target(%arg8 : memref<26x128xf32, #tpu.memory_space<vmem>>) offsets(%dma_start3A_19 : memref<26xi32, #tpu.memory_space<vmem>>) semaphore(%arg24 : memref<!tpu.dma_semaphore, #tpu.memory_space<semaphore_mem>>)
    %dma_start3A_23 = arith.constant 3 : i32
    %dma_start3A_24 = arith.constant 0 : i32
    %dma_start3A_25 = tpu.memref_slice %arg5[%dma_start3A_23, %dma_start3A_24] : memref<128x26xi32, #tpu.memory_space<vmem>> -> memref<1x26xi32, #tpu.memory_space<vmem>>
    %dma_start3A_26 = tpu.memref_squeeze %dma_start3A_25 : memref<1x26xi32, #tpu.memory_space<vmem>> -> memref<26xi32, #tpu.memory_space<vmem>>
    %dma_start3A_27 = arith.constant 0 : i32
    %dma_start3A_28 = arith.constant 0 : i32
    %dma_start3A_29 = tpu.memref_slice %arg3[%dma_start3A_27, %dma_start3A_28] : memref<100000x128xf32, #tpu.memory_space<hbm>> -> memref<100000x128xf32, #tpu.memory_space<hbm>>
    tpu.enqueue_indirect_dma source(%dma_start3A_29 : memref<100000x128xf32, #tpu.memory_space<hbm>>) target(%arg9 : memref<26x128xf32, #tpu.memory_space<vmem>>) offsets(%dma_start3A_26 : memref<26xi32, #tpu.memory_space<vmem>>) semaphore(%arg25 : memref<!tpu.dma_semaphore, #tpu.memory_space<semaphore_mem>>)
    %dma_start3A_30 = arith.constant 4 : i32
    %dma_start3A_31 = arith.constant 0 : i32
    %dma_start3A_32 = tpu.memref_slice %arg5[%dma_start3A_30, %dma_start3A_31] : memref<128x26xi32, #tpu.memory_space<vmem>> -> memref<1x26xi32, #tpu.memory_space<vmem>>
    %dma_start3A_33 = tpu.memref_squeeze %dma_start3A_32 : memref<1x26xi32, #tpu.memory_space<vmem>> -> memref<26xi32, #tpu.memory_space<vmem>>
    %dma_start3A_34 = arith.constant 0 : i32
    %dma_start3A_35 = arith.constant 0 : i32
    %dma_start3A_36 = tpu.memref_slice %arg3[%dma_start3A_34, %dma_start3A_35] : memref<100000x128xf32, #tpu.memory_space<hbm>> -> memref<100000x128xf32, #tpu.memory_space<hbm>>
    tpu.enqueue_indirect_dma source(%dma_start3A_36 : memref<100000x128xf32, #tpu.memory_space<hbm>>) target(%arg10 : memref<26x128xf32, #tpu.memory_space<vmem>>) offsets(%dma_start3A_33 : memref<26xi32, #tpu.memory_space<vmem>>) semaphore(%arg26 : memref<!tpu.dma_semaphore, #tpu.memory_space<semaphore_mem>>)
    %dma_start3A_37 = arith.constant 5 : i32
    %dma_start3A_38 = arith.constant 0 : i32
    %dma_start3A_39 = tpu.memref_slice %arg5[%dma_start3A_37, %dma_start3A_38] : memref<128x26xi32, #tpu.memory_space<vmem>> -> memref<1x26xi32, #tpu.memory_space<vmem>>
    %dma_start3A_40 = tpu.memref_squeeze %dma_start3A_39 : memref<1x26xi32, #tpu.memory_space<vmem>> -> memref<26xi32, #tpu.memory_space<vmem>>
    %dma_start3A_41 = arith.constant 0 : i32
    %dma_start3A_42 = arith.constant 0 : i32
    %dma_start3A_43 = tpu.memref_slice %arg3[%dma_start3A_41, %dma_start3A_42] : memref<100000x128xf32, #tpu.memory_space<hbm>> -> memref<100000x128xf32, #tpu.memory_space<hbm>>
    tpu.enqueue_indirect_dma source(%dma_start3A_43 : memref<100000x128xf32, #tpu.memory_space<hbm>>) target(%arg11 : memref<26x128xf32, #tpu.memory_space<vmem>>) offsets(%dma_start3A_40 : memref<26xi32, #tpu.memory_space<vmem>>) semaphore(%arg27 : memref<!tpu.dma_semaphore, #tpu.memory_space<semaphore_mem>>)
    %dma_start3A_44 = arith.constant 6 : i32
    %dma_start3A_45 = arith.constant 0 : i32
    %dma_start3A_46 = tpu.memref_slice %arg5[%dma_start3A_44, %dma_start3A_45] : memref<128x26xi32, #tpu.memory_space<vmem>> -> memref<1x26xi32, #tpu.memory_space<vmem>>
    %dma_start3A_47 = tpu.memref_squeeze %dma_start3A_46 : memref<1x26xi32, #tpu.memory_space<vmem>> -> memref<26xi32, #tpu.memory_space<vmem>>
    %dma_start3A_48 = arith.constant 0 : i32
    %dma_start3A_49 = arith.constant 0 : i32
    %dma_start3A_50 = tpu.memref_slice %arg3[%dma_start3A_48, %dma_start3A_49] : memref<100000x128xf32, #tpu.memory_space<hbm>> -> memref<100000x128xf32, #tpu.memory_space<hbm>>
    tpu.enqueue_indirect_dma source(%dma_start3A_50 : memref<100000x128xf32, #tpu.memory_space<hbm>>) target(%arg12 : memref<26x128xf32, #tpu.memory_space<vmem>>) offsets(%dma_start3A_47 : memref<26xi32, #tpu.memory_space<vmem>>) semaphore(%arg28 : memref<!tpu.dma_semaphore, #tpu.memory_space<semaphore_mem>>)
    %dma_start3A_51 = arith.constant 7 : i32
    %dma_start3A_52 = arith.constant 0 : i32
    %dma_start3A_53 = tpu.memref_slice %arg5[%dma_start3A_51, %dma_start3A_52] : memref<128x26xi32, #tpu.memory_space<vmem>> -> memref<1x26xi32, #tpu.memory_space<vmem>>
    %dma_start3A_54 = tpu.memref_squeeze %dma_start3A_53 : memref<1x26xi32, #tpu.memory_space<vmem>> -> memref<26xi32, #tpu.memory_space<vmem>>
    %dma_start3A_55 = arith.constant 0 : i32
    %dma_start3A_56 = arith.constant 0 : i32
    %dma_start3A_57 = tpu.memref_slice %arg3[%dma_start3A_55, %dma_start3A_56] : memref<100000x128xf32, #tpu.memory_space<hbm>> -> memref<100000x128xf32, #tpu.memory_space<hbm>>
    tpu.enqueue_indirect_dma source(%dma_start3A_57 : memref<100000x128xf32, #tpu.memory_space<hbm>>) target(%arg13 : memref<26x128xf32, #tpu.memory_space<vmem>>) offsets(%dma_start3A_54 : memref<26xi32, #tpu.memory_space<vmem>>) semaphore(%arg29 : memref<!tpu.dma_semaphore, #tpu.memory_space<semaphore_mem>>)
    %scan3A = arith.constant 0 : i32
    %scan3A_58 = arith.constant 0 : i32
    %scan3A_59 = arith.constant 15 : i32
    %scan3A_60 = arith.addi %scan3A_58, %scan3A_59 : i32
    %scan3A_61 = arith.constant 1 : i32
    scf.for %scan3A_269 = %scan3A_58 to %scan3A_60 step %scan3A_61  : i32 {
      %mul3A_270 = arith.constant 8 : i32
      %mul3A_271 = arith.muli %scan3A_269, %mul3A_270 : i32
      %add3A_272 = arith.constant 0 : i32
      %add3A_273 = arith.addi %mul3A_271, %add3A_272 : i32
      %dma_wait3A_274 = arith.constant 0 : i32
      %dma_wait3A_275 = tpu.memref_slice %arg5[%add3A_273, %dma_wait3A_274] : memref<128x26xi32, #tpu.memory_space<vmem>> -> memref<1x26xi32, #tpu.memory_space<vmem>>
      %dma_wait3A_276 = tpu.memref_squeeze %dma_wait3A_275 : memref<1x26xi32, #tpu.memory_space<vmem>> -> memref<26xi32, #tpu.memory_space<vmem>>
      %dma_wait3A_277 = arith.constant 0 : i32
      %dma_wait3A_278 = arith.constant 0 : i32
      %dma_wait3A_279 = tpu.memref_slice %arg3[%dma_wait3A_277, %dma_wait3A_278] : memref<100000x128xf32, #tpu.memory_space<hbm>> -> memref<100000x128xf32, #tpu.memory_space<hbm>>
      tpu.wait_indirect_dma semaphore(%arg22 : memref<!tpu.dma_semaphore, #tpu.memory_space<semaphore_mem>>) src(%dma_wait3A_279 : memref<100000x128xf32, #tpu.memory_space<hbm>>) dst(%arg6 : memref<26x128xf32, #tpu.memory_space<vmem>>)
      %parallel_loop3A_280 = arith.constant 0 : i32
      %parallel_loop3A_281 = arith.constant 26 : i32
      %parallel_loop3A_282 = arith.constant 1 : i32
      scf.for %parallel_loop3A_550 = %parallel_loop3A_280 to %parallel_loop3A_281 step %parallel_loop3A_282  : i32 {
        %parallel_loop3A_551 = arith.index_cast %parallel_loop3A_550 : i32 to index
        %parallel_loop3A_552 = arith.constant 0 : index
        %parallel_loop3A_553 = tpu.vector_load %arg6[%parallel_loop3A_551, %parallel_loop3A_552] {strides = array<i32>} : memref<26x128xf32, #tpu.memory_space<vmem>>, vector<1x16xf32>,
        %parallel_loop3A_554 = vector.shape_cast %parallel_loop3A_553 : vector<1x16xf32> to vector<16xf32>
        %parallel_loop3A_555 = arith.constant 1.57079637 : f32
        %parallel_loop3A_556 = vector.broadcast %parallel_loop3A_555 : f32 to vector<16xf32>
        %parallel_loop3A_557 = arith.mulf %parallel_loop3A_554, %parallel_loop3A_556 : vector<16xf32>
        %parallel_loop3A_558 = arith.constant 64 : i32
        %parallel_loop3A_559 = arith.muli %parallel_loop3A_550, %parallel_loop3A_558 : i32
        %parallel_loop3A_560 = arith.constant 0 : i32
        %parallel_loop3A_561 = arith.addi %parallel_loop3A_559, %parallel_loop3A_560 : i32
        %parallel_loop3A_562 = arith.index_cast %parallel_loop3A_561 : i32 to index
        %parallel_loop3A_563 = tpu.vector_load %arg14[%parallel_loop3A_562] {strides = array<i32>} : memref<1664xf32, #tpu.memory_space<vmem>>, vector<16xf32>,
        %parallel_loop3A_564 = vector.shape_cast %parallel_loop3A_563 : vector<16xf32> to vector<16xf32>
        %parallel_loop3A_565 = vector.shape_cast %parallel_loop3A_557 : vector<16xf32> to vector<16xf32>
        tpu.vector_store %arg14[%parallel_loop3A_562], %parallel_loop3A_565 {strides = array<i32>} : memref<1664xf32, #tpu.memory_space<vmem>>, vector<16xf32>,
        %parallel_loop3A_566 = arith.index_cast %parallel_loop3A_550 : i32 to index
        %parallel_loop3A_567 = arith.constant 16 : index
        %parallel_loop3A_568 = tpu.vector_load %arg6[%parallel_loop3A_566, %parallel_loop3A_567] {strides = array<i32>} : memref<26x128xf32, #tpu.memory_space<vmem>>, vector<1x16xf32>,
        %parallel_loop3A_569 = vector.shape_cast %parallel_loop3A_568 : vector<1x16xf32> to vector<16xf32>
        %parallel_loop3A_570 = arith.constant 1.57079637 : f32
        %parallel_loop3A_571 = vector.broadcast %parallel_loop3A_570 : f32 to vector<16xf32>
        %parallel_loop3A_572 = arith.mulf %parallel_loop3A_569, %parallel_loop3A_571 : vector<16xf32>
        %parallel_loop3A_573 = arith.constant 64 : i32
        %parallel_loop3A_574 = arith.muli %parallel_loop3A_550, %parallel_loop3A_573 : i32
        %parallel_loop3A_575 = arith.constant 16 : i32
        %parallel_loop3A_576 = arith.addi %parallel_loop3A_574, %parallel_loop3A_575 : i32
        %parallel_loop3A_577 = arith.index_cast %parallel_loop3A_576 : i32 to index
        %parallel_loop3A_578 = tpu.vector_load %arg14[%parallel_loop3A_577] {strides = array<i32>} : memref<1664xf32, #tpu.memory_space<vmem>>, vector<16xf32>,
        %parallel_loop3A_579 = vector.shape_cast %parallel_loop3A_578 : vector<16xf32> to vector<16xf32>
        %parallel_loop3A_580 = vector.shape_cast %parallel_loop3A_572 : vector<16xf32> to vector<16xf32>
        tpu.vector_store %arg14[%parallel_loop3A_577], %parallel_loop3A_580 {strides = array<i32>} : memref<1664xf32, #tpu.memory_space<vmem>>, vector<16xf32>,
        %parallel_loop3A_581 = arith.index_cast %parallel_loop3A_550 : i32 to index
        %parallel_loop3A_582 = arith.constant 32 : index
        %parallel_loop3A_583 = tpu.vector_load %arg6[%parallel_loop3A_581, %parallel_loop3A_582] {strides = array<i32>} : memref<26x128xf32, #tpu.memory_space<vmem>>, vector<1x16xf32>,
        %parallel_loop3A_584 = vector.shape_cast %parallel_loop3A_583 : vector<1x16xf32> to vector<16xf32>
        %parallel_loop3A_585 = arith.constant 1.57079637 : f32
        %parallel_loop3A_586 = vector.broadcast %parallel_loop3A_585 : f32 to vector<16xf32>
        %parallel_loop3A_587 = arith.mulf %parallel_loop3A_584, %parallel_loop3A_586 : vector<16xf32>
        %parallel_loop3A_588 = arith.constant 64 : i32
        %parallel_loop3A_589 = arith.muli %parallel_loop3A_550, %parallel_loop3A_588 : i32
        %parallel_loop3A_590 = arith.constant 32 : i32
        %parallel_loop3A_591 = arith.addi %parallel_loop3A_589, %parallel_loop3A_590 : i32
        %parallel_loop3A_592 = arith.index_cast %parallel_loop3A_591 : i32 to index
        %parallel_loop3A_593 = tpu.vector_load %arg14[%parallel_loop3A_592] {strides = array<i32>} : memref<1664xf32, #tpu.memory_space<vmem>>, vector<16xf32>,
        %parallel_loop3A_594 = vector.shape_cast %parallel_loop3A_593 : vector<16xf32> to vector<16xf32>
        %parallel_loop3A_595 = vector.shape_cast %parallel_loop3A_587 : vector<16xf32> to vector<16xf32>
        tpu.vector_store %arg14[%parallel_loop3A_592], %parallel_loop3A_595 {strides = array<i32>} : memref<1664xf32, #tpu.memory_space<vmem>>, vector<16xf32>,
        %parallel_loop3A_596 = arith.index_cast %parallel_loop3A_550 : i32 to index
        %parallel_loop3A_597 = arith.constant 48 : index
        %parallel_loop3A_598 = tpu.vector_load %arg6[%parallel_loop3A_596, %parallel_loop3A_597] {strides = array<i32>} : memref<26x128xf32, #tpu.memory_space<vmem>>, vector<1x16xf32>,
        %parallel_loop3A_599 = vector.shape_cast %parallel_loop3A_598 : vector<1x16xf32> to vector<16xf32>
        %parallel_loop3A_600 = arith.constant 1.57079637 : f32
        %parallel_loop3A_601 = vector.broadcast %parallel_loop3A_600 : f32 to vector<16xf32>
        %parallel_loop3A_602 = arith.mulf %parallel_loop3A_599, %parallel_loop3A_601 : vector<16xf32>
        %parallel_loop3A_603 = arith.constant 64 : i32
        %parallel_loop3A_604 = arith.muli %parallel_loop3A_550, %parallel_loop3A_603 : i32
        %parallel_loop3A_605 = arith.constant 48 : i32
        %parallel_loop3A_606 = arith.addi %parallel_loop3A_604, %parallel_loop3A_605 : i32
        %parallel_loop3A_607 = arith.index_cast %parallel_loop3A_606 : i32 to index
        %parallel_loop3A_608 = tpu.vector_load %arg14[%parallel_loop3A_607] {strides = array<i32>} : memref<1664xf32, #tpu.memory_space<vmem>>, vector<16xf32>,
        %parallel_loop3A_609 = vector.shape_cast %parallel_loop3A_608 : vector<16xf32> to vector<16xf32>
        %parallel_loop3A_610 = vector.shape_cast %parallel_loop3A_602 : vector<16xf32> to vector<16xf32>
        tpu.vector_store %arg14[%parallel_loop3A_607], %parallel_loop3A_610 {strides = array<i32>} : memref<1664xf32, #tpu.memory_space<vmem>>, vector<16xf32>,
      } {sc.loop_unroll_factor = 2 : i64, sc.parallel_access}
      %add3A_283 = arith.addi %mul3A_2, %add3A_273 : i32
      %dma_start3A_284 = arith.constant 0 : i32
      %dma_start3A_285 = tpu.memref_slice %arg4[%add3A_283, %dma_start3A_284] : memref<4096x1664xf32, #tpu.memory_space<hbm>> -> memref<1x1664xf32, #tpu.memory_space<hbm>>
      %dma_start3A_286 = tpu.memref_squeeze %dma_start3A_285 : memref<1x1664xf32, #tpu.memory_space<hbm>> -> memref<1664xf32, #tpu.memory_space<hbm>>
      %dma_start3A_287 = arith.constant 0 : i32
      %dma_start3A_288 = tpu.memref_slice %arg4[%add3A_283, %dma_start3A_287] : memref<4096x1664xf32, #tpu.memory_space<hbm>> -> memref<1x1664xf32, #tpu.memory_space<hbm>>
      %dma_start3A_289 = tpu.memref_squeeze %dma_start3A_288 : memref<1x1664xf32, #tpu.memory_space<hbm>> -> memref<1664xf32, #tpu.memory_space<hbm>>
      tpu.enqueue_dma source(%arg14 : memref<1664xf32, #tpu.memory_space<vmem>>) target(%dma_start3A_289 : memref<1664xf32, #tpu.memory_space<hbm>>) target_semaphore(%arg30 : memref<!tpu.dma_semaphore, #tpu.memory_space<semaphore_mem>>)
      %add3A_290 = arith.addi %mul3A_2, %add3A_273 : i32
      %dma_wait3A_291 = arith.constant 0 : i32
      %dma_wait3A_292 = tpu.memref_slice %arg4[%add3A_290, %dma_wait3A_291] : memref<4096x1664xf32, #tpu.memory_space<hbm>> -> memref<1x1664xf32, #tpu.memory_space<hbm>>
      %dma_wait3A_293 = tpu.memref_squeeze %dma_wait3A_292 : memref<1x1664xf32, #tpu.memory_space<hbm>> -> memref<1664xf32, #tpu.memory_space<hbm>>
      %dma_wait3A_294 = arith.constant 0 : i32
      %dma_wait3A_295 = tpu.memref_slice %arg4[%add3A_290, %dma_wait3A_294] : memref<4096x1664xf32, #tpu.memory_space<hbm>> -> memref<1x1664xf32, #tpu.memory_space<hbm>>
      %dma_wait3A_296 = tpu.memref_squeeze %dma_wait3A_295 : memref<1x1664xf32, #tpu.memory_space<hbm>> -> memref<1664xf32, #tpu.memory_space<hbm>>
      tpu.wait_dma2 semaphore(%arg30 : memref<!tpu.dma_semaphore, #tpu.memory_space<semaphore_mem>>) src(%arg14 : memref<1664xf32, #tpu.memory_space<vmem>>) dst(%dma_wait3A_296 : memref<1664xf32, #tpu.memory_space<hbm>>)
      %add3A_297 = arith.constant 8 : i32
      %add3A_298 = arith.addi %add3A_273, %add3A_297 : i32
      %dma_start3A_299 = arith.constant 0 : i32
      %dma_start3A_300 = tpu.memref_slice %arg5[%add3A_298, %dma_start3A_299] : memref<128x26xi32, #tpu.memory_space<vmem>> -> memref<1x26xi32, #tpu.memory_space<vmem>>
      %dma_start3A_301 = tpu.memref_squeeze %dma_start3A_300 : memref<1x26xi32, #tpu.memory_space<vmem>> -> memref<26xi32, #tpu.memory_space<vmem>>
      %dma_start3A_302 = arith.constant 0 : i32
      %dma_start3A_303 = arith.constant 0 : i32
      %dma_start3A_304 = tpu.memref_slice %arg3[%dma_start3A_302, %dma_start3A_303] : memref<100000x128xf32, #tpu.memory_space<hbm>> -> memref<100000x128xf32, #tpu.memory_space<hbm>>
      tpu.enqueue_indirect_dma source(%dma_start3A_304 : memref<100000x128xf32, #tpu.memory_space<hbm>>) target(%arg6 : memref<26x128xf32, #tpu.memory_space<vmem>>) offsets(%dma_start3A_301 : memref<26xi32, #tpu.memory_space<vmem>>) semaphore(%arg22 : memref<!tpu.dma_semaphore, #tpu.memory_space<semaphore_mem>>)
      %mul3A_305 = arith.constant 8 : i32
      %mul3A_306 = arith.muli %scan3A_269, %mul3A_305 : i32
      %add3A_307 = arith.constant 1 : i32
      %add3A_308 = arith.addi %mul3A_306, %add3A_307 : i32
      %dma_wait3A_309 = arith.constant 0 : i32
      %dma_wait3A_310 = tpu.memref_slice %arg5[%add3A_308, %dma_wait3A_309] : memref<128x26xi32, #tpu.memory_space<vmem>> -> memref<1x26xi32, #tpu.memory_space<vmem>>
      %dma_wait3A_311 = tpu.memref_squeeze %dma_wait3A_310 : memref<1x26xi32, #tpu.memory_space<vmem>> -> memref<26xi32, #tpu.memory_space<vmem>>
      %dma_wait3A_312 = arith.constant 0 : i32
      %dma_wait3A_313 = arith.constant 0 : i32
      %dma_wait3A_314 = tpu.memref_slice %arg3[%dma_wait3A_312, %dma_wait3A_313] : memref<100000x128xf32, #tpu.memory_space<hbm>> -> memref<100000x128xf32, #tpu.memory_space<hbm>>
      tpu.wait_indirect_dma semaphore(%arg23 : memref<!tpu.dma_semaphore, #tpu.memory_space<semaphore_mem>>) src(%dma_wait3A_314 : memref<100000x128xf32, #tpu.memory_space<hbm>>) dst(%arg7 : memref<26x128xf32, #tpu.memory_space<vmem>>)
      %parallel_loop3A_315 = arith.constant 0 : i32
      %parallel_loop3A_316 = arith.constant 26 : i32
      %parallel_loop3A_317 = arith.constant 1 : i32
      scf.for %parallel_loop3A_550 = %parallel_loop3A_315 to %parallel_loop3A_316 step %parallel_loop3A_317  : i32 {
        %parallel_loop3A_551 = arith.index_cast %parallel_loop3A_550 : i32 to index
        %parallel_loop3A_552 = arith.constant 0 : index
        %parallel_loop3A_553 = tpu.vector_load %arg7[%parallel_loop3A_551, %parallel_loop3A_552] {strides = array<i32>} : memref<26x128xf32, #tpu.memory_space<vmem>>, vector<1x16xf32>,
        %parallel_loop3A_554 = vector.shape_cast %parallel_loop3A_553 : vector<1x16xf32> to vector<16xf32>
        %parallel_loop3A_555 = arith.constant 1.57079637 : f32
        %parallel_loop3A_556 = vector.broadcast %parallel_loop3A_555 : f32 to vector<16xf32>
        %parallel_loop3A_557 = arith.mulf %parallel_loop3A_554, %parallel_loop3A_556 : vector<16xf32>
        %parallel_loop3A_558 = arith.constant 64 : i32
        %parallel_loop3A_559 = arith.muli %parallel_loop3A_550, %parallel_loop3A_558 : i32
        %parallel_loop3A_560 = arith.constant 0 : i32
        %parallel_loop3A_561 = arith.addi %parallel_loop3A_559, %parallel_loop3A_560 : i32
        %parallel_loop3A_562 = arith.index_cast %parallel_loop3A_561 : i32 to index
        %parallel_loop3A_563 = tpu.vector_load %arg15[%parallel_loop3A_562] {strides = array<i32>} : memref<1664xf32, #tpu.memory_space<vmem>>, vector<16xf32>,
        %parallel_loop3A_564 = vector.shape_cast %parallel_loop3A_563 : vector<16xf32> to vector<16xf32>
        %parallel_loop3A_565 = vector.shape_cast %parallel_loop3A_557 : vector<16xf32> to vector<16xf32>
        tpu.vector_store %arg15[%parallel_loop3A_562], %parallel_loop3A_565 {strides = array<i32>} : memref<1664xf32, #tpu.memory_space<vmem>>, vector<16xf32>,
        %parallel_loop3A_566 = arith.index_cast %parallel_loop3A_550 : i32 to index
        %parallel_loop3A_567 = arith.constant 16 : index
        %parallel_loop3A_568 = tpu.vector_load %arg7[%parallel_loop3A_566, %parallel_loop3A_567] {strides = array<i32>} : memref<26x128xf32, #tpu.memory_space<vmem>>, vector<1x16xf32>,
        %parallel_loop3A_569 = vector.shape_cast %parallel_loop3A_568 : vector<1x16xf32> to vector<16xf32>
        %parallel_loop3A_570 = arith.constant 1.57079637 : f32
        %parallel_loop3A_571 = vector.broadcast %parallel_loop3A_570 : f32 to vector<16xf32>
        %parallel_loop3A_572 = arith.mulf %parallel_loop3A_569, %parallel_loop3A_571 : vector<16xf32>
        %parallel_loop3A_573 = arith.constant 64 : i32
        %parallel_loop3A_574 = arith.muli %parallel_loop3A_550, %parallel_loop3A_573 : i32
        %parallel_loop3A_575 = arith.constant 16 : i32
        %parallel_loop3A_576 = arith.addi %parallel_loop3A_574, %parallel_loop3A_575 : i32
        %parallel_loop3A_577 = arith.index_cast %parallel_loop3A_576 : i32 to index
        %parallel_loop3A_578 = tpu.vector_load %arg15[%parallel_loop3A_577] {strides = array<i32>} : memref<1664xf32, #tpu.memory_space<vmem>>, vector<16xf32>,
        %parallel_loop3A_579 = vector.shape_cast %parallel_loop3A_578 : vector<16xf32> to vector<16xf32>
        %parallel_loop3A_580 = vector.shape_cast %parallel_loop3A_572 : vector<16xf32> to vector<16xf32>
        tpu.vector_store %arg15[%parallel_loop3A_577], %parallel_loop3A_580 {strides = array<i32>} : memref<1664xf32, #tpu.memory_space<vmem>>, vector<16xf32>,
        %parallel_loop3A_581 = arith.index_cast %parallel_loop3A_550 : i32 to index
        %parallel_loop3A_582 = arith.constant 32 : index
        %parallel_loop3A_583 = tpu.vector_load %arg7[%parallel_loop3A_581, %parallel_loop3A_582] {strides = array<i32>} : memref<26x128xf32, #tpu.memory_space<vmem>>, vector<1x16xf32>,
        %parallel_loop3A_584 = vector.shape_cast %parallel_loop3A_583 : vector<1x16xf32> to vector<16xf32>
        %parallel_loop3A_585 = arith.constant 1.57079637 : f32
        %parallel_loop3A_586 = vector.broadcast %parallel_loop3A_585 : f32 to vector<16xf32>
        %parallel_loop3A_587 = arith.mulf %parallel_loop3A_584, %parallel_loop3A_586 : vector<16xf32>
        %parallel_loop3A_588 = arith.constant 64 : i32
        %parallel_loop3A_589 = arith.muli %parallel_loop3A_550, %parallel_loop3A_588 : i32
        %parallel_loop3A_590 = arith.constant 32 : i32
        %parallel_loop3A_591 = arith.addi %parallel_loop3A_589, %parallel_loop3A_590 : i32
        %parallel_loop3A_592 = arith.index_cast %parallel_loop3A_591 : i32 to index
        %parallel_loop3A_593 = tpu.vector_load %arg15[%parallel_loop3A_592] {strides = array<i32>} : memref<1664xf32, #tpu.memory_space<vmem>>, vector<16xf32>,
        %parallel_loop3A_594 = vector.shape_cast %parallel_loop3A_593 : vector<16xf32> to vector<16xf32>
        %parallel_loop3A_595 = vector.shape_cast %parallel_loop3A_587 : vector<16xf32> to vector<16xf32>
        tpu.vector_store %arg15[%parallel_loop3A_592], %parallel_loop3A_595 {strides = array<i32>} : memref<1664xf32, #tpu.memory_space<vmem>>, vector<16xf32>,
        %parallel_loop3A_596 = arith.index_cast %parallel_loop3A_550 : i32 to index
        %parallel_loop3A_597 = arith.constant 48 : index
        %parallel_loop3A_598 = tpu.vector_load %arg7[%parallel_loop3A_596, %parallel_loop3A_597] {strides = array<i32>} : memref<26x128xf32, #tpu.memory_space<vmem>>, vector<1x16xf32>,
        %parallel_loop3A_599 = vector.shape_cast %parallel_loop3A_598 : vector<1x16xf32> to vector<16xf32>
        %parallel_loop3A_600 = arith.constant 1.57079637 : f32
        %parallel_loop3A_601 = vector.broadcast %parallel_loop3A_600 : f32 to vector<16xf32>
        %parallel_loop3A_602 = arith.mulf %parallel_loop3A_599, %parallel_loop3A_601 : vector<16xf32>
        %parallel_loop3A_603 = arith.constant 64 : i32
        %parallel_loop3A_604 = arith.muli %parallel_loop3A_550, %parallel_loop3A_603 : i32
        %parallel_loop3A_605 = arith.constant 48 : i32
        %parallel_loop3A_606 = arith.addi %parallel_loop3A_604, %parallel_loop3A_605 : i32
        %parallel_loop3A_607 = arith.index_cast %parallel_loop3A_606 : i32 to index
        %parallel_loop3A_608 = tpu.vector_load %arg15[%parallel_loop3A_607] {strides = array<i32>} : memref<1664xf32, #tpu.memory_space<vmem>>, vector<16xf32>,
        %parallel_loop3A_609 = vector.shape_cast %parallel_loop3A_608 : vector<16xf32> to vector<16xf32>
        %parallel_loop3A_610 = vector.shape_cast %parallel_loop3A_602 : vector<16xf32> to vector<16xf32>
        tpu.vector_store %arg15[%parallel_loop3A_607], %parallel_loop3A_610 {strides = array<i32>} : memref<1664xf32, #tpu.memory_space<vmem>>, vector<16xf32>,
      } {sc.loop_unroll_factor = 2 : i64, sc.parallel_access}
      %add3A_318 = arith.addi %mul3A_2, %add3A_308 : i32
      %dma_start3A_319 = arith.constant 0 : i32
      %dma_start3A_320 = tpu.memref_slice %arg4[%add3A_318, %dma_start3A_319] : memref<4096x1664xf32, #tpu.memory_space<hbm>> -> memref<1x1664xf32, #tpu.memory_space<hbm>>
      %dma_start3A_321 = tpu.memref_squeeze %dma_start3A_320 : memref<1x1664xf32, #tpu.memory_space<hbm>> -> memref<1664xf32, #tpu.memory_space<hbm>>
      %dma_start3A_322 = arith.constant 0 : i32
      %dma_start3A_323 = tpu.memref_slice %arg4[%add3A_318, %dma_start3A_322] : memref<4096x1664xf32, #tpu.memory_space<hbm>> -> memref<1x1664xf32, #tpu.memory_space<hbm>>
      %dma_start3A_324 = tpu.memref_squeeze %dma_start3A_323 : memref<1x1664xf32, #tpu.memory_space<hbm>> -> memref<1664xf32, #tpu.memory_space<hbm>>
      tpu.enqueue_dma source(%arg15 : memref<1664xf32, #tpu.memory_space<vmem>>) target(%dma_start3A_324 : memref<1664xf32, #tpu.memory_space<hbm>>) target_semaphore(%arg31 : memref<!tpu.dma_semaphore, #tpu.memory_space<semaphore_mem>>)
      %add3A_325 = arith.addi %mul3A_2, %add3A_308 : i32
      %dma_wait3A_326 = arith.constant 0 : i32
      %dma_wait3A_327 = tpu.memref_slice %arg4[%add3A_325, %dma_wait3A_326] : memref<4096x1664xf32, #tpu.memory_space<hbm>> -> memref<1x1664xf32, #tpu.memory_space<hbm>>
      %dma_wait3A_328 = tpu.memref_squeeze %dma_wait3A_327 : memref<1x1664xf32, #tpu.memory_space<hbm>> -> memref<1664xf32, #tpu.memory_space<hbm>>
      %dma_wait3A_329 = arith.constant 0 : i32
      %dma_wait3A_330 = tpu.memref_slice %arg4[%add3A_325, %dma_wait3A_329] : memref<4096x1664xf32, #tpu.memory_space<hbm>> -> memref<1x1664xf32, #tpu.memory_space<hbm>>
      %dma_wait3A_331 = tpu.memref_squeeze %dma_wait3A_330 : memref<1x1664xf32, #tpu.memory_space<hbm>> -> memref<1664xf32, #tpu.memory_space<hbm>>
      tpu.wait_dma2 semaphore(%arg31 : memref<!tpu.dma_semaphore, #tpu.memory_space<semaphore_mem>>) src(%arg15 : memref<1664xf32, #tpu.memory_space<vmem>>) dst(%dma_wait3A_331 : memref<1664xf32, #tpu.memory_space<hbm>>)
      %add3A_332 = arith.constant 8 : i32
      %add3A_333 = arith.addi %add3A_308, %add3A_332 : i32
      %dma_start3A_334 = arith.constant 0 : i32
      %dma_start3A_335 = tpu.memref_slice %arg5[%add3A_333, %dma_start3A_334] : memref<128x26xi32, #tpu.memory_space<vmem>> -> memref<1x26xi32, #tpu.memory_space<vmem>>
      %dma_start3A_336 = tpu.memref_squeeze %dma_start3A_335 : memref<1x26xi32, #tpu.memory_space<vmem>> -> memref<26xi32, #tpu.memory_space<vmem>>
      %dma_start3A_337 = arith.constant 0 : i32
      %dma_start3A_338 = arith.constant 0 : i32
      %dma_start3A_339 = tpu.memref_slice %arg3[%dma_start3A_337, %dma_start3A_338] : memref<100000x128xf32, #tpu.memory_space<hbm>> -> memref<100000x128xf32, #tpu.memory_space<hbm>>
      tpu.enqueue_indirect_dma source(%dma_start3A_339 : memref<100000x128xf32, #tpu.memory_space<hbm>>) target(%arg7 : memref<26x128xf32, #tpu.memory_space<vmem>>) offsets(%dma_start3A_336 : memref<26xi32, #tpu.memory_space<vmem>>) semaphore(%arg23 : memref<!tpu.dma_semaphore, #tpu.memory_space<semaphore_mem>>)
      %mul3A_340 = arith.constant 8 : i32
      %mul3A_341 = arith.muli %scan3A_269, %mul3A_340 : i32
      %add3A_342 = arith.constant 2 : i32
      %add3A_343 = arith.addi %mul3A_341, %add3A_342 : i32
      %dma_wait3A_344 = arith.constant 0 : i32
      %dma_wait3A_345 = tpu.memref_slice %arg5[%add3A_343, %dma_wait3A_344] : memref<128x26xi32, #tpu.memory_space<vmem>> -> memref<1x26xi32, #tpu.memory_space<vmem>>
      %dma_wait3A_346 = tpu.memref_squeeze %dma_wait3A_345 : memref<1x26xi32, #tpu.memory_space<vmem>> -> memref<26xi32, #tpu.memory_space<vmem>>
      %dma_wait3A_347 = arith.constant 0 : i32
      %dma_wait3A_348 = arith.constant 0 : i32
      %dma_wait3A_349 = tpu.memref_slice %arg3[%dma_wait3A_347, %dma_wait3A_348] : memref<100000x128xf32, #tpu.memory_space<hbm>> -> memref<100000x128xf32, #tpu.memory_space<hbm>>
      tpu.wait_indirect_dma semaphore(%arg24 : memref<!tpu.dma_semaphore, #tpu.memory_space<semaphore_mem>>) src(%dma_wait3A_349 : memref<100000x128xf32, #tpu.memory_space<hbm>>) dst(%arg8 : memref<26x128xf32, #tpu.memory_space<vmem>>)
      %parallel_loop3A_350 = arith.constant 0 : i32
      %parallel_loop3A_351 = arith.constant 26 : i32
      %parallel_loop3A_352 = arith.constant 1 : i32
      scf.for %parallel_loop3A_550 = %parallel_loop3A_350 to %parallel_loop3A_351 step %parallel_loop3A_352  : i32 {
        %parallel_loop3A_551 = arith.index_cast %parallel_loop3A_550 : i32 to index
        %parallel_loop3A_552 = arith.constant 0 : index
        %parallel_loop3A_553 = tpu.vector_load %arg8[%parallel_loop3A_551, %parallel_loop3A_552] {strides = array<i32>} : memref<26x128xf32, #tpu.memory_space<vmem>>, vector<1x16xf32>,
        %parallel_loop3A_554 = vector.shape_cast %parallel_loop3A_553 : vector<1x16xf32> to vector<16xf32>
        %parallel_loop3A_555 = arith.constant 1.57079637 : f32
        %parallel_loop3A_556 = vector.broadcast %parallel_loop3A_555 : f32 to vector<16xf32>
        %parallel_loop3A_557 = arith.mulf %parallel_loop3A_554, %parallel_loop3A_556 : vector<16xf32>
        %parallel_loop3A_558 = arith.constant 64 : i32
        %parallel_loop3A_559 = arith.muli %parallel_loop3A_550, %parallel_loop3A_558 : i32
        %parallel_loop3A_560 = arith.constant 0 : i32
        %parallel_loop3A_561 = arith.addi %parallel_loop3A_559, %parallel_loop3A_560 : i32
        %parallel_loop3A_562 = arith.index_cast %parallel_loop3A_561 : i32 to index
        %parallel_loop3A_563 = tpu.vector_load %arg16[%parallel_loop3A_562] {strides = array<i32>} : memref<1664xf32, #tpu.memory_space<vmem>>, vector<16xf32>,
        %parallel_loop3A_564 = vector.shape_cast %parallel_loop3A_563 : vector<16xf32> to vector<16xf32>
        %parallel_loop3A_565 = vector.shape_cast %parallel_loop3A_557 : vector<16xf32> to vector<16xf32>
        tpu.vector_store %arg16[%parallel_loop3A_562], %parallel_loop3A_565 {strides = array<i32>} : memref<1664xf32, #tpu.memory_space<vmem>>, vector<16xf32>,
        %parallel_loop3A_566 = arith.index_cast %parallel_loop3A_550 : i32 to index
        %parallel_loop3A_567 = arith.constant 16 : index
        %parallel_loop3A_568 = tpu.vector_load %arg8[%parallel_loop3A_566, %parallel_loop3A_567] {strides = array<i32>} : memref<26x128xf32, #tpu.memory_space<vmem>>, vector<1x16xf32>,
        %parallel_loop3A_569 = vector.shape_cast %parallel_loop3A_568 : vector<1x16xf32> to vector<16xf32>
        %parallel_loop3A_570 = arith.constant 1.57079637 : f32
        %parallel_loop3A_571 = vector.broadcast %parallel_loop3A_570 : f32 to vector<16xf32>
        %parallel_loop3A_572 = arith.mulf %parallel_loop3A_569, %parallel_loop3A_571 : vector<16xf32>
        %parallel_loop3A_573 = arith.constant 64 : i32
        %parallel_loop3A_574 = arith.muli %parallel_loop3A_550, %parallel_loop3A_573 : i32
        %parallel_loop3A_575 = arith.constant 16 : i32
        %parallel_loop3A_576 = arith.addi %parallel_loop3A_574, %parallel_loop3A_575 : i32
        %parallel_loop3A_577 = arith.index_cast %parallel_loop3A_576 : i32 to index
        %parallel_loop3A_578 = tpu.vector_load %arg16[%parallel_loop3A_577] {strides = array<i32>} : memref<1664xf32, #tpu.memory_space<vmem>>, vector<16xf32>,
        %parallel_loop3A_579 = vector.shape_cast %parallel_loop3A_578 : vector<16xf32> to vector<16xf32>
        %parallel_loop3A_580 = vector.shape_cast %parallel_loop3A_572 : vector<16xf32> to vector<16xf32>
        tpu.vector_store %arg16[%parallel_loop3A_577], %parallel_loop3A_580 {strides = array<i32>} : memref<1664xf32, #tpu.memory_space<vmem>>, vector<16xf32>,
        %parallel_loop3A_581 = arith.index_cast %parallel_loop3A_550 : i32 to index
        %parallel_loop3A_582 = arith.constant 32 : index
        %parallel_loop3A_583 = tpu.vector_load %arg8[%parallel_loop3A_581, %parallel_loop3A_582] {strides = array<i32>} : memref<26x128xf32, #tpu.memory_space<vmem>>, vector<1x16xf32>,
        %parallel_loop3A_584 = vector.shape_cast %parallel_loop3A_583 : vector<1x16xf32> to vector<16xf32>
        %parallel_loop3A_585 = arith.constant 1.57079637 : f32
        %parallel_loop3A_586 = vector.broadcast %parallel_loop3A_585 : f32 to vector<16xf32>
        %parallel_loop3A_587 = arith.mulf %parallel_loop3A_584, %parallel_loop3A_586 : vector<16xf32>
        %parallel_loop3A_588 = arith.constant 64 : i32
        %parallel_loop3A_589 = arith.muli %parallel_loop3A_550, %parallel_loop3A_588 : i32
        %parallel_loop3A_590 = arith.constant 32 : i32
        %parallel_loop3A_591 = arith.addi %parallel_loop3A_589, %parallel_loop3A_590 : i32
        %parallel_loop3A_592 = arith.index_cast %parallel_loop3A_591 : i32 to index
        %parallel_loop3A_593 = tpu.vector_load %arg16[%parallel_loop3A_592] {strides = array<i32>} : memref<1664xf32, #tpu.memory_space<vmem>>, vector<16xf32>,
        %parallel_loop3A_594 = vector.shape_cast %parallel_loop3A_593 : vector<16xf32> to vector<16xf32>
        %parallel_loop3A_595 = vector.shape_cast %parallel_loop3A_587 : vector<16xf32> to vector<16xf32>
        tpu.vector_store %arg16[%parallel_loop3A_592], %parallel_loop3A_595 {strides = array<i32>} : memref<1664xf32, #tpu.memory_space<vmem>>, vector<16xf32>,
        %parallel_loop3A_596 = arith.index_cast %parallel_loop3A_550 : i32 to index
        %parallel_loop3A_597 = arith.constant 48 : index
        %parallel_loop3A_598 = tpu.vector_load %arg8[%parallel_loop3A_596, %parallel_loop3A_597] {strides = array<i32>} : memref<26x128xf32, #tpu.memory_space<vmem>>, vector<1x16xf32>,
        %parallel_loop3A_599 = vector.shape_cast %parallel_loop3A_598 : vector<1x16xf32> to vector<16xf32>
        %parallel_loop3A_600 = arith.constant 1.57079637 : f32
        %parallel_loop3A_601 = vector.broadcast %parallel_loop3A_600 : f32 to vector<16xf32>
        %parallel_loop3A_602 = arith.mulf %parallel_loop3A_599, %parallel_loop3A_601 : vector<16xf32>
        %parallel_loop3A_603 = arith.constant 64 : i32
        %parallel_loop3A_604 = arith.muli %parallel_loop3A_550, %parallel_loop3A_603 : i32
        %parallel_loop3A_605 = arith.constant 48 : i32
        %parallel_loop3A_606 = arith.addi %parallel_loop3A_604, %parallel_loop3A_605 : i32
        %parallel_loop3A_607 = arith.index_cast %parallel_loop3A_606 : i32 to index
        %parallel_loop3A_608 = tpu.vector_load %arg16[%parallel_loop3A_607] {strides = array<i32>} : memref<1664xf32, #tpu.memory_space<vmem>>, vector<16xf32>,
        %parallel_loop3A_609 = vector.shape_cast %parallel_loop3A_608 : vector<16xf32> to vector<16xf32>
        %parallel_loop3A_610 = vector.shape_cast %parallel_loop3A_602 : vector<16xf32> to vector<16xf32>
        tpu.vector_store %arg16[%parallel_loop3A_607], %parallel_loop3A_610 {strides = array<i32>} : memref<1664xf32, #tpu.memory_space<vmem>>, vector<16xf32>,
      } {sc.loop_unroll_factor = 2 : i64, sc.parallel_access}
      %add3A_353 = arith.addi %mul3A_2, %add3A_343 : i32
      %dma_start3A_354 = arith.constant 0 : i32
      %dma_start3A_355 = tpu.memref_slice %arg4[%add3A_353, %dma_start3A_354] : memref<4096x1664xf32, #tpu.memory_space<hbm>> -> memref<1x1664xf32, #tpu.memory_space<hbm>>
      %dma_start3A_356 = tpu.memref_squeeze %dma_start3A_355 : memref<1x1664xf32, #tpu.memory_space<hbm>> -> memref<1664xf32, #tpu.memory_space<hbm>>
      %dma_start3A_357 = arith.constant 0 : i32
      %dma_start3A_358 = tpu.memref_slice %arg4[%add3A_353, %dma_start3A_357] : memref<4096x1664xf32, #tpu.memory_space<hbm>> -> memref<1x1664xf32, #tpu.memory_space<hbm>>
      %dma_start3A_359 = tpu.memref_squeeze %dma_start3A_358 : memref<1x1664xf32, #tpu.memory_space<hbm>> -> memref<1664xf32, #tpu.memory_space<hbm>>
      tpu.enqueue_dma source(%arg16 : memref<1664xf32, #tpu.memory_space<vmem>>) target(%dma_start3A_359 : memref<1664xf32, #tpu.memory_space<hbm>>) target_semaphore(%arg32 : memref<!tpu.dma_semaphore, #tpu.memory_space<semaphore_mem>>)
      %add3A_360 = arith.addi %mul3A_2, %add3A_343 : i32
      %dma_wait3A_361 = arith.constant 0 : i32
      %dma_wait3A_362 = tpu.memref_slice %arg4[%add3A_360, %dma_wait3A_361] : memref<4096x1664xf32, #tpu.memory_space<hbm>> -> memref<1x1664xf32, #tpu.memory_space<hbm>>
      %dma_wait3A_363 = tpu.memref_squeeze %dma_wait3A_362 : memref<1x1664xf32, #tpu.memory_space<hbm>> -> memref<1664xf32, #tpu.memory_space<hbm>>
      %dma_wait3A_364 = arith.constant 0 : i32
      %dma_wait3A_365 = tpu.memref_slice %arg4[%add3A_360, %dma_wait3A_364] : memref<4096x1664xf32, #tpu.memory_space<hbm>> -> memref<1x1664xf32, #tpu.memory_space<hbm>>
      %dma_wait3A_366 = tpu.memref_squeeze %dma_wait3A_365 : memref<1x1664xf32, #tpu.memory_space<hbm>> -> memref<1664xf32, #tpu.memory_space<hbm>>
      tpu.wait_dma2 semaphore(%arg32 : memref<!tpu.dma_semaphore, #tpu.memory_space<semaphore_mem>>) src(%arg16 : memref<1664xf32, #tpu.memory_space<vmem>>) dst(%dma_wait3A_366 : memref<1664xf32, #tpu.memory_space<hbm>>)
      %add3A_367 = arith.constant 8 : i32
      %add3A_368 = arith.addi %add3A_343, %add3A_367 : i32
      %dma_start3A_369 = arith.constant 0 : i32
      %dma_start3A_370 = tpu.memref_slice %arg5[%add3A_368, %dma_start3A_369] : memref<128x26xi32, #tpu.memory_space<vmem>> -> memref<1x26xi32, #tpu.memory_space<vmem>>
      %dma_start3A_371 = tpu.memref_squeeze %dma_start3A_370 : memref<1x26xi32, #tpu.memory_space<vmem>> -> memref<26xi32, #tpu.memory_space<vmem>>
      %dma_start3A_372 = arith.constant 0 : i32
      %dma_start3A_373 = arith.constant 0 : i32
      %dma_start3A_374 = tpu.memref_slice %arg3[%dma_start3A_372, %dma_start3A_373] : memref<100000x128xf32, #tpu.memory_space<hbm>> -> memref<100000x128xf32, #tpu.memory_space<hbm>>
      tpu.enqueue_indirect_dma source(%dma_start3A_374 : memref<100000x128xf32, #tpu.memory_space<hbm>>) target(%arg8 : memref<26x128xf32, #tpu.memory_space<vmem>>) offsets(%dma_start3A_371 : memref<26xi32, #tpu.memory_space<vmem>>) semaphore(%arg24 : memref<!tpu.dma_semaphore, #tpu.memory_space<semaphore_mem>>)
      %mul3A_375 = arith.constant 8 : i32
      %mul3A_376 = arith.muli %scan3A_269, %mul3A_375 : i32
      %add3A_377 = arith.constant 3 : i32
      %add3A_378 = arith.addi %mul3A_376, %add3A_377 : i32
      %dma_wait3A_379 = arith.constant 0 : i32
      %dma_wait3A_380 = tpu.memref_slice %arg5[%add3A_378, %dma_wait3A_379] : memref<128x26xi32, #tpu.memory_space<vmem>> -> memref<1x26xi32, #tpu.memory_space<vmem>>
      %dma_wait3A_381 = tpu.memref_squeeze %dma_wait3A_380 : memref<1x26xi32, #tpu.memory_space<vmem>> -> memref<26xi32, #tpu.memory_space<vmem>>
      %dma_wait3A_382 = arith.constant 0 : i32
      %dma_wait3A_383 = arith.constant 0 : i32
      %dma_wait3A_384 = tpu.memref_slice %arg3[%dma_wait3A_382, %dma_wait3A_383] : memref<100000x128xf32, #tpu.memory_space<hbm>> -> memref<100000x128xf32, #tpu.memory_space<hbm>>
      tpu.wait_indirect_dma semaphore(%arg25 : memref<!tpu.dma_semaphore, #tpu.memory_space<semaphore_mem>>) src(%dma_wait3A_384 : memref<100000x128xf32, #tpu.memory_space<hbm>>) dst(%arg9 : memref<26x128xf32, #tpu.memory_space<vmem>>)
      %parallel_loop3A_385 = arith.constant 0 : i32
      %parallel_loop3A_386 = arith.constant 26 : i32
      %parallel_loop3A_387 = arith.constant 1 : i32
      scf.for %parallel_loop3A_550 = %parallel_loop3A_385 to %parallel_loop3A_386 step %parallel_loop3A_387  : i32 {
        %parallel_loop3A_551 = arith.index_cast %parallel_loop3A_550 : i32 to index
        %parallel_loop3A_552 = arith.constant 0 : index
        %parallel_loop3A_553 = tpu.vector_load %arg9[%parallel_loop3A_551, %parallel_loop3A_552] {strides = array<i32>} : memref<26x128xf32, #tpu.memory_space<vmem>>, vector<1x16xf32>,
        %parallel_loop3A_554 = vector.shape_cast %parallel_loop3A_553 : vector<1x16xf32> to vector<16xf32>
        %parallel_loop3A_555 = arith.constant 1.57079637 : f32
        %parallel_loop3A_556 = vector.broadcast %parallel_loop3A_555 : f32 to vector<16xf32>
        %parallel_loop3A_557 = arith.mulf %parallel_loop3A_554, %parallel_loop3A_556 : vector<16xf32>
        %parallel_loop3A_558 = arith.constant 64 : i32
        %parallel_loop3A_559 = arith.muli %parallel_loop3A_550, %parallel_loop3A_558 : i32
        %parallel_loop3A_560 = arith.constant 0 : i32
        %parallel_loop3A_561 = arith.addi %parallel_loop3A_559, %parallel_loop3A_560 : i32
        %parallel_loop3A_562 = arith.index_cast %parallel_loop3A_561 : i32 to index
        %parallel_loop3A_563 = tpu.vector_load %arg17[%parallel_loop3A_562] {strides = array<i32>} : memref<1664xf32, #tpu.memory_space<vmem>>, vector<16xf32>,
        %parallel_loop3A_564 = vector.shape_cast %parallel_loop3A_563 : vector<16xf32> to vector<16xf32>
        %parallel_loop3A_565 = vector.shape_cast %parallel_loop3A_557 : vector<16xf32> to vector<16xf32>
        tpu.vector_store %arg17[%parallel_loop3A_562], %parallel_loop3A_565 {strides = array<i32>} : memref<1664xf32, #tpu.memory_space<vmem>>, vector<16xf32>,
        %parallel_loop3A_566 = arith.index_cast %parallel_loop3A_550 : i32 to index
        %parallel_loop3A_567 = arith.constant 16 : index
        %parallel_loop3A_568 = tpu.vector_load %arg9[%parallel_loop3A_566, %parallel_loop3A_567] {strides = array<i32>} : memref<26x128xf32, #tpu.memory_space<vmem>>, vector<1x16xf32>,
        %parallel_loop3A_569 = vector.shape_cast %parallel_loop3A_568 : vector<1x16xf32> to vector<16xf32>
        %parallel_loop3A_570 = arith.constant 1.57079637 : f32
        %parallel_loop3A_571 = vector.broadcast %parallel_loop3A_570 : f32 to vector<16xf32>
        %parallel_loop3A_572 = arith.mulf %parallel_loop3A_569, %parallel_loop3A_571 : vector<16xf32>
        %parallel_loop3A_573 = arith.constant 64 : i32
        %parallel_loop3A_574 = arith.muli %parallel_loop3A_550, %parallel_loop3A_573 : i32
        %parallel_loop3A_575 = arith.constant 16 : i32
        %parallel_loop3A_576 = arith.addi %parallel_loop3A_574, %parallel_loop3A_575 : i32
        %parallel_loop3A_577 = arith.index_cast %parallel_loop3A_576 : i32 to index
        %parallel_loop3A_578 = tpu.vector_load %arg17[%parallel_loop3A_577] {strides = array<i32>} : memref<1664xf32, #tpu.memory_space<vmem>>, vector<16xf32>,
        %parallel_loop3A_579 = vector.shape_cast %parallel_loop3A_578 : vector<16xf32> to vector<16xf32>
        %parallel_loop3A_580 = vector.shape_cast %parallel_loop3A_572 : vector<16xf32> to vector<16xf32>
        tpu.vector_store %arg17[%parallel_loop3A_577], %parallel_loop3A_580 {strides = array<i32>} : memref<1664xf32, #tpu.memory_space<vmem>>, vector<16xf32>,
        %parallel_loop3A_581 = arith.index_cast %parallel_loop3A_550 : i32 to index
        %parallel_loop3A_582 = arith.constant 32 : index
        %parallel_loop3A_583 = tpu.vector_load %arg9[%parallel_loop3A_581, %parallel_loop3A_582] {strides = array<i32>} : memref<26x128xf32, #tpu.memory_space<vmem>>, vector<1x16xf32>,
        %parallel_loop3A_584 = vector.shape_cast %parallel_loop3A_583 : vector<1x16xf32> to vector<16xf32>
        %parallel_loop3A_585 = arith.constant 1.57079637 : f32
        %parallel_loop3A_586 = vector.broadcast %parallel_loop3A_585 : f32 to vector<16xf32>
        %parallel_loop3A_587 = arith.mulf %parallel_loop3A_584, %parallel_loop3A_586 : vector<16xf32>
        %parallel_loop3A_588 = arith.constant 64 : i32
        %parallel_loop3A_589 = arith.muli %parallel_loop3A_550, %parallel_loop3A_588 : i32
        %parallel_loop3A_590 = arith.constant 32 : i32
        %parallel_loop3A_591 = arith.addi %parallel_loop3A_589, %parallel_loop3A_590 : i32
        %parallel_loop3A_592 = arith.index_cast %parallel_loop3A_591 : i32 to index
        %parallel_loop3A_593 = tpu.vector_load %arg17[%parallel_loop3A_592] {strides = array<i32>} : memref<1664xf32, #tpu.memory_space<vmem>>, vector<16xf32>,
        %parallel_loop3A_594 = vector.shape_cast %parallel_loop3A_593 : vector<16xf32> to vector<16xf32>
        %parallel_loop3A_595 = vector.shape_cast %parallel_loop3A_587 : vector<16xf32> to vector<16xf32>
        tpu.vector_store %arg17[%parallel_loop3A_592], %parallel_loop3A_595 {strides = array<i32>} : memref<1664xf32, #tpu.memory_space<vmem>>, vector<16xf32>,
        %parallel_loop3A_596 = arith.index_cast %parallel_loop3A_550 : i32 to index
        %parallel_loop3A_597 = arith.constant 48 : index
        %parallel_loop3A_598 = tpu.vector_load %arg9[%parallel_loop3A_596, %parallel_loop3A_597] {strides = array<i32>} : memref<26x128xf32, #tpu.memory_space<vmem>>, vector<1x16xf32>,
        %parallel_loop3A_599 = vector.shape_cast %parallel_loop3A_598 : vector<1x16xf32> to vector<16xf32>
        %parallel_loop3A_600 = arith.constant 1.57079637 : f32
        %parallel_loop3A_601 = vector.broadcast %parallel_loop3A_600 : f32 to vector<16xf32>
        %parallel_loop3A_602 = arith.mulf %parallel_loop3A_599, %parallel_loop3A_601 : vector<16xf32>
        %parallel_loop3A_603 = arith.constant 64 : i32
        %parallel_loop3A_604 = arith.muli %parallel_loop3A_550, %parallel_loop3A_603 : i32
        %parallel_loop3A_605 = arith.constant 48 : i32
        %parallel_loop3A_606 = arith.addi %parallel_loop3A_604, %parallel_loop3A_605 : i32
        %parallel_loop3A_607 = arith.index_cast %parallel_loop3A_606 : i32 to index
        %parallel_loop3A_608 = tpu.vector_load %arg17[%parallel_loop3A_607] {strides = array<i32>} : memref<1664xf32, #tpu.memory_space<vmem>>, vector<16xf32>,
        %parallel_loop3A_609 = vector.shape_cast %parallel_loop3A_608 : vector<16xf32> to vector<16xf32>
        %parallel_loop3A_610 = vector.shape_cast %parallel_loop3A_602 : vector<16xf32> to vector<16xf32>
        tpu.vector_store %arg17[%parallel_loop3A_607], %parallel_loop3A_610 {strides = array<i32>} : memref<1664xf32, #tpu.memory_space<vmem>>, vector<16xf32>,
      } {sc.loop_unroll_factor = 2 : i64, sc.parallel_access}
      %add3A_388 = arith.addi %mul3A_2, %add3A_378 : i32
      %dma_start3A_389 = arith.constant 0 : i32
      %dma_start3A_390 = tpu.memref_slice %arg4[%add3A_388, %dma_start3A_389] : memref<4096x1664xf32, #tpu.memory_space<hbm>> -> memref<1x1664xf32, #tpu.memory_space<hbm>>
      %dma_start3A_391 = tpu.memref_squeeze %dma_start3A_390 : memref<1x1664xf32, #tpu.memory_space<hbm>> -> memref<1664xf32, #tpu.memory_space<hbm>>
      %dma_start3A_392 = arith.constant 0 : i32
      %dma_start3A_393 = tpu.memref_slice %arg4[%add3A_388, %dma_start3A_392] : memref<4096x1664xf32, #tpu.memory_space<hbm>> -> memref<1x1664xf32, #tpu.memory_space<hbm>>
      %dma_start3A_394 = tpu.memref_squeeze %dma_start3A_393 : memref<1x1664xf32, #tpu.memory_space<hbm>> -> memref<1664xf32, #tpu.memory_space<hbm>>
      tpu.enqueue_dma source(%arg17 : memref<1664xf32, #tpu.memory_space<vmem>>) target(%dma_start3A_394 : memref<1664xf32, #tpu.memory_space<hbm>>) target_semaphore(%arg33 : memref<!tpu.dma_semaphore, #tpu.memory_space<semaphore_mem>>)
      %add3A_395 = arith.addi %mul3A_2, %add3A_378 : i32
      %dma_wait3A_396 = arith.constant 0 : i32
      %dma_wait3A_397 = tpu.memref_slice %arg4[%add3A_395, %dma_wait3A_396] : memref<4096x1664xf32, #tpu.memory_space<hbm>> -> memref<1x1664xf32, #tpu.memory_space<hbm>>
      %dma_wait3A_398 = tpu.memref_squeeze %dma_wait3A_397 : memref<1x1664xf32, #tpu.memory_space<hbm>> -> memref<1664xf32, #tpu.memory_space<hbm>>
      %dma_wait3A_399 = arith.constant 0 : i32
      %dma_wait3A_400 = tpu.memref_slice %arg4[%add3A_395, %dma_wait3A_399] : memref<4096x1664xf32, #tpu.memory_space<hbm>> -> memref<1x1664xf32, #tpu.memory_space<hbm>>
      %dma_wait3A_401 = tpu.memref_squeeze %dma_wait3A_400 : memref<1x1664xf32, #tpu.memory_space<hbm>> -> memref<1664xf32, #tpu.memory_space<hbm>>
      tpu.wait_dma2 semaphore(%arg33 : memref<!tpu.dma_semaphore, #tpu.memory_space<semaphore_mem>>) src(%arg17 : memref<1664xf32, #tpu.memory_space<vmem>>) dst(%dma_wait3A_401 : memref<1664xf32, #tpu.memory_space<hbm>>)
      %add3A_402 = arith.constant 8 : i32
      %add3A_403 = arith.addi %add3A_378, %add3A_402 : i32
      %dma_start3A_404 = arith.constant 0 : i32
      %dma_start3A_405 = tpu.memref_slice %arg5[%add3A_403, %dma_start3A_404] : memref<128x26xi32, #tpu.memory_space<vmem>> -> memref<1x26xi32, #tpu.memory_space<vmem>>
      %dma_start3A_406 = tpu.memref_squeeze %dma_start3A_405 : memref<1x26xi32, #tpu.memory_space<vmem>> -> memref<26xi32, #tpu.memory_space<vmem>>
      %dma_start3A_407 = arith.constant 0 : i32
      %dma_start3A_408 = arith.constant 0 : i32
      %dma_start3A_409 = tpu.memref_slice %arg3[%dma_start3A_407, %dma_start3A_408] : memref<100000x128xf32, #tpu.memory_space<hbm>> -> memref<100000x128xf32, #tpu.memory_space<hbm>>
      tpu.enqueue_indirect_dma source(%dma_start3A_409 : memref<100000x128xf32, #tpu.memory_space<hbm>>) target(%arg9 : memref<26x128xf32, #tpu.memory_space<vmem>>) offsets(%dma_start3A_406 : memref<26xi32, #tpu.memory_space<vmem>>) semaphore(%arg25 : memref<!tpu.dma_semaphore, #tpu.memory_space<semaphore_mem>>)
      %mul3A_410 = arith.constant 8 : i32
      %mul3A_411 = arith.muli %scan3A_269, %mul3A_410 : i32
      %add3A_412 = arith.constant 4 : i32
      %add3A_413 = arith.addi %mul3A_411, %add3A_412 : i32
      %dma_wait3A_414 = arith.constant 0 : i32
      %dma_wait3A_415 = tpu.memref_slice %arg5[%add3A_413, %dma_wait3A_414] : memref<128x26xi32, #tpu.memory_space<vmem>> -> memref<1x26xi32, #tpu.memory_space<vmem>>
      %dma_wait3A_416 = tpu.memref_squeeze %dma_wait3A_415 : memref<1x26xi32, #tpu.memory_space<vmem>> -> memref<26xi32, #tpu.memory_space<vmem>>
      %dma_wait3A_417 = arith.constant 0 : i32
      %dma_wait3A_418 = arith.constant 0 : i32
      %dma_wait3A_419 = tpu.memref_slice %arg3[%dma_wait3A_417, %dma_wait3A_418] : memref<100000x128xf32, #tpu.memory_space<hbm>> -> memref<100000x128xf32, #tpu.memory_space<hbm>>
      tpu.wait_indirect_dma semaphore(%arg26 : memref<!tpu.dma_semaphore, #tpu.memory_space<semaphore_mem>>) src(%dma_wait3A_419 : memref<100000x128xf32, #tpu.memory_space<hbm>>) dst(%arg10 : memref<26x128xf32, #tpu.memory_space<vmem>>)
      %parallel_loop3A_420 = arith.constant 0 : i32
      %parallel_loop3A_421 = arith.constant 26 : i32
      %parallel_loop3A_422 = arith.constant 1 : i32
      scf.for %parallel_loop3A_550 = %parallel_loop3A_420 to %parallel_loop3A_421 step %parallel_loop3A_422  : i32 {
        %parallel_loop3A_551 = arith.index_cast %parallel_loop3A_550 : i32 to index
        %parallel_loop3A_552 = arith.constant 0 : index
        %parallel_loop3A_553 = tpu.vector_load %arg10[%parallel_loop3A_551, %parallel_loop3A_552] {strides = array<i32>} : memref<26x128xf32, #tpu.memory_space<vmem>>, vector<1x16xf32>,
        %parallel_loop3A_554 = vector.shape_cast %parallel_loop3A_553 : vector<1x16xf32> to vector<16xf32>
        %parallel_loop3A_555 = arith.constant 1.57079637 : f32
        %parallel_loop3A_556 = vector.broadcast %parallel_loop3A_555 : f32 to vector<16xf32>
        %parallel_loop3A_557 = arith.mulf %parallel_loop3A_554, %parallel_loop3A_556 : vector<16xf32>
        %parallel_loop3A_558 = arith.constant 64 : i32
        %parallel_loop3A_559 = arith.muli %parallel_loop3A_550, %parallel_loop3A_558 : i32
        %parallel_loop3A_560 = arith.constant 0 : i32
        %parallel_loop3A_561 = arith.addi %parallel_loop3A_559, %parallel_loop3A_560 : i32
        %parallel_loop3A_562 = arith.index_cast %parallel_loop3A_561 : i32 to index
        %parallel_loop3A_563 = tpu.vector_load %arg18[%parallel_loop3A_562] {strides = array<i32>} : memref<1664xf32, #tpu.memory_space<vmem>>, vector<16xf32>,
        %parallel_loop3A_564 = vector.shape_cast %parallel_loop3A_563 : vector<16xf32> to vector<16xf32>
        %parallel_loop3A_565 = vector.shape_cast %parallel_loop3A_557 : vector<16xf32> to vector<16xf32>
        tpu.vector_store %arg18[%parallel_loop3A_562], %parallel_loop3A_565 {strides = array<i32>} : memref<1664xf32, #tpu.memory_space<vmem>>, vector<16xf32>,
        %parallel_loop3A_566 = arith.index_cast %parallel_loop3A_550 : i32 to index
        %parallel_loop3A_567 = arith.constant 16 : index
        %parallel_loop3A_568 = tpu.vector_load %arg10[%parallel_loop3A_566, %parallel_loop3A_567] {strides = array<i32>} : memref<26x128xf32, #tpu.memory_space<vmem>>, vector<1x16xf32>,
        %parallel_loop3A_569 = vector.shape_cast %parallel_loop3A_568 : vector<1x16xf32> to vector<16xf32>
        %parallel_loop3A_570 = arith.constant 1.57079637 : f32
        %parallel_loop3A_571 = vector.broadcast %parallel_loop3A_570 : f32 to vector<16xf32>
        %parallel_loop3A_572 = arith.mulf %parallel_loop3A_569, %parallel_loop3A_571 : vector<16xf32>
        %parallel_loop3A_573 = arith.constant 64 : i32
        %parallel_loop3A_574 = arith.muli %parallel_loop3A_550, %parallel_loop3A_573 : i32
        %parallel_loop3A_575 = arith.constant 16 : i32
        %parallel_loop3A_576 = arith.addi %parallel_loop3A_574, %parallel_loop3A_575 : i32
        %parallel_loop3A_577 = arith.index_cast %parallel_loop3A_576 : i32 to index
        %parallel_loop3A_578 = tpu.vector_load %arg18[%parallel_loop3A_577] {strides = array<i32>} : memref<1664xf32, #tpu.memory_space<vmem>>, vector<16xf32>,
        %parallel_loop3A_579 = vector.shape_cast %parallel_loop3A_578 : vector<16xf32> to vector<16xf32>
        %parallel_loop3A_580 = vector.shape_cast %parallel_loop3A_572 : vector<16xf32> to vector<16xf32>
        tpu.vector_store %arg18[%parallel_loop3A_577], %parallel_loop3A_580 {strides = array<i32>} : memref<1664xf32, #tpu.memory_space<vmem>>, vector<16xf32>,
        %parallel_loop3A_581 = arith.index_cast %parallel_loop3A_550 : i32 to index
        %parallel_loop3A_582 = arith.constant 32 : index
        %parallel_loop3A_583 = tpu.vector_load %arg10[%parallel_loop3A_581, %parallel_loop3A_582] {strides = array<i32>} : memref<26x128xf32, #tpu.memory_space<vmem>>, vector<1x16xf32>,
        %parallel_loop3A_584 = vector.shape_cast %parallel_loop3A_583 : vector<1x16xf32> to vector<16xf32>
        %parallel_loop3A_585 = arith.constant 1.57079637 : f32
        %parallel_loop3A_586 = vector.broadcast %parallel_loop3A_585 : f32 to vector<16xf32>
        %parallel_loop3A_587 = arith.mulf %parallel_loop3A_584, %parallel_loop3A_586 : vector<16xf32>
        %parallel_loop3A_588 = arith.constant 64 : i32
        %parallel_loop3A_589 = arith.muli %parallel_loop3A_550, %parallel_loop3A_588 : i32
        %parallel_loop3A_590 = arith.constant 32 : i32
        %parallel_loop3A_591 = arith.addi %parallel_loop3A_589, %parallel_loop3A_590 : i32
        %parallel_loop3A_592 = arith.index_cast %parallel_loop3A_591 : i32 to index
        %parallel_loop3A_593 = tpu.vector_load %arg18[%parallel_loop3A_592] {strides = array<i32>} : memref<1664xf32, #tpu.memory_space<vmem>>, vector<16xf32>,
        %parallel_loop3A_594 = vector.shape_cast %parallel_loop3A_593 : vector<16xf32> to vector<16xf32>
        %parallel_loop3A_595 = vector.shape_cast %parallel_loop3A_587 : vector<16xf32> to vector<16xf32>
        tpu.vector_store %arg18[%parallel_loop3A_592], %parallel_loop3A_595 {strides = array<i32>} : memref<1664xf32, #tpu.memory_space<vmem>>, vector<16xf32>,
        %parallel_loop3A_596 = arith.index_cast %parallel_loop3A_550 : i32 to index
        %parallel_loop3A_597 = arith.constant 48 : index
        %parallel_loop3A_598 = tpu.vector_load %arg10[%parallel_loop3A_596, %parallel_loop3A_597] {strides = array<i32>} : memref<26x128xf32, #tpu.memory_space<vmem>>, vector<1x16xf32>,
        %parallel_loop3A_599 = vector.shape_cast %parallel_loop3A_598 : vector<1x16xf32> to vector<16xf32>
        %parallel_loop3A_600 = arith.constant 1.57079637 : f32
        %parallel_loop3A_601 = vector.broadcast %parallel_loop3A_600 : f32 to vector<16xf32>
        %parallel_loop3A_602 = arith.mulf %parallel_loop3A_599, %parallel_loop3A_601 : vector<16xf32>
        %parallel_loop3A_603 = arith.constant 64 : i32
        %parallel_loop3A_604 = arith.muli %parallel_loop3A_550, %parallel_loop3A_603 : i32
        %parallel_loop3A_605 = arith.constant 48 : i32
        %parallel_loop3A_606 = arith.addi %parallel_loop3A_604, %parallel_loop3A_605 : i32
        %parallel_loop3A_607 = arith.index_cast %parallel_loop3A_606 : i32 to index
        %parallel_loop3A_608 = tpu.vector_load %arg18[%parallel_loop3A_607] {strides = array<i32>} : memref<1664xf32, #tpu.memory_space<vmem>>, vector<16xf32>,
        %parallel_loop3A_609 = vector.shape_cast %parallel_loop3A_608 : vector<16xf32> to vector<16xf32>
        %parallel_loop3A_610 = vector.shape_cast %parallel_loop3A_602 : vector<16xf32> to vector<16xf32>
        tpu.vector_store %arg18[%parallel_loop3A_607], %parallel_loop3A_610 {strides = array<i32>} : memref<1664xf32, #tpu.memory_space<vmem>>, vector<16xf32>,
      } {sc.loop_unroll_factor = 2 : i64, sc.parallel_access}
      %add3A_423 = arith.addi %mul3A_2, %add3A_413 : i32
      %dma_start3A_424 = arith.constant 0 : i32
      %dma_start3A_425 = tpu.memref_slice %arg4[%add3A_423, %dma_start3A_424] : memref<4096x1664xf32, #tpu.memory_space<hbm>> -> memref<1x1664xf32, #tpu.memory_space<hbm>>
      %dma_start3A_426 = tpu.memref_squeeze %dma_start3A_425 : memref<1x1664xf32, #tpu.memory_space<hbm>> -> memref<1664xf32, #tpu.memory_space<hbm>>
      %dma_start3A_427 = arith.constant 0 : i32
      %dma_start3A_428 = tpu.memref_slice %arg4[%add3A_423, %dma_start3A_427] : memref<4096x1664xf32, #tpu.memory_space<hbm>> -> memref<1x1664xf32, #tpu.memory_space<hbm>>
      %dma_start3A_429 = tpu.memref_squeeze %dma_start3A_428 : memref<1x1664xf32, #tpu.memory_space<hbm>> -> memref<1664xf32, #tpu.memory_space<hbm>>
      tpu.enqueue_dma source(%arg18 : memref<1664xf32, #tpu.memory_space<vmem>>) target(%dma_start3A_429 : memref<1664xf32, #tpu.memory_space<hbm>>) target_semaphore(%arg34 : memref<!tpu.dma_semaphore, #tpu.memory_space<semaphore_mem>>)
      %add3A_430 = arith.addi %mul3A_2, %add3A_413 : i32
      %dma_wait3A_431 = arith.constant 0 : i32
      %dma_wait3A_432 = tpu.memref_slice %arg4[%add3A_430, %dma_wait3A_431] : memref<4096x1664xf32, #tpu.memory_space<hbm>> -> memref<1x1664xf32, #tpu.memory_space<hbm>>
      %dma_wait3A_433 = tpu.memref_squeeze %dma_wait3A_432 : memref<1x1664xf32, #tpu.memory_space<hbm>> -> memref<1664xf32, #tpu.memory_space<hbm>>
      %dma_wait3A_434 = arith.constant 0 : i32
      %dma_wait3A_435 = tpu.memref_slice %arg4[%add3A_430, %dma_wait3A_434] : memref<4096x1664xf32, #tpu.memory_space<hbm>> -> memref<1x1664xf32, #tpu.memory_space<hbm>>
      %dma_wait3A_436 = tpu.memref_squeeze %dma_wait3A_435 : memref<1x1664xf32, #tpu.memory_space<hbm>> -> memref<1664xf32, #tpu.memory_space<hbm>>
      tpu.wait_dma2 semaphore(%arg34 : memref<!tpu.dma_semaphore, #tpu.memory_space<semaphore_mem>>) src(%arg18 : memref<1664xf32, #tpu.memory_space<vmem>>) dst(%dma_wait3A_436 : memref<1664xf32, #tpu.memory_space<hbm>>)
      %add3A_437 = arith.constant 8 : i32
      %add3A_438 = arith.addi %add3A_413, %add3A_437 : i32
      %dma_start3A_439 = arith.constant 0 : i32
      %dma_start3A_440 = tpu.memref_slice %arg5[%add3A_438, %dma_start3A_439] : memref<128x26xi32, #tpu.memory_space<vmem>> -> memref<1x26xi32, #tpu.memory_space<vmem>>
      %dma_start3A_441 = tpu.memref_squeeze %dma_start3A_440 : memref<1x26xi32, #tpu.memory_space<vmem>> -> memref<26xi32, #tpu.memory_space<vmem>>
      %dma_start3A_442 = arith.constant 0 : i32
      %dma_start3A_443 = arith.constant 0 : i32
      %dma_start3A_444 = tpu.memref_slice %arg3[%dma_start3A_442, %dma_start3A_443] : memref<100000x128xf32, #tpu.memory_space<hbm>> -> memref<100000x128xf32, #tpu.memory_space<hbm>>
      tpu.enqueue_indirect_dma source(%dma_start3A_444 : memref<100000x128xf32, #tpu.memory_space<hbm>>) target(%arg10 : memref<26x128xf32, #tpu.memory_space<vmem>>) offsets(%dma_start3A_441 : memref<26xi32, #tpu.memory_space<vmem>>) semaphore(%arg26 : memref<!tpu.dma_semaphore, #tpu.memory_space<semaphore_mem>>)
      %mul3A_445 = arith.constant 8 : i32
      %mul3A_446 = arith.muli %scan3A_269, %mul3A_445 : i32
      %add3A_447 = arith.constant 5 : i32
      %add3A_448 = arith.addi %mul3A_446, %add3A_447 : i32
      %dma_wait3A_449 = arith.constant 0 : i32
      %dma_wait3A_450 = tpu.memref_slice %arg5[%add3A_448, %dma_wait3A_449] : memref<128x26xi32, #tpu.memory_space<vmem>> -> memref<1x26xi32, #tpu.memory_space<vmem>>
      %dma_wait3A_451 = tpu.memref_squeeze %dma_wait3A_450 : memref<1x26xi32, #tpu.memory_space<vmem>> -> memref<26xi32, #tpu.memory_space<vmem>>
      %dma_wait3A_452 = arith.constant 0 : i32
      %dma_wait3A_453 = arith.constant 0 : i32
      %dma_wait3A_454 = tpu.memref_slice %arg3[%dma_wait3A_452, %dma_wait3A_453] : memref<100000x128xf32, #tpu.memory_space<hbm>> -> memref<100000x128xf32, #tpu.memory_space<hbm>>
      tpu.wait_indirect_dma semaphore(%arg27 : memref<!tpu.dma_semaphore, #tpu.memory_space<semaphore_mem>>) src(%dma_wait3A_454 : memref<100000x128xf32, #tpu.memory_space<hbm>>) dst(%arg11 : memref<26x128xf32, #tpu.memory_space<vmem>>)
      %parallel_loop3A_455 = arith.constant 0 : i32
      %parallel_loop3A_456 = arith.constant 26 : i32
      %parallel_loop3A_457 = arith.constant 1 : i32
      scf.for %parallel_loop3A_550 = %parallel_loop3A_455 to %parallel_loop3A_456 step %parallel_loop3A_457  : i32 {
        %parallel_loop3A_551 = arith.index_cast %parallel_loop3A_550 : i32 to index
        %parallel_loop3A_552 = arith.constant 0 : index
        %parallel_loop3A_553 = tpu.vector_load %arg11[%parallel_loop3A_551, %parallel_loop3A_552] {strides = array<i32>} : memref<26x128xf32, #tpu.memory_space<vmem>>, vector<1x16xf32>,
        %parallel_loop3A_554 = vector.shape_cast %parallel_loop3A_553 : vector<1x16xf32> to vector<16xf32>
        %parallel_loop3A_555 = arith.constant 1.57079637 : f32
        %parallel_loop3A_556 = vector.broadcast %parallel_loop3A_555 : f32 to vector<16xf32>
        %parallel_loop3A_557 = arith.mulf %parallel_loop3A_554, %parallel_loop3A_556 : vector<16xf32>
        %parallel_loop3A_558 = arith.constant 64 : i32
        %parallel_loop3A_559 = arith.muli %parallel_loop3A_550, %parallel_loop3A_558 : i32
        %parallel_loop3A_560 = arith.constant 0 : i32
        %parallel_loop3A_561 = arith.addi %parallel_loop3A_559, %parallel_loop3A_560 : i32
        %parallel_loop3A_562 = arith.index_cast %parallel_loop3A_561 : i32 to index
        %parallel_loop3A_563 = tpu.vector_load %arg19[%parallel_loop3A_562] {strides = array<i32>} : memref<1664xf32, #tpu.memory_space<vmem>>, vector<16xf32>,
        %parallel_loop3A_564 = vector.shape_cast %parallel_loop3A_563 : vector<16xf32> to vector<16xf32>
        %parallel_loop3A_565 = vector.shape_cast %parallel_loop3A_557 : vector<16xf32> to vector<16xf32>
        tpu.vector_store %arg19[%parallel_loop3A_562], %parallel_loop3A_565 {strides = array<i32>} : memref<1664xf32, #tpu.memory_space<vmem>>, vector<16xf32>,
        %parallel_loop3A_566 = arith.index_cast %parallel_loop3A_550 : i32 to index
        %parallel_loop3A_567 = arith.constant 16 : index
        %parallel_loop3A_568 = tpu.vector_load %arg11[%parallel_loop3A_566, %parallel_loop3A_567] {strides = array<i32>} : memref<26x128xf32, #tpu.memory_space<vmem>>, vector<1x16xf32>,
        %parallel_loop3A_569 = vector.shape_cast %parallel_loop3A_568 : vector<1x16xf32> to vector<16xf32>
        %parallel_loop3A_570 = arith.constant 1.57079637 : f32
        %parallel_loop3A_571 = vector.broadcast %parallel_loop3A_570 : f32 to vector<16xf32>
        %parallel_loop3A_572 = arith.mulf %parallel_loop3A_569, %parallel_loop3A_571 : vector<16xf32>
        %parallel_loop3A_573 = arith.constant 64 : i32
        %parallel_loop3A_574 = arith.muli %parallel_loop3A_550, %parallel_loop3A_573 : i32
        %parallel_loop3A_575 = arith.constant 16 : i32
        %parallel_loop3A_576 = arith.addi %parallel_loop3A_574, %parallel_loop3A_575 : i32
        %parallel_loop3A_577 = arith.index_cast %parallel_loop3A_576 : i32 to index
        %parallel_loop3A_578 = tpu.vector_load %arg19[%parallel_loop3A_577] {strides = array<i32>} : memref<1664xf32, #tpu.memory_space<vmem>>, vector<16xf32>,
        %parallel_loop3A_579 = vector.shape_cast %parallel_loop3A_578 : vector<16xf32> to vector<16xf32>
        %parallel_loop3A_580 = vector.shape_cast %parallel_loop3A_572 : vector<16xf32> to vector<16xf32>
        tpu.vector_store %arg19[%parallel_loop3A_577], %parallel_loop3A_580 {strides = array<i32>} : memref<1664xf32, #tpu.memory_space<vmem>>, vector<16xf32>,
        %parallel_loop3A_581 = arith.index_cast %parallel_loop3A_550 : i32 to index
        %parallel_loop3A_582 = arith.constant 32 : index
        %parallel_loop3A_583 = tpu.vector_load %arg11[%parallel_loop3A_581, %parallel_loop3A_582] {strides = array<i32>} : memref<26x128xf32, #tpu.memory_space<vmem>>, vector<1x16xf32>,
        %parallel_loop3A_584 = vector.shape_cast %parallel_loop3A_583 : vector<1x16xf32> to vector<16xf32>
        %parallel_loop3A_585 = arith.constant 1.57079637 : f32
        %parallel_loop3A_586 = vector.broadcast %parallel_loop3A_585 : f32 to vector<16xf32>
        %parallel_loop3A_587 = arith.mulf %parallel_loop3A_584, %parallel_loop3A_586 : vector<16xf32>
        %parallel_loop3A_588 = arith.constant 64 : i32
        %parallel_loop3A_589 = arith.muli %parallel_loop3A_550, %parallel_loop3A_588 : i32
        %parallel_loop3A_590 = arith.constant 32 : i32
        %parallel_loop3A_591 = arith.addi %parallel_loop3A_589, %parallel_loop3A_590 : i32
        %parallel_loop3A_592 = arith.index_cast %parallel_loop3A_591 : i32 to index
        %parallel_loop3A_593 = tpu.vector_load %arg19[%parallel_loop3A_592] {strides = array<i32>} : memref<1664xf32, #tpu.memory_space<vmem>>, vector<16xf32>,
        %parallel_loop3A_594 = vector.shape_cast %parallel_loop3A_593 : vector<16xf32> to vector<16xf32>
        %parallel_loop3A_595 = vector.shape_cast %parallel_loop3A_587 : vector<16xf32> to vector<16xf32>
        tpu.vector_store %arg19[%parallel_loop3A_592], %parallel_loop3A_595 {strides = array<i32>} : memref<1664xf32, #tpu.memory_space<vmem>>, vector<16xf32>,
        %parallel_loop3A_596 = arith.index_cast %parallel_loop3A_550 : i32 to index
        %parallel_loop3A_597 = arith.constant 48 : index
        %parallel_loop3A_598 = tpu.vector_load %arg11[%parallel_loop3A_596, %parallel_loop3A_597] {strides = array<i32>} : memref<26x128xf32, #tpu.memory_space<vmem>>, vector<1x16xf32>,
        %parallel_loop3A_599 = vector.shape_cast %parallel_loop3A_598 : vector<1x16xf32> to vector<16xf32>
        %parallel_loop3A_600 = arith.constant 1.57079637 : f32
        %parallel_loop3A_601 = vector.broadcast %parallel_loop3A_600 : f32 to vector<16xf32>
        %parallel_loop3A_602 = arith.mulf %parallel_loop3A_599, %parallel_loop3A_601 : vector<16xf32>
        %parallel_loop3A_603 = arith.constant 64 : i32
        %parallel_loop3A_604 = arith.muli %parallel_loop3A_550, %parallel_loop3A_603 : i32
        %parallel_loop3A_605 = arith.constant 48 : i32
        %parallel_loop3A_606 = arith.addi %parallel_loop3A_604, %parallel_loop3A_605 : i32
        %parallel_loop3A_607 = arith.index_cast %parallel_loop3A_606 : i32 to index
        %parallel_loop3A_608 = tpu.vector_load %arg19[%parallel_loop3A_607] {strides = array<i32>} : memref<1664xf32, #tpu.memory_space<vmem>>, vector<16xf32>,
        %parallel_loop3A_609 = vector.shape_cast %parallel_loop3A_608 : vector<16xf32> to vector<16xf32>
        %parallel_loop3A_610 = vector.shape_cast %parallel_loop3A_602 : vector<16xf32> to vector<16xf32>
        tpu.vector_store %arg19[%parallel_loop3A_607], %parallel_loop3A_610 {strides = array<i32>} : memref<1664xf32, #tpu.memory_space<vmem>>, vector<16xf32>,
      } {sc.loop_unroll_factor = 2 : i64, sc.parallel_access}
      %add3A_458 = arith.addi %mul3A_2, %add3A_448 : i32
      %dma_start3A_459 = arith.constant 0 : i32
      %dma_start3A_460 = tpu.memref_slice %arg4[%add3A_458, %dma_start3A_459] : memref<4096x1664xf32, #tpu.memory_space<hbm>> -> memref<1x1664xf32, #tpu.memory_space<hbm>>
      %dma_start3A_461 = tpu.memref_squeeze %dma_start3A_460 : memref<1x1664xf32, #tpu.memory_space<hbm>> -> memref<1664xf32, #tpu.memory_space<hbm>>
      %dma_start3A_462 = arith.constant 0 : i32
      %dma_start3A_463 = tpu.memref_slice %arg4[%add3A_458, %dma_start3A_462] : memref<4096x1664xf32, #tpu.memory_space<hbm>> -> memref<1x1664xf32, #tpu.memory_space<hbm>>
      %dma_start3A_464 = tpu.memref_squeeze %dma_start3A_463 : memref<1x1664xf32, #tpu.memory_space<hbm>> -> memref<1664xf32, #tpu.memory_space<hbm>>
      tpu.enqueue_dma source(%arg19 : memref<1664xf32, #tpu.memory_space<vmem>>) target(%dma_start3A_464 : memref<1664xf32, #tpu.memory_space<hbm>>) target_semaphore(%arg35 : memref<!tpu.dma_semaphore, #tpu.memory_space<semaphore_mem>>)
      %add3A_465 = arith.addi %mul3A_2, %add3A_448 : i32
      %dma_wait3A_466 = arith.constant 0 : i32
      %dma_wait3A_467 = tpu.memref_slice %arg4[%add3A_465, %dma_wait3A_466] : memref<4096x1664xf32, #tpu.memory_space<hbm>> -> memref<1x1664xf32, #tpu.memory_space<hbm>>
      %dma_wait3A_468 = tpu.memref_squeeze %dma_wait3A_467 : memref<1x1664xf32, #tpu.memory_space<hbm>> -> memref<1664xf32, #tpu.memory_space<hbm>>
      %dma_wait3A_469 = arith.constant 0 : i32
      %dma_wait3A_470 = tpu.memref_slice %arg4[%add3A_465, %dma_wait3A_469] : memref<4096x1664xf32, #tpu.memory_space<hbm>> -> memref<1x1664xf32, #tpu.memory_space<hbm>>
      %dma_wait3A_471 = tpu.memref_squeeze %dma_wait3A_470 : memref<1x1664xf32, #tpu.memory_space<hbm>> -> memref<1664xf32, #tpu.memory_space<hbm>>
      tpu.wait_dma2 semaphore(%arg35 : memref<!tpu.dma_semaphore, #tpu.memory_space<semaphore_mem>>) src(%arg19 : memref<1664xf32, #tpu.memory_space<vmem>>) dst(%dma_wait3A_471 : memref<1664xf32, #tpu.memory_space<hbm>>)
      %add3A_472 = arith.constant 8 : i32
      %add3A_473 = arith.addi %add3A_448, %add3A_472 : i32
      %dma_start3A_474 = arith.constant 0 : i32
      %dma_start3A_475 = tpu.memref_slice %arg5[%add3A_473, %dma_start3A_474] : memref<128x26xi32, #tpu.memory_space<vmem>> -> memref<1x26xi32, #tpu.memory_space<vmem>>
      %dma_start3A_476 = tpu.memref_squeeze %dma_start3A_475 : memref<1x26xi32, #tpu.memory_space<vmem>> -> memref<26xi32, #tpu.memory_space<vmem>>
      %dma_start3A_477 = arith.constant 0 : i32
      %dma_start3A_478 = arith.constant 0 : i32
      %dma_start3A_479 = tpu.memref_slice %arg3[%dma_start3A_477, %dma_start3A_478] : memref<100000x128xf32, #tpu.memory_space<hbm>> -> memref<100000x128xf32, #tpu.memory_space<hbm>>
      tpu.enqueue_indirect_dma source(%dma_start3A_479 : memref<100000x128xf32, #tpu.memory_space<hbm>>) target(%arg11 : memref<26x128xf32, #tpu.memory_space<vmem>>) offsets(%dma_start3A_476 : memref<26xi32, #tpu.memory_space<vmem>>) semaphore(%arg27 : memref<!tpu.dma_semaphore, #tpu.memory_space<semaphore_mem>>)
      %mul3A_480 = arith.constant 8 : i32
      %mul3A_481 = arith.muli %scan3A_269, %mul3A_480 : i32
      %add3A_482 = arith.constant 6 : i32
      %add3A_483 = arith.addi %mul3A_481, %add3A_482 : i32
      %dma_wait3A_484 = arith.constant 0 : i32
      %dma_wait3A_485 = tpu.memref_slice %arg5[%add3A_483, %dma_wait3A_484] : memref<128x26xi32, #tpu.memory_space<vmem>> -> memref<1x26xi32, #tpu.memory_space<vmem>>
      %dma_wait3A_486 = tpu.memref_squeeze %dma_wait3A_485 : memref<1x26xi32, #tpu.memory_space<vmem>> -> memref<26xi32, #tpu.memory_space<vmem>>
      %dma_wait3A_487 = arith.constant 0 : i32
      %dma_wait3A_488 = arith.constant 0 : i32
      %dma_wait3A_489 = tpu.memref_slice %arg3[%dma_wait3A_487, %dma_wait3A_488] : memref<100000x128xf32, #tpu.memory_space<hbm>> -> memref<100000x128xf32, #tpu.memory_space<hbm>>
      tpu.wait_indirect_dma semaphore(%arg28 : memref<!tpu.dma_semaphore, #tpu.memory_space<semaphore_mem>>) src(%dma_wait3A_489 : memref<100000x128xf32, #tpu.memory_space<hbm>>) dst(%arg12 : memref<26x128xf32, #tpu.memory_space<vmem>>)
      %parallel_loop3A_490 = arith.constant 0 : i32
      %parallel_loop3A_491 = arith.constant 26 : i32
      %parallel_loop3A_492 = arith.constant 1 : i32
      scf.for %parallel_loop3A_550 = %parallel_loop3A_490 to %parallel_loop3A_491 step %parallel_loop3A_492  : i32 {
        %parallel_loop3A_551 = arith.index_cast %parallel_loop3A_550 : i32 to index
        %parallel_loop3A_552 = arith.constant 0 : index
        %parallel_loop3A_553 = tpu.vector_load %arg12[%parallel_loop3A_551, %parallel_loop3A_552] {strides = array<i32>} : memref<26x128xf32, #tpu.memory_space<vmem>>, vector<1x16xf32>,
        %parallel_loop3A_554 = vector.shape_cast %parallel_loop3A_553 : vector<1x16xf32> to vector<16xf32>
        %parallel_loop3A_555 = arith.constant 1.57079637 : f32
        %parallel_loop3A_556 = vector.broadcast %parallel_loop3A_555 : f32 to vector<16xf32>
        %parallel_loop3A_557 = arith.mulf %parallel_loop3A_554, %parallel_loop3A_556 : vector<16xf32>
        %parallel_loop3A_558 = arith.constant 64 : i32
        %parallel_loop3A_559 = arith.muli %parallel_loop3A_550, %parallel_loop3A_558 : i32
        %parallel_loop3A_560 = arith.constant 0 : i32
        %parallel_loop3A_561 = arith.addi %parallel_loop3A_559, %parallel_loop3A_560 : i32
        %parallel_loop3A_562 = arith.index_cast %parallel_loop3A_561 : i32 to index
        %parallel_loop3A_563 = tpu.vector_load %arg20[%parallel_loop3A_562] {strides = array<i32>} : memref<1664xf32, #tpu.memory_space<vmem>>, vector<16xf32>,
        %parallel_loop3A_564 = vector.shape_cast %parallel_loop3A_563 : vector<16xf32> to vector<16xf32>
        %parallel_loop3A_565 = vector.shape_cast %parallel_loop3A_557 : vector<16xf32> to vector<16xf32>
        tpu.vector_store %arg20[%parallel_loop3A_562], %parallel_loop3A_565 {strides = array<i32>} : memref<1664xf32, #tpu.memory_space<vmem>>, vector<16xf32>,
        %parallel_loop3A_566 = arith.index_cast %parallel_loop3A_550 : i32 to index
        %parallel_loop3A_567 = arith.constant 16 : index
        %parallel_loop3A_568 = tpu.vector_load %arg12[%parallel_loop3A_566, %parallel_loop3A_567] {strides = array<i32>} : memref<26x128xf32, #tpu.memory_space<vmem>>, vector<1x16xf32>,
        %parallel_loop3A_569 = vector.shape_cast %parallel_loop3A_568 : vector<1x16xf32> to vector<16xf32>
        %parallel_loop3A_570 = arith.constant 1.57079637 : f32
        %parallel_loop3A_571 = vector.broadcast %parallel_loop3A_570 : f32 to vector<16xf32>
        %parallel_loop3A_572 = arith.mulf %parallel_loop3A_569, %parallel_loop3A_571 : vector<16xf32>
        %parallel_loop3A_573 = arith.constant 64 : i32
        %parallel_loop3A_574 = arith.muli %parallel_loop3A_550, %parallel_loop3A_573 : i32
        %parallel_loop3A_575 = arith.constant 16 : i32
        %parallel_loop3A_576 = arith.addi %parallel_loop3A_574, %parallel_loop3A_575 : i32
        %parallel_loop3A_577 = arith.index_cast %parallel_loop3A_576 : i32 to index
        %parallel_loop3A_578 = tpu.vector_load %arg20[%parallel_loop3A_577] {strides = array<i32>} : memref<1664xf32, #tpu.memory_space<vmem>>, vector<16xf32>,
        %parallel_loop3A_579 = vector.shape_cast %parallel_loop3A_578 : vector<16xf32> to vector<16xf32>
        %parallel_loop3A_580 = vector.shape_cast %parallel_loop3A_572 : vector<16xf32> to vector<16xf32>
        tpu.vector_store %arg20[%parallel_loop3A_577], %parallel_loop3A_580 {strides = array<i32>} : memref<1664xf32, #tpu.memory_space<vmem>>, vector<16xf32>,
        %parallel_loop3A_581 = arith.index_cast %parallel_loop3A_550 : i32 to index
        %parallel_loop3A_582 = arith.constant 32 : index
        %parallel_loop3A_583 = tpu.vector_load %arg12[%parallel_loop3A_581, %parallel_loop3A_582] {strides = array<i32>} : memref<26x128xf32, #tpu.memory_space<vmem>>, vector<1x16xf32>,
        %parallel_loop3A_584 = vector.shape_cast %parallel_loop3A_583 : vector<1x16xf32> to vector<16xf32>
        %parallel_loop3A_585 = arith.constant 1.57079637 : f32
        %parallel_loop3A_586 = vector.broadcast %parallel_loop3A_585 : f32 to vector<16xf32>
        %parallel_loop3A_587 = arith.mulf %parallel_loop3A_584, %parallel_loop3A_586 : vector<16xf32>
        %parallel_loop3A_588 = arith.constant 64 : i32
        %parallel_loop3A_589 = arith.muli %parallel_loop3A_550, %parallel_loop3A_588 : i32
        %parallel_loop3A_590 = arith.constant 32 : i32
        %parallel_loop3A_591 = arith.addi %parallel_loop3A_589, %parallel_loop3A_590 : i32
        %parallel_loop3A_592 = arith.index_cast %parallel_loop3A_591 : i32 to index
        %parallel_loop3A_593 = tpu.vector_load %arg20[%parallel_loop3A_592] {strides = array<i32>} : memref<1664xf32, #tpu.memory_space<vmem>>, vector<16xf32>,
        %parallel_loop3A_594 = vector.shape_cast %parallel_loop3A_593 : vector<16xf32> to vector<16xf32>
        %parallel_loop3A_595 = vector.shape_cast %parallel_loop3A_587 : vector<16xf32> to vector<16xf32>
        tpu.vector_store %arg20[%parallel_loop3A_592], %parallel_loop3A_595 {strides = array<i32>} : memref<1664xf32, #tpu.memory_space<vmem>>, vector<16xf32>,
        %parallel_loop3A_596 = arith.index_cast %parallel_loop3A_550 : i32 to index
        %parallel_loop3A_597 = arith.constant 48 : index
        %parallel_loop3A_598 = tpu.vector_load %arg12[%parallel_loop3A_596, %parallel_loop3A_597] {strides = array<i32>} : memref<26x128xf32, #tpu.memory_space<vmem>>, vector<1x16xf32>,
        %parallel_loop3A_599 = vector.shape_cast %parallel_loop3A_598 : vector<1x16xf32> to vector<16xf32>
        %parallel_loop3A_600 = arith.constant 1.57079637 : f32
        %parallel_loop3A_601 = vector.broadcast %parallel_loop3A_600 : f32 to vector<16xf32>
        %parallel_loop3A_602 = arith.mulf %parallel_loop3A_599, %parallel_loop3A_601 : vector<16xf32>
        %parallel_loop3A_603 = arith.constant 64 : i32
        %parallel_loop3A_604 = arith.muli %parallel_loop3A_550, %parallel_loop3A_603 : i32
        %parallel_loop3A_605 = arith.constant 48 : i32
        %parallel_loop3A_606 = arith.addi %parallel_loop3A_604, %parallel_loop3A_605 : i32
        %parallel_loop3A_607 = arith.index_cast %parallel_loop3A_606 : i32 to index
        %parallel_loop3A_608 = tpu.vector_load %arg20[%parallel_loop3A_607] {strides = array<i32>} : memref<1664xf32, #tpu.memory_space<vmem>>, vector<16xf32>,
        %parallel_loop3A_609 = vector.shape_cast %parallel_loop3A_608 : vector<16xf32> to vector<16xf32>
        %parallel_loop3A_610 = vector.shape_cast %parallel_loop3A_602 : vector<16xf32> to vector<16xf32>
        tpu.vector_store %arg20[%parallel_loop3A_607], %parallel_loop3A_610 {strides = array<i32>} : memref<1664xf32, #tpu.memory_space<vmem>>, vector<16xf32>,
      } {sc.loop_unroll_factor = 2 : i64, sc.parallel_access}
      %add3A_493 = arith.addi %mul3A_2, %add3A_483 : i32
      %dma_start3A_494 = arith.constant 0 : i32
      %dma_start3A_495 = tpu.memref_slice %arg4[%add3A_493, %dma_start3A_494] : memref<4096x1664xf32, #tpu.memory_space<hbm>> -> memref<1x1664xf32, #tpu.memory_space<hbm>>
      %dma_start3A_496 = tpu.memref_squeeze %dma_start3A_495 : memref<1x1664xf32, #tpu.memory_space<hbm>> -> memref<1664xf32, #tpu.memory_space<hbm>>
      %dma_start3A_497 = arith.constant 0 : i32
      %dma_start3A_498 = tpu.memref_slice %arg4[%add3A_493, %dma_start3A_497] : memref<4096x1664xf32, #tpu.memory_space<hbm>> -> memref<1x1664xf32, #tpu.memory_space<hbm>>
      %dma_start3A_499 = tpu.memref_squeeze %dma_start3A_498 : memref<1x1664xf32, #tpu.memory_space<hbm>> -> memref<1664xf32, #tpu.memory_space<hbm>>
      tpu.enqueue_dma source(%arg20 : memref<1664xf32, #tpu.memory_space<vmem>>) target(%dma_start3A_499 : memref<1664xf32, #tpu.memory_space<hbm>>) target_semaphore(%arg36 : memref<!tpu.dma_semaphore, #tpu.memory_space<semaphore_mem>>)
      %add3A_500 = arith.addi %mul3A_2, %add3A_483 : i32
      %dma_wait3A_501 = arith.constant 0 : i32
      %dma_wait3A_502 = tpu.memref_slice %arg4[%add3A_500, %dma_wait3A_501] : memref<4096x1664xf32, #tpu.memory_space<hbm>> -> memref<1x1664xf32, #tpu.memory_space<hbm>>
      %dma_wait3A_503 = tpu.memref_squeeze %dma_wait3A_502 : memref<1x1664xf32, #tpu.memory_space<hbm>> -> memref<1664xf32, #tpu.memory_space<hbm>>
      %dma_wait3A_504 = arith.constant 0 : i32
      %dma_wait3A_505 = tpu.memref_slice %arg4[%add3A_500, %dma_wait3A_504] : memref<4096x1664xf32, #tpu.memory_space<hbm>> -> memref<1x1664xf32, #tpu.memory_space<hbm>>
      %dma_wait3A_506 = tpu.memref_squeeze %dma_wait3A_505 : memref<1x1664xf32, #tpu.memory_space<hbm>> -> memref<1664xf32, #tpu.memory_space<hbm>>
      tpu.wait_dma2 semaphore(%arg36 : memref<!tpu.dma_semaphore, #tpu.memory_space<semaphore_mem>>) src(%arg20 : memref<1664xf32, #tpu.memory_space<vmem>>) dst(%dma_wait3A_506 : memref<1664xf32, #tpu.memory_space<hbm>>)
      %add3A_507 = arith.constant 8 : i32
      %add3A_508 = arith.addi %add3A_483, %add3A_507 : i32
      %dma_start3A_509 = arith.constant 0 : i32
      %dma_start3A_510 = tpu.memref_slice %arg5[%add3A_508, %dma_start3A_509] : memref<128x26xi32, #tpu.memory_space<vmem>> -> memref<1x26xi32, #tpu.memory_space<vmem>>
      %dma_start3A_511 = tpu.memref_squeeze %dma_start3A_510 : memref<1x26xi32, #tpu.memory_space<vmem>> -> memref<26xi32, #tpu.memory_space<vmem>>
      %dma_start3A_512 = arith.constant 0 : i32
      %dma_start3A_513 = arith.constant 0 : i32
      %dma_start3A_514 = tpu.memref_slice %arg3[%dma_start3A_512, %dma_start3A_513] : memref<100000x128xf32, #tpu.memory_space<hbm>> -> memref<100000x128xf32, #tpu.memory_space<hbm>>
      tpu.enqueue_indirect_dma source(%dma_start3A_514 : memref<100000x128xf32, #tpu.memory_space<hbm>>) target(%arg12 : memref<26x128xf32, #tpu.memory_space<vmem>>) offsets(%dma_start3A_511 : memref<26xi32, #tpu.memory_space<vmem>>) semaphore(%arg28 : memref<!tpu.dma_semaphore, #tpu.memory_space<semaphore_mem>>)
      %mul3A_515 = arith.constant 8 : i32
      %mul3A_516 = arith.muli %scan3A_269, %mul3A_515 : i32
      %add3A_517 = arith.constant 7 : i32
      %add3A_518 = arith.addi %mul3A_516, %add3A_517 : i32
      %dma_wait3A_519 = arith.constant 0 : i32
      %dma_wait3A_520 = tpu.memref_slice %arg5[%add3A_518, %dma_wait3A_519] : memref<128x26xi32, #tpu.memory_space<vmem>> -> memref<1x26xi32, #tpu.memory_space<vmem>>
      %dma_wait3A_521 = tpu.memref_squeeze %dma_wait3A_520 : memref<1x26xi32, #tpu.memory_space<vmem>> -> memref<26xi32, #tpu.memory_space<vmem>>
      %dma_wait3A_522 = arith.constant 0 : i32
      %dma_wait3A_523 = arith.constant 0 : i32
      %dma_wait3A_524 = tpu.memref_slice %arg3[%dma_wait3A_522, %dma_wait3A_523] : memref<100000x128xf32, #tpu.memory_space<hbm>> -> memref<100000x128xf32, #tpu.memory_space<hbm>>
      tpu.wait_indirect_dma semaphore(%arg29 : memref<!tpu.dma_semaphore, #tpu.memory_space<semaphore_mem>>) src(%dma_wait3A_524 : memref<100000x128xf32, #tpu.memory_space<hbm>>) dst(%arg13 : memref<26x128xf32, #tpu.memory_space<vmem>>)
      %parallel_loop3A_525 = arith.constant 0 : i32
      %parallel_loop3A_526 = arith.constant 26 : i32
      %parallel_loop3A_527 = arith.constant 1 : i32
      scf.for %parallel_loop3A_550 = %parallel_loop3A_525 to %parallel_loop3A_526 step %parallel_loop3A_527  : i32 {
        %parallel_loop3A_551 = arith.index_cast %parallel_loop3A_550 : i32 to index
        %parallel_loop3A_552 = arith.constant 0 : index
        %parallel_loop3A_553 = tpu.vector_load %arg13[%parallel_loop3A_551, %parallel_loop3A_552] {strides = array<i32>} : memref<26x128xf32, #tpu.memory_space<vmem>>, vector<1x16xf32>,
        %parallel_loop3A_554 = vector.shape_cast %parallel_loop3A_553 : vector<1x16xf32> to vector<16xf32>
        %parallel_loop3A_555 = arith.constant 1.57079637 : f32
        %parallel_loop3A_556 = vector.broadcast %parallel_loop3A_555 : f32 to vector<16xf32>
        %parallel_loop3A_557 = arith.mulf %parallel_loop3A_554, %parallel_loop3A_556 : vector<16xf32>
        %parallel_loop3A_558 = arith.constant 64 : i32
        %parallel_loop3A_559 = arith.muli %parallel_loop3A_550, %parallel_loop3A_558 : i32
        %parallel_loop3A_560 = arith.constant 0 : i32
        %parallel_loop3A_561 = arith.addi %parallel_loop3A_559, %parallel_loop3A_560 : i32
        %parallel_loop3A_562 = arith.index_cast %parallel_loop3A_561 : i32 to index
        %parallel_loop3A_563 = tpu.vector_load %arg21[%parallel_loop3A_562] {strides = array<i32>} : memref<1664xf32, #tpu.memory_space<vmem>>, vector<16xf32>,
        %parallel_loop3A_564 = vector.shape_cast %parallel_loop3A_563 : vector<16xf32> to vector<16xf32>
        %parallel_loop3A_565 = vector.shape_cast %parallel_loop3A_557 : vector<16xf32> to vector<16xf32>
        tpu.vector_store %arg21[%parallel_loop3A_562], %parallel_loop3A_565 {strides = array<i32>} : memref<1664xf32, #tpu.memory_space<vmem>>, vector<16xf32>,
        %parallel_loop3A_566 = arith.index_cast %parallel_loop3A_550 : i32 to index
        %parallel_loop3A_567 = arith.constant 16 : index
        %parallel_loop3A_568 = tpu.vector_load %arg13[%parallel_loop3A_566, %parallel_loop3A_567] {strides = array<i32>} : memref<26x128xf32, #tpu.memory_space<vmem>>, vector<1x16xf32>,
        %parallel_loop3A_569 = vector.shape_cast %parallel_loop3A_568 : vector<1x16xf32> to vector<16xf32>
        %parallel_loop3A_570 = arith.constant 1.57079637 : f32
        %parallel_loop3A_571 = vector.broadcast %parallel_loop3A_570 : f32 to vector<16xf32>
        %parallel_loop3A_572 = arith.mulf %parallel_loop3A_569, %parallel_loop3A_571 : vector<16xf32>
        %parallel_loop3A_573 = arith.constant 64 : i32
        %parallel_loop3A_574 = arith.muli %parallel_loop3A_550, %parallel_loop3A_573 : i32
        %parallel_loop3A_575 = arith.constant 16 : i32
        %parallel_loop3A_576 = arith.addi %parallel_loop3A_574, %parallel_loop3A_575 : i32
        %parallel_loop3A_577 = arith.index_cast %parallel_loop3A_576 : i32 to index
        %parallel_loop3A_578 = tpu.vector_load %arg21[%parallel_loop3A_577] {strides = array<i32>} : memref<1664xf32, #tpu.memory_space<vmem>>, vector<16xf32>,
        %parallel_loop3A_579 = vector.shape_cast %parallel_loop3A_578 : vector<16xf32> to vector<16xf32>
        %parallel_loop3A_580 = vector.shape_cast %parallel_loop3A_572 : vector<16xf32> to vector<16xf32>
        tpu.vector_store %arg21[%parallel_loop3A_577], %parallel_loop3A_580 {strides = array<i32>} : memref<1664xf32, #tpu.memory_space<vmem>>, vector<16xf32>,
        %parallel_loop3A_581 = arith.index_cast %parallel_loop3A_550 : i32 to index
        %parallel_loop3A_582 = arith.constant 32 : index
        %parallel_loop3A_583 = tpu.vector_load %arg13[%parallel_loop3A_581, %parallel_loop3A_582] {strides = array<i32>} : memref<26x128xf32, #tpu.memory_space<vmem>>, vector<1x16xf32>,
        %parallel_loop3A_584 = vector.shape_cast %parallel_loop3A_583 : vector<1x16xf32> to vector<16xf32>
        %parallel_loop3A_585 = arith.constant 1.57079637 : f32
        %parallel_loop3A_586 = vector.broadcast %parallel_loop3A_585 : f32 to vector<16xf32>
        %parallel_loop3A_587 = arith.mulf %parallel_loop3A_584, %parallel_loop3A_586 : vector<16xf32>
        %parallel_loop3A_588 = arith.constant 64 : i32
        %parallel_loop3A_589 = arith.muli %parallel_loop3A_550, %parallel_loop3A_588 : i32
        %parallel_loop3A_590 = arith.constant 32 : i32
        %parallel_loop3A_591 = arith.addi %parallel_loop3A_589, %parallel_loop3A_590 : i32
        %parallel_loop3A_592 = arith.index_cast %parallel_loop3A_591 : i32 to index
        %parallel_loop3A_593 = tpu.vector_load %arg21[%parallel_loop3A_592] {strides = array<i32>} : memref<1664xf32, #tpu.memory_space<vmem>>, vector<16xf32>,
        %parallel_loop3A_594 = vector.shape_cast %parallel_loop3A_593 : vector<16xf32> to vector<16xf32>
        %parallel_loop3A_595 = vector.shape_cast %parallel_loop3A_587 : vector<16xf32> to vector<16xf32>
        tpu.vector_store %arg21[%parallel_loop3A_592], %parallel_loop3A_595 {strides = array<i32>} : memref<1664xf32, #tpu.memory_space<vmem>>, vector<16xf32>,
        %parallel_loop3A_596 = arith.index_cast %parallel_loop3A_550 : i32 to index
        %parallel_loop3A_597 = arith.constant 48 : index
        %parallel_loop3A_598 = tpu.vector_load %arg13[%parallel_loop3A_596, %parallel_loop3A_597] {strides = array<i32>} : memref<26x128xf32, #tpu.memory_space<vmem>>, vector<1x16xf32>,
        %parallel_loop3A_599 = vector.shape_cast %parallel_loop3A_598 : vector<1x16xf32> to vector<16xf32>
        %parallel_loop3A_600 = arith.constant 1.57079637 : f32
        %parallel_loop3A_601 = vector.broadcast %parallel_loop3A_600 : f32 to vector<16xf32>
        %parallel_loop3A_602 = arith.mulf %parallel_loop3A_599, %parallel_loop3A_601 : vector<16xf32>
        %parallel_loop3A_603 = arith.constant 64 : i32
        %parallel_loop3A_604 = arith.muli %parallel_loop3A_550, %parallel_loop3A_603 : i32
        %parallel_loop3A_605 = arith.constant 48 : i32
        %parallel_loop3A_606 = arith.addi %parallel_loop3A_604, %parallel_loop3A_605 : i32
        %parallel_loop3A_607 = arith.index_cast %parallel_loop3A_606 : i32 to index
        %parallel_loop3A_608 = tpu.vector_load %arg21[%parallel_loop3A_607] {strides = array<i32>} : memref<1664xf32, #tpu.memory_space<vmem>>, vector<16xf32>,
        %parallel_loop3A_609 = vector.shape_cast %parallel_loop3A_608 : vector<16xf32> to vector<16xf32>
        %parallel_loop3A_610 = vector.shape_cast %parallel_loop3A_602 : vector<16xf32> to vector<16xf32>
        tpu.vector_store %arg21[%parallel_loop3A_607], %parallel_loop3A_610 {strides = array<i32>} : memref<1664xf32, #tpu.memory_space<vmem>>, vector<16xf32>,
      } {sc.loop_unroll_factor = 2 : i64, sc.parallel_access}
      %add3A_528 = arith.addi %mul3A_2, %add3A_518 : i32
      %dma_start3A_529 = arith.constant 0 : i32
      %dma_start3A_530 = tpu.memref_slice %arg4[%add3A_528, %dma_start3A_529] : memref<4096x1664xf32, #tpu.memory_space<hbm>> -> memref<1x1664xf32, #tpu.memory_space<hbm>>
      %dma_start3A_531 = tpu.memref_squeeze %dma_start3A_530 : memref<1x1664xf32, #tpu.memory_space<hbm>> -> memref<1664xf32, #tpu.memory_space<hbm>>
      %dma_start3A_532 = arith.constant 0 : i32
      %dma_start3A_533 = tpu.memref_slice %arg4[%add3A_528, %dma_start3A_532] : memref<4096x1664xf32, #tpu.memory_space<hbm>> -> memref<1x1664xf32, #tpu.memory_space<hbm>>
      %dma_start3A_534 = tpu.memref_squeeze %dma_start3A_533 : memref<1x1664xf32, #tpu.memory_space<hbm>> -> memref<1664xf32, #tpu.memory_space<hbm>>
      tpu.enqueue_dma source(%arg21 : memref<1664xf32, #tpu.memory_space<vmem>>) target(%dma_start3A_534 : memref<1664xf32, #tpu.memory_space<hbm>>) target_semaphore(%arg37 : memref<!tpu.dma_semaphore, #tpu.memory_space<semaphore_mem>>)
      %add3A_535 = arith.addi %mul3A_2, %add3A_518 : i32
      %dma_wait3A_536 = arith.constant 0 : i32
      %dma_wait3A_537 = tpu.memref_slice %arg4[%add3A_535, %dma_wait3A_536] : memref<4096x1664xf32, #tpu.memory_space<hbm>> -> memref<1x1664xf32, #tpu.memory_space<hbm>>
      %dma_wait3A_538 = tpu.memref_squeeze %dma_wait3A_537 : memref<1x1664xf32, #tpu.memory_space<hbm>> -> memref<1664xf32, #tpu.memory_space<hbm>>
      %dma_wait3A_539 = arith.constant 0 : i32
      %dma_wait3A_540 = tpu.memref_slice %arg4[%add3A_535, %dma_wait3A_539] : memref<4096x1664xf32, #tpu.memory_space<hbm>> -> memref<1x1664xf32, #tpu.memory_space<hbm>>
      %dma_wait3A_541 = tpu.memref_squeeze %dma_wait3A_540 : memref<1x1664xf32, #tpu.memory_space<hbm>> -> memref<1664xf32, #tpu.memory_space<hbm>>
      tpu.wait_dma2 semaphore(%arg37 : memref<!tpu.dma_semaphore, #tpu.memory_space<semaphore_mem>>) src(%arg21 : memref<1664xf32, #tpu.memory_space<vmem>>) dst(%dma_wait3A_541 : memref<1664xf32, #tpu.memory_space<hbm>>)
      %add3A_542 = arith.constant 8 : i32
      %add3A_543 = arith.addi %add3A_518, %add3A_542 : i32
      %dma_start3A_544 = arith.constant 0 : i32
      %dma_start3A_545 = tpu.memref_slice %arg5[%add3A_543, %dma_start3A_544] : memref<128x26xi32, #tpu.memory_space<vmem>> -> memref<1x26xi32, #tpu.memory_space<vmem>>
      %dma_start3A_546 = tpu.memref_squeeze %dma_start3A_545 : memref<1x26xi32, #tpu.memory_space<vmem>> -> memref<26xi32, #tpu.memory_space<vmem>>
      %dma_start3A_547 = arith.constant 0 : i32
      %dma_start3A_548 = arith.constant 0 : i32
      %dma_start3A_549 = tpu.memref_slice %arg3[%dma_start3A_547, %dma_start3A_548] : memref<100000x128xf32, #tpu.memory_space<hbm>> -> memref<100000x128xf32, #tpu.memory_space<hbm>>
      tpu.enqueue_indirect_dma source(%dma_start3A_549 : memref<100000x128xf32, #tpu.memory_space<hbm>>) target(%arg13 : memref<26x128xf32, #tpu.memory_space<vmem>>) offsets(%dma_start3A_546 : memref<26xi32, #tpu.memory_space<vmem>>) semaphore(%arg29 : memref<!tpu.dma_semaphore, #tpu.memory_space<semaphore_mem>>)
    }
    %scan3A_62 = arith.constant 15 : i32
    %dma_wait3A = arith.constant 120 : i32
    %dma_wait3A_63 = arith.constant 0 : i32
    %dma_wait3A_64 = tpu.memref_slice %arg5[%dma_wait3A, %dma_wait3A_63] : memref<128x26xi32, #tpu.memory_space<vmem>> -> memref<1x26xi32, #tpu.memory_space<vmem>>
    %dma_wait3A_65 = tpu.memref_squeeze %dma_wait3A_64 : memref<1x26xi32, #tpu.memory_space<vmem>> -> memref<26xi32, #tpu.memory_space<vmem>>
    %dma_wait3A_66 = arith.constant 0 : i32
    %dma_wait3A_67 = arith.constant 0 : i32
    %dma_wait3A_68 = tpu.memref_slice %arg3[%dma_wait3A_66, %dma_wait3A_67] : memref<100000x128xf32, #tpu.memory_space<hbm>> -> memref<100000x128xf32, #tpu.memory_space<hbm>>
    tpu.wait_indirect_dma semaphore(%arg22 : memref<!tpu.dma_semaphore, #tpu.memory_space<semaphore_mem>>) src(%dma_wait3A_68 : memref<100000x128xf32, #tpu.memory_space<hbm>>) dst(%arg6 : memref<26x128xf32, #tpu.memory_space<vmem>>)
    %parallel_loop3A = arith.constant 0 : i32
    %parallel_loop3A_69 = arith.constant 26 : i32
    %parallel_loop3A_70 = arith.constant 1 : i32
    scf.for %parallel_loop3A_269 = %parallel_loop3A to %parallel_loop3A_69 step %parallel_loop3A_70  : i32 {
      %parallel_loop3A_270 = arith.index_cast %parallel_loop3A_269 : i32 to index
      %parallel_loop3A_271 = arith.constant 0 : index
      %parallel_loop3A_272 = tpu.vector_load %arg6[%parallel_loop3A_270, %parallel_loop3A_271] {strides = array<i32>} : memref<26x128xf32, #tpu.memory_space<vmem>>, vector<1x16xf32>,
      %parallel_loop3A_273 = vector.shape_cast %parallel_loop3A_272 : vector<1x16xf32> to vector<16xf32>
      %parallel_loop3A_274 = arith.constant 1.57079637 : f32
      %parallel_loop3A_275 = vector.broadcast %parallel_loop3A_274 : f32 to vector<16xf32>
      %parallel_loop3A_276 = arith.mulf %parallel_loop3A_273, %parallel_loop3A_275 : vector<16xf32>
      %parallel_loop3A_277 = arith.constant 64 : i32
      %parallel_loop3A_278 = arith.muli %parallel_loop3A_269, %parallel_loop3A_277 : i32
      %parallel_loop3A_279 = arith.constant 0 : i32
      %parallel_loop3A_280 = arith.addi %parallel_loop3A_278, %parallel_loop3A_279 : i32
      %parallel_loop3A_281 = arith.index_cast %parallel_loop3A_280 : i32 to index
      %parallel_loop3A_282 = tpu.vector_load %arg14[%parallel_loop3A_281] {strides = array<i32>} : memref<1664xf32, #tpu.memory_space<vmem>>, vector<16xf32>,
      %parallel_loop3A_283 = vector.shape_cast %parallel_loop3A_282 : vector<16xf32> to vector<16xf32>
      %parallel_loop3A_284 = vector.shape_cast %parallel_loop3A_276 : vector<16xf32> to vector<16xf32>
      tpu.vector_store %arg14[%parallel_loop3A_281], %parallel_loop3A_284 {strides = array<i32>} : memref<1664xf32, #tpu.memory_space<vmem>>, vector<16xf32>,
      %parallel_loop3A_285 = arith.index_cast %parallel_loop3A_269 : i32 to index
      %parallel_loop3A_286 = arith.constant 16 : index
      %parallel_loop3A_287 = tpu.vector_load %arg6[%parallel_loop3A_285, %parallel_loop3A_286] {strides = array<i32>} : memref<26x128xf32, #tpu.memory_space<vmem>>, vector<1x16xf32>,
      %parallel_loop3A_288 = vector.shape_cast %parallel_loop3A_287 : vector<1x16xf32> to vector<16xf32>
      %parallel_loop3A_289 = arith.constant 1.57079637 : f32
      %parallel_loop3A_290 = vector.broadcast %parallel_loop3A_289 : f32 to vector<16xf32>
      %parallel_loop3A_291 = arith.mulf %parallel_loop3A_288, %parallel_loop3A_290 : vector<16xf32>
      %parallel_loop3A_292 = arith.constant 64 : i32
      %parallel_loop3A_293 = arith.muli %parallel_loop3A_269, %parallel_loop3A_292 : i32
      %parallel_loop3A_294 = arith.constant 16 : i32
      %parallel_loop3A_295 = arith.addi %parallel_loop3A_293, %parallel_loop3A_294 : i32
      %parallel_loop3A_296 = arith.index_cast %parallel_loop3A_295 : i32 to index
      %parallel_loop3A_297 = tpu.vector_load %arg14[%parallel_loop3A_296] {strides = array<i32>} : memref<1664xf32, #tpu.memory_space<vmem>>, vector<16xf32>,
      %parallel_loop3A_298 = vector.shape_cast %parallel_loop3A_297 : vector<16xf32> to vector<16xf32>
      %parallel_loop3A_299 = vector.shape_cast %parallel_loop3A_291 : vector<16xf32> to vector<16xf32>
      tpu.vector_store %arg14[%parallel_loop3A_296], %parallel_loop3A_299 {strides = array<i32>} : memref<1664xf32, #tpu.memory_space<vmem>>, vector<16xf32>,
      %parallel_loop3A_300 = arith.index_cast %parallel_loop3A_269 : i32 to index
      %parallel_loop3A_301 = arith.constant 32 : index
      %parallel_loop3A_302 = tpu.vector_load %arg6[%parallel_loop3A_300, %parallel_loop3A_301] {strides = array<i32>} : memref<26x128xf32, #tpu.memory_space<vmem>>, vector<1x16xf32>,
      %parallel_loop3A_303 = vector.shape_cast %parallel_loop3A_302 : vector<1x16xf32> to vector<16xf32>
      %parallel_loop3A_304 = arith.constant 1.57079637 : f32
      %parallel_loop3A_305 = vector.broadcast %parallel_loop3A_304 : f32 to vector<16xf32>
      %parallel_loop3A_306 = arith.mulf %parallel_loop3A_303, %parallel_loop3A_305 : vector<16xf32>
      %parallel_loop3A_307 = arith.constant 64 : i32
      %parallel_loop3A_308 = arith.muli %parallel_loop3A_269, %parallel_loop3A_307 : i32
      %parallel_loop3A_309 = arith.constant 32 : i32
      %parallel_loop3A_310 = arith.addi %parallel_loop3A_308, %parallel_loop3A_309 : i32
      %parallel_loop3A_311 = arith.index_cast %parallel_loop3A_310 : i32 to index
      %parallel_loop3A_312 = tpu.vector_load %arg14[%parallel_loop3A_311] {strides = array<i32>} : memref<1664xf32, #tpu.memory_space<vmem>>, vector<16xf32>,
      %parallel_loop3A_313 = vector.shape_cast %parallel_loop3A_312 : vector<16xf32> to vector<16xf32>
      %parallel_loop3A_314 = vector.shape_cast %parallel_loop3A_306 : vector<16xf32> to vector<16xf32>
      tpu.vector_store %arg14[%parallel_loop3A_311], %parallel_loop3A_314 {strides = array<i32>} : memref<1664xf32, #tpu.memory_space<vmem>>, vector<16xf32>,
      %parallel_loop3A_315 = arith.index_cast %parallel_loop3A_269 : i32 to index
      %parallel_loop3A_316 = arith.constant 48 : index
      %parallel_loop3A_317 = tpu.vector_load %arg6[%parallel_loop3A_315, %parallel_loop3A_316] {strides = array<i32>} : memref<26x128xf32, #tpu.memory_space<vmem>>, vector<1x16xf32>,
      %parallel_loop3A_318 = vector.shape_cast %parallel_loop3A_317 : vector<1x16xf32> to vector<16xf32>
      %parallel_loop3A_319 = arith.constant 1.57079637 : f32
      %parallel_loop3A_320 = vector.broadcast %parallel_loop3A_319 : f32 to vector<16xf32>
      %parallel_loop3A_321 = arith.mulf %parallel_loop3A_318, %parallel_loop3A_320 : vector<16xf32>
      %parallel_loop3A_322 = arith.constant 64 : i32
      %parallel_loop3A_323 = arith.muli %parallel_loop3A_269, %parallel_loop3A_322 : i32
      %parallel_loop3A_324 = arith.constant 48 : i32
      %parallel_loop3A_325 = arith.addi %parallel_loop3A_323, %parallel_loop3A_324 : i32
      %parallel_loop3A_326 = arith.index_cast %parallel_loop3A_325 : i32 to index
      %parallel_loop3A_327 = tpu.vector_load %arg14[%parallel_loop3A_326] {strides = array<i32>} : memref<1664xf32, #tpu.memory_space<vmem>>, vector<16xf32>,
      %parallel_loop3A_328 = vector.shape_cast %parallel_loop3A_327 : vector<16xf32> to vector<16xf32>
      %parallel_loop3A_329 = vector.shape_cast %parallel_loop3A_321 : vector<16xf32> to vector<16xf32>
      tpu.vector_store %arg14[%parallel_loop3A_326], %parallel_loop3A_329 {strides = array<i32>} : memref<1664xf32, #tpu.memory_space<vmem>>, vector<16xf32>,
    } {sc.loop_unroll_factor = 2 : i64, sc.parallel_access}
    %add3A_71 = arith.constant 120 : i32
    %add3A_72 = arith.addi %mul3A_2, %add3A_71 : i32
    %dma_start3A_73 = arith.constant 0 : i32
    %dma_start3A_74 = tpu.memref_slice %arg4[%add3A_72, %dma_start3A_73] : memref<4096x1664xf32, #tpu.memory_space<hbm>> -> memref<1x1664xf32, #tpu.memory_space<hbm>>
    %dma_start3A_75 = tpu.memref_squeeze %dma_start3A_74 : memref<1x1664xf32, #tpu.memory_space<hbm>> -> memref<1664xf32, #tpu.memory_space<hbm>>
    %dma_start3A_76 = arith.constant 0 : i32
    %dma_start3A_77 = tpu.memref_slice %arg4[%add3A_72, %dma_start3A_76] : memref<4096x1664xf32, #tpu.memory_space<hbm>> -> memref<1x1664xf32, #tpu.memory_space<hbm>>
    %dma_start3A_78 = tpu.memref_squeeze %dma_start3A_77 : memref<1x1664xf32, #tpu.memory_space<hbm>> -> memref<1664xf32, #tpu.memory_space<hbm>>
    tpu.enqueue_dma source(%arg14 : memref<1664xf32, #tpu.memory_space<vmem>>) target(%dma_start3A_78 : memref<1664xf32, #tpu.memory_space<hbm>>) target_semaphore(%arg30 : memref<!tpu.dma_semaphore, #tpu.memory_space<semaphore_mem>>)
    %dma_wait3A_79 = arith.constant 121 : i32
    %dma_wait3A_80 = arith.constant 0 : i32
    %dma_wait3A_81 = tpu.memref_slice %arg5[%dma_wait3A_79, %dma_wait3A_80] : memref<128x26xi32, #tpu.memory_space<vmem>> -> memref<1x26xi32, #tpu.memory_space<vmem>>
    %dma_wait3A_82 = tpu.memref_squeeze %dma_wait3A_81 : memref<1x26xi32, #tpu.memory_space<vmem>> -> memref<26xi32, #tpu.memory_space<vmem>>
    %dma_wait3A_83 = arith.constant 0 : i32
    %dma_wait3A_84 = arith.constant 0 : i32
    %dma_wait3A_85 = tpu.memref_slice %arg3[%dma_wait3A_83, %dma_wait3A_84] : memref<100000x128xf32, #tpu.memory_space<hbm>> -> memref<100000x128xf32, #tpu.memory_space<hbm>>
    tpu.wait_indirect_dma semaphore(%arg23 : memref<!tpu.dma_semaphore, #tpu.memory_space<semaphore_mem>>) src(%dma_wait3A_85 : memref<100000x128xf32, #tpu.memory_space<hbm>>) dst(%arg7 : memref<26x128xf32, #tpu.memory_space<vmem>>)
    %parallel_loop3A_86 = arith.constant 0 : i32
    %parallel_loop3A_87 = arith.constant 26 : i32
    %parallel_loop3A_88 = arith.constant 1 : i32
    scf.for %parallel_loop3A_269 = %parallel_loop3A_86 to %parallel_loop3A_87 step %parallel_loop3A_88  : i32 {
      %parallel_loop3A_270 = arith.index_cast %parallel_loop3A_269 : i32 to index
      %parallel_loop3A_271 = arith.constant 0 : index
      %parallel_loop3A_272 = tpu.vector_load %arg7[%parallel_loop3A_270, %parallel_loop3A_271] {strides = array<i32>} : memref<26x128xf32, #tpu.memory_space<vmem>>, vector<1x16xf32>,
      %parallel_loop3A_273 = vector.shape_cast %parallel_loop3A_272 : vector<1x16xf32> to vector<16xf32>
      %parallel_loop3A_274 = arith.constant 1.57079637 : f32
      %parallel_loop3A_275 = vector.broadcast %parallel_loop3A_274 : f32 to vector<16xf32>
      %parallel_loop3A_276 = arith.mulf %parallel_loop3A_273, %parallel_loop3A_275 : vector<16xf32>
      %parallel_loop3A_277 = arith.constant 64 : i32
      %parallel_loop3A_278 = arith.muli %parallel_loop3A_269, %parallel_loop3A_277 : i32
      %parallel_loop3A_279 = arith.constant 0 : i32
      %parallel_loop3A_280 = arith.addi %parallel_loop3A_278, %parallel_loop3A_279 : i32
      %parallel_loop3A_281 = arith.index_cast %parallel_loop3A_280 : i32 to index
      %parallel_loop3A_282 = tpu.vector_load %arg15[%parallel_loop3A_281] {strides = array<i32>} : memref<1664xf32, #tpu.memory_space<vmem>>, vector<16xf32>,
      %parallel_loop3A_283 = vector.shape_cast %parallel_loop3A_282 : vector<16xf32> to vector<16xf32>
      %parallel_loop3A_284 = vector.shape_cast %parallel_loop3A_276 : vector<16xf32> to vector<16xf32>
      tpu.vector_store %arg15[%parallel_loop3A_281], %parallel_loop3A_284 {strides = array<i32>} : memref<1664xf32, #tpu.memory_space<vmem>>, vector<16xf32>,
      %parallel_loop3A_285 = arith.index_cast %parallel_loop3A_269 : i32 to index
      %parallel_loop3A_286 = arith.constant 16 : index
      %parallel_loop3A_287 = tpu.vector_load %arg7[%parallel_loop3A_285, %parallel_loop3A_286] {strides = array<i32>} : memref<26x128xf32, #tpu.memory_space<vmem>>, vector<1x16xf32>,
      %parallel_loop3A_288 = vector.shape_cast %parallel_loop3A_287 : vector<1x16xf32> to vector<16xf32>
      %parallel_loop3A_289 = arith.constant 1.57079637 : f32
      %parallel_loop3A_290 = vector.broadcast %parallel_loop3A_289 : f32 to vector<16xf32>
      %parallel_loop3A_291 = arith.mulf %parallel_loop3A_288, %parallel_loop3A_290 : vector<16xf32>
      %parallel_loop3A_292 = arith.constant 64 : i32
      %parallel_loop3A_293 = arith.muli %parallel_loop3A_269, %parallel_loop3A_292 : i32
      %parallel_loop3A_294 = arith.constant 16 : i32
      %parallel_loop3A_295 = arith.addi %parallel_loop3A_293, %parallel_loop3A_294 : i32
      %parallel_loop3A_296 = arith.index_cast %parallel_loop3A_295 : i32 to index
      %parallel_loop3A_297 = tpu.vector_load %arg15[%parallel_loop3A_296] {strides = array<i32>} : memref<1664xf32, #tpu.memory_space<vmem>>, vector<16xf32>,
      %parallel_loop3A_298 = vector.shape_cast %parallel_loop3A_297 : vector<16xf32> to vector<16xf32>
      %parallel_loop3A_299 = vector.shape_cast %parallel_loop3A_291 : vector<16xf32> to vector<16xf32>
      tpu.vector_store %arg15[%parallel_loop3A_296], %parallel_loop3A_299 {strides = array<i32>} : memref<1664xf32, #tpu.memory_space<vmem>>, vector<16xf32>,
      %parallel_loop3A_300 = arith.index_cast %parallel_loop3A_269 : i32 to index
      %parallel_loop3A_301 = arith.constant 32 : index
      %parallel_loop3A_302 = tpu.vector_load %arg7[%parallel_loop3A_300, %parallel_loop3A_301] {strides = array<i32>} : memref<26x128xf32, #tpu.memory_space<vmem>>, vector<1x16xf32>,
      %parallel_loop3A_303 = vector.shape_cast %parallel_loop3A_302 : vector<1x16xf32> to vector<16xf32>
      %parallel_loop3A_304 = arith.constant 1.57079637 : f32
      %parallel_loop3A_305 = vector.broadcast %parallel_loop3A_304 : f32 to vector<16xf32>
      %parallel_loop3A_306 = arith.mulf %parallel_loop3A_303, %parallel_loop3A_305 : vector<16xf32>
      %parallel_loop3A_307 = arith.constant 64 : i32
      %parallel_loop3A_308 = arith.muli %parallel_loop3A_269, %parallel_loop3A_307 : i32
      %parallel_loop3A_309 = arith.constant 32 : i32
      %parallel_loop3A_310 = arith.addi %parallel_loop3A_308, %parallel_loop3A_309 : i32
      %parallel_loop3A_311 = arith.index_cast %parallel_loop3A_310 : i32 to index
      %parallel_loop3A_312 = tpu.vector_load %arg15[%parallel_loop3A_311] {strides = array<i32>} : memref<1664xf32, #tpu.memory_space<vmem>>, vector<16xf32>,
      %parallel_loop3A_313 = vector.shape_cast %parallel_loop3A_312 : vector<16xf32> to vector<16xf32>
      %parallel_loop3A_314 = vector.shape_cast %parallel_loop3A_306 : vector<16xf32> to vector<16xf32>
      tpu.vector_store %arg15[%parallel_loop3A_311], %parallel_loop3A_314 {strides = array<i32>} : memref<1664xf32, #tpu.memory_space<vmem>>, vector<16xf32>,
      %parallel_loop3A_315 = arith.index_cast %parallel_loop3A_269 : i32 to index
      %parallel_loop3A_316 = arith.constant 48 : index
      %parallel_loop3A_317 = tpu.vector_load %arg7[%parallel_loop3A_315, %parallel_loop3A_316] {strides = array<i32>} : memref<26x128xf32, #tpu.memory_space<vmem>>, vector<1x16xf32>,
      %parallel_loop3A_318 = vector.shape_cast %parallel_loop3A_317 : vector<1x16xf32> to vector<16xf32>
      %parallel_loop3A_319 = arith.constant 1.57079637 : f32
      %parallel_loop3A_320 = vector.broadcast %parallel_loop3A_319 : f32 to vector<16xf32>
      %parallel_loop3A_321 = arith.mulf %parallel_loop3A_318, %parallel_loop3A_320 : vector<16xf32>
      %parallel_loop3A_322 = arith.constant 64 : i32
      %parallel_loop3A_323 = arith.muli %parallel_loop3A_269, %parallel_loop3A_322 : i32
      %parallel_loop3A_324 = arith.constant 48 : i32
      %parallel_loop3A_325 = arith.addi %parallel_loop3A_323, %parallel_loop3A_324 : i32
      %parallel_loop3A_326 = arith.index_cast %parallel_loop3A_325 : i32 to index
      %parallel_loop3A_327 = tpu.vector_load %arg15[%parallel_loop3A_326] {strides = array<i32>} : memref<1664xf32, #tpu.memory_space<vmem>>, vector<16xf32>,
      %parallel_loop3A_328 = vector.shape_cast %parallel_loop3A_327 : vector<16xf32> to vector<16xf32>
      %parallel_loop3A_329 = vector.shape_cast %parallel_loop3A_321 : vector<16xf32> to vector<16xf32>
      tpu.vector_store %arg15[%parallel_loop3A_326], %parallel_loop3A_329 {strides = array<i32>} : memref<1664xf32, #tpu.memory_space<vmem>>, vector<16xf32>,
    } {sc.loop_unroll_factor = 2 : i64, sc.parallel_access}
    %add3A_89 = arith.constant 121 : i32
    %add3A_90 = arith.addi %mul3A_2, %add3A_89 : i32
    %dma_start3A_91 = arith.constant 0 : i32
    %dma_start3A_92 = tpu.memref_slice %arg4[%add3A_90, %dma_start3A_91] : memref<4096x1664xf32, #tpu.memory_space<hbm>> -> memref<1x1664xf32, #tpu.memory_space<hbm>>
    %dma_start3A_93 = tpu.memref_squeeze %dma_start3A_92 : memref<1x1664xf32, #tpu.memory_space<hbm>> -> memref<1664xf32, #tpu.memory_space<hbm>>
    %dma_start3A_94 = arith.constant 0 : i32
    %dma_start3A_95 = tpu.memref_slice %arg4[%add3A_90, %dma_start3A_94] : memref<4096x1664xf32, #tpu.memory_space<hbm>> -> memref<1x1664xf32, #tpu.memory_space<hbm>>
    %dma_start3A_96 = tpu.memref_squeeze %dma_start3A_95 : memref<1x1664xf32, #tpu.memory_space<hbm>> -> memref<1664xf32, #tpu.memory_space<hbm>>
    tpu.enqueue_dma source(%arg15 : memref<1664xf32, #tpu.memory_space<vmem>>) target(%dma_start3A_96 : memref<1664xf32, #tpu.memory_space<hbm>>) target_semaphore(%arg31 : memref<!tpu.dma_semaphore, #tpu.memory_space<semaphore_mem>>)
    %dma_wait3A_97 = arith.constant 122 : i32
    %dma_wait3A_98 = arith.constant 0 : i32
    %dma_wait3A_99 = tpu.memref_slice %arg5[%dma_wait3A_97, %dma_wait3A_98] : memref<128x26xi32, #tpu.memory_space<vmem>> -> memref<1x26xi32, #tpu.memory_space<vmem>>
    %dma_wait3A_100 = tpu.memref_squeeze %dma_wait3A_99 : memref<1x26xi32, #tpu.memory_space<vmem>> -> memref<26xi32, #tpu.memory_space<vmem>>
    %dma_wait3A_101 = arith.constant 0 : i32
    %dma_wait3A_102 = arith.constant 0 : i32
    %dma_wait3A_103 = tpu.memref_slice %arg3[%dma_wait3A_101, %dma_wait3A_102] : memref<100000x128xf32, #tpu.memory_space<hbm>> -> memref<100000x128xf32, #tpu.memory_space<hbm>>
    tpu.wait_indirect_dma semaphore(%arg24 : memref<!tpu.dma_semaphore, #tpu.memory_space<semaphore_mem>>) src(%dma_wait3A_103 : memref<100000x128xf32, #tpu.memory_space<hbm>>) dst(%arg8 : memref<26x128xf32, #tpu.memory_space<vmem>>)
    %parallel_loop3A_104 = arith.constant 0 : i32
    %parallel_loop3A_105 = arith.constant 26 : i32
    %parallel_loop3A_106 = arith.constant 1 : i32
    scf.for %parallel_loop3A_269 = %parallel_loop3A_104 to %parallel_loop3A_105 step %parallel_loop3A_106  : i32 {
      %parallel_loop3A_270 = arith.index_cast %parallel_loop3A_269 : i32 to index
      %parallel_loop3A_271 = arith.constant 0 : index
      %parallel_loop3A_272 = tpu.vector_load %arg8[%parallel_loop3A_270, %parallel_loop3A_271] {strides = array<i32>} : memref<26x128xf32, #tpu.memory_space<vmem>>, vector<1x16xf32>,
      %parallel_loop3A_273 = vector.shape_cast %parallel_loop3A_272 : vector<1x16xf32> to vector<16xf32>
      %parallel_loop3A_274 = arith.constant 1.57079637 : f32
      %parallel_loop3A_275 = vector.broadcast %parallel_loop3A_274 : f32 to vector<16xf32>
      %parallel_loop3A_276 = arith.mulf %parallel_loop3A_273, %parallel_loop3A_275 : vector<16xf32>
      %parallel_loop3A_277 = arith.constant 64 : i32
      %parallel_loop3A_278 = arith.muli %parallel_loop3A_269, %parallel_loop3A_277 : i32
      %parallel_loop3A_279 = arith.constant 0 : i32
      %parallel_loop3A_280 = arith.addi %parallel_loop3A_278, %parallel_loop3A_279 : i32
      %parallel_loop3A_281 = arith.index_cast %parallel_loop3A_280 : i32 to index
      %parallel_loop3A_282 = tpu.vector_load %arg16[%parallel_loop3A_281] {strides = array<i32>} : memref<1664xf32, #tpu.memory_space<vmem>>, vector<16xf32>,
      %parallel_loop3A_283 = vector.shape_cast %parallel_loop3A_282 : vector<16xf32> to vector<16xf32>
      %parallel_loop3A_284 = vector.shape_cast %parallel_loop3A_276 : vector<16xf32> to vector<16xf32>
      tpu.vector_store %arg16[%parallel_loop3A_281], %parallel_loop3A_284 {strides = array<i32>} : memref<1664xf32, #tpu.memory_space<vmem>>, vector<16xf32>,
      %parallel_loop3A_285 = arith.index_cast %parallel_loop3A_269 : i32 to index
      %parallel_loop3A_286 = arith.constant 16 : index
      %parallel_loop3A_287 = tpu.vector_load %arg8[%parallel_loop3A_285, %parallel_loop3A_286] {strides = array<i32>} : memref<26x128xf32, #tpu.memory_space<vmem>>, vector<1x16xf32>,
      %parallel_loop3A_288 = vector.shape_cast %parallel_loop3A_287 : vector<1x16xf32> to vector<16xf32>
      %parallel_loop3A_289 = arith.constant 1.57079637 : f32
      %parallel_loop3A_290 = vector.broadcast %parallel_loop3A_289 : f32 to vector<16xf32>
      %parallel_loop3A_291 = arith.mulf %parallel_loop3A_288, %parallel_loop3A_290 : vector<16xf32>
      %parallel_loop3A_292 = arith.constant 64 : i32
      %parallel_loop3A_293 = arith.muli %parallel_loop3A_269, %parallel_loop3A_292 : i32
      %parallel_loop3A_294 = arith.constant 16 : i32
      %parallel_loop3A_295 = arith.addi %parallel_loop3A_293, %parallel_loop3A_294 : i32
      %parallel_loop3A_296 = arith.index_cast %parallel_loop3A_295 : i32 to index
      %parallel_loop3A_297 = tpu.vector_load %arg16[%parallel_loop3A_296] {strides = array<i32>} : memref<1664xf32, #tpu.memory_space<vmem>>, vector<16xf32>,
      %parallel_loop3A_298 = vector.shape_cast %parallel_loop3A_297 : vector<16xf32> to vector<16xf32>
      %parallel_loop3A_299 = vector.shape_cast %parallel_loop3A_291 : vector<16xf32> to vector<16xf32>
      tpu.vector_store %arg16[%parallel_loop3A_296], %parallel_loop3A_299 {strides = array<i32>} : memref<1664xf32, #tpu.memory_space<vmem>>, vector<16xf32>,
      %parallel_loop3A_300 = arith.index_cast %parallel_loop3A_269 : i32 to index
      %parallel_loop3A_301 = arith.constant 32 : index
      %parallel_loop3A_302 = tpu.vector_load %arg8[%parallel_loop3A_300, %parallel_loop3A_301] {strides = array<i32>} : memref<26x128xf32, #tpu.memory_space<vmem>>, vector<1x16xf32>,
      %parallel_loop3A_303 = vector.shape_cast %parallel_loop3A_302 : vector<1x16xf32> to vector<16xf32>
      %parallel_loop3A_304 = arith.constant 1.57079637 : f32
      %parallel_loop3A_305 = vector.broadcast %parallel_loop3A_304 : f32 to vector<16xf32>
      %parallel_loop3A_306 = arith.mulf %parallel_loop3A_303, %parallel_loop3A_305 : vector<16xf32>
      %parallel_loop3A_307 = arith.constant 64 : i32
      %parallel_loop3A_308 = arith.muli %parallel_loop3A_269, %parallel_loop3A_307 : i32
      %parallel_loop3A_309 = arith.constant 32 : i32
      %parallel_loop3A_310 = arith.addi %parallel_loop3A_308, %parallel_loop3A_309 : i32
      %parallel_loop3A_311 = arith.index_cast %parallel_loop3A_310 : i32 to index
      %parallel_loop3A_312 = tpu.vector_load %arg16[%parallel_loop3A_311] {strides = array<i32>} : memref<1664xf32, #tpu.memory_space<vmem>>, vector<16xf32>,
      %parallel_loop3A_313 = vector.shape_cast %parallel_loop3A_312 : vector<16xf32> to vector<16xf32>
      %parallel_loop3A_314 = vector.shape_cast %parallel_loop3A_306 : vector<16xf32> to vector<16xf32>
      tpu.vector_store %arg16[%parallel_loop3A_311], %parallel_loop3A_314 {strides = array<i32>} : memref<1664xf32, #tpu.memory_space<vmem>>, vector<16xf32>,
      %parallel_loop3A_315 = arith.index_cast %parallel_loop3A_269 : i32 to index
      %parallel_loop3A_316 = arith.constant 48 : index
      %parallel_loop3A_317 = tpu.vector_load %arg8[%parallel_loop3A_315, %parallel_loop3A_316] {strides = array<i32>} : memref<26x128xf32, #tpu.memory_space<vmem>>, vector<1x16xf32>,
      %parallel_loop3A_318 = vector.shape_cast %parallel_loop3A_317 : vector<1x16xf32> to vector<16xf32>
      %parallel_loop3A_319 = arith.constant 1.57079637 : f32
      %parallel_loop3A_320 = vector.broadcast %parallel_loop3A_319 : f32 to vector<16xf32>
      %parallel_loop3A_321 = arith.mulf %parallel_loop3A_318, %parallel_loop3A_320 : vector<16xf32>
      %parallel_loop3A_322 = arith.constant 64 : i32
      %parallel_loop3A_323 = arith.muli %parallel_loop3A_269, %parallel_loop3A_322 : i32
      %parallel_loop3A_324 = arith.constant 48 : i32
      %parallel_loop3A_325 = arith.addi %parallel_loop3A_323, %parallel_loop3A_324 : i32
      %parallel_loop3A_326 = arith.index_cast %parallel_loop3A_325 : i32 to index
      %parallel_loop3A_327 = tpu.vector_load %arg16[%parallel_loop3A_326] {strides = array<i32>} : memref<1664xf32, #tpu.memory_space<vmem>>, vector<16xf32>,
      %parallel_loop3A_328 = vector.shape_cast %parallel_loop3A_327 : vector<16xf32> to vector<16xf32>
      %parallel_loop3A_329 = vector.shape_cast %parallel_loop3A_321 : vector<16xf32> to vector<16xf32>
      tpu.vector_store %arg16[%parallel_loop3A_326], %parallel_loop3A_329 {strides = array<i32>} : memref<1664xf32, #tpu.memory_space<vmem>>, vector<16xf32>,
    } {sc.loop_unroll_factor = 2 : i64, sc.parallel_access}
    %add3A_107 = arith.constant 122 : i32
    %add3A_108 = arith.addi %mul3A_2, %add3A_107 : i32
    %dma_start3A_109 = arith.constant 0 : i32
    %dma_start3A_110 = tpu.memref_slice %arg4[%add3A_108, %dma_start3A_109] : memref<4096x1664xf32, #tpu.memory_space<hbm>> -> memref<1x1664xf32, #tpu.memory_space<hbm>>
    %dma_start3A_111 = tpu.memref_squeeze %dma_start3A_110 : memref<1x1664xf32, #tpu.memory_space<hbm>> -> memref<1664xf32, #tpu.memory_space<hbm>>
    %dma_start3A_112 = arith.constant 0 : i32
    %dma_start3A_113 = tpu.memref_slice %arg4[%add3A_108, %dma_start3A_112] : memref<4096x1664xf32, #tpu.memory_space<hbm>> -> memref<1x1664xf32, #tpu.memory_space<hbm>>
    %dma_start3A_114 = tpu.memref_squeeze %dma_start3A_113 : memref<1x1664xf32, #tpu.memory_space<hbm>> -> memref<1664xf32, #tpu.memory_space<hbm>>
    tpu.enqueue_dma source(%arg16 : memref<1664xf32, #tpu.memory_space<vmem>>) target(%dma_start3A_114 : memref<1664xf32, #tpu.memory_space<hbm>>) target_semaphore(%arg32 : memref<!tpu.dma_semaphore, #tpu.memory_space<semaphore_mem>>)
    %dma_wait3A_115 = arith.constant 123 : i32
    %dma_wait3A_116 = arith.constant 0 : i32
    %dma_wait3A_117 = tpu.memref_slice %arg5[%dma_wait3A_115, %dma_wait3A_116] : memref<128x26xi32, #tpu.memory_space<vmem>> -> memref<1x26xi32, #tpu.memory_space<vmem>>
    %dma_wait3A_118 = tpu.memref_squeeze %dma_wait3A_117 : memref<1x26xi32, #tpu.memory_space<vmem>> -> memref<26xi32, #tpu.memory_space<vmem>>
    %dma_wait3A_119 = arith.constant 0 : i32
    %dma_wait3A_120 = arith.constant 0 : i32
    %dma_wait3A_121 = tpu.memref_slice %arg3[%dma_wait3A_119, %dma_wait3A_120] : memref<100000x128xf32, #tpu.memory_space<hbm>> -> memref<100000x128xf32, #tpu.memory_space<hbm>>
    tpu.wait_indirect_dma semaphore(%arg25 : memref<!tpu.dma_semaphore, #tpu.memory_space<semaphore_mem>>) src(%dma_wait3A_121 : memref<100000x128xf32, #tpu.memory_space<hbm>>) dst(%arg9 : memref<26x128xf32, #tpu.memory_space<vmem>>)
    %parallel_loop3A_122 = arith.constant 0 : i32
    %parallel_loop3A_123 = arith.constant 26 : i32
    %parallel_loop3A_124 = arith.constant 1 : i32
    scf.for %parallel_loop3A_269 = %parallel_loop3A_122 to %parallel_loop3A_123 step %parallel_loop3A_124  : i32 {
      %parallel_loop3A_270 = arith.index_cast %parallel_loop3A_269 : i32 to index
      %parallel_loop3A_271 = arith.constant 0 : index
      %parallel_loop3A_272 = tpu.vector_load %arg9[%parallel_loop3A_270, %parallel_loop3A_271] {strides = array<i32>} : memref<26x128xf32, #tpu.memory_space<vmem>>, vector<1x16xf32>,
      %parallel_loop3A_273 = vector.shape_cast %parallel_loop3A_272 : vector<1x16xf32> to vector<16xf32>
      %parallel_loop3A_274 = arith.constant 1.57079637 : f32
      %parallel_loop3A_275 = vector.broadcast %parallel_loop3A_274 : f32 to vector<16xf32>
      %parallel_loop3A_276 = arith.mulf %parallel_loop3A_273, %parallel_loop3A_275 : vector<16xf32>
      %parallel_loop3A_277 = arith.constant 64 : i32
      %parallel_loop3A_278 = arith.muli %parallel_loop3A_269, %parallel_loop3A_277 : i32
      %parallel_loop3A_279 = arith.constant 0 : i32
      %parallel_loop3A_280 = arith.addi %parallel_loop3A_278, %parallel_loop3A_279 : i32
      %parallel_loop3A_281 = arith.index_cast %parallel_loop3A_280 : i32 to index
      %parallel_loop3A_282 = tpu.vector_load %arg17[%parallel_loop3A_281] {strides = array<i32>} : memref<1664xf32, #tpu.memory_space<vmem>>, vector<16xf32>,
      %parallel_loop3A_283 = vector.shape_cast %parallel_loop3A_282 : vector<16xf32> to vector<16xf32>
      %parallel_loop3A_284 = vector.shape_cast %parallel_loop3A_276 : vector<16xf32> to vector<16xf32>
      tpu.vector_store %arg17[%parallel_loop3A_281], %parallel_loop3A_284 {strides = array<i32>} : memref<1664xf32, #tpu.memory_space<vmem>>, vector<16xf32>,
      %parallel_loop3A_285 = arith.index_cast %parallel_loop3A_269 : i32 to index
      %parallel_loop3A_286 = arith.constant 16 : index
      %parallel_loop3A_287 = tpu.vector_load %arg9[%parallel_loop3A_285, %parallel_loop3A_286] {strides = array<i32>} : memref<26x128xf32, #tpu.memory_space<vmem>>, vector<1x16xf32>,
      %parallel_loop3A_288 = vector.shape_cast %parallel_loop3A_287 : vector<1x16xf32> to vector<16xf32>
      %parallel_loop3A_289 = arith.constant 1.57079637 : f32
      %parallel_loop3A_290 = vector.broadcast %parallel_loop3A_289 : f32 to vector<16xf32>
      %parallel_loop3A_291 = arith.mulf %parallel_loop3A_288, %parallel_loop3A_290 : vector<16xf32>
      %parallel_loop3A_292 = arith.constant 64 : i32
      %parallel_loop3A_293 = arith.muli %parallel_loop3A_269, %parallel_loop3A_292 : i32
      %parallel_loop3A_294 = arith.constant 16 : i32
      %parallel_loop3A_295 = arith.addi %parallel_loop3A_293, %parallel_loop3A_294 : i32
      %parallel_loop3A_296 = arith.index_cast %parallel_loop3A_295 : i32 to index
      %parallel_loop3A_297 = tpu.vector_load %arg17[%parallel_loop3A_296] {strides = array<i32>} : memref<1664xf32, #tpu.memory_space<vmem>>, vector<16xf32>,
      %parallel_loop3A_298 = vector.shape_cast %parallel_loop3A_297 : vector<16xf32> to vector<16xf32>
      %parallel_loop3A_299 = vector.shape_cast %parallel_loop3A_291 : vector<16xf32> to vector<16xf32>
      tpu.vector_store %arg17[%parallel_loop3A_296], %parallel_loop3A_299 {strides = array<i32>} : memref<1664xf32, #tpu.memory_space<vmem>>, vector<16xf32>,
      %parallel_loop3A_300 = arith.index_cast %parallel_loop3A_269 : i32 to index
      %parallel_loop3A_301 = arith.constant 32 : index
      %parallel_loop3A_302 = tpu.vector_load %arg9[%parallel_loop3A_300, %parallel_loop3A_301] {strides = array<i32>} : memref<26x128xf32, #tpu.memory_space<vmem>>, vector<1x16xf32>,
      %parallel_loop3A_303 = vector.shape_cast %parallel_loop3A_302 : vector<1x16xf32> to vector<16xf32>
      %parallel_loop3A_304 = arith.constant 1.57079637 : f32
      %parallel_loop3A_305 = vector.broadcast %parallel_loop3A_304 : f32 to vector<16xf32>
      %parallel_loop3A_306 = arith.mulf %parallel_loop3A_303, %parallel_loop3A_305 : vector<16xf32>
      %parallel_loop3A_307 = arith.constant 64 : i32
      %parallel_loop3A_308 = arith.muli %parallel_loop3A_269, %parallel_loop3A_307 : i32
      %parallel_loop3A_309 = arith.constant 32 : i32
      %parallel_loop3A_310 = arith.addi %parallel_loop3A_308, %parallel_loop3A_309 : i32
      %parallel_loop3A_311 = arith.index_cast %parallel_loop3A_310 : i32 to index
      %parallel_loop3A_312 = tpu.vector_load %arg17[%parallel_loop3A_311] {strides = array<i32>} : memref<1664xf32, #tpu.memory_space<vmem>>, vector<16xf32>,
      %parallel_loop3A_313 = vector.shape_cast %parallel_loop3A_312 : vector<16xf32> to vector<16xf32>
      %parallel_loop3A_314 = vector.shape_cast %parallel_loop3A_306 : vector<16xf32> to vector<16xf32>
      tpu.vector_store %arg17[%parallel_loop3A_311], %parallel_loop3A_314 {strides = array<i32>} : memref<1664xf32, #tpu.memory_space<vmem>>, vector<16xf32>,
      %parallel_loop3A_315 = arith.index_cast %parallel_loop3A_269 : i32 to index
      %parallel_loop3A_316 = arith.constant 48 : index
      %parallel_loop3A_317 = tpu.vector_load %arg9[%parallel_loop3A_315, %parallel_loop3A_316] {strides = array<i32>} : memref<26x128xf32, #tpu.memory_space<vmem>>, vector<1x16xf32>,
      %parallel_loop3A_318 = vector.shape_cast %parallel_loop3A_317 : vector<1x16xf32> to vector<16xf32>
      %parallel_loop3A_319 = arith.constant 1.57079637 : f32
      %parallel_loop3A_320 = vector.broadcast %parallel_loop3A_319 : f32 to vector<16xf32>
      %parallel_loop3A_321 = arith.mulf %parallel_loop3A_318, %parallel_loop3A_320 : vector<16xf32>
      %parallel_loop3A_322 = arith.constant 64 : i32
      %parallel_loop3A_323 = arith.muli %parallel_loop3A_269, %parallel_loop3A_322 : i32
      %parallel_loop3A_324 = arith.constant 48 : i32
      %parallel_loop3A_325 = arith.addi %parallel_loop3A_323, %parallel_loop3A_324 : i32
      %parallel_loop3A_326 = arith.index_cast %parallel_loop3A_325 : i32 to index
      %parallel_loop3A_327 = tpu.vector_load %arg17[%parallel_loop3A_326] {strides = array<i32>} : memref<1664xf32, #tpu.memory_space<vmem>>, vector<16xf32>,
      %parallel_loop3A_328 = vector.shape_cast %parallel_loop3A_327 : vector<16xf32> to vector<16xf32>
      %parallel_loop3A_329 = vector.shape_cast %parallel_loop3A_321 : vector<16xf32> to vector<16xf32>
      tpu.vector_store %arg17[%parallel_loop3A_326], %parallel_loop3A_329 {strides = array<i32>} : memref<1664xf32, #tpu.memory_space<vmem>>, vector<16xf32>,
    } {sc.loop_unroll_factor = 2 : i64, sc.parallel_access}
    %add3A_125 = arith.constant 123 : i32
    %add3A_126 = arith.addi %mul3A_2, %add3A_125 : i32
    %dma_start3A_127 = arith.constant 0 : i32
    %dma_start3A_128 = tpu.memref_slice %arg4[%add3A_126, %dma_start3A_127] : memref<4096x1664xf32, #tpu.memory_space<hbm>> -> memref<1x1664xf32, #tpu.memory_space<hbm>>
    %dma_start3A_129 = tpu.memref_squeeze %dma_start3A_128 : memref<1x1664xf32, #tpu.memory_space<hbm>> -> memref<1664xf32, #tpu.memory_space<hbm>>
    %dma_start3A_130 = arith.constant 0 : i32
    %dma_start3A_131 = tpu.memref_slice %arg4[%add3A_126, %dma_start3A_130] : memref<4096x1664xf32, #tpu.memory_space<hbm>> -> memref<1x1664xf32, #tpu.memory_space<hbm>>
    %dma_start3A_132 = tpu.memref_squeeze %dma_start3A_131 : memref<1x1664xf32, #tpu.memory_space<hbm>> -> memref<1664xf32, #tpu.memory_space<hbm>>
    tpu.enqueue_dma source(%arg17 : memref<1664xf32, #tpu.memory_space<vmem>>) target(%dma_start3A_132 : memref<1664xf32, #tpu.memory_space<hbm>>) target_semaphore(%arg33 : memref<!tpu.dma_semaphore, #tpu.memory_space<semaphore_mem>>)
    %dma_wait3A_133 = arith.constant 124 : i32
    %dma_wait3A_134 = arith.constant 0 : i32
    %dma_wait3A_135 = tpu.memref_slice %arg5[%dma_wait3A_133, %dma_wait3A_134] : memref<128x26xi32, #tpu.memory_space<vmem>> -> memref<1x26xi32, #tpu.memory_space<vmem>>
    %dma_wait3A_136 = tpu.memref_squeeze %dma_wait3A_135 : memref<1x26xi32, #tpu.memory_space<vmem>> -> memref<26xi32, #tpu.memory_space<vmem>>
    %dma_wait3A_137 = arith.constant 0 : i32
    %dma_wait3A_138 = arith.constant 0 : i32
    %dma_wait3A_139 = tpu.memref_slice %arg3[%dma_wait3A_137, %dma_wait3A_138] : memref<100000x128xf32, #tpu.memory_space<hbm>> -> memref<100000x128xf32, #tpu.memory_space<hbm>>
    tpu.wait_indirect_dma semaphore(%arg26 : memref<!tpu.dma_semaphore, #tpu.memory_space<semaphore_mem>>) src(%dma_wait3A_139 : memref<100000x128xf32, #tpu.memory_space<hbm>>) dst(%arg10 : memref<26x128xf32, #tpu.memory_space<vmem>>)
    %parallel_loop3A_140 = arith.constant 0 : i32
    %parallel_loop3A_141 = arith.constant 26 : i32
    %parallel_loop3A_142 = arith.constant 1 : i32
    scf.for %parallel_loop3A_269 = %parallel_loop3A_140 to %parallel_loop3A_141 step %parallel_loop3A_142  : i32 {
      %parallel_loop3A_270 = arith.index_cast %parallel_loop3A_269 : i32 to index
      %parallel_loop3A_271 = arith.constant 0 : index
      %parallel_loop3A_272 = tpu.vector_load %arg10[%parallel_loop3A_270, %parallel_loop3A_271] {strides = array<i32>} : memref<26x128xf32, #tpu.memory_space<vmem>>, vector<1x16xf32>,
      %parallel_loop3A_273 = vector.shape_cast %parallel_loop3A_272 : vector<1x16xf32> to vector<16xf32>
      %parallel_loop3A_274 = arith.constant 1.57079637 : f32
      %parallel_loop3A_275 = vector.broadcast %parallel_loop3A_274 : f32 to vector<16xf32>
      %parallel_loop3A_276 = arith.mulf %parallel_loop3A_273, %parallel_loop3A_275 : vector<16xf32>
      %parallel_loop3A_277 = arith.constant 64 : i32
      %parallel_loop3A_278 = arith.muli %parallel_loop3A_269, %parallel_loop3A_277 : i32
      %parallel_loop3A_279 = arith.constant 0 : i32
      %parallel_loop3A_280 = arith.addi %parallel_loop3A_278, %parallel_loop3A_279 : i32
      %parallel_loop3A_281 = arith.index_cast %parallel_loop3A_280 : i32 to index
      %parallel_loop3A_282 = tpu.vector_load %arg18[%parallel_loop3A_281] {strides = array<i32>} : memref<1664xf32, #tpu.memory_space<vmem>>, vector<16xf32>,
      %parallel_loop3A_283 = vector.shape_cast %parallel_loop3A_282 : vector<16xf32> to vector<16xf32>
      %parallel_loop3A_284 = vector.shape_cast %parallel_loop3A_276 : vector<16xf32> to vector<16xf32>
      tpu.vector_store %arg18[%parallel_loop3A_281], %parallel_loop3A_284 {strides = array<i32>} : memref<1664xf32, #tpu.memory_space<vmem>>, vector<16xf32>,
      %parallel_loop3A_285 = arith.index_cast %parallel_loop3A_269 : i32 to index
      %parallel_loop3A_286 = arith.constant 16 : index
      %parallel_loop3A_287 = tpu.vector_load %arg10[%parallel_loop3A_285, %parallel_loop3A_286] {strides = array<i32>} : memref<26x128xf32, #tpu.memory_space<vmem>>, vector<1x16xf32>,
      %parallel_loop3A_288 = vector.shape_cast %parallel_loop3A_287 : vector<1x16xf32> to vector<16xf32>
      %parallel_loop3A_289 = arith.constant 1.57079637 : f32
      %parallel_loop3A_290 = vector.broadcast %parallel_loop3A_289 : f32 to vector<16xf32>
      %parallel_loop3A_291 = arith.mulf %parallel_loop3A_288, %parallel_loop3A_290 : vector<16xf32>
      %parallel_loop3A_292 = arith.constant 64 : i32
      %parallel_loop3A_293 = arith.muli %parallel_loop3A_269, %parallel_loop3A_292 : i32
      %parallel_loop3A_294 = arith.constant 16 : i32
      %parallel_loop3A_295 = arith.addi %parallel_loop3A_293, %parallel_loop3A_294 : i32
      %parallel_loop3A_296 = arith.index_cast %parallel_loop3A_295 : i32 to index
      %parallel_loop3A_297 = tpu.vector_load %arg18[%parallel_loop3A_296] {strides = array<i32>} : memref<1664xf32, #tpu.memory_space<vmem>>, vector<16xf32>,
      %parallel_loop3A_298 = vector.shape_cast %parallel_loop3A_297 : vector<16xf32> to vector<16xf32>
      %parallel_loop3A_299 = vector.shape_cast %parallel_loop3A_291 : vector<16xf32> to vector<16xf32>
      tpu.vector_store %arg18[%parallel_loop3A_296], %parallel_loop3A_299 {strides = array<i32>} : memref<1664xf32, #tpu.memory_space<vmem>>, vector<16xf32>,
      %parallel_loop3A_300 = arith.index_cast %parallel_loop3A_269 : i32 to index
      %parallel_loop3A_301 = arith.constant 32 : index
      %parallel_loop3A_302 = tpu.vector_load %arg10[%parallel_loop3A_300, %parallel_loop3A_301] {strides = array<i32>} : memref<26x128xf32, #tpu.memory_space<vmem>>, vector<1x16xf32>,
      %parallel_loop3A_303 = vector.shape_cast %parallel_loop3A_302 : vector<1x16xf32> to vector<16xf32>
      %parallel_loop3A_304 = arith.constant 1.57079637 : f32
      %parallel_loop3A_305 = vector.broadcast %parallel_loop3A_304 : f32 to vector<16xf32>
      %parallel_loop3A_306 = arith.mulf %parallel_loop3A_303, %parallel_loop3A_305 : vector<16xf32>
      %parallel_loop3A_307 = arith.constant 64 : i32
      %parallel_loop3A_308 = arith.muli %parallel_loop3A_269, %parallel_loop3A_307 : i32
      %parallel_loop3A_309 = arith.constant 32 : i32
      %parallel_loop3A_310 = arith.addi %parallel_loop3A_308, %parallel_loop3A_309 : i32
      %parallel_loop3A_311 = arith.index_cast %parallel_loop3A_310 : i32 to index
      %parallel_loop3A_312 = tpu.vector_load %arg18[%parallel_loop3A_311] {strides = array<i32>} : memref<1664xf32, #tpu.memory_space<vmem>>, vector<16xf32>,
      %parallel_loop3A_313 = vector.shape_cast %parallel_loop3A_312 : vector<16xf32> to vector<16xf32>
      %parallel_loop3A_314 = vector.shape_cast %parallel_loop3A_306 : vector<16xf32> to vector<16xf32>
      tpu.vector_store %arg18[%parallel_loop3A_311], %parallel_loop3A_314 {strides = array<i32>} : memref<1664xf32, #tpu.memory_space<vmem>>, vector<16xf32>,
      %parallel_loop3A_315 = arith.index_cast %parallel_loop3A_269 : i32 to index
      %parallel_loop3A_316 = arith.constant 48 : index
      %parallel_loop3A_317 = tpu.vector_load %arg10[%parallel_loop3A_315, %parallel_loop3A_316] {strides = array<i32>} : memref<26x128xf32, #tpu.memory_space<vmem>>, vector<1x16xf32>,
      %parallel_loop3A_318 = vector.shape_cast %parallel_loop3A_317 : vector<1x16xf32> to vector<16xf32>
      %parallel_loop3A_319 = arith.constant 1.57079637 : f32
      %parallel_loop3A_320 = vector.broadcast %parallel_loop3A_319 : f32 to vector<16xf32>
      %parallel_loop3A_321 = arith.mulf %parallel_loop3A_318, %parallel_loop3A_320 : vector<16xf32>
      %parallel_loop3A_322 = arith.constant 64 : i32
      %parallel_loop3A_323 = arith.muli %parallel_loop3A_269, %parallel_loop3A_322 : i32
      %parallel_loop3A_324 = arith.constant 48 : i32
      %parallel_loop3A_325 = arith.addi %parallel_loop3A_323, %parallel_loop3A_324 : i32
      %parallel_loop3A_326 = arith.index_cast %parallel_loop3A_325 : i32 to index
      %parallel_loop3A_327 = tpu.vector_load %arg18[%parallel_loop3A_326] {strides = array<i32>} : memref<1664xf32, #tpu.memory_space<vmem>>, vector<16xf32>,
      %parallel_loop3A_328 = vector.shape_cast %parallel_loop3A_327 : vector<16xf32> to vector<16xf32>
      %parallel_loop3A_329 = vector.shape_cast %parallel_loop3A_321 : vector<16xf32> to vector<16xf32>
      tpu.vector_store %arg18[%parallel_loop3A_326], %parallel_loop3A_329 {strides = array<i32>} : memref<1664xf32, #tpu.memory_space<vmem>>, vector<16xf32>,
    } {sc.loop_unroll_factor = 2 : i64, sc.parallel_access}
    %add3A_143 = arith.constant 124 : i32
    %add3A_144 = arith.addi %mul3A_2, %add3A_143 : i32
    %dma_start3A_145 = arith.constant 0 : i32
    %dma_start3A_146 = tpu.memref_slice %arg4[%add3A_144, %dma_start3A_145] : memref<4096x1664xf32, #tpu.memory_space<hbm>> -> memref<1x1664xf32, #tpu.memory_space<hbm>>
    %dma_start3A_147 = tpu.memref_squeeze %dma_start3A_146 : memref<1x1664xf32, #tpu.memory_space<hbm>> -> memref<1664xf32, #tpu.memory_space<hbm>>
    %dma_start3A_148 = arith.constant 0 : i32
    %dma_start3A_149 = tpu.memref_slice %arg4[%add3A_144, %dma_start3A_148] : memref<4096x1664xf32, #tpu.memory_space<hbm>> -> memref<1x1664xf32, #tpu.memory_space<hbm>>
    %dma_start3A_150 = tpu.memref_squeeze %dma_start3A_149 : memref<1x1664xf32, #tpu.memory_space<hbm>> -> memref<1664xf32, #tpu.memory_space<hbm>>
    tpu.enqueue_dma source(%arg18 : memref<1664xf32, #tpu.memory_space<vmem>>) target(%dma_start3A_150 : memref<1664xf32, #tpu.memory_space<hbm>>) target_semaphore(%arg34 : memref<!tpu.dma_semaphore, #tpu.memory_space<semaphore_mem>>)
    %dma_wait3A_151 = arith.constant 125 : i32
    %dma_wait3A_152 = arith.constant 0 : i32
    %dma_wait3A_153 = tpu.memref_slice %arg5[%dma_wait3A_151, %dma_wait3A_152] : memref<128x26xi32, #tpu.memory_space<vmem>> -> memref<1x26xi32, #tpu.memory_space<vmem>>
    %dma_wait3A_154 = tpu.memref_squeeze %dma_wait3A_153 : memref<1x26xi32, #tpu.memory_space<vmem>> -> memref<26xi32, #tpu.memory_space<vmem>>
    %dma_wait3A_155 = arith.constant 0 : i32
    %dma_wait3A_156 = arith.constant 0 : i32
    %dma_wait3A_157 = tpu.memref_slice %arg3[%dma_wait3A_155, %dma_wait3A_156] : memref<100000x128xf32, #tpu.memory_space<hbm>> -> memref<100000x128xf32, #tpu.memory_space<hbm>>
    tpu.wait_indirect_dma semaphore(%arg27 : memref<!tpu.dma_semaphore, #tpu.memory_space<semaphore_mem>>) src(%dma_wait3A_157 : memref<100000x128xf32, #tpu.memory_space<hbm>>) dst(%arg11 : memref<26x128xf32, #tpu.memory_space<vmem>>)
    %parallel_loop3A_158 = arith.constant 0 : i32
    %parallel_loop3A_159 = arith.constant 26 : i32
    %parallel_loop3A_160 = arith.constant 1 : i32
    scf.for %parallel_loop3A_269 = %parallel_loop3A_158 to %parallel_loop3A_159 step %parallel_loop3A_160  : i32 {
      %parallel_loop3A_270 = arith.index_cast %parallel_loop3A_269 : i32 to index
      %parallel_loop3A_271 = arith.constant 0 : index
      %parallel_loop3A_272 = tpu.vector_load %arg11[%parallel_loop3A_270, %parallel_loop3A_271] {strides = array<i32>} : memref<26x128xf32, #tpu.memory_space<vmem>>, vector<1x16xf32>,
      %parallel_loop3A_273 = vector.shape_cast %parallel_loop3A_272 : vector<1x16xf32> to vector<16xf32>
      %parallel_loop3A_274 = arith.constant 1.57079637 : f32
      %parallel_loop3A_275 = vector.broadcast %parallel_loop3A_274 : f32 to vector<16xf32>
      %parallel_loop3A_276 = arith.mulf %parallel_loop3A_273, %parallel_loop3A_275 : vector<16xf32>
      %parallel_loop3A_277 = arith.constant 64 : i32
      %parallel_loop3A_278 = arith.muli %parallel_loop3A_269, %parallel_loop3A_277 : i32
      %parallel_loop3A_279 = arith.constant 0 : i32
      %parallel_loop3A_280 = arith.addi %parallel_loop3A_278, %parallel_loop3A_279 : i32
      %parallel_loop3A_281 = arith.index_cast %parallel_loop3A_280 : i32 to index
      %parallel_loop3A_282 = tpu.vector_load %arg19[%parallel_loop3A_281] {strides = array<i32>} : memref<1664xf32, #tpu.memory_space<vmem>>, vector<16xf32>,
      %parallel_loop3A_283 = vector.shape_cast %parallel_loop3A_282 : vector<16xf32> to vector<16xf32>
      %parallel_loop3A_284 = vector.shape_cast %parallel_loop3A_276 : vector<16xf32> to vector<16xf32>
      tpu.vector_store %arg19[%parallel_loop3A_281], %parallel_loop3A_284 {strides = array<i32>} : memref<1664xf32, #tpu.memory_space<vmem>>, vector<16xf32>,
      %parallel_loop3A_285 = arith.index_cast %parallel_loop3A_269 : i32 to index
      %parallel_loop3A_286 = arith.constant 16 : index
      %parallel_loop3A_287 = tpu.vector_load %arg11[%parallel_loop3A_285, %parallel_loop3A_286] {strides = array<i32>} : memref<26x128xf32, #tpu.memory_space<vmem>>, vector<1x16xf32>,
      %parallel_loop3A_288 = vector.shape_cast %parallel_loop3A_287 : vector<1x16xf32> to vector<16xf32>
      %parallel_loop3A_289 = arith.constant 1.57079637 : f32
      %parallel_loop3A_290 = vector.broadcast %parallel_loop3A_289 : f32 to vector<16xf32>
      %parallel_loop3A_291 = arith.mulf %parallel_loop3A_288, %parallel_loop3A_290 : vector<16xf32>
      %parallel_loop3A_292 = arith.constant 64 : i32
      %parallel_loop3A_293 = arith.muli %parallel_loop3A_269, %parallel_loop3A_292 : i32
      %parallel_loop3A_294 = arith.constant 16 : i32
      %parallel_loop3A_295 = arith.addi %parallel_loop3A_293, %parallel_loop3A_294 : i32
      %parallel_loop3A_296 = arith.index_cast %parallel_loop3A_295 : i32 to index
      %parallel_loop3A_297 = tpu.vector_load %arg19[%parallel_loop3A_296] {strides = array<i32>} : memref<1664xf32, #tpu.memory_space<vmem>>, vector<16xf32>,
      %parallel_loop3A_298 = vector.shape_cast %parallel_loop3A_297 : vector<16xf32> to vector<16xf32>
      %parallel_loop3A_299 = vector.shape_cast %parallel_loop3A_291 : vector<16xf32> to vector<16xf32>
      tpu.vector_store %arg19[%parallel_loop3A_296], %parallel_loop3A_299 {strides = array<i32>} : memref<1664xf32, #tpu.memory_space<vmem>>, vector<16xf32>,
      %parallel_loop3A_300 = arith.index_cast %parallel_loop3A_269 : i32 to index
      %parallel_loop3A_301 = arith.constant 32 : index
      %parallel_loop3A_302 = tpu.vector_load %arg11[%parallel_loop3A_300, %parallel_loop3A_301] {strides = array<i32>} : memref<26x128xf32, #tpu.memory_space<vmem>>, vector<1x16xf32>,
      %parallel_loop3A_303 = vector.shape_cast %parallel_loop3A_302 : vector<1x16xf32> to vector<16xf32>
      %parallel_loop3A_304 = arith.constant 1.57079637 : f32
      %parallel_loop3A_305 = vector.broadcast %parallel_loop3A_304 : f32 to vector<16xf32>
      %parallel_loop3A_306 = arith.mulf %parallel_loop3A_303, %parallel_loop3A_305 : vector<16xf32>
      %parallel_loop3A_307 = arith.constant 64 : i32
      %parallel_loop3A_308 = arith.muli %parallel_loop3A_269, %parallel_loop3A_307 : i32
      %parallel_loop3A_309 = arith.constant 32 : i32
      %parallel_loop3A_310 = arith.addi %parallel_loop3A_308, %parallel_loop3A_309 : i32
      %parallel_loop3A_311 = arith.index_cast %parallel_loop3A_310 : i32 to index
      %parallel_loop3A_312 = tpu.vector_load %arg19[%parallel_loop3A_311] {strides = array<i32>} : memref<1664xf32, #tpu.memory_space<vmem>>, vector<16xf32>,
      %parallel_loop3A_313 = vector.shape_cast %parallel_loop3A_312 : vector<16xf32> to vector<16xf32>
      %parallel_loop3A_314 = vector.shape_cast %parallel_loop3A_306 : vector<16xf32> to vector<16xf32>
      tpu.vector_store %arg19[%parallel_loop3A_311], %parallel_loop3A_314 {strides = array<i32>} : memref<1664xf32, #tpu.memory_space<vmem>>, vector<16xf32>,
      %parallel_loop3A_315 = arith.index_cast %parallel_loop3A_269 : i32 to index
      %parallel_loop3A_316 = arith.constant 48 : index
      %parallel_loop3A_317 = tpu.vector_load %arg11[%parallel_loop3A_315, %parallel_loop3A_316] {strides = array<i32>} : memref<26x128xf32, #tpu.memory_space<vmem>>, vector<1x16xf32>,
      %parallel_loop3A_318 = vector.shape_cast %parallel_loop3A_317 : vector<1x16xf32> to vector<16xf32>
      %parallel_loop3A_319 = arith.constant 1.57079637 : f32
      %parallel_loop3A_320 = vector.broadcast %parallel_loop3A_319 : f32 to vector<16xf32>
      %parallel_loop3A_321 = arith.mulf %parallel_loop3A_318, %parallel_loop3A_320 : vector<16xf32>
      %parallel_loop3A_322 = arith.constant 64 : i32
      %parallel_loop3A_323 = arith.muli %parallel_loop3A_269, %parallel_loop3A_322 : i32
      %parallel_loop3A_324 = arith.constant 48 : i32
      %parallel_loop3A_325 = arith.addi %parallel_loop3A_323, %parallel_loop3A_324 : i32
      %parallel_loop3A_326 = arith.index_cast %parallel_loop3A_325 : i32 to index
      %parallel_loop3A_327 = tpu.vector_load %arg19[%parallel_loop3A_326] {strides = array<i32>} : memref<1664xf32, #tpu.memory_space<vmem>>, vector<16xf32>,
      %parallel_loop3A_328 = vector.shape_cast %parallel_loop3A_327 : vector<16xf32> to vector<16xf32>
      %parallel_loop3A_329 = vector.shape_cast %parallel_loop3A_321 : vector<16xf32> to vector<16xf32>
      tpu.vector_store %arg19[%parallel_loop3A_326], %parallel_loop3A_329 {strides = array<i32>} : memref<1664xf32, #tpu.memory_space<vmem>>, vector<16xf32>,
    } {sc.loop_unroll_factor = 2 : i64, sc.parallel_access}
    %add3A_161 = arith.constant 125 : i32
    %add3A_162 = arith.addi %mul3A_2, %add3A_161 : i32
    %dma_start3A_163 = arith.constant 0 : i32
    %dma_start3A_164 = tpu.memref_slice %arg4[%add3A_162, %dma_start3A_163] : memref<4096x1664xf32, #tpu.memory_space<hbm>> -> memref<1x1664xf32, #tpu.memory_space<hbm>>
    %dma_start3A_165 = tpu.memref_squeeze %dma_start3A_164 : memref<1x1664xf32, #tpu.memory_space<hbm>> -> memref<1664xf32, #tpu.memory_space<hbm>>
    %dma_start3A_166 = arith.constant 0 : i32
    %dma_start3A_167 = tpu.memref_slice %arg4[%add3A_162, %dma_start3A_166] : memref<4096x1664xf32, #tpu.memory_space<hbm>> -> memref<1x1664xf32, #tpu.memory_space<hbm>>
    %dma_start3A_168 = tpu.memref_squeeze %dma_start3A_167 : memref<1x1664xf32, #tpu.memory_space<hbm>> -> memref<1664xf32, #tpu.memory_space<hbm>>
    tpu.enqueue_dma source(%arg19 : memref<1664xf32, #tpu.memory_space<vmem>>) target(%dma_start3A_168 : memref<1664xf32, #tpu.memory_space<hbm>>) target_semaphore(%arg35 : memref<!tpu.dma_semaphore, #tpu.memory_space<semaphore_mem>>)
    %dma_wait3A_169 = arith.constant 126 : i32
    %dma_wait3A_170 = arith.constant 0 : i32
    %dma_wait3A_171 = tpu.memref_slice %arg5[%dma_wait3A_169, %dma_wait3A_170] : memref<128x26xi32, #tpu.memory_space<vmem>> -> memref<1x26xi32, #tpu.memory_space<vmem>>
    %dma_wait3A_172 = tpu.memref_squeeze %dma_wait3A_171 : memref<1x26xi32, #tpu.memory_space<vmem>> -> memref<26xi32, #tpu.memory_space<vmem>>
    %dma_wait3A_173 = arith.constant 0 : i32
    %dma_wait3A_174 = arith.constant 0 : i32
    %dma_wait3A_175 = tpu.memref_slice %arg3[%dma_wait3A_173, %dma_wait3A_174] : memref<100000x128xf32, #tpu.memory_space<hbm>> -> memref<100000x128xf32, #tpu.memory_space<hbm>>
    tpu.wait_indirect_dma semaphore(%arg28 : memref<!tpu.dma_semaphore, #tpu.memory_space<semaphore_mem>>) src(%dma_wait3A_175 : memref<100000x128xf32, #tpu.memory_space<hbm>>) dst(%arg12 : memref<26x128xf32, #tpu.memory_space<vmem>>)
    %parallel_loop3A_176 = arith.constant 0 : i32
    %parallel_loop3A_177 = arith.constant 26 : i32
    %parallel_loop3A_178 = arith.constant 1 : i32
    scf.for %parallel_loop3A_269 = %parallel_loop3A_176 to %parallel_loop3A_177 step %parallel_loop3A_178  : i32 {
      %parallel_loop3A_270 = arith.index_cast %parallel_loop3A_269 : i32 to index
      %parallel_loop3A_271 = arith.constant 0 : index
      %parallel_loop3A_272 = tpu.vector_load %arg12[%parallel_loop3A_270, %parallel_loop3A_271] {strides = array<i32>} : memref<26x128xf32, #tpu.memory_space<vmem>>, vector<1x16xf32>,
      %parallel_loop3A_273 = vector.shape_cast %parallel_loop3A_272 : vector<1x16xf32> to vector<16xf32>
      %parallel_loop3A_274 = arith.constant 1.57079637 : f32
      %parallel_loop3A_275 = vector.broadcast %parallel_loop3A_274 : f32 to vector<16xf32>
      %parallel_loop3A_276 = arith.mulf %parallel_loop3A_273, %parallel_loop3A_275 : vector<16xf32>
      %parallel_loop3A_277 = arith.constant 64 : i32
      %parallel_loop3A_278 = arith.muli %parallel_loop3A_269, %parallel_loop3A_277 : i32
      %parallel_loop3A_279 = arith.constant 0 : i32
      %parallel_loop3A_280 = arith.addi %parallel_loop3A_278, %parallel_loop3A_279 : i32
      %parallel_loop3A_281 = arith.index_cast %parallel_loop3A_280 : i32 to index
      %parallel_loop3A_282 = tpu.vector_load %arg20[%parallel_loop3A_281] {strides = array<i32>} : memref<1664xf32, #tpu.memory_space<vmem>>, vector<16xf32>,
      %parallel_loop3A_283 = vector.shape_cast %parallel_loop3A_282 : vector<16xf32> to vector<16xf32>
      %parallel_loop3A_284 = vector.shape_cast %parallel_loop3A_276 : vector<16xf32> to vector<16xf32>
      tpu.vector_store %arg20[%parallel_loop3A_281], %parallel_loop3A_284 {strides = array<i32>} : memref<1664xf32, #tpu.memory_space<vmem>>, vector<16xf32>,
      %parallel_loop3A_285 = arith.index_cast %parallel_loop3A_269 : i32 to index
      %parallel_loop3A_286 = arith.constant 16 : index
      %parallel_loop3A_287 = tpu.vector_load %arg12[%parallel_loop3A_285, %parallel_loop3A_286] {strides = array<i32>} : memref<26x128xf32, #tpu.memory_space<vmem>>, vector<1x16xf32>,
      %parallel_loop3A_288 = vector.shape_cast %parallel_loop3A_287 : vector<1x16xf32> to vector<16xf32>
      %parallel_loop3A_289 = arith.constant 1.57079637 : f32
      %parallel_loop3A_290 = vector.broadcast %parallel_loop3A_289 : f32 to vector<16xf32>
      %parallel_loop3A_291 = arith.mulf %parallel_loop3A_288, %parallel_loop3A_290 : vector<16xf32>
      %parallel_loop3A_292 = arith.constant 64 : i32
      %parallel_loop3A_293 = arith.muli %parallel_loop3A_269, %parallel_loop3A_292 : i32
      %parallel_loop3A_294 = arith.constant 16 : i32
      %parallel_loop3A_295 = arith.addi %parallel_loop3A_293, %parallel_loop3A_294 : i32
      %parallel_loop3A_296 = arith.index_cast %parallel_loop3A_295 : i32 to index
      %parallel_loop3A_297 = tpu.vector_load %arg20[%parallel_loop3A_296] {strides = array<i32>} : memref<1664xf32, #tpu.memory_space<vmem>>, vector<16xf32>,
      %parallel_loop3A_298 = vector.shape_cast %parallel_loop3A_297 : vector<16xf32> to vector<16xf32>
      %parallel_loop3A_299 = vector.shape_cast %parallel_loop3A_291 : vector<16xf32> to vector<16xf32>
      tpu.vector_store %arg20[%parallel_loop3A_296], %parallel_loop3A_299 {strides = array<i32>} : memref<1664xf32, #tpu.memory_space<vmem>>, vector<16xf32>,
      %parallel_loop3A_300 = arith.index_cast %parallel_loop3A_269 : i32 to index
      %parallel_loop3A_301 = arith.constant 32 : index
      %parallel_loop3A_302 = tpu.vector_load %arg12[%parallel_loop3A_300, %parallel_loop3A_301] {strides = array<i32>} : memref<26x128xf32, #tpu.memory_space<vmem>>, vector<1x16xf32>,
      %parallel_loop3A_303 = vector.shape_cast %parallel_loop3A_302 : vector<1x16xf32> to vector<16xf32>
      %parallel_loop3A_304 = arith.constant 1.57079637 : f32
      %parallel_loop3A_305 = vector.broadcast %parallel_loop3A_304 : f32 to vector<16xf32>
      %parallel_loop3A_306 = arith.mulf %parallel_loop3A_303, %parallel_loop3A_305 : vector<16xf32>
      %parallel_loop3A_307 = arith.constant 64 : i32
      %parallel_loop3A_308 = arith.muli %parallel_loop3A_269, %parallel_loop3A_307 : i32
      %parallel_loop3A_309 = arith.constant 32 : i32
      %parallel_loop3A_310 = arith.addi %parallel_loop3A_308, %parallel_loop3A_309 : i32
      %parallel_loop3A_311 = arith.index_cast %parallel_loop3A_310 : i32 to index
      %parallel_loop3A_312 = tpu.vector_load %arg20[%parallel_loop3A_311] {strides = array<i32>} : memref<1664xf32, #tpu.memory_space<vmem>>, vector<16xf32>,
      %parallel_loop3A_313 = vector.shape_cast %parallel_loop3A_312 : vector<16xf32> to vector<16xf32>
      %parallel_loop3A_314 = vector.shape_cast %parallel_loop3A_306 : vector<16xf32> to vector<16xf32>
      tpu.vector_store %arg20[%parallel_loop3A_311], %parallel_loop3A_314 {strides = array<i32>} : memref<1664xf32, #tpu.memory_space<vmem>>, vector<16xf32>,
      %parallel_loop3A_315 = arith.index_cast %parallel_loop3A_269 : i32 to index
      %parallel_loop3A_316 = arith.constant 48 : index
      %parallel_loop3A_317 = tpu.vector_load %arg12[%parallel_loop3A_315, %parallel_loop3A_316] {strides = array<i32>} : memref<26x128xf32, #tpu.memory_space<vmem>>, vector<1x16xf32>,
      %parallel_loop3A_318 = vector.shape_cast %parallel_loop3A_317 : vector<1x16xf32> to vector<16xf32>
      %parallel_loop3A_319 = arith.constant 1.57079637 : f32
      %parallel_loop3A_320 = vector.broadcast %parallel_loop3A_319 : f32 to vector<16xf32>
      %parallel_loop3A_321 = arith.mulf %parallel_loop3A_318, %parallel_loop3A_320 : vector<16xf32>
      %parallel_loop3A_322 = arith.constant 64 : i32
      %parallel_loop3A_323 = arith.muli %parallel_loop3A_269, %parallel_loop3A_322 : i32
      %parallel_loop3A_324 = arith.constant 48 : i32
      %parallel_loop3A_325 = arith.addi %parallel_loop3A_323, %parallel_loop3A_324 : i32
      %parallel_loop3A_326 = arith.index_cast %parallel_loop3A_325 : i32 to index
      %parallel_loop3A_327 = tpu.vector_load %arg20[%parallel_loop3A_326] {strides = array<i32>} : memref<1664xf32, #tpu.memory_space<vmem>>, vector<16xf32>,
      %parallel_loop3A_328 = vector.shape_cast %parallel_loop3A_327 : vector<16xf32> to vector<16xf32>
      %parallel_loop3A_329 = vector.shape_cast %parallel_loop3A_321 : vector<16xf32> to vector<16xf32>
      tpu.vector_store %arg20[%parallel_loop3A_326], %parallel_loop3A_329 {strides = array<i32>} : memref<1664xf32, #tpu.memory_space<vmem>>, vector<16xf32>,
    } {sc.loop_unroll_factor = 2 : i64, sc.parallel_access}
    %add3A_179 = arith.constant 126 : i32
    %add3A_180 = arith.addi %mul3A_2, %add3A_179 : i32
    %dma_start3A_181 = arith.constant 0 : i32
    %dma_start3A_182 = tpu.memref_slice %arg4[%add3A_180, %dma_start3A_181] : memref<4096x1664xf32, #tpu.memory_space<hbm>> -> memref<1x1664xf32, #tpu.memory_space<hbm>>
    %dma_start3A_183 = tpu.memref_squeeze %dma_start3A_182 : memref<1x1664xf32, #tpu.memory_space<hbm>> -> memref<1664xf32, #tpu.memory_space<hbm>>
    %dma_start3A_184 = arith.constant 0 : i32
    %dma_start3A_185 = tpu.memref_slice %arg4[%add3A_180, %dma_start3A_184] : memref<4096x1664xf32, #tpu.memory_space<hbm>> -> memref<1x1664xf32, #tpu.memory_space<hbm>>
    %dma_start3A_186 = tpu.memref_squeeze %dma_start3A_185 : memref<1x1664xf32, #tpu.memory_space<hbm>> -> memref<1664xf32, #tpu.memory_space<hbm>>
    tpu.enqueue_dma source(%arg20 : memref<1664xf32, #tpu.memory_space<vmem>>) target(%dma_start3A_186 : memref<1664xf32, #tpu.memory_space<hbm>>) target_semaphore(%arg36 : memref<!tpu.dma_semaphore, #tpu.memory_space<semaphore_mem>>)
    %dma_wait3A_187 = arith.constant 127 : i32
    %dma_wait3A_188 = arith.constant 0 : i32
    %dma_wait3A_189 = tpu.memref_slice %arg5[%dma_wait3A_187, %dma_wait3A_188] : memref<128x26xi32, #tpu.memory_space<vmem>> -> memref<1x26xi32, #tpu.memory_space<vmem>>
    %dma_wait3A_190 = tpu.memref_squeeze %dma_wait3A_189 : memref<1x26xi32, #tpu.memory_space<vmem>> -> memref<26xi32, #tpu.memory_space<vmem>>
    %dma_wait3A_191 = arith.constant 0 : i32
    %dma_wait3A_192 = arith.constant 0 : i32
    %dma_wait3A_193 = tpu.memref_slice %arg3[%dma_wait3A_191, %dma_wait3A_192] : memref<100000x128xf32, #tpu.memory_space<hbm>> -> memref<100000x128xf32, #tpu.memory_space<hbm>>
    tpu.wait_indirect_dma semaphore(%arg29 : memref<!tpu.dma_semaphore, #tpu.memory_space<semaphore_mem>>) src(%dma_wait3A_193 : memref<100000x128xf32, #tpu.memory_space<hbm>>) dst(%arg13 : memref<26x128xf32, #tpu.memory_space<vmem>>)
    %parallel_loop3A_194 = arith.constant 0 : i32
    %parallel_loop3A_195 = arith.constant 26 : i32
    %parallel_loop3A_196 = arith.constant 1 : i32
    scf.for %parallel_loop3A_269 = %parallel_loop3A_194 to %parallel_loop3A_195 step %parallel_loop3A_196  : i32 {
      %parallel_loop3A_270 = arith.index_cast %parallel_loop3A_269 : i32 to index
      %parallel_loop3A_271 = arith.constant 0 : index
      %parallel_loop3A_272 = tpu.vector_load %arg13[%parallel_loop3A_270, %parallel_loop3A_271] {strides = array<i32>} : memref<26x128xf32, #tpu.memory_space<vmem>>, vector<1x16xf32>,
      %parallel_loop3A_273 = vector.shape_cast %parallel_loop3A_272 : vector<1x16xf32> to vector<16xf32>
      %parallel_loop3A_274 = arith.constant 1.57079637 : f32
      %parallel_loop3A_275 = vector.broadcast %parallel_loop3A_274 : f32 to vector<16xf32>
      %parallel_loop3A_276 = arith.mulf %parallel_loop3A_273, %parallel_loop3A_275 : vector<16xf32>
      %parallel_loop3A_277 = arith.constant 64 : i32
      %parallel_loop3A_278 = arith.muli %parallel_loop3A_269, %parallel_loop3A_277 : i32
      %parallel_loop3A_279 = arith.constant 0 : i32
      %parallel_loop3A_280 = arith.addi %parallel_loop3A_278, %parallel_loop3A_279 : i32
      %parallel_loop3A_281 = arith.index_cast %parallel_loop3A_280 : i32 to index
      %parallel_loop3A_282 = tpu.vector_load %arg21[%parallel_loop3A_281] {strides = array<i32>} : memref<1664xf32, #tpu.memory_space<vmem>>, vector<16xf32>,
      %parallel_loop3A_283 = vector.shape_cast %parallel_loop3A_282 : vector<16xf32> to vector<16xf32>
      %parallel_loop3A_284 = vector.shape_cast %parallel_loop3A_276 : vector<16xf32> to vector<16xf32>
      tpu.vector_store %arg21[%parallel_loop3A_281], %parallel_loop3A_284 {strides = array<i32>} : memref<1664xf32, #tpu.memory_space<vmem>>, vector<16xf32>,
      %parallel_loop3A_285 = arith.index_cast %parallel_loop3A_269 : i32 to index
      %parallel_loop3A_286 = arith.constant 16 : index
      %parallel_loop3A_287 = tpu.vector_load %arg13[%parallel_loop3A_285, %parallel_loop3A_286] {strides = array<i32>} : memref<26x128xf32, #tpu.memory_space<vmem>>, vector<1x16xf32>,
      %parallel_loop3A_288 = vector.shape_cast %parallel_loop3A_287 : vector<1x16xf32> to vector<16xf32>
      %parallel_loop3A_289 = arith.constant 1.57079637 : f32
      %parallel_loop3A_290 = vector.broadcast %parallel_loop3A_289 : f32 to vector<16xf32>
      %parallel_loop3A_291 = arith.mulf %parallel_loop3A_288, %parallel_loop3A_290 : vector<16xf32>
      %parallel_loop3A_292 = arith.constant 64 : i32
      %parallel_loop3A_293 = arith.muli %parallel_loop3A_269, %parallel_loop3A_292 : i32
      %parallel_loop3A_294 = arith.constant 16 : i32
      %parallel_loop3A_295 = arith.addi %parallel_loop3A_293, %parallel_loop3A_294 : i32
      %parallel_loop3A_296 = arith.index_cast %parallel_loop3A_295 : i32 to index
      %parallel_loop3A_297 = tpu.vector_load %arg21[%parallel_loop3A_296] {strides = array<i32>} : memref<1664xf32, #tpu.memory_space<vmem>>, vector<16xf32>,
      %parallel_loop3A_298 = vector.shape_cast %parallel_loop3A_297 : vector<16xf32> to vector<16xf32>
      %parallel_loop3A_299 = vector.shape_cast %parallel_loop3A_291 : vector<16xf32> to vector<16xf32>
      tpu.vector_store %arg21[%parallel_loop3A_296], %parallel_loop3A_299 {strides = array<i32>} : memref<1664xf32, #tpu.memory_space<vmem>>, vector<16xf32>,
      %parallel_loop3A_300 = arith.index_cast %parallel_loop3A_269 : i32 to index
      %parallel_loop3A_301 = arith.constant 32 : index
      %parallel_loop3A_302 = tpu.vector_load %arg13[%parallel_loop3A_300, %parallel_loop3A_301] {strides = array<i32>} : memref<26x128xf32, #tpu.memory_space<vmem>>, vector<1x16xf32>,
      %parallel_loop3A_303 = vector.shape_cast %parallel_loop3A_302 : vector<1x16xf32> to vector<16xf32>
      %parallel_loop3A_304 = arith.constant 1.57079637 : f32
      %parallel_loop3A_305 = vector.broadcast %parallel_loop3A_304 : f32 to vector<16xf32>
      %parallel_loop3A_306 = arith.mulf %parallel_loop3A_303, %parallel_loop3A_305 : vector<16xf32>
      %parallel_loop3A_307 = arith.constant 64 : i32
      %parallel_loop3A_308 = arith.muli %parallel_loop3A_269, %parallel_loop3A_307 : i32
      %parallel_loop3A_309 = arith.constant 32 : i32
      %parallel_loop3A_310 = arith.addi %parallel_loop3A_308, %parallel_loop3A_309 : i32
      %parallel_loop3A_311 = arith.index_cast %parallel_loop3A_310 : i32 to index
      %parallel_loop3A_312 = tpu.vector_load %arg21[%parallel_loop3A_311] {strides = array<i32>} : memref<1664xf32, #tpu.memory_space<vmem>>, vector<16xf32>,
      %parallel_loop3A_313 = vector.shape_cast %parallel_loop3A_312 : vector<16xf32> to vector<16xf32>
      %parallel_loop3A_314 = vector.shape_cast %parallel_loop3A_306 : vector<16xf32> to vector<16xf32>
      tpu.vector_store %arg21[%parallel_loop3A_311], %parallel_loop3A_314 {strides = array<i32>} : memref<1664xf32, #tpu.memory_space<vmem>>, vector<16xf32>,
      %parallel_loop3A_315 = arith.index_cast %parallel_loop3A_269 : i32 to index
      %parallel_loop3A_316 = arith.constant 48 : index
      %parallel_loop3A_317 = tpu.vector_load %arg13[%parallel_loop3A_315, %parallel_loop3A_316] {strides = array<i32>} : memref<26x128xf32, #tpu.memory_space<vmem>>, vector<1x16xf32>,
      %parallel_loop3A_318 = vector.shape_cast %parallel_loop3A_317 : vector<1x16xf32> to vector<16xf32>
      %parallel_loop3A_319 = arith.constant 1.57079637 : f32
      %parallel_loop3A_320 = vector.broadcast %parallel_loop3A_319 : f32 to vector<16xf32>
      %parallel_loop3A_321 = arith.mulf %parallel_loop3A_318, %parallel_loop3A_320 : vector<16xf32>
      %parallel_loop3A_322 = arith.constant 64 : i32
      %parallel_loop3A_323 = arith.muli %parallel_loop3A_269, %parallel_loop3A_322 : i32
      %parallel_loop3A_324 = arith.constant 48 : i32
      %parallel_loop3A_325 = arith.addi %parallel_loop3A_323, %parallel_loop3A_324 : i32
      %parallel_loop3A_326 = arith.index_cast %parallel_loop3A_325 : i32 to index
      %parallel_loop3A_327 = tpu.vector_load %arg21[%parallel_loop3A_326] {strides = array<i32>} : memref<1664xf32, #tpu.memory_space<vmem>>, vector<16xf32>,
      %parallel_loop3A_328 = vector.shape_cast %parallel_loop3A_327 : vector<16xf32> to vector<16xf32>
      %parallel_loop3A_329 = vector.shape_cast %parallel_loop3A_321 : vector<16xf32> to vector<16xf32>
      tpu.vector_store %arg21[%parallel_loop3A_326], %parallel_loop3A_329 {strides = array<i32>} : memref<1664xf32, #tpu.memory_space<vmem>>, vector<16xf32>,
    } {sc.loop_unroll_factor = 2 : i64, sc.parallel_access}
    %add3A_197 = arith.constant 127 : i32
    %add3A_198 = arith.addi %mul3A_2, %add3A_197 : i32
    %dma_start3A_199 = arith.constant 0 : i32
    %dma_start3A_200 = tpu.memref_slice %arg4[%add3A_198, %dma_start3A_199] : memref<4096x1664xf32, #tpu.memory_space<hbm>> -> memref<1x1664xf32, #tpu.memory_space<hbm>>
    %dma_start3A_201 = tpu.memref_squeeze %dma_start3A_200 : memref<1x1664xf32, #tpu.memory_space<hbm>> -> memref<1664xf32, #tpu.memory_space<hbm>>
    %dma_start3A_202 = arith.constant 0 : i32
    %dma_start3A_203 = tpu.memref_slice %arg4[%add3A_198, %dma_start3A_202] : memref<4096x1664xf32, #tpu.memory_space<hbm>> -> memref<1x1664xf32, #tpu.memory_space<hbm>>
    %dma_start3A_204 = tpu.memref_squeeze %dma_start3A_203 : memref<1x1664xf32, #tpu.memory_space<hbm>> -> memref<1664xf32, #tpu.memory_space<hbm>>
    tpu.enqueue_dma source(%arg21 : memref<1664xf32, #tpu.memory_space<vmem>>) target(%dma_start3A_204 : memref<1664xf32, #tpu.memory_space<hbm>>) target_semaphore(%arg37 : memref<!tpu.dma_semaphore, #tpu.memory_space<semaphore_mem>>)
    %add3A_205 = arith.constant 120 : i32
    %add3A_206 = arith.addi %mul3A_2, %add3A_205 : i32
    %dma_wait3A_207 = arith.constant 0 : i32
    %dma_wait3A_208 = tpu.memref_slice %arg4[%add3A_206, %dma_wait3A_207] : memref<4096x1664xf32, #tpu.memory_space<hbm>> -> memref<1x1664xf32, #tpu.memory_space<hbm>>
    %dma_wait3A_209 = tpu.memref_squeeze %dma_wait3A_208 : memref<1x1664xf32, #tpu.memory_space<hbm>> -> memref<1664xf32, #tpu.memory_space<hbm>>
    %dma_wait3A_210 = arith.constant 0 : i32
    %dma_wait3A_211 = tpu.memref_slice %arg4[%add3A_206, %dma_wait3A_210] : memref<4096x1664xf32, #tpu.memory_space<hbm>> -> memref<1x1664xf32, #tpu.memory_space<hbm>>
    %dma_wait3A_212 = tpu.memref_squeeze %dma_wait3A_211 : memref<1x1664xf32, #tpu.memory_space<hbm>> -> memref<1664xf32, #tpu.memory_space<hbm>>
    tpu.wait_dma2 semaphore(%arg30 : memref<!tpu.dma_semaphore, #tpu.memory_space<semaphore_mem>>) src(%arg14 : memref<1664xf32, #tpu.memory_space<vmem>>) dst(%dma_wait3A_212 : memref<1664xf32, #tpu.memory_space<hbm>>)
    %add3A_213 = arith.constant 121 : i32
    %add3A_214 = arith.addi %mul3A_2, %add3A_213 : i32
    %dma_wait3A_215 = arith.constant 0 : i32
    %dma_wait3A_216 = tpu.memref_slice %arg4[%add3A_214, %dma_wait3A_215] : memref<4096x1664xf32, #tpu.memory_space<hbm>> -> memref<1x1664xf32, #tpu.memory_space<hbm>>
    %dma_wait3A_217 = tpu.memref_squeeze %dma_wait3A_216 : memref<1x1664xf32, #tpu.memory_space<hbm>> -> memref<1664xf32, #tpu.memory_space<hbm>>
    %dma_wait3A_218 = arith.constant 0 : i32
    %dma_wait3A_219 = tpu.memref_slice %arg4[%add3A_214, %dma_wait3A_218] : memref<4096x1664xf32, #tpu.memory_space<hbm>> -> memref<1x1664xf32, #tpu.memory_space<hbm>>
    %dma_wait3A_220 = tpu.memref_squeeze %dma_wait3A_219 : memref<1x1664xf32, #tpu.memory_space<hbm>> -> memref<1664xf32, #tpu.memory_space<hbm>>
    tpu.wait_dma2 semaphore(%arg31 : memref<!tpu.dma_semaphore, #tpu.memory_space<semaphore_mem>>) src(%arg15 : memref<1664xf32, #tpu.memory_space<vmem>>) dst(%dma_wait3A_220 : memref<1664xf32, #tpu.memory_space<hbm>>)
    %add3A_221 = arith.constant 122 : i32
    %add3A_222 = arith.addi %mul3A_2, %add3A_221 : i32
    %dma_wait3A_223 = arith.constant 0 : i32
    %dma_wait3A_224 = tpu.memref_slice %arg4[%add3A_222, %dma_wait3A_223] : memref<4096x1664xf32, #tpu.memory_space<hbm>> -> memref<1x1664xf32, #tpu.memory_space<hbm>>
    %dma_wait3A_225 = tpu.memref_squeeze %dma_wait3A_224 : memref<1x1664xf32, #tpu.memory_space<hbm>> -> memref<1664xf32, #tpu.memory_space<hbm>>
    %dma_wait3A_226 = arith.constant 0 : i32
    %dma_wait3A_227 = tpu.memref_slice %arg4[%add3A_222, %dma_wait3A_226] : memref<4096x1664xf32, #tpu.memory_space<hbm>> -> memref<1x1664xf32, #tpu.memory_space<hbm>>
    %dma_wait3A_228 = tpu.memref_squeeze %dma_wait3A_227 : memref<1x1664xf32, #tpu.memory_space<hbm>> -> memref<1664xf32, #tpu.memory_space<hbm>>
    tpu.wait_dma2 semaphore(%arg32 : memref<!tpu.dma_semaphore, #tpu.memory_space<semaphore_mem>>) src(%arg16 : memref<1664xf32, #tpu.memory_space<vmem>>) dst(%dma_wait3A_228 : memref<1664xf32, #tpu.memory_space<hbm>>)
    %add3A_229 = arith.constant 123 : i32
    %add3A_230 = arith.addi %mul3A_2, %add3A_229 : i32
    %dma_wait3A_231 = arith.constant 0 : i32
    %dma_wait3A_232 = tpu.memref_slice %arg4[%add3A_230, %dma_wait3A_231] : memref<4096x1664xf32, #tpu.memory_space<hbm>> -> memref<1x1664xf32, #tpu.memory_space<hbm>>
    %dma_wait3A_233 = tpu.memref_squeeze %dma_wait3A_232 : memref<1x1664xf32, #tpu.memory_space<hbm>> -> memref<1664xf32, #tpu.memory_space<hbm>>
    %dma_wait3A_234 = arith.constant 0 : i32
    %dma_wait3A_235 = tpu.memref_slice %arg4[%add3A_230, %dma_wait3A_234] : memref<4096x1664xf32, #tpu.memory_space<hbm>> -> memref<1x1664xf32, #tpu.memory_space<hbm>>
    %dma_wait3A_236 = tpu.memref_squeeze %dma_wait3A_235 : memref<1x1664xf32, #tpu.memory_space<hbm>> -> memref<1664xf32, #tpu.memory_space<hbm>>
    tpu.wait_dma2 semaphore(%arg33 : memref<!tpu.dma_semaphore, #tpu.memory_space<semaphore_mem>>) src(%arg17 : memref<1664xf32, #tpu.memory_space<vmem>>) dst(%dma_wait3A_236 : memref<1664xf32, #tpu.memory_space<hbm>>)
    %add3A_237 = arith.constant 124 : i32
    %add3A_238 = arith.addi %mul3A_2, %add3A_237 : i32
    %dma_wait3A_239 = arith.constant 0 : i32
    %dma_wait3A_240 = tpu.memref_slice %arg4[%add3A_238, %dma_wait3A_239] : memref<4096x1664xf32, #tpu.memory_space<hbm>> -> memref<1x1664xf32, #tpu.memory_space<hbm>>
    %dma_wait3A_241 = tpu.memref_squeeze %dma_wait3A_240 : memref<1x1664xf32, #tpu.memory_space<hbm>> -> memref<1664xf32, #tpu.memory_space<hbm>>
    %dma_wait3A_242 = arith.constant 0 : i32
    %dma_wait3A_243 = tpu.memref_slice %arg4[%add3A_238, %dma_wait3A_242] : memref<4096x1664xf32, #tpu.memory_space<hbm>> -> memref<1x1664xf32, #tpu.memory_space<hbm>>
    %dma_wait3A_244 = tpu.memref_squeeze %dma_wait3A_243 : memref<1x1664xf32, #tpu.memory_space<hbm>> -> memref<1664xf32, #tpu.memory_space<hbm>>
    tpu.wait_dma2 semaphore(%arg34 : memref<!tpu.dma_semaphore, #tpu.memory_space<semaphore_mem>>) src(%arg18 : memref<1664xf32, #tpu.memory_space<vmem>>) dst(%dma_wait3A_244 : memref<1664xf32, #tpu.memory_space<hbm>>)
    %add3A_245 = arith.constant 125 : i32
    %add3A_246 = arith.addi %mul3A_2, %add3A_245 : i32
    %dma_wait3A_247 = arith.constant 0 : i32
    %dma_wait3A_248 = tpu.memref_slice %arg4[%add3A_246, %dma_wait3A_247] : memref<4096x1664xf32, #tpu.memory_space<hbm>> -> memref<1x1664xf32, #tpu.memory_space<hbm>>
    %dma_wait3A_249 = tpu.memref_squeeze %dma_wait3A_248 : memref<1x1664xf32, #tpu.memory_space<hbm>> -> memref<1664xf32, #tpu.memory_space<hbm>>
    %dma_wait3A_250 = arith.constant 0 : i32
    %dma_wait3A_251 = tpu.memref_slice %arg4[%add3A_246, %dma_wait3A_250] : memref<4096x1664xf32, #tpu.memory_space<hbm>> -> memref<1x1664xf32, #tpu.memory_space<hbm>>
    %dma_wait3A_252 = tpu.memref_squeeze %dma_wait3A_251 : memref<1x1664xf32, #tpu.memory_space<hbm>> -> memref<1664xf32, #tpu.memory_space<hbm>>
    tpu.wait_dma2 semaphore(%arg35 : memref<!tpu.dma_semaphore, #tpu.memory_space<semaphore_mem>>) src(%arg19 : memref<1664xf32, #tpu.memory_space<vmem>>) dst(%dma_wait3A_252 : memref<1664xf32, #tpu.memory_space<hbm>>)
    %add3A_253 = arith.constant 126 : i32
    %add3A_254 = arith.addi %mul3A_2, %add3A_253 : i32
    %dma_wait3A_255 = arith.constant 0 : i32
    %dma_wait3A_256 = tpu.memref_slice %arg4[%add3A_254, %dma_wait3A_255] : memref<4096x1664xf32, #tpu.memory_space<hbm>> -> memref<1x1664xf32, #tpu.memory_space<hbm>>
    %dma_wait3A_257 = tpu.memref_squeeze %dma_wait3A_256 : memref<1x1664xf32, #tpu.memory_space<hbm>> -> memref<1664xf32, #tpu.memory_space<hbm>>
    %dma_wait3A_258 = arith.constant 0 : i32
    %dma_wait3A_259 = tpu.memref_slice %arg4[%add3A_254, %dma_wait3A_258] : memref<4096x1664xf32, #tpu.memory_space<hbm>> -> memref<1x1664xf32, #tpu.memory_space<hbm>>
    %dma_wait3A_260 = tpu.memref_squeeze %dma_wait3A_259 : memref<1x1664xf32, #tpu.memory_space<hbm>> -> memref<1664xf32, #tpu.memory_space<hbm>>
    tpu.wait_dma2 semaphore(%arg36 : memref<!tpu.dma_semaphore, #tpu.memory_space<semaphore_mem>>) src(%arg20 : memref<1664xf32, #tpu.memory_space<vmem>>) dst(%dma_wait3A_260 : memref<1664xf32, #tpu.memory_space<hbm>>)
    %add3A_261 = arith.constant 127 : i32
    %add3A_262 = arith.addi %mul3A_2, %add3A_261 : i32
    %dma_wait3A_263 = arith.constant 0 : i32
    %dma_wait3A_264 = tpu.memref_slice %arg4[%add3A_262, %dma_wait3A_263] : memref<4096x1664xf32, #tpu.memory_space<hbm>> -> memref<1x1664xf32, #tpu.memory_space<hbm>>
    %dma_wait3A_265 = tpu.memref_squeeze %dma_wait3A_264 : memref<1x1664xf32, #tpu.memory_space<hbm>> -> memref<1664xf32, #tpu.memory_space<hbm>>
    %dma_wait3A_266 = arith.constant 0 : i32
    %dma_wait3A_267 = tpu.memref_slice %arg4[%add3A_262, %dma_wait3A_266] : memref<4096x1664xf32, #tpu.memory_space<hbm>> -> memref<1x1664xf32, #tpu.memory_space<hbm>>
    %dma_wait3A_268 = tpu.memref_squeeze %dma_wait3A_267 : memref<1x1664xf32, #tpu.memory_space<hbm>> -> memref<1664xf32, #tpu.memory_space<hbm>>
    tpu.wait_dma2 semaphore(%arg37 : memref<!tpu.dma_semaphore, #tpu.memory_space<semaphore_mem>>) src(%arg21 : memref<1664xf32, #tpu.memory_space<vmem>>) dst(%dma_wait3A_268 : memref<1664xf32, #tpu.memory_space<hbm>>)
    return
  }
}

</mosaic_0001>

<sc_bundles>
// kernel: kernel.3.cloned.1.call-start
scs
__scs_entry_jumppad:
0x0: {  	(pc) =	sbr.rel $0x88, $3  }
0x1: {  	(tag) =	ssettag $0x0;
	lr =	simm.s32 $0x1  }
0x2: {  	[smem:$0x3F9F] =	sst lr;
	_ =	strace $0xD0000000  }
0x3: {  	_ = 	snop  }
0x4: {  	_ = 	snop  }
0x5: {  	_ = 	snop  }
0x6: {  	_ = 	snop  }
0x7: {  	_ = 	snop  }
__scs_overlays_trampoline_lowered:
0x8: {  	[smem:$0x3FAE] =	sst s0  }
0x9: {  	[smem:$0x3FAF] =	sst s1  }
0xa: {  	[smem:$0x3FB0] =	sst s2  }
0xb: {  	[smem:$0x3FB1] =	sst s3  }
0xc: {  	[smem:$0x3FB2] =	sst s4  }
0xd: {  	[smem:$0x3FB3] =	sst s5  }
0xe: {  	[smem:$0x3FB4] =	sst s6  }
0xf: {  	[smem:$0x3FB5] =	sst s7  }
0x10: {  	[smem:$0x3FB6] =	sst s8  }
0x11: {  	[smem:$0x3FB7] =	sst s9;
	s0 =	simm.s32 @!p0 $0x0  }
0x12: {  	s1 =	sld [smem:$0x3F9D];
	s0 =	simm.s32 @p0 $0x1  }
0x13: {  	[smem:$0x3FB8] =	sst s0;
	s0 =	simm.s32 @!p1 $0x0  }
0x14: {  	s2 =	sld [smem:$0x3F9C];
	s0 =	simm.s32 @p1 $0x1  }
0x15: {  	[smem:$0x3FB9] =	sst s0;
	s0 =	simm.s32 @!p2 $0x0  }
0x16: {  	s3 =	sld [smem:$0x3FDB];
	s0 =	simm.s32 @p2 $0x1  }
0x17: {  	s4 =	simm.s32 $0x1BF5;
	[smem:$0x3FBB] =	sst s0  }
0x18: {  	s0 =	sld [smem:$0x3F9E];
	_ =	swait.ge [sflag:s4], $0x0  }
0x19: {  	s7 =	sld [smem:$0x3F9F]  }
0x1a: {  	s8 =	sadd.s32 $0xFFFFE003, lr  }
0x1b: {  	s9 =	sadd.s32 $0xFFFFFEF7, lr;
	s5 =	simm.s32 $0xFFFFFFFF;
	p2 =	slt.u32 s8, $0xFFFFF086  }
0x1c: {  	p1 =	slt.u32 s9, $0xF7A;
	s5 =	simm.s32 @!p2 $0x0  }
0x1d: {  	s5 =	simm.s32 @p1 $0x1;
	p0 =	seq.s32 s7, s2  }
0x1e: {  	s7 =	smul.u32 @!p0 $0xF7A, s2;
	p2 =	seq.s32 @!p0 s5, $0x0  }
0x1f: {  	s9 =	smul.u32 $0xF7A, s1;
	s8 =	simm.s32 @!p0 $0x1BF5;
	p2 =	por !p2, p0  }
0x20: {  	[sflag:s8] =	ssyncset.s32 @!p0 $0xFFFFF086;
	s6 =	sadd.s32 @!p0 s3, s7;
	s7 =	simm.s32 @!p0 $0x108  }
0x21: {  	s3 =	sadd.s32 s3, s9;
	s6 =	sadd.s32 @!p0 $0x88, s6;
	s7 =	simm.s32 @p2 $0x1082  }
0x22: {  	[simem:s7], [sflag:s8] =	dma.local @!p0 [hbm:s6], $0xF7A  }
0x23: {  	s9 =	sor.u32 $0xD0000000, s2;
	s6 =	simm.s32 $0x108;
	_ =	swait.ge @!p0 [sflag:s8], $0x0  }
0x24: {  	s3 =	sadd.s32 $0x88, s3;
	s6 =	simm.s32 @!p1 $0x1082;
	[sflag:s4] =	ssyncset.s32 $0xFFFFF086  }
0x25: {  	[simem:s6], [sflag:s4] =	dma.local [hbm:s3], $0xF7A  }
0x26: {  	[smem:$0x3F9F] =	sst s1;
	(tag) =	ssettag s2;
	_ =	strace s9  }
0x27: {  	s1 =	sld [smem:$0x3FAF]  }
0x28: {  	s2 =	sld [smem:$0x3FB0]  }
0x29: {  	s4 =	sld [smem:$0x3FB2]  }
0x2a: {  	p0 =	seq.s32 s5, $0x0;
	s5 =	sld [smem:$0x3FB3]  }
0x2b: {  	s6 =	sld [smem:$0x3FB4]  }
0x2c: {  	s7 =	sld [smem:$0x3FB5]  }
0x2d: {  	s3 =	simm.s32 $0x108;
	s8 =	sld [smem:$0x3FB6]  }
0x2e: {  	s3 =	simm.s32 @!p0 $0x1082;
	s9 =	sld [smem:$0x3FB7]  }
0x2f: {  	lr =	sadd.s32 s0, s3;
	s0 =	sld [smem:$0x3FAE]  }
0x30: {  	s3 =	sld [smem:$0x3FB1]  }
0x31: {  	[smem:$0x3FBA] =	sst s10  }
0x32: {  	s10 =	sld [smem:$0x3FB8];
	_ =	sdelay $0x3  }
0x33: {  	p0 =	seq.s32 s10, $0x1;
	s10 =	sld [smem:$0x3FBA];
	_ =	sdelay $0x3  }
0x34: {  	[smem:$0x3FBA] =	sst s10  }
0x35: {  	s10 =	sld [smem:$0x3FB9];
	_ =	sdelay $0x3  }
0x36: {  	p1 =	seq.s32 s10, $0x1;
	s10 =	sld [smem:$0x3FBA];
	_ =	sdelay $0x3  }
0x37: {  	[smem:$0x3FBA] =	sst s10  }
0x38: {  	s10 =	sld [smem:$0x3FBB]  }
0x39: {  	_ = 	snop;
	(pc) =	sbr.ind lr, $3  }
0x3a: {  	_ = 	snop  }
0x3b: {  	_ = 	snop  }
0x3c: {  	p2 =	seq.s32 s10, $0x1;
	s10 =	sld [smem:$0x3FBA]  }
0x3d: {  	_ =	shalt  }
0x3e: {  	_ =	shalt  }
0x3f: {  	_ =	shalt  }
0x40: {  	_ =	shalt  }
0x41: {  	_ =	shalt  }
0x42: {  	_ =	shalt  }
0x43: {  	_ =	shalt  }
0x44: {  	_ =	shalt  }
0x45: {  	_ =	shalt  }
0x46: {  	_ =	shalt  }
0x47: {  	_ =	shalt  }
0x48: {  	_ =	shalt  }
0x49: {  	_ =	shalt  }
0x4a: {  	_ =	shalt  }
0x4b: {  	_ =	shalt  }
0x4c: {  	_ =	shalt  }
0x4d: {  	_ =	shalt  }
0x4e: {  	_ =	shalt  }
0x4f: {  	_ =	shalt  }
0x50: {  	_ =	shalt  }
0x51: {  	_ =	shalt  }
0x52: {  	_ =	shalt  }
0x53: {  	_ =	shalt  }
0x54: {  	_ =	shalt  }
0x55: {  	_ =	shalt  }
0x56: {  	_ =	shalt  }
0x57: {  	_ =	shalt  }
0x58: {  	_ =	shalt  }
0x59: {  	_ =	shalt  }
0x5a: {  	_ =	shalt  }
0x5b: {  	_ =	shalt  }
0x5c: {  	_ =	shalt  }
0x5d: {  	_ =	shalt  }
0x5e: {  	_ =	shalt  }
0x5f: {  	_ =	shalt  }
0x60: {  	_ =	shalt  }
0x61: {  	_ =	shalt  }
0x62: {  	_ =	shalt  }
0x63: {  	_ =	shalt  }
0x64: {  	_ =	shalt  }
0x65: {  	_ =	shalt  }
0x66: {  	_ =	shalt  }
0x67: {  	_ =	shalt  }
0x68: {  	_ =	shalt  }
0x69: {  	_ =	shalt  }
0x6a: {  	_ =	shalt  }
0x6b: {  	_ =	shalt  }
0x6c: {  	_ =	shalt  }
0x6d: {  	_ =	shalt  }
0x6e: {  	_ =	shalt  }
0x6f: {  	_ =	shalt  }
0x70: {  	_ =	shalt  }
0x71: {  	_ =	shalt  }
0x72: {  	_ =	shalt  }
0x73: {  	_ =	shalt  }
0x74: {  	_ =	shalt  }
0x75: {  	_ =	shalt  }
0x76: {  	_ =	shalt  }
0x77: {  	_ =	shalt  }
0x78: {  	_ =	shalt  }
0x79: {  	_ =	shalt  }
0x7a: {  	_ =	shalt  }
0x7b: {  	_ =	shalt  }
0x7c: {  	_ =	shalt  }
0x7d: {  	_ =	shalt  }
0x7e: {  	_ =	shalt  }
0x7f: {  	_ =	shalt  }
0x80: {  	_ =	shalt  }
0x81: {  	_ =	shalt  }
0x82: {  	_ =	shalt  }
0x83: {  	_ =	shalt  }
0x84: {  	_ =	shalt  }
0x85: {  	_ =	shalt  }
0x86: {  	_ =	shalt  }
0x87: {  	_ =	shalt  }
.Lfunc_end0:
.L_simem_size_0:
called_computation_lowered:
.L_overlay_start_0:
0x88: {  	s2 =	sld [smem:$0x3FD9]  }
0x89: {  	s3 =	sld [smem:$0x3FFE];
	_ =	sdelay $0x1  }
0x8a: {  	s1 =	srdreg.scid  }
0x8b: {  	s0 =	sand.u32 $0x1, s1  }
0x8c: {  	s17 =	sshll.u32 s0, $0xA;
	s2 =	sadd.s32 s3, s2  }
0x8d: {  	s2 =	sadd.s32 s2, s17  }
0x8e: {  	[smem:$0x3FC6] =	sst s2  }
0x8f: {  	_ = 	snop  }
0x90: {  	s2 =	sld [smem:$0x3FD0];
	(tm) =	ssettm $0x1  }
0x91: {  	s18 =	sld [smem:$0x3FFB];
	_ =	sdelay $0x3  }
0x92: {  	_ =	strace s18  }
0x93: {  	s3 =	sld [smem:$0x3FFC];
	_ =	sdelay $0x3  }
0x94: {  	_ =	strace s3  }
0x95: {  	s3 =	sld [smem:$0x3FFD];
	_ =	sdelay $0x3  }
0x96: {  	_ =	strace s3  }
0x97: {  	_ =	strace $0x8FFFFFFF  }
0x98: {  	s19 =	sld [smem:$0x3FDB];
	_ =	sdelay $0x1  }
0x99: {  	s4 =	simm.s32 $_scs_section_size  }
0x9a: {  	s5 =	simm.s32 $_size__tile_overlayer_lowered;
	s6 =	simm.s32 $_tile_overlayer_lowered  }
0x9b: {  	s22 =	simm.s32 $0x1BFF;
	s21 =	sshll.u32 s6, $0x1;
	s3 =	sadd.s32 s4, s19  }
0x9c: {  	s7 =	simm.s32 $0x0;
	s20 =	sshll.u32 s5, $0x1;
	s5 =	sadd.s32 s21, s3  }
0x9d: {  	[timem:s7], [sflag:s22] =	dma.local [hbm:s5], s20  }
0x9e: {  	_ =	swait.ge [sflag:s22], s20  }
0x9f: {  	s4 =	ssub.s32 $0x0, s20;
	[sflag:s22] =	ssyncset.done $0x0  }
0xa0: {  	[sflag:s22] =	ssyncadd.s32 s4;
	_ =	sdelay $0x1  }
0xa1: {  	s23 =	simm.s32 $0x1B8B  }
0xa2: {  	_ =	swait.ge [sflag:s23], $0x1  }
0xa3: {  	[sflag:s23] =	ssyncset.done $0x0  }
0xa4: {  	s25 =	simm.s32 $0x1B8E;
	s24 =	sld [smem:$0x3FFE];
	[sflag:s23] =	ssyncadd.s32 $0xFFFFFFFF  }
0xa5: {  	s26 =	simm.s32 $execute0_lowered;
	[smem:$0x3FD2] =	sst s25  }
0xa6: {  	s5 =	sshll.u32 s26, $0x1;
	_ =	strace $0x80000046;
	[dreg:$0x1] =	wrdreg $0xFFFFFFFF  }
0xa7: {  	s28 =	simm.s32 $_size_execute0_lowered;
	s3 =	sadd.s32 s3, s5;
	[dreg:$0x0] =	wrdreg $0x0  }
0xa8: {  	s5 =	sshll.u32 s28, $0x1;
	[dreg:$0x2] =	wrdreg s3  }
0xa9: {  	[dreg:$0x3] =	wrdreg s5  }
0xaa: {  	[dreg:$0x4] =	wrdreg $0xC0  }
0xab: {  	_ =	task [dreg:s7], $0x5FFFF  }
0xac: {  	[dreg:$0x1] =	wrdreg $0xFFFFFFFF  }
0xad: {  	[dreg:$0x0] =	wrdreg $0x60  }
0xae: {  	[dreg:$0x2] =	wrdreg s2  }
0xaf: {  	[dreg:$0x3] =	wrdreg s24  }
0xb0: {  	[dreg:$0x4] =	wrdreg $0x9  }
0xb1: {  	_ =	task.clear_ibuf [dreg:s7], $0x5FFFF;
	_ =	strace $0x90000046  }
0xb2: {  	s29 =	simm.s32 $0x9;
	_ =	strace $0x80000048  }
0xb3: {  	_ =	swait.ge [sflag:s29], $0x1  }
0xb4: {  	[sflag:s29] =	ssyncadd.s32 $0xFFFFFFFF  }
0xb5: {  	_ =	strace $0x90000048  }
0xb6: {  	_ =	sfence  }
0xb7: {  	s30 =	sld [smem:$0x0];
	_ =	sdelay $0x2  }
0xb8: {  	s31 =	sshll.u32 s1, $0xD;
	s1 =	sshrl.u32 s1, $0x2  }
0xb9: {  	s3 =	sand.u32 $0x4000, s31;
	s1 =	sadd.s32 s1, s30  }
0xba: {  	s0 =	sor.u32 s3, s0;
	s1 =	sshll.u32 s1, $0x11  }
0xbb: {  	s0 =	sor.u32 s1, s0  }
0xbc: {  	s0 =	sadd.s32 $0x8F2B, s0  }
0xbd: {  	[sflag:s0] =	ssyncadd.remote.s32 $0x1  }
0xbe: {  	_ =	sfence.sel $0xFFFF  }
0xbf: {  	[dreg:$0x0] =	wrdreg $0xFFFFFFFF;
	(pc) =	sbr.abs _section_cstart, $3  }
0xc0: {  	[dreg:$0x1] =	wrdreg $0xFFFFFFFF  }
0xc1: {  	_ =	task.clear_ibuf [dreg:s7], $0x2FFFF;
	_ =	strace $0x9FFFFFFF  }
0xc2: {  	(tm) =	ssettm $0x7FFFFFFF  }
0xc3: {  	_ =	shalt  }
tec
execute0_lowered:
.L_overlay_start_1:
0x0: {  	(tag) =	ssettag $0x1  }
0x1: {  	s0 =	rddreg [dreg:$0x0]  }
0x2: {  	s1 =	rddreg [dreg:$0x1];
	s2 =	srdreg.scid;
	s4 =	simm.s32 $0x0  }
0x3: {  	s3 =	stileid.u32;
	[smem:$0x7FF] =	sst s4;
	s12 =	sadd.s32 $0x610, s1  }
0x4: {  	s13 =	sadd.s32 $0x620, s1;
	_ =	strace $0x80000047;
	[dreg:$0x6] =	wrdreg s12  }
0x5: {  	s2 =	sand.u32 $0x1, s2;
	s14 =	sadd.s32 $0x630, s1;
	[dreg:$0x7] =	wrdreg s13  }
0x6: {  	s10 =	sshll.u32 s3, $0x8;
	s16 =	sadd.s32 $0x640, s1;
	[dreg:$0x8] =	wrdreg s14  }
0x7: {  	s3 =	sadd.s32 $0x187000, s1;
	s17 =	sadd.s32 $0x650, s1;
	[dreg:$0x9] =	wrdreg s16  }
0x8: {  	s7 =	sadd.s32 $0x600, s1;
	s5 =	sshll.u32 s2, $0x7;
	[dreg:$0xa] =	wrdreg s17  }
0x9: {  	s18 =	sadd.s32 $0x660, s1;
	[dreg:$0x3] =	wrdreg s7;
	s4 =	sor.u32 s5, s10  }
0xa: {  	s1 =	sadd.s32 $0x670, s1;
	[dreg:$0xb] =	wrdreg s18;
	s6 =	sshrl.u32 s4, $0x3  }
0xb: {  	s2 =	ssub.s32 $0x2, s2;
	[dreg:$0x4] =	wrdreg s6;
	s6 =	smul.u32 $0x3400, s6  }
0xc: {  	[dreg:$0xc] =	wrdreg s1;
	s11 =	sshrl.u32 s2, $0x1;
	s4 =	sshll.u32 s4, $0x4  }
0xd: {  	s2 =	ssub.s32 s2, s11;
	s0 =	sadd.s32 s0, s4;
	s15 =	sshrl.u32 s6, $0x3  }
0xe: {  	s26 =	smax.u32 s2, $0x1;
	[dreg:$0x5] =	wrdreg s0;
	s0 =	sadd.s32 s7, s15  }
0xf: {  	s28 =	simm.s32 $0xC;
	[dreg:$0x15] =	wrdreg s26;
	s19 =	sadd.s32 $0x6180, s0  }
0x10: {  	s30 =	simm.s32 $0x5;
	s20 =	sadd.s32 $0x6190, s0;
	[dreg:$0xd] =	wrdreg s19  }
0x11: {  	s29 =	simm.s32 $0xD;
	s21 =	sadd.s32 $0x61A0, s0;
	[dreg:$0xe] =	wrdreg s20  }
0x12: {  	s31 =	simm.s32 $0x10;
	s22 =	sadd.s32 $0x61B0, s0;
	[dreg:$0xf] =	wrdreg s21  }
0x13: {  	s14 =	simm.s32 $0x400;
	s23 =	sadd.s32 $0x61C0, s0;
	[dreg:$0x10] =	wrdreg s22  }
0x14: {  	s1 =	simm.s32 $0x6;
	s24 =	sadd.s32 $0x61D0, s0;
	[dreg:$0x11] =	wrdreg s23  }
0x15: {  	s2 =	simm.s32 $0xE;
	s25 =	sadd.s32 $0x61E0, s0;
	[dreg:$0x12] =	wrdreg s24  }
0x16: {  	s4 =	simm.s32 $0x0;
	s0 =	sadd.s32 $0x61F0, s0;
	[dreg:$0x13] =	wrdreg s25  }
0x17: {  	s26 =	simm.s32 $0x80;
	s15 =	simm.s32 $0x7;
	[dreg:$0x14] =	wrdreg s0  }
0x18: {  	s24 =	simm.s32 $0x1A;
	s21 =	simm.s32 $0xF;
	s25 =	simm.s32 $0x8  }
.LBB2_1:
0x19: {  	[dreg:$0x16] =	wrdreg s4  }
0x1a: {  	s0 =	simm.s32 $0x0;
	s5 =	rddreg [dreg:$0x5];
	s6 =	simm.s32 $0x11  }
0x1b: {  	[tilespmem:s0], [sflag:$0x11] =	stream.linear.gather [hbm4b:s5+s0], $0x4000, $0x38;
	[tilespmem:$0xF400] =	vst v63  }
0x1c: {  	_ =	swait.ge [sflag:s6], $0x4000  }
0x1d: {  	[sflag:s6] =	ssyncset.done $0x0  }
0x1e: {  	s7 =	simm.s32 $0x4000;
	[sflag:s6] =	ssyncadd.s32 $0xFFFFC000  }
0x1f: {  	[tilespmem:s7], [sflag:$0x1] =	stream.indirect.gather [hbm4b:s3+s24], $0x80, s0, s24, $0xb8;
	[tilespmem:$0xF400] =	vst v63  }
0x20: {  	s8 =	simm.s32 $0x5000  }
0x21: {  	[tilespmem:s8], [sflag:$0x2] =	stream.indirect.gather [hbm4b:s3+s24], $0x80, s26, s24, $0xb8;
	[tilespmem:$0xF400] =	vst v63  }
0x22: {  	s9 =	simm.s32 $0x100;
	s10 =	simm.s32 $0x6000  }
0x23: {  	[tilespmem:s10], [sflag:$0x3] =	stream.indirect.gather [hbm4b:s3+s24], $0x80, s9, s24, $0xb8;
	[tilespmem:$0xF400] =	vst v63  }
0x24: {  	s11 =	simm.s32 $0x180;
	s12 =	simm.s32 $0x7000  }
0x25: {  	[tilespmem:s12], [sflag:$0x4] =	stream.indirect.gather [hbm4b:s3+s24], $0x80, s11, s24, $0xb8;
	[tilespmem:$0xF400] =	vst v63  }
0x26: {  	s13 =	simm.s32 $0x200;
	s16 =	simm.s32 $0x8000  }
0x27: {  	[tilespmem:s16], [sflag:$0x5] =	stream.indirect.gather [hbm4b:s3+s24], $0x80, s13, s24, $0xb8;
	[tilespmem:$0xF400] =	vst v63  }
0x28: {  	s17 =	simm.s32 $0x280;
	s18 =	simm.s32 $0x9000  }
0x29: {  	[tilespmem:s18], [sflag:$0x6] =	stream.indirect.gather [hbm4b:s3+s24], $0x80, s17, s24, $0xb8;
	[tilespmem:$0xF400] =	vst v63  }
0x2a: {  	s19 =	simm.s32 $0x300;
	s20 =	simm.s32 $0xA000  }
0x2b: {  	[tilespmem:s20], [sflag:$0x7] =	stream.indirect.gather [hbm4b:s3+s24], $0x80, s19, s24, $0xb8;
	[tilespmem:$0xF400] =	vst v63  }
0x2c: {  	s22 =	simm.s32 $0x380;
	s23 =	simm.s32 $0xB000;
	s18 =	simm.s32 $0x0  }
0x2d: {  	[tilespmem:s23], [sflag:$0x8] =	stream.indirect.gather [hbm4b:s3+s24], $0x80, s22, s24, $0xb8;
	[tilespmem:$0xF400] =	vst v63  }
.LBB2_2:
0x2e: {  	s0 =	simm.s32 $0x1  }
0x2f: {  	_ =	swait.ge [sflag:s0], $0xD00  }
0x30: {  	[sflag:s0] =	ssyncset.done $0x0  }
0x31: {  	s13 =	simm.s32 $0x4080;
	[sflag:s0] =	ssyncadd.s32 $0xFFFFF300  }
0x32: {  	v0 =	vld [tilespmem:s13+$0x0];
	_ =	sdelay $0x3  }
0x33: {  	v1 =	vld [tilespmem:s13+$0xFFFFFF80]  }
0x34: {  	v0 =	vmul.f32 $1.570796370e+00, v0  }
0x35: {  	s5 =	simm.s32 $0x4180;
	s0 =	simm.s32 $0xC020  }
0x36: {  	v2 =	vld [tilespmem:s5+$0x0];
	[tilespmem:s0+$0x20] =	vst v0  }
0x37: {  	v0 =	vld [tilespmem:s13+$0x10]  }
0x38: {  	v1 =	vmul.f32 $1.570796370e+00, v1;
	_ =	sdelay $0x1  }
0x39: {  	[tilespmem:s0+$0xFFFFFFE0] =	vst v1;
	v1 =	vld [tilespmem:s5+$0xFFFFFF80]  }
0x3a: {  	v2 =	vmul.f32 $1.570796370e+00, v2;
	v3 =	vld [tilespmem:s13+$0xFFFFFF90]  }
0x3b: {  	s4 =	simm.s32 $0xC0A0;
	s9 =	simm.s32 $0x4280;
	s8 =	simm.s32 $0x40;
	v0 =	vmul.f32 $1.570796370e+00, v0  }
0x3c: {  	s6 =	sor.u32 $0x50, s8;
	[tilespmem:s4+$0x20] =	vst v2;
	v2 =	vld [tilespmem:s9+$0x0]  }
0x3d: {  	v4 =	vld [tilespmem:s5+$0x10];
	[tilespmem:s6+$0xC000] =	vst v0  }
0x3e: {  	v0 =	vmul.f32 $1.570796370e+00, v1;
	v1 =	vld [tilespmem:s13+$0x20]  }
0x3f: {  	v3 =	vmul.f32 $1.570796370e+00, v3  }
0x40: {  	[tilespmem:s4+$0xFFFFFFE0] =	vst v0;
	v0 =	vld [tilespmem:s9+$0xFFFFFF80]  }
0x41: {  	s7 =	simm.s32 $0xC120;
	v2 =	vmul.f32 $1.570796370e+00, v2;
	[tilespmem:s0+$0xFFFFFFF0] =	vst v3;
	v3 =	vld [tilespmem:s5+$0xFFFFFF90]  }
0x42: {  	s10 =	simm.s32 $0xC0;
	s12 =	simm.s32 $0x4380;
	v4 =	vmul.f32 $1.570796370e+00, v4;
	v5 =	vld [tilespmem:s13+$0xFFFFFFA0]  }
0x43: {  	s22 =	sor.u32 $0x50, s10;
	[tilespmem:s7+$0x20] =	vst v2;
	v2 =	vld [tilespmem:s12+$0x0];
	v1 =	vmul.f32 $1.570796370e+00, v1  }
0x44: {  	s23 =	sor.u32 $0x60, s8;
	[tilespmem:s22+$0xC000] =	vst v4;
	v6 =	vld [tilespmem:s9+$0x10]  }
0x45: {  	v4 =	vmul.f32 $1.570796370e+00, v0;
	[tilespmem:s23+$0xC000] =	vst v1;
	v1 =	vld [tilespmem:s5+$0x20]  }
0x46: {  	v3 =	vmul.f32 $1.570796370e+00, v3;
	v0 =	vld [tilespmem:s13+$0x30]  }
0x47: {  	v5 =	vmul.f32 $1.570796370e+00, v5;
	[tilespmem:s7+$0xFFFFFFE0] =	vst v4;
	v4 =	vld [tilespmem:s12+$0xFFFFFF80]  }
0x48: {  	v7 =	vmul.f32 $1.570796370e+00, v2;
	[tilespmem:s4+$0xFFFFFFF0] =	vst v3;
	v3 =	vld [tilespmem:s9+$0xFFFFFF90]  }
0x49: {  	s11 =	simm.s32 $0xC1A0;
	s6 =	simm.s32 $0x140;
	v6 =	vmul.f32 $1.570796370e+00, v6;
	[tilespmem:s0+$0x0] =	vst v5;
	v2 =	vld [tilespmem:s5+$0xFFFFFFA0]  }
0x4a: {  	s16 =	simm.s32 $0x6;
	s17 =	simm.s32 $0x4480;
	s19 =	sor.u32 $0x50, s6;
	[tilespmem:s11+$0x20] =	vst v7;
	v5 =	vmul.f32 $1.570796370e+00, v1;
	v1 =	vld [tilespmem:s13+$0xFFFFFFB0]  }
.LBB2_3:
0x4b: {  	v7 =	vld [tilespmem:s17+$0x0];
	[tilespmem:s19+$0xC000] =	vst v6;
	s13 =	sor.u32 $0x60, s10;
	v0 =	vmul.f32 $1.570796370e+00, v0;
	s20 =	smov.u32 s7;
	s7 =	smov.u32 s11  }
0x4c: {  	s16 =	sadd.s32 $0x2, s16;
	v6 =	vld [tilespmem:s12+$0x10];
	[tilespmem:s13+$0xC000] =	vst v5;
	s13 =	sor.u32 $0x70, s8  }
0x4d: {  	v4 =	vmul.f32 $1.570796370e+00, v4;
	s8 =	smov.u32 s10;
	s10 =	smov.u32 s6;
	p0 =	slt.u32 s16, $0x18  }
0x4e: {  	v3 =	vmul.f32 $1.570796370e+00, v3;
	v5 =	vld [tilespmem:s9+$0x20];
	[tilespmem:s13+$0xC000] =	vst v0;
	s13 =	smov.u32 s5;
	s5 =	smov.u32 s9;
	s9 =	smov.u32 s12  }
.Ltmp0:
0x4f: {  	s12 =	smov.u32 s17;
	[tilespmem:s11+$0xFFFFFFE0] =	vst v4;
	v2 =	vmul.f32 $1.570796370e+00, v2;
	v0 =	vld [tilespmem:s13+$0x30];
	(pc) =	sbr.rel @p0 .LBB2_3-.Ltmp0, $4  }
0x50: {  	v4 =	vld [tilespmem:s17+$0xFFFFFF80];
	[tilespmem:s20+$0xFFFFFFF0] =	vst v3;
	v1 =	vmul.f32 $1.570796370e+00, v1  }
0x51: {  	v7 =	vmul.f32 $1.570796370e+00, v7;
	v3 =	vld [tilespmem:s9+$0xFFFFFF90];
	[tilespmem:s4+$0x0] =	vst v2  }
0x52: {  	s6 =	sadd.s32 $0x80, s6;
	s11 =	sadd.s32 $0x80, s11;
	v6 =	vmul.f32 $1.570796370e+00, v6;
	v2 =	vld [tilespmem:s5+$0xFFFFFFA0];
	[tilespmem:s0+$0x10] =	vst v1;
	s0 =	smov.u32 s4  }
0x53: {  	s19 =	sor.u32 $0x50, s6;
	s17 =	sadd.s32 $0x100, s17;
	s4 =	smov.u32 s20;
	[tilespmem:s11+$0x20] =	vst v7;
	v5 =	vmul.f32 $1.570796370e+00, v5;
	v1 =	vld [tilespmem:s13+$0xFFFFFFB0]  }
0x54: {  	_ = 	snop  }
0x55: {  	v4 =	vmul.f32 $1.570796370e+00, v4;
	_ =	sdelay $0x1  }
0x56: {  	v7 =	vld [tilespmem:s12+$0x10];
	[tilespmem:s11+$0xFFFFFFE0] =	vst v4  }
0x57: {  	v4 =	vld [tilespmem:s12+$0xFFFFFF90];
	_ =	sdelay $0x2  }
0x58: {  	v3 =	vmul.f32 $1.570796370e+00, v3  }
0x59: {  	[tilespmem:s19+$0xC000] =	vst v6;
	s13 =	sadd.s32 $0x80, s6;
	v6 =	vmul.f32 $1.570796370e+00, v7  }
0x5a: {  	s16 =	sor.u32 $0x50, s13;
	[tilespmem:s7+$0xFFFFFFF0] =	vst v3;
	v7 =	vld [tilespmem:s9+$0x20];
	v3 =	vmul.f32 $1.570796370e+00, v4  }
0x5b: {  	[tilespmem:s16+$0xC000] =	vst v6;
	v4 =	vld [tilespmem:s9+$0xFFFFFFA0]  }
0x5c: {  	v6 =	vld [tilespmem:s12+$0x20];
	[tilespmem:s11+$0xFFFFFFF0] =	vst v3  }
0x5d: {  	v3 =	vld [tilespmem:s12+$0xFFFFFFA0]  }
0x5e: {  	s19 =	sor.u32 $0x60, s10;
	v2 =	vmul.f32 $1.570796370e+00, v2  }
0x5f: {  	[tilespmem:s19+$0xC000] =	vst v5;
	v5 =	vmul.f32 $1.570796370e+00, v7  }
0x60: {  	s20 =	sor.u32 $0x60, s6;
	[tilespmem:s4+$0x0] =	vst v2;
	v2 =	vld [tilespmem:s5+$0x30];
	v4 =	vmul.f32 $1.570796370e+00, v4  }
0x61: {  	[tilespmem:s20+$0xC000] =	vst v5;
	v5 =	vld [tilespmem:s5+$0xFFFFFFB0];
	v6 =	vmul.f32 $1.570796370e+00, v6  }
0x62: {  	s22 =	sor.u32 $0x60, s13;
	[tilespmem:s7+$0x0] =	vst v4;
	v4 =	vld [tilespmem:s9+$0x30];
	v3 =	vmul.f32 $1.570796370e+00, v3  }
0x63: {  	v0 =	vmul.f32 $1.570796370e+00, v0;
	[tilespmem:s22+$0xC000] =	vst v6;
	v6 =	vld [tilespmem:s9+$0xFFFFFFB0]  }
0x64: {  	s23 =	sor.u32 $0x70, s8;
	v1 =	vmul.f32 $1.570796370e+00, v1;
	[tilespmem:s11+$0x0] =	vst v3;
	v3 =	vld [tilespmem:s12+$0x30]  }
0x65: {  	[tilespmem:s23+$0xC000] =	vst v0;
	v0 =	vmul.f32 $1.570796370e+00, v2;
	v2 =	vld [tilespmem:s12+$0xFFFFFFB0]  }
0x66: {  	[tilespmem:s0+$0x10] =	vst v1;
	s5 =	sor.u32 $0x70, s10;
	v1 =	vmul.f32 $1.570796370e+00, v5  }
0x67: {  	[tilespmem:s5+$0xC000] =	vst v0;
	v0 =	vmul.f32 $1.570796370e+00, v4  }
0x68: {  	s8 =	sor.u32 $0x70, s6;
	[tilespmem:s4+$0x10] =	vst v1;
	v1 =	vmul.f32 $1.570796370e+00, v6  }
0x69: {  	[tilespmem:s8+$0xC000] =	vst v0;
	v0 =	vmul.f32 $1.570796370e+00, v3  }
0x6a: {  	s9 =	sor.u32 $0x70, s13;
	s0 =	rddreg [dreg:$0x4];
	[tilespmem:s7+$0x10] =	vst v1;
	v1 =	vmul.f32 $1.570796370e+00, v2  }
0x6b: {  	s0 =	sor.u32 s0, s18;
	[tilespmem:s9+$0xC000] =	vst v0  }
0x6c: {  	s0 =	smul.u32 $0x680, s0;
	[tilespmem:s11+$0x10] =	vst v1  }
0x6d: {  	s4 =	rddreg [dreg:$0x3]  }
0x6e: {  	s10 =	simm.s32 $0xC000;
	s11 =	simm.s32 $0x9;
	s4 =	sadd.s32 s4, s0  }
0x6f: {  	[hbm4b:s4+s26] =	stream.strided.scatter [tilespmem:s10], [sflag:$0x9], $0x680, s14, s26, $0x38;
	[tilespmem:$0xF400] =	vst v63  }
0x70: {  	s12 =	sshll.u32 s18, $0xA;
	_ =	swait.ge [sflag:s11], $0x680  }
0x71: {  	s17 =	simm.s32 $0x2;
	s4 =	sand.u32 $0x3FFFFC00, s12;
	[sflag:s11] =	ssyncset.done $0x0  }
0x72: {  	s16 =	simm.s32 $0x4000;
	s13 =	sadd.s32 $0x400, s4;
	[sflag:s11] =	ssyncadd.s32 $0xFFFFF980  }
0x73: {  	[tilespmem:s16], [sflag:$0x1] =	stream.indirect.gather [hbm4b:s3+s24], $0x80, s13, s24, $0xb8;
	[tilespmem:$0xF400] =	vst v63  }
0x74: {  	_ =	swait.ge [sflag:s17], $0xD00  }
0x75: {  	[sflag:s17] =	ssyncset.done $0x0  }
0x76: {  	s20 =	simm.s32 $0x5080;
	[sflag:s17] =	ssyncadd.s32 $0xFFFFF300  }
0x77: {  	v0 =	vld [tilespmem:s20+$0x0];
	_ =	sdelay $0x3  }
0x78: {  	v1 =	vld [tilespmem:s20+$0xFFFFFF80]  }
0x79: {  	v0 =	vmul.f32 $1.570796370e+00, v0  }
0x7a: {  	s5 =	simm.s32 $0xC6A0;
	s8 =	simm.s32 $0x5180  }
0x7b: {  	v2 =	vld [tilespmem:s8+$0x0];
	[tilespmem:s5+$0x20] =	vst v0  }
0x7c: {  	v0 =	vld [tilespmem:s20+$0x10]  }
0x7d: {  	v1 =	vmul.f32 $1.570796370e+00, v1;
	_ =	sdelay $0x1  }
0x7e: {  	[tilespmem:s5+$0xFFFFFFE0] =	vst v1;
	v1 =	vld [tilespmem:s8+$0xFFFFFF80]  }
0x7f: {  	v2 =	vmul.f32 $1.570796370e+00, v2;
	v3 =	vld [tilespmem:s20+$0xFFFFFF90]  }
0x80: {  	s7 =	simm.s32 $0xC720;
	s10 =	simm.s32 $0x40;
	s11 =	simm.s32 $0x5280;
	v0 =	vmul.f32 $1.570796370e+00, v0  }
0x81: {  	s19 =	sor.u32 $0x50, s10;
	[tilespmem:s7+$0x20] =	vst v2;
	v2 =	vld [tilespmem:s11+$0x0]  }
0x82: {  	v4 =	vld [tilespmem:s8+$0x10];
	[tilespmem:s19+$0xC680] =	vst v0  }
0x83: {  	v0 =	vmul.f32 $1.570796370e+00, v1;
	v1 =	vld [tilespmem:s20+$0x20]  }
0x84: {  	v3 =	vmul.f32 $1.570796370e+00, v3  }
0x85: {  	[tilespmem:s7+$0xFFFFFFE0] =	vst v0;
	v0 =	vld [tilespmem:s11+$0xFFFFFF80]  }
0x86: {  	s6 =	simm.s32 $0x5380;
	v2 =	vmul.f32 $1.570796370e+00, v2;
	[tilespmem:s5+$0xFFFFFFF0] =	vst v3;
	v3 =	vld [tilespmem:s8+$0xFFFFFF90]  }
0x87: {  	s9 =	simm.s32 $0xC7A0;
	s12 =	simm.s32 $0xC0;
	v4 =	vmul.f32 $1.570796370e+00, v4;
	v5 =	vld [tilespmem:s20+$0xFFFFFFA0]  }
0x88: {  	s22 =	sor.u32 $0x50, s12;
	[tilespmem:s9+$0x20] =	vst v2;
	v2 =	vld [tilespmem:s6+$0x0];
	v1 =	vmul.f32 $1.570796370e+00, v1  }
0x89: {  	s23 =	sor.u32 $0x60, s10;
	[tilespmem:s22+$0xC680] =	vst v4;
	v6 =	vld [tilespmem:s11+$0x10]  }
0x8a: {  	v7 =	vld [tilespmem:s8+$0x20];
	v4 =	vmul.f32 $1.570796370e+00, v0;
	[tilespmem:s23+$0xC680] =	vst v1  }
0x8b: {  	v1 =	vmul.f32 $1.570796370e+00, v3;
	v0 =	vld [tilespmem:s20+$0x30]  }
0x8c: {  	v5 =	vmul.f32 $1.570796370e+00, v5;
	[tilespmem:s9+$0xFFFFFFE0] =	vst v4;
	v4 =	vld [tilespmem:s6+$0xFFFFFF80]  }
0x8d: {  	[tilespmem:s7+$0xFFFFFFF0] =	vst v1;
	v1 =	vmul.f32 $1.570796370e+00, v2;
	v3 =	vld [tilespmem:s11+$0xFFFFFF90]  }
0x8e: {  	s13 =	simm.s32 $0xC820;
	s16 =	simm.s32 $0x140;
	v6 =	vmul.f32 $1.570796370e+00, v6;
	[tilespmem:s5+$0x0] =	vst v5;
	v2 =	vld [tilespmem:s8+$0xFFFFFFA0]  }
0x8f: {  	s17 =	simm.s32 $0x6;
	s19 =	simm.s32 $0x5480;
	v5 =	vmul.f32 $1.570796370e+00, v7;
	[tilespmem:s13+$0x20] =	vst v1;
	v1 =	vld [tilespmem:s20+$0xFFFFFFB0];
	s20 =	sor.u32 $0x50, s16  }
.LBB2_5:
0x90: {  	v7 =	vld [tilespmem:s19+$0x0];
	[tilespmem:s20+$0xC680] =	vst v6;
	s20 =	sor.u32 $0x60, s12;
	s22 =	smov.u32 s9  }
0x91: {  	v0 =	vmul.f32 $1.570796370e+00, v0;
	s9 =	smov.u32 s13;
	s23 =	smov.u32 s8;
	s17 =	sadd.s32 $0x2, s17  }
0x92: {  	v4 =	vmul.f32 $1.570796370e+00, v4;
	v6 =	vld [tilespmem:s6+$0x10];
	[tilespmem:s20+$0xC680] =	vst v5;
	s20 =	sor.u32 $0x70, s10;
	s10 =	smov.u32 s12;
	s12 =	smov.u32 s16  }
0x93: {  	s8 =	smov.u32 s11;
	p0 =	slt.u32 s17, $0x18;
	v3 =	vmul.f32 $1.570796370e+00, v3;
	v5 =	vld [tilespmem:s11+$0x20];
	[tilespmem:s20+$0xC680] =	vst v0;
	s11 =	smov.u32 s6  }
.Ltmp1:
0x94: {  	s6 =	smov.u32 s19;
	[tilespmem:s13+$0xFFFFFFE0] =	vst v4;
	v2 =	vmul.f32 $1.570796370e+00, v2;
	v0 =	vld [tilespmem:s23+$0x30];
	(pc) =	sbr.rel @p0 .LBB2_5-.Ltmp1, $4  }
0x95: {  	v4 =	vld [tilespmem:s19+$0xFFFFFF80];
	[tilespmem:s22+$0xFFFFFFF0] =	vst v3;
	v1 =	vmul.f32 $1.570796370e+00, v1  }
0x96: {  	v7 =	vmul.f32 $1.570796370e+00, v7;
	v3 =	vld [tilespmem:s11+$0xFFFFFF90];
	[tilespmem:s7+$0x0] =	vst v2  }
0x97: {  	s16 =	sadd.s32 $0x80, s16;
	s13 =	sadd.s32 $0x80, s13;
	v6 =	vmul.f32 $1.570796370e+00, v6;
	v2 =	vld [tilespmem:s8+$0xFFFFFFA0];
	[tilespmem:s5+$0x10] =	vst v1;
	s5 =	smov.u32 s7  }
0x98: {  	s20 =	sor.u32 $0x50, s16;
	s19 =	sadd.s32 $0x100, s19;
	s7 =	smov.u32 s22;
	[tilespmem:s13+$0x20] =	vst v7;
	v5 =	vmul.f32 $1.570796370e+00, v5;
	v1 =	vld [tilespmem:s23+$0xFFFFFFB0]  }
0x99: {  	_ = 	snop  }
0x9a: {  	v4 =	vmul.f32 $1.570796370e+00, v4;
	_ =	sdelay $0x1  }
0x9b: {  	v7 =	vld [tilespmem:s6+$0x10];
	[tilespmem:s13+$0xFFFFFFE0] =	vst v4  }
0x9c: {  	v4 =	vld [tilespmem:s6+$0xFFFFFF90];
	_ =	sdelay $0x2  }
0x9d: {  	v3 =	vmul.f32 $1.570796370e+00, v3  }
0x9e: {  	[tilespmem:s20+$0xC680] =	vst v6;
	s17 =	sadd.s32 $0x80, s16;
	v6 =	vmul.f32 $1.570796370e+00, v7  }
0x9f: {  	s19 =	sor.u32 $0x50, s17;
	[tilespmem:s9+$0xFFFFFFF0] =	vst v3;
	v7 =	vld [tilespmem:s11+$0x20];
	v3 =	vmul.f32 $1.570796370e+00, v4  }
0xa0: {  	[tilespmem:s19+$0xC680] =	vst v6;
	v4 =	vld [tilespmem:s11+$0xFFFFFFA0]  }
0xa1: {  	v6 =	vld [tilespmem:s6+$0x20];
	[tilespmem:s13+$0xFFFFFFF0] =	vst v3  }
0xa2: {  	v3 =	vld [tilespmem:s6+$0xFFFFFFA0]  }
0xa3: {  	s23 =	sor.u32 $0x60, s12;
	v2 =	vmul.f32 $1.570796370e+00, v2  }
0xa4: {  	[tilespmem:s23+$0xC680] =	vst v5;
	v5 =	vmul.f32 $1.570796370e+00, v7  }
0xa5: {  	s20 =	sor.u32 $0x60, s16;
	[tilespmem:s7+$0x0] =	vst v2;
	v2 =	vld [tilespmem:s8+$0x30];
	v4 =	vmul.f32 $1.570796370e+00, v4  }
0xa6: {  	[tilespmem:s20+$0xC680] =	vst v5;
	v5 =	vld [tilespmem:s8+$0xFFFFFFB0];
	v6 =	vmul.f32 $1.570796370e+00, v6  }
0xa7: {  	s22 =	sor.u32 $0x60, s17;
	[tilespmem:s9+$0x0] =	vst v4;
	v4 =	vld [tilespmem:s11+$0x30];
	v3 =	vmul.f32 $1.570796370e+00, v3  }
0xa8: {  	v0 =	vmul.f32 $1.570796370e+00, v0;
	[tilespmem:s22+$0xC680] =	vst v6;
	v6 =	vld [tilespmem:s11+$0xFFFFFFB0]  }
0xa9: {  	s23 =	sor.u32 $0x70, s10;
	v1 =	vmul.f32 $1.570796370e+00, v1;
	[tilespmem:s13+$0x0] =	vst v3;
	v3 =	vld [tilespmem:s6+$0x30]  }
0xaa: {  	[tilespmem:s23+$0xC680] =	vst v0;
	v0 =	vmul.f32 $1.570796370e+00, v2;
	v2 =	vld [tilespmem:s6+$0xFFFFFFB0]  }
0xab: {  	[tilespmem:s5+$0x10] =	vst v1;
	s8 =	sor.u32 $0x70, s12;
	v1 =	vmul.f32 $1.570796370e+00, v5  }
0xac: {  	[tilespmem:s8+$0xC680] =	vst v0;
	v0 =	vmul.f32 $1.570796370e+00, v4  }
0xad: {  	s10 =	sor.u32 $0x70, s16;
	[tilespmem:s7+$0x10] =	vst v1;
	v1 =	vmul.f32 $1.570796370e+00, v6  }
0xae: {  	[tilespmem:s10+$0xC680] =	vst v0;
	v0 =	vmul.f32 $1.570796370e+00, v3  }
0xaf: {  	s11 =	sor.u32 $0x70, s17;
	[tilespmem:s9+$0x10] =	vst v1;
	v1 =	vmul.f32 $1.570796370e+00, v2  }
0xb0: {  	[tilespmem:s11+$0xC680] =	vst v0  }
0xb1: {  	[tilespmem:s13+$0x10] =	vst v1  }
0xb2: {  	s5 =	rddreg [dreg:$0x6]  }
0xb3: {  	s12 =	simm.s32 $0xC680;
	s13 =	simm.s32 $0xA;
	s5 =	sadd.s32 s0, s5  }
0xb4: {  	[hbm4b:s5+s26] =	stream.strided.scatter [tilespmem:s12], [sflag:$0xA], $0x680, s14, s26, $0x38;
	[tilespmem:$0xF400] =	vst v63  }
0xb5: {  	_ =	swait.ge [sflag:s13], $0x680  }
0xb6: {  	s16 =	sadd.s32 $0x480, s4;
	[sflag:s13] =	ssyncset.done $0x0  }
0xb7: {  	s19 =	simm.s32 $0x3;
	s17 =	simm.s32 $0x5000;
	[sflag:s13] =	ssyncadd.s32 $0xFFFFF980  }
0xb8: {  	[tilespmem:s17], [sflag:$0x2] =	stream.indirect.gather [hbm4b:s3+s24], $0x80, s16, s24, $0xb8;
	[tilespmem:$0xF400] =	vst v63  }
0xb9: {  	_ =	swait.ge [sflag:s19], $0xD00  }
0xba: {  	[sflag:s19] =	ssyncset.done $0x0  }
0xbb: {  	s17 =	simm.s32 $0x6080;
	[sflag:s19] =	ssyncadd.s32 $0xFFFFF300  }
0xbc: {  	v0 =	vld [tilespmem:s17+$0x0];
	_ =	sdelay $0x3  }
0xbd: {  	v1 =	vld [tilespmem:s17+$0xFFFFFF80]  }
0xbe: {  	v0 =	vmul.f32 $1.570796370e+00, v0  }
0xbf: {  	s8 =	simm.s32 $0x6180;
	s5 =	simm.s32 $0xCD20  }
0xc0: {  	v2 =	vld [tilespmem:s8+$0x0];
	[tilespmem:s5+$0x20] =	vst v0  }
0xc1: {  	v0 =	vld [tilespmem:s17+$0x10]  }
0xc2: {  	v1 =	vmul.f32 $1.570796370e+00, v1;
	_ =	sdelay $0x1  }
0xc3: {  	[tilespmem:s5+$0xFFFFFFE0] =	vst v1;
	v1 =	vld [tilespmem:s8+$0xFFFFFF80]  }
0xc4: {  	v2 =	vmul.f32 $1.570796370e+00, v2;
	v3 =	vld [tilespmem:s17+$0xFFFFFF90]  }
0xc5: {  	s7 =	simm.s32 $0xCDA0;
	s10 =	simm.s32 $0x40;
	s11 =	simm.s32 $0x6280;
	v0 =	vmul.f32 $1.570796370e+00, v0  }
0xc6: {  	s20 =	sor.u32 $0x50, s10;
	[tilespmem:s7+$0x20] =	vst v2;
	v2 =	vld [tilespmem:s11+$0x0]  }
0xc7: {  	v4 =	vld [tilespmem:s8+$0x10];
	[tilespmem:s20+$0xCD00] =	vst v0  }
0xc8: {  	v0 =	vmul.f32 $1.570796370e+00, v1;
	v1 =	vld [tilespmem:s17+$0x20]  }
0xc9: {  	v3 =	vmul.f32 $1.570796370e+00, v3  }
0xca: {  	[tilespmem:s7+$0xFFFFFFE0] =	vst v0;
	v0 =	vld [tilespmem:s11+$0xFFFFFF80]  }
0xcb: {  	s6 =	simm.s32 $0x6380;
	v2 =	vmul.f32 $1.570796370e+00, v2;
	[tilespmem:s5+$0xFFFFFFF0] =	vst v3;
	v3 =	vld [tilespmem:s8+$0xFFFFFF90]  }
0xcc: {  	s9 =	simm.s32 $0xCE20;
	s12 =	simm.s32 $0xC0;
	v4 =	vmul.f32 $1.570796370e+00, v4;
	v5 =	vld [tilespmem:s17+$0xFFFFFFA0]  }
0xcd: {  	s22 =	sor.u32 $0x50, s12;
	[tilespmem:s9+$0x20] =	vst v2;
	v2 =	vld [tilespmem:s6+$0x0];
	v1 =	vmul.f32 $1.570796370e+00, v1  }
0xce: {  	s23 =	sor.u32 $0x60, s10;
	[tilespmem:s22+$0xCD00] =	vst v4;
	v6 =	vld [tilespmem:s11+$0x10]  }
0xcf: {  	v4 =	vmul.f32 $1.570796370e+00, v0;
	[tilespmem:s23+$0xCD00] =	vst v1;
	v1 =	vld [tilespmem:s8+$0x20]  }
0xd0: {  	v3 =	vmul.f32 $1.570796370e+00, v3;
	v0 =	vld [tilespmem:s17+$0x30]  }
0xd1: {  	v5 =	vmul.f32 $1.570796370e+00, v5;
	[tilespmem:s9+$0xFFFFFFE0] =	vst v4;
	v4 =	vld [tilespmem:s6+$0xFFFFFF80]  }
0xd2: {  	v7 =	vmul.f32 $1.570796370e+00, v2;
	[tilespmem:s7+$0xFFFFFFF0] =	vst v3;
	v3 =	vld [tilespmem:s11+$0xFFFFFF90]  }
0xd3: {  	s13 =	simm.s32 $0xCEA0;
	s16 =	simm.s32 $0x140;
	v6 =	vmul.f32 $1.570796370e+00, v6;
	[tilespmem:s5+$0x0] =	vst v5;
	v2 =	vld [tilespmem:s8+$0xFFFFFFA0]  }
0xd4: {  	s19 =	simm.s32 $0x6;
	s20 =	simm.s32 $0x6480;
	s22 =	sor.u32 $0x50, s16;
	[tilespmem:s13+$0x20] =	vst v7;
	v5 =	vmul.f32 $1.570796370e+00, v1;
	v1 =	vld [tilespmem:s17+$0xFFFFFFB0]  }
.LBB2_7:
0xd5: {  	v7 =	vld [tilespmem:s20+$0x0];
	[tilespmem:s22+$0xCD00] =	vst v6;
	s17 =	sor.u32 $0x60, s12;
	v0 =	vmul.f32 $1.570796370e+00, v0;
	s23 =	smov.u32 s9;
	s9 =	smov.u32 s13  }
0xd6: {  	s19 =	sadd.s32 $0x2, s19;
	v6 =	vld [tilespmem:s6+$0x10];
	[tilespmem:s17+$0xCD00] =	vst v5;
	s17 =	sor.u32 $0x70, s10  }
0xd7: {  	v4 =	vmul.f32 $1.570796370e+00, v4;
	s10 =	smov.u32 s12;
	s12 =	smov.u32 s16;
	p0 =	slt.u32 s19, $0x18  }
0xd8: {  	v3 =	vmul.f32 $1.570796370e+00, v3;
	v5 =	vld [tilespmem:s11+$0x20];
	[tilespmem:s17+$0xCD00] =	vst v0;
	s17 =	smov.u32 s8;
	s8 =	smov.u32 s11;
	s11 =	smov.u32 s6  }
.Ltmp2:
0xd9: {  	s6 =	smov.u32 s20;
	[tilespmem:s13+$0xFFFFFFE0] =	vst v4;
	v2 =	vmul.f32 $1.570796370e+00, v2;
	v0 =	vld [tilespmem:s17+$0x30];
	(pc) =	sbr.rel @p0 .LBB2_7-.Ltmp2, $4  }
0xda: {  	v4 =	vld [tilespmem:s20+$0xFFFFFF80];
	[tilespmem:s23+$0xFFFFFFF0] =	vst v3;
	v1 =	vmul.f32 $1.570796370e+00, v1  }
0xdb: {  	v7 =	vmul.f32 $1.570796370e+00, v7;
	v3 =	vld [tilespmem:s11+$0xFFFFFF90];
	[tilespmem:s7+$0x0] =	vst v2  }
0xdc: {  	s16 =	sadd.s32 $0x80, s16;
	s13 =	sadd.s32 $0x80, s13;
	v6 =	vmul.f32 $1.570796370e+00, v6;
	v2 =	vld [tilespmem:s8+$0xFFFFFFA0];
	[tilespmem:s5+$0x10] =	vst v1;
	s5 =	smov.u32 s7  }
0xdd: {  	s22 =	sor.u32 $0x50, s16;
	s20 =	sadd.s32 $0x100, s20;
	s7 =	smov.u32 s23;
	[tilespmem:s13+$0x20] =	vst v7;
	v5 =	vmul.f32 $1.570796370e+00, v5;
	v1 =	vld [tilespmem:s17+$0xFFFFFFB0]  }
0xde: {  	_ = 	snop  }
0xdf: {  	v4 =	vmul.f32 $1.570796370e+00, v4;
	_ =	sdelay $0x1  }
0xe0: {  	v7 =	vld [tilespmem:s6+$0x10];
	[tilespmem:s13+$0xFFFFFFE0] =	vst v4  }
0xe1: {  	v4 =	vld [tilespmem:s6+$0xFFFFFF90];
	_ =	sdelay $0x2  }
0xe2: {  	v3 =	vmul.f32 $1.570796370e+00, v3  }
0xe3: {  	[tilespmem:s22+$0xCD00] =	vst v6;
	s17 =	sadd.s32 $0x80, s16;
	v6 =	vmul.f32 $1.570796370e+00, v7  }
0xe4: {  	s19 =	sor.u32 $0x50, s17;
	[tilespmem:s9+$0xFFFFFFF0] =	vst v3;
	v7 =	vld [tilespmem:s11+$0x20];
	v3 =	vmul.f32 $1.570796370e+00, v4  }
0xe5: {  	[tilespmem:s19+$0xCD00] =	vst v6;
	v4 =	vld [tilespmem:s11+$0xFFFFFFA0]  }
0xe6: {  	v6 =	vld [tilespmem:s6+$0x20];
	[tilespmem:s13+$0xFFFFFFF0] =	vst v3  }
0xe7: {  	v3 =	vld [tilespmem:s6+$0xFFFFFFA0]  }
0xe8: {  	s23 =	sor.u32 $0x60, s12;
	v2 =	vmul.f32 $1.570796370e+00, v2  }
0xe9: {  	[tilespmem:s23+$0xCD00] =	vst v5;
	v5 =	vmul.f32 $1.570796370e+00, v7  }
0xea: {  	s20 =	sor.u32 $0x60, s16;
	[tilespmem:s7+$0x0] =	vst v2;
	v2 =	vld [tilespmem:s8+$0x30];
	v4 =	vmul.f32 $1.570796370e+00, v4  }
0xeb: {  	[tilespmem:s20+$0xCD00] =	vst v5;
	v5 =	vld [tilespmem:s8+$0xFFFFFFB0];
	v6 =	vmul.f32 $1.570796370e+00, v6  }
0xec: {  	s22 =	sor.u32 $0x60, s17;
	[tilespmem:s9+$0x0] =	vst v4;
	v4 =	vld [tilespmem:s11+$0x30];
	v3 =	vmul.f32 $1.570796370e+00, v3  }
0xed: {  	v0 =	vmul.f32 $1.570796370e+00, v0;
	[tilespmem:s22+$0xCD00] =	vst v6;
	v6 =	vld [tilespmem:s11+$0xFFFFFFB0]  }
0xee: {  	s23 =	sor.u32 $0x70, s10;
	v1 =	vmul.f32 $1.570796370e+00, v1;
	[tilespmem:s13+$0x0] =	vst v3;
	v3 =	vld [tilespmem:s6+$0x30]  }
0xef: {  	[tilespmem:s23+$0xCD00] =	vst v0;
	v0 =	vmul.f32 $1.570796370e+00, v2;
	v2 =	vld [tilespmem:s6+$0xFFFFFFB0]  }
0xf0: {  	[tilespmem:s5+$0x10] =	vst v1;
	s8 =	sor.u32 $0x70, s12;
	v1 =	vmul.f32 $1.570796370e+00, v5  }
0xf1: {  	[tilespmem:s8+$0xCD00] =	vst v0;
	v0 =	vmul.f32 $1.570796370e+00, v4  }
0xf2: {  	s10 =	sor.u32 $0x70, s16;
	[tilespmem:s7+$0x10] =	vst v1;
	v1 =	vmul.f32 $1.570796370e+00, v6  }
0xf3: {  	[tilespmem:s10+$0xCD00] =	vst v0;
	v0 =	vmul.f32 $1.570796370e+00, v3  }
0xf4: {  	s11 =	sor.u32 $0x70, s17;
	[tilespmem:s9+$0x10] =	vst v1;
	v1 =	vmul.f32 $1.570796370e+00, v2  }
0xf5: {  	[tilespmem:s11+$0xCD00] =	vst v0  }
0xf6: {  	[tilespmem:s13+$0x10] =	vst v1  }
0xf7: {  	s5 =	rddreg [dreg:$0x7]  }
0xf8: {  	s12 =	simm.s32 $0xCD00;
	s13 =	simm.s32 $0xB;
	s5 =	sadd.s32 s0, s5  }
0xf9: {  	[hbm4b:s5+s26] =	stream.strided.scatter [tilespmem:s12], [sflag:$0xB], $0x680, s14, s26, $0x38;
	[tilespmem:$0xF400] =	vst v63  }
0xfa: {  	_ =	swait.ge [sflag:s13], $0x680  }
0xfb: {  	s16 =	sadd.s32 $0x500, s4;
	[sflag:s13] =	ssyncset.done $0x0  }
0xfc: {  	s19 =	simm.s32 $0x4;
	s17 =	simm.s32 $0x6000;
	[sflag:s13] =	ssyncadd.s32 $0xFFFFF980  }
0xfd: {  	[tilespmem:s17], [sflag:$0x3] =	stream.indirect.gather [hbm4b:s3+s24], $0x80, s16, s24, $0xb8;
	[tilespmem:$0xF400] =	vst v63  }
0xfe: {  	_ =	swait.ge [sflag:s19], $0xD00  }
0xff: {  	[sflag:s19] =	ssyncset.done $0x0  }
0x100: {  	s17 =	simm.s32 $0x7080;
	[sflag:s19] =	ssyncadd.s32 $0xFFFFF300  }
0x101: {  	v0 =	vld [tilespmem:s17+$0x0];
	_ =	sdelay $0x3  }
0x102: {  	v1 =	vld [tilespmem:s17+$0xFFFFFF80]  }
0x103: {  	v0 =	vmul.f32 $1.570796370e+00, v0  }
0x104: {  	s8 =	simm.s32 $0x7180;
	s5 =	simm.s32 $0xD3A0  }
0x105: {  	v2 =	vld [tilespmem:s8+$0x0];
	[tilespmem:s5+$0x20] =	vst v0  }
0x106: {  	v0 =	vld [tilespmem:s17+$0x10]  }
0x107: {  	v1 =	vmul.f32 $1.570796370e+00, v1;
	_ =	sdelay $0x1  }
0x108: {  	[tilespmem:s5+$0xFFFFFFE0] =	vst v1;
	v1 =	vld [tilespmem:s8+$0xFFFFFF80]  }
0x109: {  	v2 =	vmul.f32 $1.570796370e+00, v2;
	v3 =	vld [tilespmem:s17+$0xFFFFFF90]  }
0x10a: {  	s7 =	simm.s32 $0xD420;
	s10 =	simm.s32 $0x40;
	s11 =	simm.s32 $0x7280;
	v0 =	vmul.f32 $1.570796370e+00, v0  }
0x10b: {  	s20 =	sor.u32 $0x50, s10;
	[tilespmem:s7+$0x20] =	vst v2;
	v2 =	vld [tilespmem:s11+$0x0]  }
0x10c: {  	v4 =	vld [tilespmem:s8+$0x10];
	[tilespmem:s20+$0xD380] =	vst v0  }
0x10d: {  	v0 =	vmul.f32 $1.570796370e+00, v1;
	v1 =	vld [tilespmem:s17+$0x20]  }
0x10e: {  	v3 =	vmul.f32 $1.570796370e+00, v3  }
0x10f: {  	[tilespmem:s7+$0xFFFFFFE0] =	vst v0;
	v0 =	vld [tilespmem:s11+$0xFFFFFF80]  }
0x110: {  	s6 =	simm.s32 $0x7380;
	v2 =	vmul.f32 $1.570796370e+00, v2;
	[tilespmem:s5+$0xFFFFFFF0] =	vst v3;
	v3 =	vld [tilespmem:s8+$0xFFFFFF90]  }
0x111: {  	s9 =	simm.s32 $0xD4A0;
	s12 =	simm.s32 $0xC0;
	v4 =	vmul.f32 $1.570796370e+00, v4;
	v5 =	vld [tilespmem:s17+$0xFFFFFFA0]  }
0x112: {  	s22 =	sor.u32 $0x50, s12;
	[tilespmem:s9+$0x20] =	vst v2;
	v2 =	vld [tilespmem:s6+$0x0];
	v1 =	vmul.f32 $1.570796370e+00, v1  }
0x113: {  	s23 =	sor.u32 $0x60, s10;
	[tilespmem:s22+$0xD380] =	vst v4;
	v6 =	vld [tilespmem:s11+$0x10]  }
0x114: {  	v4 =	vmul.f32 $1.570796370e+00, v0;
	[tilespmem:s23+$0xD380] =	vst v1;
	v1 =	vld [tilespmem:s8+$0x20]  }
0x115: {  	v3 =	vmul.f32 $1.570796370e+00, v3;
	v0 =	vld [tilespmem:s17+$0x30]  }
0x116: {  	v5 =	vmul.f32 $1.570796370e+00, v5;
	[tilespmem:s9+$0xFFFFFFE0] =	vst v4;
	v4 =	vld [tilespmem:s6+$0xFFFFFF80]  }
0x117: {  	v7 =	vmul.f32 $1.570796370e+00, v2;
	[tilespmem:s7+$0xFFFFFFF0] =	vst v3;
	v3 =	vld [tilespmem:s11+$0xFFFFFF90]  }
0x118: {  	s13 =	simm.s32 $0xD520;
	s16 =	simm.s32 $0x140;
	v6 =	vmul.f32 $1.570796370e+00, v6;
	[tilespmem:s5+$0x0] =	vst v5;
	v2 =	vld [tilespmem:s8+$0xFFFFFFA0]  }
0x119: {  	s19 =	simm.s32 $0x6;
	s20 =	simm.s32 $0x7480;
	s22 =	sor.u32 $0x50, s16;
	[tilespmem:s13+$0x20] =	vst v7;
	v5 =	vmul.f32 $1.570796370e+00, v1;
	v1 =	vld [tilespmem:s17+$0xFFFFFFB0]  }
.LBB2_9:
0x11a: {  	v7 =	vld [tilespmem:s20+$0x0];
	[tilespmem:s22+$0xD380] =	vst v6;
	s17 =	sor.u32 $0x60, s12;
	v0 =	vmul.f32 $1.570796370e+00, v0;
	s23 =	smov.u32 s9;
	s9 =	smov.u32 s13  }
0x11b: {  	s19 =	sadd.s32 $0x2, s19;
	v6 =	vld [tilespmem:s6+$0x10];
	[tilespmem:s17+$0xD380] =	vst v5;
	s17 =	sor.u32 $0x70, s10  }
0x11c: {  	v4 =	vmul.f32 $1.570796370e+00, v4;
	s10 =	smov.u32 s12;
	s12 =	smov.u32 s16;
	p0 =	slt.u32 s19, $0x18  }
0x11d: {  	v3 =	vmul.f32 $1.570796370e+00, v3;
	v5 =	vld [tilespmem:s11+$0x20];
	[tilespmem:s17+$0xD380] =	vst v0;
	s17 =	smov.u32 s8;
	s8 =	smov.u32 s11;
	s11 =	smov.u32 s6  }
.Ltmp3:
0x11e: {  	s6 =	smov.u32 s20;
	[tilespmem:s13+$0xFFFFFFE0] =	vst v4;
	v2 =	vmul.f32 $1.570796370e+00, v2;
	v0 =	vld [tilespmem:s17+$0x30];
	(pc) =	sbr.rel @p0 .LBB2_9-.Ltmp3, $4  }
0x11f: {  	v4 =	vld [tilespmem:s20+$0xFFFFFF80];
	[tilespmem:s23+$0xFFFFFFF0] =	vst v3;
	v1 =	vmul.f32 $1.570796370e+00, v1  }
0x120: {  	v7 =	vmul.f32 $1.570796370e+00, v7;
	v3 =	vld [tilespmem:s11+$0xFFFFFF90];
	[tilespmem:s7+$0x0] =	vst v2  }
0x121: {  	s16 =	sadd.s32 $0x80, s16;
	s13 =	sadd.s32 $0x80, s13;
	v6 =	vmul.f32 $1.570796370e+00, v6;
	v2 =	vld [tilespmem:s8+$0xFFFFFFA0];
	[tilespmem:s5+$0x10] =	vst v1;
	s5 =	smov.u32 s7  }
0x122: {  	s22 =	sor.u32 $0x50, s16;
	s20 =	sadd.s32 $0x100, s20;
	s7 =	smov.u32 s23;
	[tilespmem:s13+$0x20] =	vst v7;
	v5 =	vmul.f32 $1.570796370e+00, v5;
	v1 =	vld [tilespmem:s17+$0xFFFFFFB0]  }
0x123: {  	_ = 	snop  }
0x124: {  	v4 =	vmul.f32 $1.570796370e+00, v4;
	_ =	sdelay $0x1  }
0x125: {  	v7 =	vld [tilespmem:s6+$0x10];
	[tilespmem:s13+$0xFFFFFFE0] =	vst v4  }
0x126: {  	v4 =	vld [tilespmem:s6+$0xFFFFFF90];
	_ =	sdelay $0x2  }
0x127: {  	v3 =	vmul.f32 $1.570796370e+00, v3  }
0x128: {  	[tilespmem:s22+$0xD380] =	vst v6;
	s17 =	sadd.s32 $0x80, s16;
	v6 =	vmul.f32 $1.570796370e+00, v7  }
0x129: {  	s19 =	sor.u32 $0x50, s17;
	[tilespmem:s9+$0xFFFFFFF0] =	vst v3;
	v7 =	vld [tilespmem:s11+$0x20];
	v3 =	vmul.f32 $1.570796370e+00, v4  }
0x12a: {  	[tilespmem:s19+$0xD380] =	vst v6;
	v4 =	vld [tilespmem:s11+$0xFFFFFFA0]  }
0x12b: {  	v6 =	vld [tilespmem:s6+$0x20];
	[tilespmem:s13+$0xFFFFFFF0] =	vst v3  }
0x12c: {  	v3 =	vld [tilespmem:s6+$0xFFFFFFA0]  }
0x12d: {  	s23 =	sor.u32 $0x60, s12;
	v2 =	vmul.f32 $1.570796370e+00, v2  }
0x12e: {  	[tilespmem:s23+$0xD380] =	vst v5;
	v5 =	vmul.f32 $1.570796370e+00, v7  }
0x12f: {  	s20 =	sor.u32 $0x60, s16;
	[tilespmem:s7+$0x0] =	vst v2;
	v2 =	vld [tilespmem:s8+$0x30];
	v4 =	vmul.f32 $1.570796370e+00, v4  }
0x130: {  	[tilespmem:s20+$0xD380] =	vst v5;
	v5 =	vld [tilespmem:s8+$0xFFFFFFB0];
	v6 =	vmul.f32 $1.570796370e+00, v6  }
0x131: {  	s22 =	sor.u32 $0x60, s17;
	[tilespmem:s9+$0x0] =	vst v4;
	v4 =	vld [tilespmem:s11+$0x30];
	v3 =	vmul.f32 $1.570796370e+00, v3  }
0x132: {  	v0 =	vmul.f32 $1.570796370e+00, v0;
	[tilespmem:s22+$0xD380] =	vst v6;
	v6 =	vld [tilespmem:s11+$0xFFFFFFB0]  }
0x133: {  	s23 =	sor.u32 $0x70, s10;
	v1 =	vmul.f32 $1.570796370e+00, v1;
	[tilespmem:s13+$0x0] =	vst v3;
	v3 =	vld [tilespmem:s6+$0x30]  }
0x134: {  	[tilespmem:s23+$0xD380] =	vst v0;
	v0 =	vmul.f32 $1.570796370e+00, v2;
	v2 =	vld [tilespmem:s6+$0xFFFFFFB0]  }
0x135: {  	s10 =	sor.u32 $0x70, s12;
	[tilespmem:s5+$0x10] =	vst v1;
	v1 =	vmul.f32 $1.570796370e+00, v5  }
0x136: {  	[tilespmem:s10+$0xD380] =	vst v0;
	v0 =	vmul.f32 $1.570796370e+00, v4  }
0x137: {  	s11 =	sor.u32 $0x70, s16;
	[tilespmem:s7+$0x10] =	vst v1;
	v1 =	vmul.f32 $1.570796370e+00, v6  }
0x138: {  	[tilespmem:s11+$0xD380] =	vst v0;
	v0 =	vmul.f32 $1.570796370e+00, v3  }
0x139: {  	s12 =	sor.u32 $0x70, s17;
	[tilespmem:s9+$0x10] =	vst v1;
	v1 =	vmul.f32 $1.570796370e+00, v2  }
0x13a: {  	[tilespmem:s12+$0xD380] =	vst v0  }
0x13b: {  	[tilespmem:s13+$0x10] =	vst v1  }
0x13c: {  	s5 =	rddreg [dreg:$0x8]  }
0x13d: {  	s16 =	simm.s32 $0xD380;
	s5 =	sadd.s32 s0, s5  }
0x13e: {  	[hbm4b:s5+s26] =	stream.strided.scatter [tilespmem:s16], [sflag:$0xC], $0x680, s14, s26, $0x38;
	[tilespmem:$0xF400] =	vst v63  }
0x13f: {  	_ =	swait.ge [sflag:s28], $0x680  }
0x140: {  	[sflag:s28] =	ssyncset.done $0x0  }
0x141: {  	s17 =	sadd.s32 $0x580, s4;
	s19 =	simm.s32 $0x7000;
	[sflag:s28] =	ssyncadd.s32 $0xFFFFF980  }
0x142: {  	[tilespmem:s19], [sflag:$0x4] =	stream.indirect.gather [hbm4b:s3+s24], $0x80, s17, s24, $0xb8;
	[tilespmem:$0xF400] =	vst v63  }
0x143: {  	_ =	swait.ge [sflag:s30], $0xD00  }
0x144: {  	[sflag:s30] =	ssyncset.done $0x0  }
0x145: {  	s17 =	simm.s32 $0x8080;
	[sflag:s30] =	ssyncadd.s32 $0xFFFFF300  }
0x146: {  	v0 =	vld [tilespmem:s17+$0x0];
	_ =	sdelay $0x3  }
0x147: {  	v1 =	vld [tilespmem:s17+$0xFFFFFF80]  }
0x148: {  	v0 =	vmul.f32 $1.570796370e+00, v0  }
0x149: {  	s8 =	simm.s32 $0x8180;
	s5 =	simm.s32 $0xDA20  }
0x14a: {  	v2 =	vld [tilespmem:s8+$0x0];
	[tilespmem:s5+$0x20] =	vst v0  }
0x14b: {  	v0 =	vld [tilespmem:s17+$0x10]  }
0x14c: {  	v1 =	vmul.f32 $1.570796370e+00, v1;
	_ =	sdelay $0x1  }
0x14d: {  	[tilespmem:s5+$0xFFFFFFE0] =	vst v1;
	v1 =	vld [tilespmem:s8+$0xFFFFFF80]  }
0x14e: {  	v2 =	vmul.f32 $1.570796370e+00, v2;
	v3 =	vld [tilespmem:s17+$0xFFFFFF90]  }
0x14f: {  	s10 =	simm.s32 $0x40;
	s7 =	simm.s32 $0xDAA0;
	s11 =	simm.s32 $0x8280;
	v0 =	vmul.f32 $1.570796370e+00, v0  }
0x150: {  	s20 =	sor.u32 $0x50, s10;
	[tilespmem:s7+$0x20] =	vst v2;
	v2 =	vld [tilespmem:s11+$0x0]  }
0x151: {  	v4 =	vld [tilespmem:s8+$0x10];
	[tilespmem:s20+$0xDA00] =	vst v0  }
0x152: {  	v0 =	vmul.f32 $1.570796370e+00, v1;
	v1 =	vld [tilespmem:s17+$0x20]  }
0x153: {  	v3 =	vmul.f32 $1.570796370e+00, v3  }
0x154: {  	[tilespmem:s7+$0xFFFFFFE0] =	vst v0;
	v0 =	vld [tilespmem:s11+$0xFFFFFF80]  }
0x155: {  	s6 =	simm.s32 $0x8380;
	v2 =	vmul.f32 $1.570796370e+00, v2;
	[tilespmem:s5+$0xFFFFFFF0] =	vst v3;
	v3 =	vld [tilespmem:s8+$0xFFFFFF90]  }
0x156: {  	s9 =	simm.s32 $0xDB20;
	s12 =	simm.s32 $0xC0;
	v4 =	vmul.f32 $1.570796370e+00, v4;
	v5 =	vld [tilespmem:s17+$0xFFFFFFA0]  }
0x157: {  	s22 =	sor.u32 $0x50, s12;
	[tilespmem:s9+$0x20] =	vst v2;
	v2 =	vld [tilespmem:s6+$0x0];
	v1 =	vmul.f32 $1.570796370e+00, v1  }
0x158: {  	s23 =	sor.u32 $0x60, s10;
	[tilespmem:s22+$0xDA00] =	vst v4;
	v6 =	vld [tilespmem:s11+$0x10]  }
0x159: {  	v4 =	vmul.f32 $1.570796370e+00, v0;
	[tilespmem:s23+$0xDA00] =	vst v1;
	v1 =	vld [tilespmem:s8+$0x20]  }
0x15a: {  	v3 =	vmul.f32 $1.570796370e+00, v3;
	v0 =	vld [tilespmem:s17+$0x30]  }
0x15b: {  	v5 =	vmul.f32 $1.570796370e+00, v5;
	[tilespmem:s9+$0xFFFFFFE0] =	vst v4;
	v4 =	vld [tilespmem:s6+$0xFFFFFF80]  }
0x15c: {  	v7 =	vmul.f32 $1.570796370e+00, v2;
	[tilespmem:s7+$0xFFFFFFF0] =	vst v3;
	v3 =	vld [tilespmem:s11+$0xFFFFFF90]  }
0x15d: {  	s13 =	simm.s32 $0xDBA0;
	s16 =	simm.s32 $0x140;
	v6 =	vmul.f32 $1.570796370e+00, v6;
	[tilespmem:s5+$0x0] =	vst v5;
	v2 =	vld [tilespmem:s8+$0xFFFFFFA0]  }
0x15e: {  	s19 =	simm.s32 $0x6;
	s20 =	simm.s32 $0x8480;
	s22 =	sor.u32 $0x50, s16;
	[tilespmem:s13+$0x20] =	vst v7;
	v5 =	vmul.f32 $1.570796370e+00, v1;
	v1 =	vld [tilespmem:s17+$0xFFFFFFB0]  }
.LBB2_11:
0x15f: {  	v7 =	vld [tilespmem:s20+$0x0];
	[tilespmem:s22+$0xDA00] =	vst v6;
	s17 =	sor.u32 $0x60, s12;
	v0 =	vmul.f32 $1.570796370e+00, v0;
	s23 =	smov.u32 s9;
	s9 =	smov.u32 s13  }
0x160: {  	s19 =	sadd.s32 $0x2, s19;
	v6 =	vld [tilespmem:s6+$0x10];
	[tilespmem:s17+$0xDA00] =	vst v5;
	s17 =	sor.u32 $0x70, s10  }
0x161: {  	v4 =	vmul.f32 $1.570796370e+00, v4;
	s10 =	smov.u32 s12;
	s12 =	smov.u32 s16;
	p0 =	slt.u32 s19, $0x18  }
0x162: {  	v3 =	vmul.f32 $1.570796370e+00, v3;
	v5 =	vld [tilespmem:s11+$0x20];
	[tilespmem:s17+$0xDA00] =	vst v0;
	s17 =	smov.u32 s8;
	s8 =	smov.u32 s11;
	s11 =	smov.u32 s6  }
.Ltmp4:
0x163: {  	s6 =	smov.u32 s20;
	[tilespmem:s13+$0xFFFFFFE0] =	vst v4;
	v2 =	vmul.f32 $1.570796370e+00, v2;
	v0 =	vld [tilespmem:s17+$0x30];
	(pc) =	sbr.rel @p0 .LBB2_11-.Ltmp4, $4  }
0x164: {  	v4 =	vld [tilespmem:s20+$0xFFFFFF80];
	[tilespmem:s23+$0xFFFFFFF0] =	vst v3;
	v1 =	vmul.f32 $1.570796370e+00, v1  }
0x165: {  	v7 =	vmul.f32 $1.570796370e+00, v7;
	v3 =	vld [tilespmem:s11+$0xFFFFFF90];
	[tilespmem:s7+$0x0] =	vst v2  }
0x166: {  	s16 =	sadd.s32 $0x80, s16;
	s13 =	sadd.s32 $0x80, s13;
	v6 =	vmul.f32 $1.570796370e+00, v6;
	v2 =	vld [tilespmem:s8+$0xFFFFFFA0];
	[tilespmem:s5+$0x10] =	vst v1;
	s5 =	smov.u32 s7  }
0x167: {  	s22 =	sor.u32 $0x50, s16;
	s20 =	sadd.s32 $0x100, s20;
	s7 =	smov.u32 s23;
	[tilespmem:s13+$0x20] =	vst v7;
	v5 =	vmul.f32 $1.570796370e+00, v5;
	v1 =	vld [tilespmem:s17+$0xFFFFFFB0]  }
0x168: {  	_ = 	snop  }
0x169: {  	v4 =	vmul.f32 $1.570796370e+00, v4;
	_ =	sdelay $0x1  }
0x16a: {  	v7 =	vld [tilespmem:s6+$0x10];
	[tilespmem:s13+$0xFFFFFFE0] =	vst v4  }
0x16b: {  	v4 =	vld [tilespmem:s6+$0xFFFFFF90];
	_ =	sdelay $0x2  }
0x16c: {  	v3 =	vmul.f32 $1.570796370e+00, v3  }
0x16d: {  	[tilespmem:s22+$0xDA00] =	vst v6;
	s17 =	sadd.s32 $0x80, s16;
	v6 =	vmul.f32 $1.570796370e+00, v7  }
0x16e: {  	s19 =	sor.u32 $0x50, s17;
	[tilespmem:s9+$0xFFFFFFF0] =	vst v3;
	v7 =	vld [tilespmem:s11+$0x20];
	v3 =	vmul.f32 $1.570796370e+00, v4  }
0x16f: {  	[tilespmem:s19+$0xDA00] =	vst v6;
	v4 =	vld [tilespmem:s11+$0xFFFFFFA0]  }
0x170: {  	v6 =	vld [tilespmem:s6+$0x20];
	[tilespmem:s13+$0xFFFFFFF0] =	vst v3  }
0x171: {  	v3 =	vld [tilespmem:s6+$0xFFFFFFA0]  }
0x172: {  	s23 =	sor.u32 $0x60, s12;
	v2 =	vmul.f32 $1.570796370e+00, v2  }
0x173: {  	[tilespmem:s23+$0xDA00] =	vst v5;
	v5 =	vmul.f32 $1.570796370e+00, v7  }
0x174: {  	s20 =	sor.u32 $0x60, s16;
	[tilespmem:s7+$0x0] =	vst v2;
	v2 =	vld [tilespmem:s8+$0x30];
	v4 =	vmul.f32 $1.570796370e+00, v4  }
0x175: {  	[tilespmem:s20+$0xDA00] =	vst v5;
	v5 =	vld [tilespmem:s8+$0xFFFFFFB0];
	v6 =	vmul.f32 $1.570796370e+00, v6  }
0x176: {  	s22 =	sor.u32 $0x60, s17;
	[tilespmem:s9+$0x0] =	vst v4;
	v4 =	vld [tilespmem:s11+$0x30];
	v3 =	vmul.f32 $1.570796370e+00, v3  }
0x177: {  	v0 =	vmul.f32 $1.570796370e+00, v0;
	[tilespmem:s22+$0xDA00] =	vst v6;
	v6 =	vld [tilespmem:s11+$0xFFFFFFB0]  }
0x178: {  	s23 =	sor.u32 $0x70, s10;
	v1 =	vmul.f32 $1.570796370e+00, v1;
	[tilespmem:s13+$0x0] =	vst v3;
	v3 =	vld [tilespmem:s6+$0x30]  }
0x179: {  	[tilespmem:s23+$0xDA00] =	vst v0;
	v0 =	vmul.f32 $1.570796370e+00, v2;
	v2 =	vld [tilespmem:s6+$0xFFFFFFB0]  }
0x17a: {  	s10 =	sor.u32 $0x70, s12;
	[tilespmem:s5+$0x10] =	vst v1;
	v1 =	vmul.f32 $1.570796370e+00, v5  }
0x17b: {  	[tilespmem:s10+$0xDA00] =	vst v0;
	v0 =	vmul.f32 $1.570796370e+00, v4  }
0x17c: {  	s11 =	sor.u32 $0x70, s16;
	[tilespmem:s7+$0x10] =	vst v1;
	v1 =	vmul.f32 $1.570796370e+00, v6  }
0x17d: {  	[tilespmem:s11+$0xDA00] =	vst v0;
	v0 =	vmul.f32 $1.570796370e+00, v3  }
0x17e: {  	s12 =	sor.u32 $0x70, s17;
	[tilespmem:s9+$0x10] =	vst v1;
	v1 =	vmul.f32 $1.570796370e+00, v2  }
0x17f: {  	[tilespmem:s12+$0xDA00] =	vst v0  }
0x180: {  	[tilespmem:s13+$0x10] =	vst v1  }
0x181: {  	s5 =	rddreg [dreg:$0x9]  }
0x182: {  	s16 =	simm.s32 $0xDA00;
	s5 =	sadd.s32 s0, s5  }
0x183: {  	[hbm4b:s5+s26] =	stream.strided.scatter [tilespmem:s16], [sflag:$0xD], $0x680, s14, s26, $0x38;
	[tilespmem:$0xF400] =	vst v63  }
0x184: {  	_ =	swait.ge [sflag:s29], $0x680  }
0x185: {  	[sflag:s29] =	ssyncset.done $0x0  }
0x186: {  	s17 =	sadd.s32 $0x600, s4;
	s19 =	simm.s32 $0x8000;
	[sflag:s29] =	ssyncadd.s32 $0xFFFFF980  }
0x187: {  	[tilespmem:s19], [sflag:$0x5] =	stream.indirect.gather [hbm4b:s3+s24], $0x80, s17, s24, $0xb8;
	[tilespmem:$0xF400] =	vst v63  }
0x188: {  	_ =	swait.ge [sflag:s1], $0xD00  }
0x189: {  	[sflag:s1] =	ssyncset.done $0x0  }
0x18a: {  	s17 =	simm.s32 $0x9080;
	[sflag:s1] =	ssyncadd.s32 $0xFFFFF300  }
0x18b: {  	v0 =	vld [tilespmem:s17+$0x0];
	_ =	sdelay $0x3  }
0x18c: {  	v1 =	vld [tilespmem:s17+$0xFFFFFF80]  }
0x18d: {  	v0 =	vmul.f32 $1.570796370e+00, v0  }
0x18e: {  	s8 =	simm.s32 $0x9180;
	s5 =	simm.s32 $0xE0A0  }
0x18f: {  	v2 =	vld [tilespmem:s8+$0x0];
	[tilespmem:s5+$0x20] =	vst v0  }
0x190: {  	v0 =	vld [tilespmem:s17+$0x10]  }
0x191: {  	v1 =	vmul.f32 $1.570796370e+00, v1;
	_ =	sdelay $0x1  }
0x192: {  	[tilespmem:s5+$0xFFFFFFE0] =	vst v1;
	v1 =	vld [tilespmem:s8+$0xFFFFFF80]  }
0x193: {  	v2 =	vmul.f32 $1.570796370e+00, v2;
	v3 =	vld [tilespmem:s17+$0xFFFFFF90]  }
0x194: {  	s10 =	simm.s32 $0x40;
	s7 =	simm.s32 $0xE120;
	s11 =	simm.s32 $0x9280;
	v0 =	vmul.f32 $1.570796370e+00, v0  }
0x195: {  	s20 =	sor.u32 $0x50, s10;
	[tilespmem:s7+$0x20] =	vst v2;
	v2 =	vld [tilespmem:s11+$0x0]  }
0x196: {  	v4 =	vld [tilespmem:s8+$0x10];
	[tilespmem:s20+$0xE080] =	vst v0  }
0x197: {  	v0 =	vmul.f32 $1.570796370e+00, v1;
	v1 =	vld [tilespmem:s17+$0x20]  }
0x198: {  	v3 =	vmul.f32 $1.570796370e+00, v3  }
0x199: {  	[tilespmem:s7+$0xFFFFFFE0] =	vst v0;
	v0 =	vld [tilespmem:s11+$0xFFFFFF80]  }
0x19a: {  	s6 =	simm.s32 $0x9380;
	v2 =	vmul.f32 $1.570796370e+00, v2;
	[tilespmem:s5+$0xFFFFFFF0] =	vst v3;
	v3 =	vld [tilespmem:s8+$0xFFFFFF90]  }
0x19b: {  	s9 =	simm.s32 $0xE1A0;
	s12 =	simm.s32 $0xC0;
	v4 =	vmul.f32 $1.570796370e+00, v4;
	v5 =	vld [tilespmem:s17+$0xFFFFFFA0]  }
0x19c: {  	s22 =	sor.u32 $0x50, s12;
	[tilespmem:s9+$0x20] =	vst v2;
	v2 =	vld [tilespmem:s6+$0x0];
	v1 =	vmul.f32 $1.570796370e+00, v1  }
0x19d: {  	s23 =	sor.u32 $0x60, s10;
	[tilespmem:s22+$0xE080] =	vst v4;
	v6 =	vld [tilespmem:s11+$0x10]  }
0x19e: {  	v4 =	vmul.f32 $1.570796370e+00, v0;
	[tilespmem:s23+$0xE080] =	vst v1;
	v1 =	vld [tilespmem:s8+$0x20]  }
0x19f: {  	v3 =	vmul.f32 $1.570796370e+00, v3;
	v0 =	vld [tilespmem:s17+$0x30]  }
0x1a0: {  	v5 =	vmul.f32 $1.570796370e+00, v5;
	[tilespmem:s9+$0xFFFFFFE0] =	vst v4;
	v4 =	vld [tilespmem:s6+$0xFFFFFF80]  }
0x1a1: {  	v7 =	vmul.f32 $1.570796370e+00, v2;
	[tilespmem:s7+$0xFFFFFFF0] =	vst v3;
	v3 =	vld [tilespmem:s11+$0xFFFFFF90]  }
0x1a2: {  	s13 =	simm.s32 $0xE220;
	s16 =	simm.s32 $0x140;
	v6 =	vmul.f32 $1.570796370e+00, v6;
	[tilespmem:s5+$0x0] =	vst v5;
	v2 =	vld [tilespmem:s8+$0xFFFFFFA0]  }
0x1a3: {  	s19 =	simm.s32 $0x6;
	s20 =	simm.s32 $0x9480;
	s22 =	sor.u32 $0x50, s16;
	[tilespmem:s13+$0x20] =	vst v7;
	v5 =	vmul.f32 $1.570796370e+00, v1;
	v1 =	vld [tilespmem:s17+$0xFFFFFFB0]  }
.LBB2_13:
0x1a4: {  	v7 =	vld [tilespmem:s20+$0x0];
	[tilespmem:s22+$0xE080] =	vst v6;
	s17 =	sor.u32 $0x60, s12;
	v0 =	vmul.f32 $1.570796370e+00, v0;
	s23 =	smov.u32 s9;
	s9 =	smov.u32 s13  }
0x1a5: {  	s19 =	sadd.s32 $0x2, s19;
	v6 =	vld [tilespmem:s6+$0x10];
	[tilespmem:s17+$0xE080] =	vst v5;
	s17 =	sor.u32 $0x70, s10  }
0x1a6: {  	v4 =	vmul.f32 $1.570796370e+00, v4;
	s10 =	smov.u32 s12;
	s12 =	smov.u32 s16;
	p0 =	slt.u32 s19, $0x18  }
0x1a7: {  	v3 =	vmul.f32 $1.570796370e+00, v3;
	v5 =	vld [tilespmem:s11+$0x20];
	[tilespmem:s17+$0xE080] =	vst v0;
	s17 =	smov.u32 s8;
	s8 =	smov.u32 s11;
	s11 =	smov.u32 s6  }
.Ltmp5:
0x1a8: {  	s6 =	smov.u32 s20;
	[tilespmem:s13+$0xFFFFFFE0] =	vst v4;
	v2 =	vmul.f32 $1.570796370e+00, v2;
	v0 =	vld [tilespmem:s17+$0x30];
	(pc) =	sbr.rel @p0 .LBB2_13-.Ltmp5, $4  }
0x1a9: {  	v4 =	vld [tilespmem:s20+$0xFFFFFF80];
	[tilespmem:s23+$0xFFFFFFF0] =	vst v3;
	v1 =	vmul.f32 $1.570796370e+00, v1  }
0x1aa: {  	v7 =	vmul.f32 $1.570796370e+00, v7;
	v3 =	vld [tilespmem:s11+$0xFFFFFF90];
	[tilespmem:s7+$0x0] =	vst v2  }
0x1ab: {  	s16 =	sadd.s32 $0x80, s16;
	s13 =	sadd.s32 $0x80, s13;
	v6 =	vmul.f32 $1.570796370e+00, v6;
	v2 =	vld [tilespmem:s8+$0xFFFFFFA0];
	[tilespmem:s5+$0x10] =	vst v1;
	s5 =	smov.u32 s7  }
0x1ac: {  	s22 =	sor.u32 $0x50, s16;
	s20 =	sadd.s32 $0x100, s20;
	s7 =	smov.u32 s23;
	[tilespmem:s13+$0x20] =	vst v7;
	v5 =	vmul.f32 $1.570796370e+00, v5;
	v1 =	vld [tilespmem:s17+$0xFFFFFFB0]  }
0x1ad: {  	_ = 	snop  }
0x1ae: {  	v4 =	vmul.f32 $1.570796370e+00, v4;
	_ =	sdelay $0x1  }
0x1af: {  	v7 =	vld [tilespmem:s6+$0x10];
	[tilespmem:s13+$0xFFFFFFE0] =	vst v4  }
0x1b0: {  	v4 =	vld [tilespmem:s6+$0xFFFFFF90];
	_ =	sdelay $0x2  }
0x1b1: {  	v3 =	vmul.f32 $1.570796370e+00, v3  }
0x1b2: {  	[tilespmem:s22+$0xE080] =	vst v6;
	s17 =	sadd.s32 $0x80, s16;
	v6 =	vmul.f32 $1.570796370e+00, v7  }
0x1b3: {  	s19 =	sor.u32 $0x50, s17;
	[tilespmem:s9+$0xFFFFFFF0] =	vst v3;
	v7 =	vld [tilespmem:s11+$0x20];
	v3 =	vmul.f32 $1.570796370e+00, v4  }
0x1b4: {  	[tilespmem:s19+$0xE080] =	vst v6;
	v4 =	vld [tilespmem:s11+$0xFFFFFFA0]  }
0x1b5: {  	v6 =	vld [tilespmem:s6+$0x20];
	[tilespmem:s13+$0xFFFFFFF0] =	vst v3  }
0x1b6: {  	v3 =	vld [tilespmem:s6+$0xFFFFFFA0]  }
0x1b7: {  	s23 =	sor.u32 $0x60, s12;
	v2 =	vmul.f32 $1.570796370e+00, v2  }
0x1b8: {  	[tilespmem:s23+$0xE080] =	vst v5;
	v5 =	vmul.f32 $1.570796370e+00, v7  }
0x1b9: {  	s20 =	sor.u32 $0x60, s16;
	[tilespmem:s7+$0x0] =	vst v2;
	v2 =	vld [tilespmem:s8+$0x30];
	v4 =	vmul.f32 $1.570796370e+00, v4  }
0x1ba: {  	[tilespmem:s20+$0xE080] =	vst v5;
	v5 =	vld [tilespmem:s8+$0xFFFFFFB0];
	v6 =	vmul.f32 $1.570796370e+00, v6  }
0x1bb: {  	s22 =	sor.u32 $0x60, s17;
	[tilespmem:s9+$0x0] =	vst v4;
	v4 =	vld [tilespmem:s11+$0x30];
	v3 =	vmul.f32 $1.570796370e+00, v3  }
0x1bc: {  	v0 =	vmul.f32 $1.570796370e+00, v0;
	[tilespmem:s22+$0xE080] =	vst v6;
	v6 =	vld [tilespmem:s11+$0xFFFFFFB0]  }
0x1bd: {  	s23 =	sor.u32 $0x70, s10;
	v1 =	vmul.f32 $1.570796370e+00, v1;
	[tilespmem:s13+$0x0] =	vst v3;
	v3 =	vld [tilespmem:s6+$0x30]  }
0x1be: {  	[tilespmem:s23+$0xE080] =	vst v0;
	v0 =	vmul.f32 $1.570796370e+00, v2;
	v2 =	vld [tilespmem:s6+$0xFFFFFFB0]  }
0x1bf: {  	s10 =	sor.u32 $0x70, s12;
	[tilespmem:s5+$0x10] =	vst v1;
	v1 =	vmul.f32 $1.570796370e+00, v5  }
0x1c0: {  	[tilespmem:s10+$0xE080] =	vst v0;
	v0 =	vmul.f32 $1.570796370e+00, v4  }
0x1c1: {  	s11 =	sor.u32 $0x70, s16;
	[tilespmem:s7+$0x10] =	vst v1;
	v1 =	vmul.f32 $1.570796370e+00, v6  }
0x1c2: {  	[tilespmem:s11+$0xE080] =	vst v0;
	v0 =	vmul.f32 $1.570796370e+00, v3  }
0x1c3: {  	s12 =	sor.u32 $0x70, s17;
	[tilespmem:s9+$0x10] =	vst v1;
	v1 =	vmul.f32 $1.570796370e+00, v2  }
0x1c4: {  	[tilespmem:s12+$0xE080] =	vst v0  }
0x1c5: {  	[tilespmem:s13+$0x10] =	vst v1  }
0x1c6: {  	s5 =	rddreg [dreg:$0xa]  }
0x1c7: {  	s16 =	simm.s32 $0xE080;
	s5 =	sadd.s32 s0, s5  }
0x1c8: {  	[hbm4b:s5+s26] =	stream.strided.scatter [tilespmem:s16], [sflag:$0xE], $0x680, s14, s26, $0x38;
	[tilespmem:$0xF400] =	vst v63  }
0x1c9: {  	_ =	swait.ge [sflag:s2], $0x680  }
0x1ca: {  	[sflag:s2] =	ssyncset.done $0x0  }
0x1cb: {  	s17 =	sadd.s32 $0x680, s4;
	s19 =	simm.s32 $0x9000;
	[sflag:s2] =	ssyncadd.s32 $0xFFFFF980  }
0x1cc: {  	[tilespmem:s19], [sflag:$0x6] =	stream.indirect.gather [hbm4b:s3+s24], $0x80, s17, s24, $0xb8;
	[tilespmem:$0xF400] =	vst v63  }
0x1cd: {  	_ =	swait.ge [sflag:s15], $0xD00  }
0x1ce: {  	[sflag:s15] =	ssyncset.done $0x0  }
0x1cf: {  	s17 =	simm.s32 $0xA080;
	[sflag:s15] =	ssyncadd.s32 $0xFFFFF300  }
0x1d0: {  	v0 =	vld [tilespmem:s17+$0x0];
	_ =	sdelay $0x3  }
0x1d1: {  	v1 =	vld [tilespmem:s17+$0xFFFFFF80]  }
0x1d2: {  	v0 =	vmul.f32 $1.570796370e+00, v0  }
0x1d3: {  	s8 =	simm.s32 $0xA180;
	s5 =	simm.s32 $0xE720  }
0x1d4: {  	v2 =	vld [tilespmem:s8+$0x0];
	[tilespmem:s5+$0x20] =	vst v0  }
0x1d5: {  	v0 =	vld [tilespmem:s17+$0x10]  }
0x1d6: {  	v1 =	vmul.f32 $1.570796370e+00, v1;
	_ =	sdelay $0x1  }
0x1d7: {  	[tilespmem:s5+$0xFFFFFFE0] =	vst v1;
	v1 =	vld [tilespmem:s8+$0xFFFFFF80]  }
0x1d8: {  	v2 =	vmul.f32 $1.570796370e+00, v2;
	v3 =	vld [tilespmem:s17+$0xFFFFFF90]  }
0x1d9: {  	s10 =	simm.s32 $0x40;
	s7 =	simm.s32 $0xE7A0;
	s11 =	simm.s32 $0xA280;
	v0 =	vmul.f32 $1.570796370e+00, v0  }
0x1da: {  	s20 =	sor.u32 $0x50, s10;
	[tilespmem:s7+$0x20] =	vst v2;
	v2 =	vld [tilespmem:s11+$0x0]  }
0x1db: {  	v4 =	vld [tilespmem:s8+$0x10];
	[tilespmem:s20+$0xE700] =	vst v0  }
0x1dc: {  	v0 =	vmul.f32 $1.570796370e+00, v1;
	v1 =	vld [tilespmem:s17+$0x20]  }
0x1dd: {  	v3 =	vmul.f32 $1.570796370e+00, v3  }
0x1de: {  	[tilespmem:s7+$0xFFFFFFE0] =	vst v0;
	v0 =	vld [tilespmem:s11+$0xFFFFFF80]  }
0x1df: {  	s6 =	simm.s32 $0xA380;
	v2 =	vmul.f32 $1.570796370e+00, v2;
	[tilespmem:s5+$0xFFFFFFF0] =	vst v3;
	v3 =	vld [tilespmem:s8+$0xFFFFFF90]  }
0x1e0: {  	s9 =	simm.s32 $0xE820;
	s12 =	simm.s32 $0xC0;
	v4 =	vmul.f32 $1.570796370e+00, v4;
	v5 =	vld [tilespmem:s17+$0xFFFFFFA0]  }
0x1e1: {  	s22 =	sor.u32 $0x50, s12;
	[tilespmem:s9+$0x20] =	vst v2;
	v2 =	vld [tilespmem:s6+$0x0];
	v1 =	vmul.f32 $1.570796370e+00, v1  }
0x1e2: {  	s23 =	sor.u32 $0x60, s10;
	[tilespmem:s22+$0xE700] =	vst v4;
	v6 =	vld [tilespmem:s11+$0x10]  }
0x1e3: {  	v4 =	vmul.f32 $1.570796370e+00, v0;
	[tilespmem:s23+$0xE700] =	vst v1;
	v1 =	vld [tilespmem:s8+$0x20]  }
0x1e4: {  	v3 =	vmul.f32 $1.570796370e+00, v3;
	v0 =	vld [tilespmem:s17+$0x30]  }
0x1e5: {  	v5 =	vmul.f32 $1.570796370e+00, v5;
	[tilespmem:s9+$0xFFFFFFE0] =	vst v4;
	v4 =	vld [tilespmem:s6+$0xFFFFFF80]  }
0x1e6: {  	v7 =	vmul.f32 $1.570796370e+00, v2;
	[tilespmem:s7+$0xFFFFFFF0] =	vst v3;
	v3 =	vld [tilespmem:s11+$0xFFFFFF90]  }
0x1e7: {  	s13 =	simm.s32 $0xE8A0;
	s16 =	simm.s32 $0x140;
	v6 =	vmul.f32 $1.570796370e+00, v6;
	[tilespmem:s5+$0x0] =	vst v5;
	v2 =	vld [tilespmem:s8+$0xFFFFFFA0]  }
0x1e8: {  	s19 =	simm.s32 $0x6;
	s20 =	simm.s32 $0xA480;
	s22 =	sor.u32 $0x50, s16;
	[tilespmem:s13+$0x20] =	vst v7;
	v5 =	vmul.f32 $1.570796370e+00, v1;
	v1 =	vld [tilespmem:s17+$0xFFFFFFB0]  }
.LBB2_15:
0x1e9: {  	v7 =	vld [tilespmem:s20+$0x0];
	[tilespmem:s22+$0xE700] =	vst v6;
	s17 =	sor.u32 $0x60, s12;
	v0 =	vmul.f32 $1.570796370e+00, v0;
	s23 =	smov.u32 s9;
	s9 =	smov.u32 s13  }
0x1ea: {  	s19 =	sadd.s32 $0x2, s19;
	v6 =	vld [tilespmem:s6+$0x10];
	[tilespmem:s17+$0xE700] =	vst v5;
	s17 =	sor.u32 $0x70, s10  }
0x1eb: {  	v4 =	vmul.f32 $1.570796370e+00, v4;
	s10 =	smov.u32 s12;
	s12 =	smov.u32 s16;
	p0 =	slt.u32 s19, $0x18  }
0x1ec: {  	v3 =	vmul.f32 $1.570796370e+00, v3;
	v5 =	vld [tilespmem:s11+$0x20];
	[tilespmem:s17+$0xE700] =	vst v0;
	s17 =	smov.u32 s8;
	s8 =	smov.u32 s11;
	s11 =	smov.u32 s6  }
.Ltmp6:
0x1ed: {  	s6 =	smov.u32 s20;
	[tilespmem:s13+$0xFFFFFFE0] =	vst v4;
	v2 =	vmul.f32 $1.570796370e+00, v2;
	v0 =	vld [tilespmem:s17+$0x30];
	(pc) =	sbr.rel @p0 .LBB2_15-.Ltmp6, $4  }
0x1ee: {  	v4 =	vld [tilespmem:s20+$0xFFFFFF80];
	[tilespmem:s23+$0xFFFFFFF0] =	vst v3;
	v1 =	vmul.f32 $1.570796370e+00, v1  }
0x1ef: {  	v7 =	vmul.f32 $1.570796370e+00, v7;
	v3 =	vld [tilespmem:s11+$0xFFFFFF90];
	[tilespmem:s7+$0x0] =	vst v2  }
0x1f0: {  	s16 =	sadd.s32 $0x80, s16;
	s13 =	sadd.s32 $0x80, s13;
	v6 =	vmul.f32 $1.570796370e+00, v6;
	v2 =	vld [tilespmem:s8+$0xFFFFFFA0];
	[tilespmem:s5+$0x10] =	vst v1;
	s5 =	smov.u32 s7  }
0x1f1: {  	s22 =	sor.u32 $0x50, s16;
	s20 =	sadd.s32 $0x100, s20;
	s7 =	smov.u32 s23;
	[tilespmem:s13+$0x20] =	vst v7;
	v5 =	vmul.f32 $1.570796370e+00, v5;
	v1 =	vld [tilespmem:s17+$0xFFFFFFB0]  }
0x1f2: {  	_ = 	snop  }
0x1f3: {  	v4 =	vmul.f32 $1.570796370e+00, v4;
	_ =	sdelay $0x1  }
0x1f4: {  	v7 =	vld [tilespmem:s6+$0x10];
	[tilespmem:s13+$0xFFFFFFE0] =	vst v4  }
0x1f5: {  	v4 =	vld [tilespmem:s6+$0xFFFFFF90];
	_ =	sdelay $0x2  }
0x1f6: {  	v3 =	vmul.f32 $1.570796370e+00, v3  }
0x1f7: {  	[tilespmem:s22+$0xE700] =	vst v6;
	s17 =	sadd.s32 $0x80, s16;
	v6 =	vmul.f32 $1.570796370e+00, v7  }
0x1f8: {  	s19 =	sor.u32 $0x50, s17;
	[tilespmem:s9+$0xFFFFFFF0] =	vst v3;
	v7 =	vld [tilespmem:s11+$0x20];
	v3 =	vmul.f32 $1.570796370e+00, v4  }
0x1f9: {  	[tilespmem:s19+$0xE700] =	vst v6;
	v4 =	vld [tilespmem:s11+$0xFFFFFFA0]  }
0x1fa: {  	v6 =	vld [tilespmem:s6+$0x20];
	[tilespmem:s13+$0xFFFFFFF0] =	vst v3  }
0x1fb: {  	v3 =	vld [tilespmem:s6+$0xFFFFFFA0]  }
0x1fc: {  	s23 =	sor.u32 $0x60, s12;
	v2 =	vmul.f32 $1.570796370e+00, v2  }
0x1fd: {  	[tilespmem:s23+$0xE700] =	vst v5;
	v5 =	vmul.f32 $1.570796370e+00, v7  }
0x1fe: {  	s20 =	sor.u32 $0x60, s16;
	[tilespmem:s7+$0x0] =	vst v2;
	v2 =	vld [tilespmem:s8+$0x30];
	v4 =	vmul.f32 $1.570796370e+00, v4  }
0x1ff: {  	[tilespmem:s20+$0xE700] =	vst v5;
	v5 =	vld [tilespmem:s8+$0xFFFFFFB0];
	v6 =	vmul.f32 $1.570796370e+00, v6  }
0x200: {  	s22 =	sor.u32 $0x60, s17;
	[tilespmem:s9+$0x0] =	vst v4;
	v4 =	vld [tilespmem:s11+$0x30];
	v3 =	vmul.f32 $1.570796370e+00, v3  }
0x201: {  	v0 =	vmul.f32 $1.570796370e+00, v0;
	[tilespmem:s22+$0xE700] =	vst v6;
	v6 =	vld [tilespmem:s11+$0xFFFFFFB0]  }
0x202: {  	s23 =	sor.u32 $0x70, s10;
	v1 =	vmul.f32 $1.570796370e+00, v1;
	[tilespmem:s13+$0x0] =	vst v3;
	v3 =	vld [tilespmem:s6+$0x30]  }
0x203: {  	[tilespmem:s23+$0xE700] =	vst v0;
	v0 =	vmul.f32 $1.570796370e+00, v2;
	v2 =	vld [tilespmem:s6+$0xFFFFFFB0]  }
0x204: {  	s10 =	sor.u32 $0x70, s12;
	[tilespmem:s5+$0x10] =	vst v1;
	v1 =	vmul.f32 $1.570796370e+00, v5  }
0x205: {  	[tilespmem:s10+$0xE700] =	vst v0;
	v0 =	vmul.f32 $1.570796370e+00, v4  }
0x206: {  	s11 =	sor.u32 $0x70, s16;
	[tilespmem:s7+$0x10] =	vst v1;
	v1 =	vmul.f32 $1.570796370e+00, v6  }
0x207: {  	[tilespmem:s11+$0xE700] =	vst v0;
	v0 =	vmul.f32 $1.570796370e+00, v3  }
0x208: {  	s12 =	sor.u32 $0x70, s17;
	[tilespmem:s9+$0x10] =	vst v1;
	v1 =	vmul.f32 $1.570796370e+00, v2  }
0x209: {  	[tilespmem:s12+$0xE700] =	vst v0  }
0x20a: {  	[tilespmem:s13+$0x10] =	vst v1  }
0x20b: {  	s5 =	rddreg [dreg:$0xb]  }
0x20c: {  	s16 =	simm.s32 $0xE700;
	s5 =	sadd.s32 s0, s5  }
0x20d: {  	[hbm4b:s5+s26] =	stream.strided.scatter [tilespmem:s16], [sflag:$0xF], $0x680, s14, s26, $0x38;
	[tilespmem:$0xF400] =	vst v63  }
0x20e: {  	_ =	swait.ge [sflag:s21], $0x680  }
0x20f: {  	[sflag:s21] =	ssyncset.done $0x0  }
0x210: {  	s17 =	sadd.s32 $0x700, s4;
	s19 =	simm.s32 $0xA000;
	[sflag:s21] =	ssyncadd.s32 $0xFFFFF980  }
0x211: {  	[tilespmem:s19], [sflag:$0x7] =	stream.indirect.gather [hbm4b:s3+s24], $0x80, s17, s24, $0xb8;
	[tilespmem:$0xF400] =	vst v63  }
0x212: {  	_ =	swait.ge [sflag:s25], $0xD00  }
0x213: {  	[sflag:s25] =	ssyncset.done $0x0  }
0x214: {  	s17 =	simm.s32 $0xB080;
	[sflag:s25] =	ssyncadd.s32 $0xFFFFF300  }
0x215: {  	v0 =	vld [tilespmem:s17+$0x0];
	_ =	sdelay $0x3  }
0x216: {  	v1 =	vld [tilespmem:s17+$0xFFFFFF80]  }
0x217: {  	v0 =	vmul.f32 $1.570796370e+00, v0  }
0x218: {  	s8 =	simm.s32 $0xB180;
	s5 =	simm.s32 $0xEDA0  }
0x219: {  	v2 =	vld [tilespmem:s8+$0x0];
	[tilespmem:s5+$0x20] =	vst v0  }
0x21a: {  	v0 =	vld [tilespmem:s17+$0x10]  }
0x21b: {  	v1 =	vmul.f32 $1.570796370e+00, v1;
	_ =	sdelay $0x1  }
0x21c: {  	[tilespmem:s5+$0xFFFFFFE0] =	vst v1;
	v1 =	vld [tilespmem:s8+$0xFFFFFF80]  }
0x21d: {  	v2 =	vmul.f32 $1.570796370e+00, v2;
	v3 =	vld [tilespmem:s17+$0xFFFFFF90]  }
0x21e: {  	s10 =	simm.s32 $0x40;
	s7 =	simm.s32 $0xEE20;
	s11 =	simm.s32 $0xB280;
	v0 =	vmul.f32 $1.570796370e+00, v0  }
0x21f: {  	s20 =	sor.u32 $0x50, s10;
	[tilespmem:s7+$0x20] =	vst v2;
	v2 =	vld [tilespmem:s11+$0x0]  }
0x220: {  	v4 =	vld [tilespmem:s8+$0x10];
	[tilespmem:s20+$0xED80] =	vst v0  }
0x221: {  	v0 =	vmul.f32 $1.570796370e+00, v1;
	v1 =	vld [tilespmem:s17+$0x20]  }
0x222: {  	v3 =	vmul.f32 $1.570796370e+00, v3  }
0x223: {  	[tilespmem:s7+$0xFFFFFFE0] =	vst v0;
	v0 =	vld [tilespmem:s11+$0xFFFFFF80]  }
0x224: {  	s6 =	simm.s32 $0xB380;
	v2 =	vmul.f32 $1.570796370e+00, v2;
	[tilespmem:s5+$0xFFFFFFF0] =	vst v3;
	v3 =	vld [tilespmem:s8+$0xFFFFFF90]  }
0x225: {  	s9 =	simm.s32 $0xEEA0;
	s12 =	simm.s32 $0xC0;
	v4 =	vmul.f32 $1.570796370e+00, v4;
	v5 =	vld [tilespmem:s17+$0xFFFFFFA0]  }
0x226: {  	s22 =	sor.u32 $0x50, s12;
	[tilespmem:s9+$0x20] =	vst v2;
	v2 =	vld [tilespmem:s6+$0x0];
	v1 =	vmul.f32 $1.570796370e+00, v1  }
0x227: {  	s23 =	sor.u32 $0x60, s10;
	[tilespmem:s22+$0xED80] =	vst v4;
	v6 =	vld [tilespmem:s11+$0x10]  }
0x228: {  	v4 =	vmul.f32 $1.570796370e+00, v0;
	[tilespmem:s23+$0xED80] =	vst v1;
	v1 =	vld [tilespmem:s8+$0x20]  }
0x229: {  	v3 =	vmul.f32 $1.570796370e+00, v3;
	v0 =	vld [tilespmem:s17+$0x30]  }
0x22a: {  	v5 =	vmul.f32 $1.570796370e+00, v5;
	[tilespmem:s9+$0xFFFFFFE0] =	vst v4;
	v4 =	vld [tilespmem:s6+$0xFFFFFF80]  }
0x22b: {  	v7 =	vmul.f32 $1.570796370e+00, v2;
	[tilespmem:s7+$0xFFFFFFF0] =	vst v3;
	v3 =	vld [tilespmem:s11+$0xFFFFFF90]  }
0x22c: {  	s13 =	simm.s32 $0xEF20;
	s16 =	simm.s32 $0x140;
	v6 =	vmul.f32 $1.570796370e+00, v6;
	[tilespmem:s5+$0x0] =	vst v5;
	v2 =	vld [tilespmem:s8+$0xFFFFFFA0]  }
0x22d: {  	s19 =	simm.s32 $0x6;
	s20 =	simm.s32 $0xB480;
	s22 =	sor.u32 $0x50, s16;
	[tilespmem:s13+$0x20] =	vst v7;
	v5 =	vmul.f32 $1.570796370e+00, v1;
	v1 =	vld [tilespmem:s17+$0xFFFFFFB0]  }
.LBB2_17:
0x22e: {  	v7 =	vld [tilespmem:s20+$0x0];
	[tilespmem:s22+$0xED80] =	vst v6;
	s17 =	sor.u32 $0x60, s12;
	v0 =	vmul.f32 $1.570796370e+00, v0;
	s23 =	smov.u32 s9;
	s9 =	smov.u32 s13  }
0x22f: {  	s19 =	sadd.s32 $0x2, s19;
	v6 =	vld [tilespmem:s6+$0x10];
	[tilespmem:s17+$0xED80] =	vst v5;
	s17 =	sor.u32 $0x70, s10  }
0x230: {  	v4 =	vmul.f32 $1.570796370e+00, v4;
	s10 =	smov.u32 s12;
	s12 =	smov.u32 s16;
	p0 =	slt.u32 s19, $0x18  }
0x231: {  	v3 =	vmul.f32 $1.570796370e+00, v3;
	v5 =	vld [tilespmem:s11+$0x20];
	[tilespmem:s17+$0xED80] =	vst v0;
	s17 =	smov.u32 s8;
	s8 =	smov.u32 s11;
	s11 =	smov.u32 s6  }
.Ltmp7:
0x232: {  	s6 =	smov.u32 s20;
	[tilespmem:s13+$0xFFFFFFE0] =	vst v4;
	v2 =	vmul.f32 $1.570796370e+00, v2;
	v0 =	vld [tilespmem:s17+$0x30];
	(pc) =	sbr.rel @p0 .LBB2_17-.Ltmp7, $4  }
0x233: {  	v4 =	vld [tilespmem:s20+$0xFFFFFF80];
	[tilespmem:s23+$0xFFFFFFF0] =	vst v3;
	v1 =	vmul.f32 $1.570796370e+00, v1  }
0x234: {  	v7 =	vmul.f32 $1.570796370e+00, v7;
	v3 =	vld [tilespmem:s11+$0xFFFFFF90];
	[tilespmem:s7+$0x0] =	vst v2  }
0x235: {  	s16 =	sadd.s32 $0x80, s16;
	s13 =	sadd.s32 $0x80, s13;
	v6 =	vmul.f32 $1.570796370e+00, v6;
	v2 =	vld [tilespmem:s8+$0xFFFFFFA0];
	[tilespmem:s5+$0x10] =	vst v1;
	s5 =	smov.u32 s7  }
0x236: {  	s22 =	sor.u32 $0x50, s16;
	s20 =	sadd.s32 $0x100, s20;
	s7 =	smov.u32 s23;
	[tilespmem:s13+$0x20] =	vst v7;
	v5 =	vmul.f32 $1.570796370e+00, v5;
	v1 =	vld [tilespmem:s17+$0xFFFFFFB0]  }
0x237: {  	_ = 	snop  }
0x238: {  	v4 =	vmul.f32 $1.570796370e+00, v4;
	_ =	sdelay $0x1  }
0x239: {  	v7 =	vld [tilespmem:s6+$0x10];
	[tilespmem:s13+$0xFFFFFFE0] =	vst v4  }
0x23a: {  	v4 =	vld [tilespmem:s6+$0xFFFFFF90];
	_ =	sdelay $0x2  }
0x23b: {  	v3 =	vmul.f32 $1.570796370e+00, v3  }
0x23c: {  	[tilespmem:s22+$0xED80] =	vst v6;
	s17 =	sadd.s32 $0x80, s16;
	v47 =	vmul.f32 $1.570796370e+00, v7  }
0x23d: {  	v48 =	vld [tilespmem:s11+$0x20];
	s19 =	sor.u32 $0x50, s17;
	[tilespmem:s9+$0xFFFFFFF0] =	vst v3;
	v49 =	vmul.f32 $1.570796370e+00, v4  }
0x23e: {  	v50 =	vld [tilespmem:s11+$0xFFFFFFA0];
	[tilespmem:s19+$0xED80] =	vst v47  }
0x23f: {  	v6 =	vld [tilespmem:s6+$0x20];
	[tilespmem:s13+$0xFFFFFFF0] =	vst v49  }
0x240: {  	s20 =	sor.u32 $0x60, s12;
	v2 =	vmul.f32 $1.570796370e+00, v2;
	v3 =	vld [tilespmem:s6+$0xFFFFFFA0]  }
0x241: {  	[tilespmem:s20+$0xED80] =	vst v5  }
0x242: {  	v52 =	vld [tilespmem:s8+$0x30];
	[tilespmem:s7+$0x0] =	vst v2;
	v51 =	vmul.f32 $1.570796370e+00, v48  }
0x243: {  	s22 =	sor.u32 $0x60, s16;
	v53 =	vld [tilespmem:s8+$0xFFFFFFB0];
	v4 =	vmul.f32 $1.570796370e+00, v50  }
0x244: {  	[tilespmem:s22+$0xED80] =	vst v51;
	v6 =	vmul.f32 $1.570796370e+00, v6  }
0x245: {  	s23 =	sor.u32 $0x60, s17;
	v54 =	vld [tilespmem:s11+$0x30];
	[tilespmem:s9+$0x0] =	vst v4;
	v3 =	vmul.f32 $1.570796370e+00, v3  }
0x246: {  	v1 =	vmul.f32 $1.570796370e+00, v1;
	v55 =	vld [tilespmem:s11+$0xFFFFFFB0];
	[tilespmem:s23+$0xED80] =	vst v6  }
0x247: {  	v57 =	vmul.f32 $1.570796370e+00, v52;
	v56 =	vld [tilespmem:s6+$0x30];
	[tilespmem:s13+$0x0] =	vst v3  }
0x248: {  	s12 =	sor.u32 $0x70, s12;
	[tilespmem:s5+$0x10] =	vst v1;
	v59 =	vmul.f32 $1.570796370e+00, v53;
	v58 =	vld [tilespmem:s6+$0xFFFFFFB0]  }
0x249: {  	v0 =	vmul.f32 $1.570796370e+00, v0;
	[tilespmem:s12+$0xED80] =	vst v57  }
0x24a: {  	s11 =	sor.u32 $0x70, s10;
	[tilespmem:s7+$0x10] =	vst v59;
	v60 =	vmul.f32 $1.570796370e+00, v54  }
0x24b: {  	s16 =	sor.u32 $0x70, s16;
	[tilespmem:s11+$0xED80] =	vst v0;
	v61 =	vmul.f32 $1.570796370e+00, v55  }
0x24c: {  	[tilespmem:s16+$0xED80] =	vst v60;
	v62 =	vmul.f32 $1.570796370e+00, v56  }
0x24d: {  	s19 =	sor.u32 $0x70, s17;
	[tilespmem:s9+$0x10] =	vst v61;
	v63 =	vmul.f32 $1.570796370e+00, v58  }
0x24e: {  	[tilespmem:s19+$0xED80] =	vst v62  }
0x24f: {  	[tilespmem:s13+$0x10] =	vst v63  }
0x250: {  	s18 =	sadd.s32 $0x1, s18;
	s5 =	rddreg [dreg:$0xc]  }
0x251: {  	s20 =	simm.s32 $0xED80;
	p0 =	sne.s32 s18, $0xF;
	s0 =	sadd.s32 s0, s5  }
0x252: {  	[hbm4b:s0+s26] =	stream.strided.scatter [tilespmem:s20], [sflag:$0x10], $0x680, s14, s26, $0x38;
	[tilespmem:$0xF400] =	vst v63  }
.Ltmp8:
0x253: {  	_ = 	snop;
	(pc) =	sbr.rel @p0 .LBB2_2-.Ltmp8, $4  }
0x254: {  	_ =	swait.ge [sflag:s31], $0x680  }
0x255: {  	[sflag:s31] =	ssyncset.done $0x0  }
0x256: {  	s22 =	sadd.s32 $0x780, s4;
	s23 =	simm.s32 $0xB000;
	[sflag:s31] =	ssyncadd.s32 $0xFFFFF980  }
0x257: {  	[tilespmem:s23], [sflag:$0x8] =	stream.indirect.gather [hbm4b:s3+s24], $0x80, s22, s24, $0xb8;
	[tilespmem:$0xF400] =	vst v63  }
0x258: {  	s0 =	simm.s32 $0x1  }
0x259: {  	_ =	swait.ge [sflag:s0], $0xD00  }
0x25a: {  	[sflag:s0] =	ssyncset.done $0x0  }
0x25b: {  	s13 =	simm.s32 $0x4080;
	[sflag:s0] =	ssyncadd.s32 $0xFFFFF300  }
0x25c: {  	v0 =	vld [tilespmem:s13+$0x0];
	_ =	sdelay $0x3  }
0x25d: {  	v1 =	vld [tilespmem:s13+$0xFFFFFF80]  }
0x25e: {  	v0 =	vmul.f32 $1.570796370e+00, v0  }
0x25f: {  	s5 =	simm.s32 $0x4180;
	s0 =	simm.s32 $0xC020  }
0x260: {  	v2 =	vld [tilespmem:s5+$0x0];
	[tilespmem:s0+$0x20] =	vst v0  }
0x261: {  	v0 =	vld [tilespmem:s13+$0x10]  }
0x262: {  	v1 =	vmul.f32 $1.570796370e+00, v1;
	_ =	sdelay $0x1  }
0x263: {  	[tilespmem:s0+$0xFFFFFFE0] =	vst v1;
	v1 =	vld [tilespmem:s5+$0xFFFFFF80]  }
0x264: {  	v2 =	vmul.f32 $1.570796370e+00, v2;
	v3 =	vld [tilespmem:s13+$0xFFFFFF90]  }
0x265: {  	s4 =	simm.s32 $0xC0A0;
	s9 =	simm.s32 $0x4280;
	s8 =	simm.s32 $0x40;
	v0 =	vmul.f32 $1.570796370e+00, v0  }
0x266: {  	s6 =	sor.u32 $0x50, s8;
	[tilespmem:s4+$0x20] =	vst v2;
	v2 =	vld [tilespmem:s9+$0x0]  }
0x267: {  	v4 =	vld [tilespmem:s5+$0x10];
	[tilespmem:s6+$0xC000] =	vst v0  }
0x268: {  	v0 =	vmul.f32 $1.570796370e+00, v1;
	v1 =	vld [tilespmem:s13+$0x20]  }
0x269: {  	v3 =	vmul.f32 $1.570796370e+00, v3  }
0x26a: {  	[tilespmem:s4+$0xFFFFFFE0] =	vst v0;
	v0 =	vld [tilespmem:s9+$0xFFFFFF80]  }
0x26b: {  	s7 =	simm.s32 $0xC120;
	v2 =	vmul.f32 $1.570796370e+00, v2;
	[tilespmem:s0+$0xFFFFFFF0] =	vst v3;
	v3 =	vld [tilespmem:s5+$0xFFFFFF90]  }
0x26c: {  	s10 =	simm.s32 $0xC0;
	v4 =	vmul.f32 $1.570796370e+00, v4;
	s6 =	simm.s32 $0x4380;
	v5 =	vld [tilespmem:s13+$0xFFFFFFA0]  }
0x26d: {  	s11 =	sor.u32 $0x50, s10;
	[tilespmem:s7+$0x20] =	vst v2;
	v2 =	vld [tilespmem:s6+$0x0];
	v1 =	vmul.f32 $1.570796370e+00, v1  }
0x26e: {  	s23 =	sor.u32 $0x60, s8;
	[tilespmem:s11+$0xC000] =	vst v4;
	v6 =	vld [tilespmem:s9+$0x10]  }
0x26f: {  	v4 =	vmul.f32 $1.570796370e+00, v0;
	[tilespmem:s23+$0xC000] =	vst v1;
	v1 =	vld [tilespmem:s5+$0x20]  }
0x270: {  	v3 =	vmul.f32 $1.570796370e+00, v3;
	v0 =	vld [tilespmem:s13+$0x30]  }
0x271: {  	v5 =	vmul.f32 $1.570796370e+00, v5;
	[tilespmem:s7+$0xFFFFFFE0] =	vst v4;
	v4 =	vld [tilespmem:s6+$0xFFFFFF80]  }
0x272: {  	v7 =	vmul.f32 $1.570796370e+00, v2;
	[tilespmem:s4+$0xFFFFFFF0] =	vst v3;
	v3 =	vld [tilespmem:s9+$0xFFFFFF90]  }
0x273: {  	s12 =	simm.s32 $0x140;
	s11 =	simm.s32 $0xC1A0;
	v6 =	vmul.f32 $1.570796370e+00, v6;
	[tilespmem:s0+$0x0] =	vst v5;
	v2 =	vld [tilespmem:s5+$0xFFFFFFA0]  }
0x274: {  	s16 =	simm.s32 $0x6;
	s17 =	simm.s32 $0x4480;
	s18 =	sor.u32 $0x50, s12;
	[tilespmem:s11+$0x20] =	vst v7;
	v5 =	vmul.f32 $1.570796370e+00, v1;
	v1 =	vld [tilespmem:s13+$0xFFFFFFB0]  }
.LBB2_20:
0x275: {  	v7 =	vld [tilespmem:s17+$0x0];
	[tilespmem:s18+$0xC000] =	vst v6;
	s13 =	sor.u32 $0x60, s10;
	v0 =	vmul.f32 $1.570796370e+00, v0;
	s19 =	smov.u32 s7;
	s7 =	smov.u32 s11  }
0x276: {  	s16 =	sadd.s32 $0x2, s16;
	v6 =	vld [tilespmem:s6+$0x10];
	[tilespmem:s13+$0xC000] =	vst v5;
	s13 =	sor.u32 $0x70, s8  }
0x277: {  	v4 =	vmul.f32 $1.570796370e+00, v4;
	s8 =	smov.u32 s10;
	s10 =	smov.u32 s12;
	p0 =	slt.u32 s16, $0x18  }
0x278: {  	v3 =	vmul.f32 $1.570796370e+00, v3;
	v5 =	vld [tilespmem:s9+$0x20];
	[tilespmem:s13+$0xC000] =	vst v0;
	s13 =	smov.u32 s5;
	s5 =	smov.u32 s9;
	s9 =	smov.u32 s6  }
.Ltmp9:
0x279: {  	s6 =	smov.u32 s17;
	[tilespmem:s11+$0xFFFFFFE0] =	vst v4;
	v2 =	vmul.f32 $1.570796370e+00, v2;
	v0 =	vld [tilespmem:s13+$0x30];
	(pc) =	sbr.rel @p0 .LBB2_20-.Ltmp9, $4  }
0x27a: {  	v4 =	vld [tilespmem:s17+$0xFFFFFF80];
	[tilespmem:s19+$0xFFFFFFF0] =	vst v3;
	v1 =	vmul.f32 $1.570796370e+00, v1  }
0x27b: {  	v7 =	vmul.f32 $1.570796370e+00, v7;
	v3 =	vld [tilespmem:s9+$0xFFFFFF90];
	[tilespmem:s4+$0x0] =	vst v2  }
0x27c: {  	s12 =	sadd.s32 $0x80, s12;
	s11 =	sadd.s32 $0x80, s11;
	v6 =	vmul.f32 $1.570796370e+00, v6;
	v2 =	vld [tilespmem:s5+$0xFFFFFFA0];
	[tilespmem:s0+$0x10] =	vst v1;
	s0 =	smov.u32 s4  }
0x27d: {  	s18 =	sor.u32 $0x50, s12;
	s17 =	sadd.s32 $0x100, s17;
	s4 =	smov.u32 s19;
	[tilespmem:s11+$0x20] =	vst v7;
	v5 =	vmul.f32 $1.570796370e+00, v5;
	v1 =	vld [tilespmem:s13+$0xFFFFFFB0]  }
0x27e: {  	_ = 	snop  }
0x27f: {  	v4 =	vmul.f32 $1.570796370e+00, v4;
	_ =	sdelay $0x1  }
0x280: {  	v7 =	vld [tilespmem:s6+$0x10];
	[tilespmem:s11+$0xFFFFFFE0] =	vst v4  }
0x281: {  	v4 =	vld [tilespmem:s6+$0xFFFFFF90];
	_ =	sdelay $0x2  }
0x282: {  	v3 =	vmul.f32 $1.570796370e+00, v3  }
0x283: {  	[tilespmem:s18+$0xC000] =	vst v6;
	s13 =	sadd.s32 $0x80, s12;
	v6 =	vmul.f32 $1.570796370e+00, v7  }
0x284: {  	s16 =	sor.u32 $0x50, s13;
	[tilespmem:s7+$0xFFFFFFF0] =	vst v3;
	v7 =	vld [tilespmem:s9+$0x20];
	v3 =	vmul.f32 $1.570796370e+00, v4  }
0x285: {  	[tilespmem:s16+$0xC000] =	vst v6;
	v4 =	vld [tilespmem:s9+$0xFFFFFFA0]  }
0x286: {  	v6 =	vld [tilespmem:s6+$0x20];
	[tilespmem:s11+$0xFFFFFFF0] =	vst v3  }
0x287: {  	v3 =	vld [tilespmem:s6+$0xFFFFFFA0]  }
0x288: {  	s20 =	sor.u32 $0x60, s10;
	v2 =	vmul.f32 $1.570796370e+00, v2  }
0x289: {  	[tilespmem:s20+$0xC000] =	vst v5;
	v5 =	vmul.f32 $1.570796370e+00, v7  }
0x28a: {  	s22 =	sor.u32 $0x60, s12;
	[tilespmem:s4+$0x0] =	vst v2;
	v2 =	vld [tilespmem:s5+$0x30];
	v4 =	vmul.f32 $1.570796370e+00, v4  }
0x28b: {  	[tilespmem:s22+$0xC000] =	vst v5;
	v5 =	vld [tilespmem:s5+$0xFFFFFFB0];
	v6 =	vmul.f32 $1.570796370e+00, v6  }
0x28c: {  	s23 =	sor.u32 $0x60, s13;
	[tilespmem:s7+$0x0] =	vst v4;
	v4 =	vld [tilespmem:s9+$0x30];
	v3 =	vmul.f32 $1.570796370e+00, v3  }
0x28d: {  	v0 =	vmul.f32 $1.570796370e+00, v0;
	[tilespmem:s23+$0xC000] =	vst v6;
	v6 =	vld [tilespmem:s9+$0xFFFFFFB0]  }
0x28e: {  	v1 =	vmul.f32 $1.570796370e+00, v1;
	s9 =	sor.u32 $0x70, s8;
	[tilespmem:s11+$0x0] =	vst v3;
	v3 =	vld [tilespmem:s6+$0x30]  }
0x28f: {  	[tilespmem:s9+$0xC000] =	vst v0;
	v0 =	vmul.f32 $1.570796370e+00, v2;
	v2 =	vld [tilespmem:s6+$0xFFFFFFB0]  }
0x290: {  	s10 =	sor.u32 $0x70, s10;
	[tilespmem:s0+$0x10] =	vst v1;
	v1 =	vmul.f32 $1.570796370e+00, v5  }
0x291: {  	[tilespmem:s10+$0xC000] =	vst v0;
	v0 =	vmul.f32 $1.570796370e+00, v4  }
0x292: {  	s12 =	sor.u32 $0x70, s12;
	[tilespmem:s4+$0x10] =	vst v1;
	v1 =	vmul.f32 $1.570796370e+00, v6  }
0x293: {  	[tilespmem:s12+$0xC000] =	vst v0;
	v0 =	vmul.f32 $1.570796370e+00, v3  }
0x294: {  	s16 =	sor.u32 $0x70, s13;
	[tilespmem:s7+$0x10] =	vst v1;
	v1 =	vmul.f32 $1.570796370e+00, v2  }
0x295: {  	[tilespmem:s16+$0xC000] =	vst v0  }
0x296: {  	[tilespmem:s11+$0x10] =	vst v1  }
0x297: {  	s17 =	simm.s32 $0xC000;
	s18 =	simm.s32 $0x2;
	s0 =	rddreg [dreg:$0xd]  }
0x298: {  	[hbm4b:s0+s26] =	stream.strided.scatter [tilespmem:s17], [sflag:$0x9], $0x680, s14, s26, $0x38;
	[tilespmem:$0xF400] =	vst v63  }
0x299: {  	_ =	swait.ge [sflag:s18], $0xD00  }
0x29a: {  	[sflag:s18] =	ssyncset.done $0x0  }
0x29b: {  	s19 =	simm.s32 $0x5080;
	[sflag:s18] =	ssyncadd.s32 $0xFFFFF300  }
0x29c: {  	v0 =	vld [tilespmem:s19+$0x0];
	_ =	sdelay $0x3  }
0x29d: {  	v1 =	vld [tilespmem:s19+$0xFFFFFF80]  }
0x29e: {  	v0 =	vmul.f32 $1.570796370e+00, v0  }
0x29f: {  	s5 =	simm.s32 $0x5180;
	s0 =	simm.s32 $0xC6A0  }
0x2a0: {  	v2 =	vld [tilespmem:s5+$0x0];
	[tilespmem:s0+$0x20] =	vst v0  }
0x2a1: {  	v0 =	vld [tilespmem:s19+$0x10]  }
0x2a2: {  	v1 =	vmul.f32 $1.570796370e+00, v1;
	_ =	sdelay $0x1  }
0x2a3: {  	[tilespmem:s0+$0xFFFFFFE0] =	vst v1;
	v1 =	vld [tilespmem:s5+$0xFFFFFF80]  }
0x2a4: {  	v2 =	vmul.f32 $1.570796370e+00, v2;
	v3 =	vld [tilespmem:s19+$0xFFFFFF90]  }
0x2a5: {  	s8 =	simm.s32 $0x40;
	s9 =	simm.s32 $0x5280;
	s4 =	simm.s32 $0xC720;
	v0 =	vmul.f32 $1.570796370e+00, v0  }
0x2a6: {  	s20 =	sor.u32 $0x50, s8;
	[tilespmem:s4+$0x20] =	vst v2;
	v2 =	vld [tilespmem:s9+$0x0]  }
0x2a7: {  	v4 =	vld [tilespmem:s5+$0x10];
	[tilespmem:s20+$0xC680] =	vst v0  }
0x2a8: {  	v0 =	vmul.f32 $1.570796370e+00, v1;
	v1 =	vld [tilespmem:s19+$0x20]  }
0x2a9: {  	v3 =	vmul.f32 $1.570796370e+00, v3  }
0x2aa: {  	[tilespmem:s4+$0xFFFFFFE0] =	vst v0;
	v0 =	vld [tilespmem:s9+$0xFFFFFF80]  }
0x2ab: {  	s10 =	simm.s32 $0xC0;
	v2 =	vmul.f32 $1.570796370e+00, v2;
	[tilespmem:s0+$0xFFFFFFF0] =	vst v3;
	v3 =	vld [tilespmem:s5+$0xFFFFFF90]  }
0x2ac: {  	s6 =	simm.s32 $0x5380;
	s7 =	simm.s32 $0xC7A0;
	v4 =	vmul.f32 $1.570796370e+00, v4;
	v5 =	vld [tilespmem:s19+$0xFFFFFFA0]  }
0x2ad: {  	s22 =	sor.u32 $0x50, s10;
	[tilespmem:s7+$0x20] =	vst v2;
	v2 =	vld [tilespmem:s6+$0x0];
	v1 =	vmul.f32 $1.570796370e+00, v1  }
0x2ae: {  	s23 =	sor.u32 $0x60, s8;
	[tilespmem:s22+$0xC680] =	vst v4;
	v6 =	vld [tilespmem:s9+$0x10]  }
0x2af: {  	v4 =	vmul.f32 $1.570796370e+00, v0;
	[tilespmem:s23+$0xC680] =	vst v1;
	v1 =	vld [tilespmem:s5+$0x20]  }
0x2b0: {  	v3 =	vmul.f32 $1.570796370e+00, v3;
	v0 =	vld [tilespmem:s19+$0x30]  }
0x2b1: {  	v5 =	vmul.f32 $1.570796370e+00, v5;
	[tilespmem:s7+$0xFFFFFFE0] =	vst v4;
	v4 =	vld [tilespmem:s6+$0xFFFFFF80]  }
0x2b2: {  	v7 =	vmul.f32 $1.570796370e+00, v2;
	[tilespmem:s4+$0xFFFFFFF0] =	vst v3;
	v3 =	vld [tilespmem:s9+$0xFFFFFF90]  }
0x2b3: {  	s12 =	simm.s32 $0x140;
	s11 =	simm.s32 $0xC820;
	v6 =	vmul.f32 $1.570796370e+00, v6;
	[tilespmem:s0+$0x0] =	vst v5;
	v2 =	vld [tilespmem:s5+$0xFFFFFFA0]  }
0x2b4: {  	s16 =	simm.s32 $0x6;
	s17 =	simm.s32 $0x5480;
	s18 =	sor.u32 $0x50, s12;
	[tilespmem:s11+$0x20] =	vst v7;
	v5 =	vmul.f32 $1.570796370e+00, v1;
	v1 =	vld [tilespmem:s19+$0xFFFFFFB0]  }
.LBB2_22:
0x2b5: {  	v7 =	vld [tilespmem:s17+$0x0];
	[tilespmem:s18+$0xC680] =	vst v6;
	s13 =	sor.u32 $0x60, s10;
	v0 =	vmul.f32 $1.570796370e+00, v0;
	s19 =	smov.u32 s7;
	s7 =	smov.u32 s11  }
0x2b6: {  	s16 =	sadd.s32 $0x2, s16;
	v6 =	vld [tilespmem:s6+$0x10];
	[tilespmem:s13+$0xC680] =	vst v5;
	s13 =	sor.u32 $0x70, s8  }
0x2b7: {  	v4 =	vmul.f32 $1.570796370e+00, v4;
	s8 =	smov.u32 s10;
	s10 =	smov.u32 s12;
	p0 =	slt.u32 s16, $0x18  }
0x2b8: {  	v3 =	vmul.f32 $1.570796370e+00, v3;
	v5 =	vld [tilespmem:s9+$0x20];
	[tilespmem:s13+$0xC680] =	vst v0;
	s13 =	smov.u32 s5;
	s5 =	smov.u32 s9;
	s9 =	smov.u32 s6  }
.Ltmp10:
0x2b9: {  	s6 =	smov.u32 s17;
	[tilespmem:s11+$0xFFFFFFE0] =	vst v4;
	v2 =	vmul.f32 $1.570796370e+00, v2;
	v0 =	vld [tilespmem:s13+$0x30];
	(pc) =	sbr.rel @p0 .LBB2_22-.Ltmp10, $4  }
0x2ba: {  	v4 =	vld [tilespmem:s17+$0xFFFFFF80];
	[tilespmem:s19+$0xFFFFFFF0] =	vst v3;
	v1 =	vmul.f32 $1.570796370e+00, v1  }
0x2bb: {  	v7 =	vmul.f32 $1.570796370e+00, v7;
	v3 =	vld [tilespmem:s9+$0xFFFFFF90];
	[tilespmem:s4+$0x0] =	vst v2  }
0x2bc: {  	s12 =	sadd.s32 $0x80, s12;
	s11 =	sadd.s32 $0x80, s11;
	v6 =	vmul.f32 $1.570796370e+00, v6;
	v2 =	vld [tilespmem:s5+$0xFFFFFFA0];
	[tilespmem:s0+$0x10] =	vst v1;
	s0 =	smov.u32 s4  }
0x2bd: {  	s18 =	sor.u32 $0x50, s12;
	s17 =	sadd.s32 $0x100, s17;
	s4 =	smov.u32 s19;
	[tilespmem:s11+$0x20] =	vst v7;
	v5 =	vmul.f32 $1.570796370e+00, v5;
	v1 =	vld [tilespmem:s13+$0xFFFFFFB0]  }
0x2be: {  	_ = 	snop  }
0x2bf: {  	v4 =	vmul.f32 $1.570796370e+00, v4;
	_ =	sdelay $0x1  }
0x2c0: {  	v7 =	vld [tilespmem:s6+$0x10];
	[tilespmem:s11+$0xFFFFFFE0] =	vst v4  }
0x2c1: {  	v4 =	vld [tilespmem:s6+$0xFFFFFF90];
	_ =	sdelay $0x2  }
0x2c2: {  	v3 =	vmul.f32 $1.570796370e+00, v3  }
0x2c3: {  	[tilespmem:s18+$0xC680] =	vst v6;
	s13 =	sadd.s32 $0x80, s12;
	v6 =	vmul.f32 $1.570796370e+00, v7  }
0x2c4: {  	s16 =	sor.u32 $0x50, s13;
	[tilespmem:s7+$0xFFFFFFF0] =	vst v3;
	v7 =	vld [tilespmem:s9+$0x20];
	v3 =	vmul.f32 $1.570796370e+00, v4  }
0x2c5: {  	[tilespmem:s16+$0xC680] =	vst v6;
	v4 =	vld [tilespmem:s9+$0xFFFFFFA0]  }
0x2c6: {  	v6 =	vld [tilespmem:s6+$0x20];
	[tilespmem:s11+$0xFFFFFFF0] =	vst v3  }
0x2c7: {  	v3 =	vld [tilespmem:s6+$0xFFFFFFA0]  }
0x2c8: {  	s20 =	sor.u32 $0x60, s10;
	v2 =	vmul.f32 $1.570796370e+00, v2  }
0x2c9: {  	[tilespmem:s20+$0xC680] =	vst v5;
	v5 =	vmul.f32 $1.570796370e+00, v7  }
0x2ca: {  	s22 =	sor.u32 $0x60, s12;
	[tilespmem:s4+$0x0] =	vst v2;
	v2 =	vld [tilespmem:s5+$0x30];
	v4 =	vmul.f32 $1.570796370e+00, v4  }
0x2cb: {  	[tilespmem:s22+$0xC680] =	vst v5;
	v5 =	vld [tilespmem:s5+$0xFFFFFFB0];
	v6 =	vmul.f32 $1.570796370e+00, v6  }
0x2cc: {  	s23 =	sor.u32 $0x60, s13;
	[tilespmem:s7+$0x0] =	vst v4;
	v4 =	vld [tilespmem:s9+$0x30];
	v3 =	vmul.f32 $1.570796370e+00, v3  }
0x2cd: {  	v0 =	vmul.f32 $1.570796370e+00, v0;
	[tilespmem:s23+$0xC680] =	vst v6;
	v6 =	vld [tilespmem:s9+$0xFFFFFFB0]  }
0x2ce: {  	v1 =	vmul.f32 $1.570796370e+00, v1;
	s9 =	sor.u32 $0x70, s8;
	[tilespmem:s11+$0x0] =	vst v3;
	v3 =	vld [tilespmem:s6+$0x30]  }
0x2cf: {  	[tilespmem:s9+$0xC680] =	vst v0;
	v0 =	vmul.f32 $1.570796370e+00, v2;
	v2 =	vld [tilespmem:s6+$0xFFFFFFB0]  }
0x2d0: {  	s10 =	sor.u32 $0x70, s10;
	[tilespmem:s0+$0x10] =	vst v1;
	v1 =	vmul.f32 $1.570796370e+00, v5  }
0x2d1: {  	[tilespmem:s10+$0xC680] =	vst v0;
	v0 =	vmul.f32 $1.570796370e+00, v4  }
0x2d2: {  	s12 =	sor.u32 $0x70, s12;
	[tilespmem:s4+$0x10] =	vst v1;
	v1 =	vmul.f32 $1.570796370e+00, v6  }
0x2d3: {  	[tilespmem:s12+$0xC680] =	vst v0;
	v0 =	vmul.f32 $1.570796370e+00, v3  }
0x2d4: {  	s16 =	sor.u32 $0x70, s13;
	[tilespmem:s7+$0x10] =	vst v1;
	v1 =	vmul.f32 $1.570796370e+00, v2  }
0x2d5: {  	[tilespmem:s16+$0xC680] =	vst v0  }
0x2d6: {  	[tilespmem:s11+$0x10] =	vst v1  }
0x2d7: {  	s17 =	simm.s32 $0xC680;
	s18 =	simm.s32 $0x3;
	s0 =	rddreg [dreg:$0xe]  }
0x2d8: {  	[hbm4b:s0+s26] =	stream.strided.scatter [tilespmem:s17], [sflag:$0xA], $0x680, s14, s26, $0x38;
	[tilespmem:$0xF400] =	vst v63  }
0x2d9: {  	_ =	swait.ge [sflag:s18], $0xD00  }
0x2da: {  	[sflag:s18] =	ssyncset.done $0x0  }
0x2db: {  	s19 =	simm.s32 $0x6080;
	[sflag:s18] =	ssyncadd.s32 $0xFFFFF300  }
0x2dc: {  	v0 =	vld [tilespmem:s19+$0x0];
	_ =	sdelay $0x3  }
0x2dd: {  	v1 =	vld [tilespmem:s19+$0xFFFFFF80]  }
0x2de: {  	v0 =	vmul.f32 $1.570796370e+00, v0  }
0x2df: {  	s5 =	simm.s32 $0x6180;
	s0 =	simm.s32 $0xCD20  }
0x2e0: {  	v2 =	vld [tilespmem:s5+$0x0];
	[tilespmem:s0+$0x20] =	vst v0  }
0x2e1: {  	v0 =	vld [tilespmem:s19+$0x10]  }
0x2e2: {  	v1 =	vmul.f32 $1.570796370e+00, v1;
	_ =	sdelay $0x1  }
0x2e3: {  	[tilespmem:s0+$0xFFFFFFE0] =	vst v1;
	v1 =	vld [tilespmem:s5+$0xFFFFFF80]  }
0x2e4: {  	v2 =	vmul.f32 $1.570796370e+00, v2;
	v3 =	vld [tilespmem:s19+$0xFFFFFF90]  }
0x2e5: {  	s8 =	simm.s32 $0x40;
	s9 =	simm.s32 $0x6280;
	s4 =	simm.s32 $0xCDA0;
	v0 =	vmul.f32 $1.570796370e+00, v0  }
0x2e6: {  	s20 =	sor.u32 $0x50, s8;
	[tilespmem:s4+$0x20] =	vst v2;
	v2 =	vld [tilespmem:s9+$0x0]  }
0x2e7: {  	v4 =	vld [tilespmem:s5+$0x10];
	[tilespmem:s20+$0xCD00] =	vst v0  }
0x2e8: {  	v0 =	vmul.f32 $1.570796370e+00, v1;
	v1 =	vld [tilespmem:s19+$0x20]  }
0x2e9: {  	v3 =	vmul.f32 $1.570796370e+00, v3  }
0x2ea: {  	[tilespmem:s4+$0xFFFFFFE0] =	vst v0;
	v0 =	vld [tilespmem:s9+$0xFFFFFF80]  }
0x2eb: {  	s10 =	simm.s32 $0xC0;
	v2 =	vmul.f32 $1.570796370e+00, v2;
	[tilespmem:s0+$0xFFFFFFF0] =	vst v3;
	v3 =	vld [tilespmem:s5+$0xFFFFFF90]  }
0x2ec: {  	s6 =	simm.s32 $0x6380;
	s7 =	simm.s32 $0xCE20;
	v4 =	vmul.f32 $1.570796370e+00, v4;
	v5 =	vld [tilespmem:s19+$0xFFFFFFA0]  }
0x2ed: {  	s22 =	sor.u32 $0x50, s10;
	[tilespmem:s7+$0x20] =	vst v2;
	v2 =	vld [tilespmem:s6+$0x0];
	v1 =	vmul.f32 $1.570796370e+00, v1  }
0x2ee: {  	s23 =	sor.u32 $0x60, s8;
	[tilespmem:s22+$0xCD00] =	vst v4;
	v6 =	vld [tilespmem:s9+$0x10]  }
0x2ef: {  	v4 =	vmul.f32 $1.570796370e+00, v0;
	[tilespmem:s23+$0xCD00] =	vst v1;
	v1 =	vld [tilespmem:s5+$0x20]  }
0x2f0: {  	v3 =	vmul.f32 $1.570796370e+00, v3;
	v0 =	vld [tilespmem:s19+$0x30]  }
0x2f1: {  	v5 =	vmul.f32 $1.570796370e+00, v5;
	[tilespmem:s7+$0xFFFFFFE0] =	vst v4;
	v4 =	vld [tilespmem:s6+$0xFFFFFF80]  }
0x2f2: {  	v7 =	vmul.f32 $1.570796370e+00, v2;
	[tilespmem:s4+$0xFFFFFFF0] =	vst v3;
	v3 =	vld [tilespmem:s9+$0xFFFFFF90]  }
0x2f3: {  	s12 =	simm.s32 $0x140;
	s11 =	simm.s32 $0xCEA0;
	v6 =	vmul.f32 $1.570796370e+00, v6;
	[tilespmem:s0+$0x0] =	vst v5;
	v2 =	vld [tilespmem:s5+$0xFFFFFFA0]  }
0x2f4: {  	s16 =	simm.s32 $0x6;
	s17 =	simm.s32 $0x6480;
	s18 =	sor.u32 $0x50, s12;
	[tilespmem:s11+$0x20] =	vst v7;
	v5 =	vmul.f32 $1.570796370e+00, v1;
	v1 =	vld [tilespmem:s19+$0xFFFFFFB0]  }
.LBB2_24:
0x2f5: {  	v7 =	vld [tilespmem:s17+$0x0];
	[tilespmem:s18+$0xCD00] =	vst v6;
	s13 =	sor.u32 $0x60, s10;
	v0 =	vmul.f32 $1.570796370e+00, v0;
	s19 =	smov.u32 s7;
	s7 =	smov.u32 s11  }
0x2f6: {  	s16 =	sadd.s32 $0x2, s16;
	v6 =	vld [tilespmem:s6+$0x10];
	[tilespmem:s13+$0xCD00] =	vst v5;
	s13 =	sor.u32 $0x70, s8  }
0x2f7: {  	v4 =	vmul.f32 $1.570796370e+00, v4;
	s8 =	smov.u32 s10;
	s10 =	smov.u32 s12;
	p0 =	slt.u32 s16, $0x18  }
0x2f8: {  	v3 =	vmul.f32 $1.570796370e+00, v3;
	v5 =	vld [tilespmem:s9+$0x20];
	[tilespmem:s13+$0xCD00] =	vst v0;
	s13 =	smov.u32 s5;
	s5 =	smov.u32 s9;
	s9 =	smov.u32 s6  }
.Ltmp11:
0x2f9: {  	s6 =	smov.u32 s17;
	[tilespmem:s11+$0xFFFFFFE0] =	vst v4;
	v2 =	vmul.f32 $1.570796370e+00, v2;
	v0 =	vld [tilespmem:s13+$0x30];
	(pc) =	sbr.rel @p0 .LBB2_24-.Ltmp11, $4  }
0x2fa: {  	v4 =	vld [tilespmem:s17+$0xFFFFFF80];
	[tilespmem:s19+$0xFFFFFFF0] =	vst v3;
	v1 =	vmul.f32 $1.570796370e+00, v1  }
0x2fb: {  	v7 =	vmul.f32 $1.570796370e+00, v7;
	v3 =	vld [tilespmem:s9+$0xFFFFFF90];
	[tilespmem:s4+$0x0] =	vst v2  }
0x2fc: {  	s12 =	sadd.s32 $0x80, s12;
	s11 =	sadd.s32 $0x80, s11;
	v6 =	vmul.f32 $1.570796370e+00, v6;
	v2 =	vld [tilespmem:s5+$0xFFFFFFA0];
	[tilespmem:s0+$0x10] =	vst v1;
	s0 =	smov.u32 s4  }
0x2fd: {  	s18 =	sor.u32 $0x50, s12;
	s17 =	sadd.s32 $0x100, s17;
	s4 =	smov.u32 s19;
	[tilespmem:s11+$0x20] =	vst v7;
	v5 =	vmul.f32 $1.570796370e+00, v5;
	v1 =	vld [tilespmem:s13+$0xFFFFFFB0]  }
0x2fe: {  	_ = 	snop  }
0x2ff: {  	v4 =	vmul.f32 $1.570796370e+00, v4;
	_ =	sdelay $0x1  }
0x300: {  	v7 =	vld [tilespmem:s6+$0x10];
	[tilespmem:s11+$0xFFFFFFE0] =	vst v4  }
0x301: {  	v4 =	vld [tilespmem:s6+$0xFFFFFF90];
	_ =	sdelay $0x2  }
0x302: {  	v3 =	vmul.f32 $1.570796370e+00, v3  }
0x303: {  	[tilespmem:s18+$0xCD00] =	vst v6;
	s13 =	sadd.s32 $0x80, s12;
	v6 =	vmul.f32 $1.570796370e+00, v7  }
0x304: {  	s16 =	sor.u32 $0x50, s13;
	[tilespmem:s7+$0xFFFFFFF0] =	vst v3;
	v7 =	vld [tilespmem:s9+$0x20];
	v3 =	vmul.f32 $1.570796370e+00, v4  }
0x305: {  	[tilespmem:s16+$0xCD00] =	vst v6;
	v4 =	vld [tilespmem:s9+$0xFFFFFFA0]  }
0x306: {  	v6 =	vld [tilespmem:s6+$0x20];
	[tilespmem:s11+$0xFFFFFFF0] =	vst v3  }
0x307: {  	v3 =	vld [tilespmem:s6+$0xFFFFFFA0]  }
0x308: {  	s20 =	sor.u32 $0x60, s10;
	v2 =	vmul.f32 $1.570796370e+00, v2  }
0x309: {  	[tilespmem:s20+$0xCD00] =	vst v5;
	v5 =	vmul.f32 $1.570796370e+00, v7  }
0x30a: {  	s22 =	sor.u32 $0x60, s12;
	[tilespmem:s4+$0x0] =	vst v2;
	v2 =	vld [tilespmem:s5+$0x30];
	v4 =	vmul.f32 $1.570796370e+00, v4  }
0x30b: {  	[tilespmem:s22+$0xCD00] =	vst v5;
	v5 =	vld [tilespmem:s5+$0xFFFFFFB0];
	v6 =	vmul.f32 $1.570796370e+00, v6  }
0x30c: {  	s23 =	sor.u32 $0x60, s13;
	[tilespmem:s7+$0x0] =	vst v4;
	v4 =	vld [tilespmem:s9+$0x30];
	v3 =	vmul.f32 $1.570796370e+00, v3  }
0x30d: {  	v0 =	vmul.f32 $1.570796370e+00, v0;
	[tilespmem:s23+$0xCD00] =	vst v6;
	v6 =	vld [tilespmem:s9+$0xFFFFFFB0]  }
0x30e: {  	v1 =	vmul.f32 $1.570796370e+00, v1;
	s9 =	sor.u32 $0x70, s8;
	[tilespmem:s11+$0x0] =	vst v3;
	v3 =	vld [tilespmem:s6+$0x30]  }
0x30f: {  	[tilespmem:s9+$0xCD00] =	vst v0;
	v0 =	vmul.f32 $1.570796370e+00, v2;
	v2 =	vld [tilespmem:s6+$0xFFFFFFB0]  }
0x310: {  	s10 =	sor.u32 $0x70, s10;
	[tilespmem:s0+$0x10] =	vst v1;
	v1 =	vmul.f32 $1.570796370e+00, v5  }
0x311: {  	[tilespmem:s10+$0xCD00] =	vst v0;
	v0 =	vmul.f32 $1.570796370e+00, v4  }
0x312: {  	s12 =	sor.u32 $0x70, s12;
	[tilespmem:s4+$0x10] =	vst v1;
	v1 =	vmul.f32 $1.570796370e+00, v6  }
0x313: {  	[tilespmem:s12+$0xCD00] =	vst v0;
	v0 =	vmul.f32 $1.570796370e+00, v3  }
0x314: {  	s16 =	sor.u32 $0x70, s13;
	[tilespmem:s7+$0x10] =	vst v1;
	v1 =	vmul.f32 $1.570796370e+00, v2  }
0x315: {  	[tilespmem:s16+$0xCD00] =	vst v0  }
0x316: {  	[tilespmem:s11+$0x10] =	vst v1  }
0x317: {  	s17 =	simm.s32 $0xCD00;
	s18 =	simm.s32 $0x4;
	s0 =	rddreg [dreg:$0xf]  }
0x318: {  	[hbm4b:s0+s26] =	stream.strided.scatter [tilespmem:s17], [sflag:$0xB], $0x680, s14, s26, $0x38;
	[tilespmem:$0xF400] =	vst v63  }
0x319: {  	_ =	swait.ge [sflag:s18], $0xD00  }
0x31a: {  	[sflag:s18] =	ssyncset.done $0x0  }
0x31b: {  	s19 =	simm.s32 $0x7080;
	[sflag:s18] =	ssyncadd.s32 $0xFFFFF300  }
0x31c: {  	v0 =	vld [tilespmem:s19+$0x0];
	_ =	sdelay $0x3  }
0x31d: {  	v1 =	vld [tilespmem:s19+$0xFFFFFF80]  }
0x31e: {  	v0 =	vmul.f32 $1.570796370e+00, v0  }
0x31f: {  	s5 =	simm.s32 $0x7180;
	s0 =	simm.s32 $0xD3A0  }
0x320: {  	v2 =	vld [tilespmem:s5+$0x0];
	[tilespmem:s0+$0x20] =	vst v0  }
0x321: {  	v0 =	vld [tilespmem:s19+$0x10]  }
0x322: {  	v1 =	vmul.f32 $1.570796370e+00, v1;
	_ =	sdelay $0x1  }
0x323: {  	[tilespmem:s0+$0xFFFFFFE0] =	vst v1;
	v1 =	vld [tilespmem:s5+$0xFFFFFF80]  }
0x324: {  	v2 =	vmul.f32 $1.570796370e+00, v2;
	v3 =	vld [tilespmem:s19+$0xFFFFFF90]  }
0x325: {  	s8 =	simm.s32 $0x40;
	s9 =	simm.s32 $0x7280;
	s4 =	simm.s32 $0xD420;
	v0 =	vmul.f32 $1.570796370e+00, v0  }
0x326: {  	s20 =	sor.u32 $0x50, s8;
	[tilespmem:s4+$0x20] =	vst v2;
	v2 =	vld [tilespmem:s9+$0x0]  }
0x327: {  	v4 =	vld [tilespmem:s5+$0x10];
	[tilespmem:s20+$0xD380] =	vst v0  }
0x328: {  	v0 =	vmul.f32 $1.570796370e+00, v1;
	v1 =	vld [tilespmem:s19+$0x20]  }
0x329: {  	v3 =	vmul.f32 $1.570796370e+00, v3  }
0x32a: {  	[tilespmem:s4+$0xFFFFFFE0] =	vst v0;
	v0 =	vld [tilespmem:s9+$0xFFFFFF80]  }
0x32b: {  	s10 =	simm.s32 $0xC0;
	v2 =	vmul.f32 $1.570796370e+00, v2;
	[tilespmem:s0+$0xFFFFFFF0] =	vst v3;
	v3 =	vld [tilespmem:s5+$0xFFFFFF90]  }
0x32c: {  	s6 =	simm.s32 $0x7380;
	s7 =	simm.s32 $0xD4A0;
	v4 =	vmul.f32 $1.570796370e+00, v4;
	v5 =	vld [tilespmem:s19+$0xFFFFFFA0]  }
0x32d: {  	s22 =	sor.u32 $0x50, s10;
	[tilespmem:s7+$0x20] =	vst v2;
	v2 =	vld [tilespmem:s6+$0x0];
	v1 =	vmul.f32 $1.570796370e+00, v1  }
0x32e: {  	s23 =	sor.u32 $0x60, s8;
	[tilespmem:s22+$0xD380] =	vst v4;
	v6 =	vld [tilespmem:s9+$0x10]  }
0x32f: {  	v4 =	vmul.f32 $1.570796370e+00, v0;
	[tilespmem:s23+$0xD380] =	vst v1;
	v1 =	vld [tilespmem:s5+$0x20]  }
0x330: {  	v3 =	vmul.f32 $1.570796370e+00, v3;
	v0 =	vld [tilespmem:s19+$0x30]  }
0x331: {  	v5 =	vmul.f32 $1.570796370e+00, v5;
	[tilespmem:s7+$0xFFFFFFE0] =	vst v4;
	v4 =	vld [tilespmem:s6+$0xFFFFFF80]  }
0x332: {  	v7 =	vmul.f32 $1.570796370e+00, v2;
	[tilespmem:s4+$0xFFFFFFF0] =	vst v3;
	v3 =	vld [tilespmem:s9+$0xFFFFFF90]  }
0x333: {  	s12 =	simm.s32 $0x140;
	s11 =	simm.s32 $0xD520;
	v6 =	vmul.f32 $1.570796370e+00, v6;
	[tilespmem:s0+$0x0] =	vst v5;
	v2 =	vld [tilespmem:s5+$0xFFFFFFA0]  }
0x334: {  	s16 =	simm.s32 $0x6;
	s17 =	simm.s32 $0x7480;
	s18 =	sor.u32 $0x50, s12;
	[tilespmem:s11+$0x20] =	vst v7;
	v5 =	vmul.f32 $1.570796370e+00, v1;
	v1 =	vld [tilespmem:s19+$0xFFFFFFB0]  }
.LBB2_26:
0x335: {  	v7 =	vld [tilespmem:s17+$0x0];
	[tilespmem:s18+$0xD380] =	vst v6;
	s13 =	sor.u32 $0x60, s10;
	v0 =	vmul.f32 $1.570796370e+00, v0;
	s19 =	smov.u32 s7;
	s7 =	smov.u32 s11  }
0x336: {  	s16 =	sadd.s32 $0x2, s16;
	v6 =	vld [tilespmem:s6+$0x10];
	[tilespmem:s13+$0xD380] =	vst v5;
	s13 =	sor.u32 $0x70, s8  }
0x337: {  	v4 =	vmul.f32 $1.570796370e+00, v4;
	s8 =	smov.u32 s10;
	s10 =	smov.u32 s12;
	p0 =	slt.u32 s16, $0x18  }
0x338: {  	v3 =	vmul.f32 $1.570796370e+00, v3;
	v5 =	vld [tilespmem:s9+$0x20];
	[tilespmem:s13+$0xD380] =	vst v0;
	s13 =	smov.u32 s5;
	s5 =	smov.u32 s9;
	s9 =	smov.u32 s6  }
.Ltmp12:
0x339: {  	s6 =	smov.u32 s17;
	[tilespmem:s11+$0xFFFFFFE0] =	vst v4;
	v2 =	vmul.f32 $1.570796370e+00, v2;
	v0 =	vld [tilespmem:s13+$0x30];
	(pc) =	sbr.rel @p0 .LBB2_26-.Ltmp12, $4  }
0x33a: {  	v4 =	vld [tilespmem:s17+$0xFFFFFF80];
	[tilespmem:s19+$0xFFFFFFF0] =	vst v3;
	v1 =	vmul.f32 $1.570796370e+00, v1  }
0x33b: {  	v7 =	vmul.f32 $1.570796370e+00, v7;
	v3 =	vld [tilespmem:s9+$0xFFFFFF90];
	[tilespmem:s4+$0x0] =	vst v2  }
0x33c: {  	s12 =	sadd.s32 $0x80, s12;
	s11 =	sadd.s32 $0x80, s11;
	v6 =	vmul.f32 $1.570796370e+00, v6;
	v2 =	vld [tilespmem:s5+$0xFFFFFFA0];
	[tilespmem:s0+$0x10] =	vst v1;
	s0 =	smov.u32 s4  }
0x33d: {  	s18 =	sor.u32 $0x50, s12;
	s17 =	sadd.s32 $0x100, s17;
	s4 =	smov.u32 s19;
	[tilespmem:s11+$0x20] =	vst v7;
	v5 =	vmul.f32 $1.570796370e+00, v5;
	v1 =	vld [tilespmem:s13+$0xFFFFFFB0]  }
0x33e: {  	_ = 	snop  }
0x33f: {  	v4 =	vmul.f32 $1.570796370e+00, v4;
	_ =	sdelay $0x1  }
0x340: {  	v7 =	vld [tilespmem:s6+$0x10];
	[tilespmem:s11+$0xFFFFFFE0] =	vst v4  }
0x341: {  	v4 =	vld [tilespmem:s6+$0xFFFFFF90];
	_ =	sdelay $0x2  }
0x342: {  	v3 =	vmul.f32 $1.570796370e+00, v3  }
0x343: {  	[tilespmem:s18+$0xD380] =	vst v6;
	s13 =	sadd.s32 $0x80, s12;
	v6 =	vmul.f32 $1.570796370e+00, v7  }
0x344: {  	s16 =	sor.u32 $0x50, s13;
	[tilespmem:s7+$0xFFFFFFF0] =	vst v3;
	v7 =	vld [tilespmem:s9+$0x20];
	v3 =	vmul.f32 $1.570796370e+00, v4  }
0x345: {  	[tilespmem:s16+$0xD380] =	vst v6;
	v4 =	vld [tilespmem:s9+$0xFFFFFFA0]  }
0x346: {  	v6 =	vld [tilespmem:s6+$0x20];
	[tilespmem:s11+$0xFFFFFFF0] =	vst v3  }
0x347: {  	v3 =	vld [tilespmem:s6+$0xFFFFFFA0]  }
0x348: {  	s20 =	sor.u32 $0x60, s10;
	v2 =	vmul.f32 $1.570796370e+00, v2  }
0x349: {  	[tilespmem:s20+$0xD380] =	vst v5;
	v5 =	vmul.f32 $1.570796370e+00, v7  }
0x34a: {  	s22 =	sor.u32 $0x60, s12;
	[tilespmem:s4+$0x0] =	vst v2;
	v2 =	vld [tilespmem:s5+$0x30];
	v4 =	vmul.f32 $1.570796370e+00, v4  }
0x34b: {  	[tilespmem:s22+$0xD380] =	vst v5;
	v5 =	vld [tilespmem:s5+$0xFFFFFFB0];
	v6 =	vmul.f32 $1.570796370e+00, v6  }
0x34c: {  	s23 =	sor.u32 $0x60, s13;
	[tilespmem:s7+$0x0] =	vst v4;
	v4 =	vld [tilespmem:s9+$0x30];
	v3 =	vmul.f32 $1.570796370e+00, v3  }
0x34d: {  	v0 =	vmul.f32 $1.570796370e+00, v0;
	[tilespmem:s23+$0xD380] =	vst v6;
	v6 =	vld [tilespmem:s9+$0xFFFFFFB0]  }
0x34e: {  	v1 =	vmul.f32 $1.570796370e+00, v1;
	s9 =	sor.u32 $0x70, s8;
	[tilespmem:s11+$0x0] =	vst v3;
	v3 =	vld [tilespmem:s6+$0x30]  }
0x34f: {  	[tilespmem:s9+$0xD380] =	vst v0;
	v0 =	vmul.f32 $1.570796370e+00, v2;
	v2 =	vld [tilespmem:s6+$0xFFFFFFB0]  }
0x350: {  	s10 =	sor.u32 $0x70, s10;
	[tilespmem:s0+$0x10] =	vst v1;
	v1 =	vmul.f32 $1.570796370e+00, v5  }
0x351: {  	[tilespmem:s10+$0xD380] =	vst v0;
	v0 =	vmul.f32 $1.570796370e+00, v4  }
0x352: {  	s16 =	sor.u32 $0x70, s12;
	[tilespmem:s4+$0x10] =	vst v1;
	v1 =	vmul.f32 $1.570796370e+00, v6  }
0x353: {  	[tilespmem:s16+$0xD380] =	vst v0;
	v0 =	vmul.f32 $1.570796370e+00, v3  }
0x354: {  	s17 =	sor.u32 $0x70, s13;
	[tilespmem:s7+$0x10] =	vst v1;
	v1 =	vmul.f32 $1.570796370e+00, v2  }
0x355: {  	[tilespmem:s17+$0xD380] =	vst v0  }
0x356: {  	[tilespmem:s11+$0x10] =	vst v1  }
0x357: {  	s18 =	simm.s32 $0xD380;
	s0 =	rddreg [dreg:$0x10]  }
0x358: {  	[hbm4b:s0+s26] =	stream.strided.scatter [tilespmem:s18], [sflag:$0xC], $0x680, s14, s26, $0x38;
	[tilespmem:$0xF400] =	vst v63  }
0x359: {  	_ =	swait.ge [sflag:s30], $0xD00  }
0x35a: {  	[sflag:s30] =	ssyncset.done $0x0  }
0x35b: {  	s19 =	simm.s32 $0x8080;
	[sflag:s30] =	ssyncadd.s32 $0xFFFFF300  }
0x35c: {  	v0 =	vld [tilespmem:s19+$0x0];
	_ =	sdelay $0x3  }
0x35d: {  	v1 =	vld [tilespmem:s19+$0xFFFFFF80]  }
0x35e: {  	v0 =	vmul.f32 $1.570796370e+00, v0  }
0x35f: {  	s5 =	simm.s32 $0x8180;
	s0 =	simm.s32 $0xDA20  }
0x360: {  	v2 =	vld [tilespmem:s5+$0x0];
	[tilespmem:s0+$0x20] =	vst v0  }
0x361: {  	v0 =	vld [tilespmem:s19+$0x10]  }
0x362: {  	v1 =	vmul.f32 $1.570796370e+00, v1;
	_ =	sdelay $0x1  }
0x363: {  	[tilespmem:s0+$0xFFFFFFE0] =	vst v1;
	v1 =	vld [tilespmem:s5+$0xFFFFFF80]  }
0x364: {  	v2 =	vmul.f32 $1.570796370e+00, v2;
	v3 =	vld [tilespmem:s19+$0xFFFFFF90]  }
0x365: {  	s8 =	simm.s32 $0x40;
	s9 =	simm.s32 $0x8280;
	s4 =	simm.s32 $0xDAA0;
	v0 =	vmul.f32 $1.570796370e+00, v0  }
0x366: {  	s20 =	sor.u32 $0x50, s8;
	[tilespmem:s4+$0x20] =	vst v2;
	v2 =	vld [tilespmem:s9+$0x0]  }
0x367: {  	v4 =	vld [tilespmem:s5+$0x10];
	[tilespmem:s20+$0xDA00] =	vst v0  }
0x368: {  	v0 =	vmul.f32 $1.570796370e+00, v1;
	v1 =	vld [tilespmem:s19+$0x20]  }
0x369: {  	v3 =	vmul.f32 $1.570796370e+00, v3  }
0x36a: {  	[tilespmem:s4+$0xFFFFFFE0] =	vst v0;
	v0 =	vld [tilespmem:s9+$0xFFFFFF80]  }
0x36b: {  	s10 =	simm.s32 $0xC0;
	v2 =	vmul.f32 $1.570796370e+00, v2;
	[tilespmem:s0+$0xFFFFFFF0] =	vst v3;
	v3 =	vld [tilespmem:s5+$0xFFFFFF90]  }
0x36c: {  	s6 =	simm.s32 $0x8380;
	s7 =	simm.s32 $0xDB20;
	v4 =	vmul.f32 $1.570796370e+00, v4;
	v5 =	vld [tilespmem:s19+$0xFFFFFFA0]  }
0x36d: {  	s22 =	sor.u32 $0x50, s10;
	[tilespmem:s7+$0x20] =	vst v2;
	v2 =	vld [tilespmem:s6+$0x0];
	v1 =	vmul.f32 $1.570796370e+00, v1  }
0x36e: {  	s23 =	sor.u32 $0x60, s8;
	[tilespmem:s22+$0xDA00] =	vst v4;
	v6 =	vld [tilespmem:s9+$0x10]  }
0x36f: {  	v4 =	vmul.f32 $1.570796370e+00, v0;
	[tilespmem:s23+$0xDA00] =	vst v1;
	v1 =	vld [tilespmem:s5+$0x20]  }
0x370: {  	v3 =	vmul.f32 $1.570796370e+00, v3;
	v0 =	vld [tilespmem:s19+$0x30]  }
0x371: {  	v5 =	vmul.f32 $1.570796370e+00, v5;
	[tilespmem:s7+$0xFFFFFFE0] =	vst v4;
	v4 =	vld [tilespmem:s6+$0xFFFFFF80]  }
0x372: {  	v7 =	vmul.f32 $1.570796370e+00, v2;
	[tilespmem:s4+$0xFFFFFFF0] =	vst v3;
	v3 =	vld [tilespmem:s9+$0xFFFFFF90]  }
0x373: {  	s12 =	simm.s32 $0x140;
	s11 =	simm.s32 $0xDBA0;
	v6 =	vmul.f32 $1.570796370e+00, v6;
	[tilespmem:s0+$0x0] =	vst v5;
	v2 =	vld [tilespmem:s5+$0xFFFFFFA0]  }
0x374: {  	s16 =	simm.s32 $0x6;
	s17 =	simm.s32 $0x8480;
	s18 =	sor.u32 $0x50, s12;
	[tilespmem:s11+$0x20] =	vst v7;
	v5 =	vmul.f32 $1.570796370e+00, v1;
	v1 =	vld [tilespmem:s19+$0xFFFFFFB0]  }
.LBB2_28:
0x375: {  	v7 =	vld [tilespmem:s17+$0x0];
	[tilespmem:s18+$0xDA00] =	vst v6;
	s13 =	sor.u32 $0x60, s10;
	v0 =	vmul.f32 $1.570796370e+00, v0;
	s19 =	smov.u32 s7;
	s7 =	smov.u32 s11  }
0x376: {  	s16 =	sadd.s32 $0x2, s16;
	v6 =	vld [tilespmem:s6+$0x10];
	[tilespmem:s13+$0xDA00] =	vst v5;
	s13 =	sor.u32 $0x70, s8  }
0x377: {  	v4 =	vmul.f32 $1.570796370e+00, v4;
	s8 =	smov.u32 s10;
	s10 =	smov.u32 s12;
	p0 =	slt.u32 s16, $0x18  }
0x378: {  	v3 =	vmul.f32 $1.570796370e+00, v3;
	v5 =	vld [tilespmem:s9+$0x20];
	[tilespmem:s13+$0xDA00] =	vst v0;
	s13 =	smov.u32 s5;
	s5 =	smov.u32 s9;
	s9 =	smov.u32 s6  }
.Ltmp13:
0x379: {  	s6 =	smov.u32 s17;
	[tilespmem:s11+$0xFFFFFFE0] =	vst v4;
	v2 =	vmul.f32 $1.570796370e+00, v2;
	v0 =	vld [tilespmem:s13+$0x30];
	(pc) =	sbr.rel @p0 .LBB2_28-.Ltmp13, $4  }
0x37a: {  	v4 =	vld [tilespmem:s17+$0xFFFFFF80];
	[tilespmem:s19+$0xFFFFFFF0] =	vst v3;
	v1 =	vmul.f32 $1.570796370e+00, v1  }
0x37b: {  	v7 =	vmul.f32 $1.570796370e+00, v7;
	v3 =	vld [tilespmem:s9+$0xFFFFFF90];
	[tilespmem:s4+$0x0] =	vst v2  }
0x37c: {  	s12 =	sadd.s32 $0x80, s12;
	s11 =	sadd.s32 $0x80, s11;
	v6 =	vmul.f32 $1.570796370e+00, v6;
	v2 =	vld [tilespmem:s5+$0xFFFFFFA0];
	[tilespmem:s0+$0x10] =	vst v1;
	s0 =	smov.u32 s4  }
0x37d: {  	s18 =	sor.u32 $0x50, s12;
	s17 =	sadd.s32 $0x100, s17;
	s4 =	smov.u32 s19;
	[tilespmem:s11+$0x20] =	vst v7;
	v5 =	vmul.f32 $1.570796370e+00, v5;
	v1 =	vld [tilespmem:s13+$0xFFFFFFB0]  }
0x37e: {  	_ = 	snop  }
0x37f: {  	v4 =	vmul.f32 $1.570796370e+00, v4;
	_ =	sdelay $0x1  }
0x380: {  	v7 =	vld [tilespmem:s6+$0x10];
	[tilespmem:s11+$0xFFFFFFE0] =	vst v4  }
0x381: {  	v4 =	vld [tilespmem:s6+$0xFFFFFF90];
	_ =	sdelay $0x2  }
0x382: {  	v3 =	vmul.f32 $1.570796370e+00, v3  }
0x383: {  	[tilespmem:s18+$0xDA00] =	vst v6;
	s13 =	sadd.s32 $0x80, s12;
	v6 =	vmul.f32 $1.570796370e+00, v7  }
0x384: {  	s16 =	sor.u32 $0x50, s13;
	[tilespmem:s7+$0xFFFFFFF0] =	vst v3;
	v7 =	vld [tilespmem:s9+$0x20];
	v3 =	vmul.f32 $1.570796370e+00, v4  }
0x385: {  	[tilespmem:s16+$0xDA00] =	vst v6;
	v4 =	vld [tilespmem:s9+$0xFFFFFFA0]  }
0x386: {  	v6 =	vld [tilespmem:s6+$0x20];
	[tilespmem:s11+$0xFFFFFFF0] =	vst v3  }
0x387: {  	v3 =	vld [tilespmem:s6+$0xFFFFFFA0]  }
0x388: {  	s20 =	sor.u32 $0x60, s10;
	v2 =	vmul.f32 $1.570796370e+00, v2  }
0x389: {  	[tilespmem:s20+$0xDA00] =	vst v5;
	v5 =	vmul.f32 $1.570796370e+00, v7  }
0x38a: {  	s22 =	sor.u32 $0x60, s12;
	[tilespmem:s4+$0x0] =	vst v2;
	v2 =	vld [tilespmem:s5+$0x30];
	v4 =	vmul.f32 $1.570796370e+00, v4  }
0x38b: {  	[tilespmem:s22+$0xDA00] =	vst v5;
	v5 =	vld [tilespmem:s5+$0xFFFFFFB0];
	v6 =	vmul.f32 $1.570796370e+00, v6  }
0x38c: {  	s23 =	sor.u32 $0x60, s13;
	[tilespmem:s7+$0x0] =	vst v4;
	v4 =	vld [tilespmem:s9+$0x30];
	v3 =	vmul.f32 $1.570796370e+00, v3  }
0x38d: {  	v0 =	vmul.f32 $1.570796370e+00, v0;
	[tilespmem:s23+$0xDA00] =	vst v6;
	v6 =	vld [tilespmem:s9+$0xFFFFFFB0]  }
0x38e: {  	v1 =	vmul.f32 $1.570796370e+00, v1;
	s9 =	sor.u32 $0x70, s8;
	[tilespmem:s11+$0x0] =	vst v3;
	v3 =	vld [tilespmem:s6+$0x30]  }
0x38f: {  	[tilespmem:s9+$0xDA00] =	vst v0;
	v0 =	vmul.f32 $1.570796370e+00, v2;
	v2 =	vld [tilespmem:s6+$0xFFFFFFB0]  }
0x390: {  	s10 =	sor.u32 $0x70, s10;
	[tilespmem:s0+$0x10] =	vst v1;
	v1 =	vmul.f32 $1.570796370e+00, v5  }
0x391: {  	[tilespmem:s10+$0xDA00] =	vst v0;
	v0 =	vmul.f32 $1.570796370e+00, v4  }
0x392: {  	s16 =	sor.u32 $0x70, s12;
	[tilespmem:s4+$0x10] =	vst v1;
	v1 =	vmul.f32 $1.570796370e+00, v6  }
0x393: {  	[tilespmem:s16+$0xDA00] =	vst v0;
	v0 =	vmul.f32 $1.570796370e+00, v3  }
0x394: {  	s17 =	sor.u32 $0x70, s13;
	[tilespmem:s7+$0x10] =	vst v1;
	v1 =	vmul.f32 $1.570796370e+00, v2  }
0x395: {  	[tilespmem:s17+$0xDA00] =	vst v0  }
0x396: {  	[tilespmem:s11+$0x10] =	vst v1  }
0x397: {  	s18 =	simm.s32 $0xDA00;
	s0 =	rddreg [dreg:$0x11]  }
0x398: {  	[hbm4b:s0+s26] =	stream.strided.scatter [tilespmem:s18], [sflag:$0xD], $0x680, s14, s26, $0x38;
	[tilespmem:$0xF400] =	vst v63  }
0x399: {  	_ =	swait.ge [sflag:s1], $0xD00  }
0x39a: {  	[sflag:s1] =	ssyncset.done $0x0  }
0x39b: {  	s19 =	simm.s32 $0x9080;
	[sflag:s1] =	ssyncadd.s32 $0xFFFFF300  }
0x39c: {  	v0 =	vld [tilespmem:s19+$0x0];
	_ =	sdelay $0x3  }
0x39d: {  	v1 =	vld [tilespmem:s19+$0xFFFFFF80]  }
0x39e: {  	v0 =	vmul.f32 $1.570796370e+00, v0  }
0x39f: {  	s5 =	simm.s32 $0x9180;
	s0 =	simm.s32 $0xE0A0  }
0x3a0: {  	v2 =	vld [tilespmem:s5+$0x0];
	[tilespmem:s0+$0x20] =	vst v0  }
0x3a1: {  	v0 =	vld [tilespmem:s19+$0x10]  }
0x3a2: {  	v1 =	vmul.f32 $1.570796370e+00, v1;
	_ =	sdelay $0x1  }
0x3a3: {  	[tilespmem:s0+$0xFFFFFFE0] =	vst v1;
	v1 =	vld [tilespmem:s5+$0xFFFFFF80]  }
0x3a4: {  	v2 =	vmul.f32 $1.570796370e+00, v2;
	v3 =	vld [tilespmem:s19+$0xFFFFFF90]  }
0x3a5: {  	s8 =	simm.s32 $0x40;
	s9 =	simm.s32 $0x9280;
	s4 =	simm.s32 $0xE120;
	v0 =	vmul.f32 $1.570796370e+00, v0  }
0x3a6: {  	s20 =	sor.u32 $0x50, s8;
	[tilespmem:s4+$0x20] =	vst v2;
	v2 =	vld [tilespmem:s9+$0x0]  }
0x3a7: {  	v4 =	vld [tilespmem:s5+$0x10];
	[tilespmem:s20+$0xE080] =	vst v0  }
0x3a8: {  	v0 =	vmul.f32 $1.570796370e+00, v1;
	v1 =	vld [tilespmem:s19+$0x20]  }
0x3a9: {  	v3 =	vmul.f32 $1.570796370e+00, v3  }
0x3aa: {  	[tilespmem:s4+$0xFFFFFFE0] =	vst v0;
	v0 =	vld [tilespmem:s9+$0xFFFFFF80]  }
0x3ab: {  	s10 =	simm.s32 $0xC0;
	v2 =	vmul.f32 $1.570796370e+00, v2;
	[tilespmem:s0+$0xFFFFFFF0] =	vst v3;
	v3 =	vld [tilespmem:s5+$0xFFFFFF90]  }
0x3ac: {  	s6 =	simm.s32 $0x9380;
	s7 =	simm.s32 $0xE1A0;
	v4 =	vmul.f32 $1.570796370e+00, v4;
	v5 =	vld [tilespmem:s19+$0xFFFFFFA0]  }
0x3ad: {  	s22 =	sor.u32 $0x50, s10;
	[tilespmem:s7+$0x20] =	vst v2;
	v2 =	vld [tilespmem:s6+$0x0];
	v1 =	vmul.f32 $1.570796370e+00, v1  }
0x3ae: {  	s23 =	sor.u32 $0x60, s8;
	[tilespmem:s22+$0xE080] =	vst v4;
	v6 =	vld [tilespmem:s9+$0x10]  }
0x3af: {  	v4 =	vmul.f32 $1.570796370e+00, v0;
	[tilespmem:s23+$0xE080] =	vst v1;
	v1 =	vld [tilespmem:s5+$0x20]  }
0x3b0: {  	v3 =	vmul.f32 $1.570796370e+00, v3;
	v0 =	vld [tilespmem:s19+$0x30]  }
0x3b1: {  	v5 =	vmul.f32 $1.570796370e+00, v5;
	[tilespmem:s7+$0xFFFFFFE0] =	vst v4;
	v4 =	vld [tilespmem:s6+$0xFFFFFF80]  }
0x3b2: {  	v7 =	vmul.f32 $1.570796370e+00, v2;
	[tilespmem:s4+$0xFFFFFFF0] =	vst v3;
	v3 =	vld [tilespmem:s9+$0xFFFFFF90]  }
0x3b3: {  	s12 =	simm.s32 $0x140;
	s11 =	simm.s32 $0xE220;
	v6 =	vmul.f32 $1.570796370e+00, v6;
	[tilespmem:s0+$0x0] =	vst v5;
	v2 =	vld [tilespmem:s5+$0xFFFFFFA0]  }
0x3b4: {  	s16 =	simm.s32 $0x6;
	s17 =	simm.s32 $0x9480;
	s18 =	sor.u32 $0x50, s12;
	[tilespmem:s11+$0x20] =	vst v7;
	v5 =	vmul.f32 $1.570796370e+00, v1;
	v1 =	vld [tilespmem:s19+$0xFFFFFFB0]  }
.LBB2_30:
0x3b5: {  	v7 =	vld [tilespmem:s17+$0x0];
	[tilespmem:s18+$0xE080] =	vst v6;
	s13 =	sor.u32 $0x60, s10;
	v0 =	vmul.f32 $1.570796370e+00, v0;
	s19 =	smov.u32 s7;
	s7 =	smov.u32 s11  }
0x3b6: {  	s16 =	sadd.s32 $0x2, s16;
	v6 =	vld [tilespmem:s6+$0x10];
	[tilespmem:s13+$0xE080] =	vst v5;
	s13 =	sor.u32 $0x70, s8  }
0x3b7: {  	v4 =	vmul.f32 $1.570796370e+00, v4;
	s8 =	smov.u32 s10;
	s10 =	smov.u32 s12;
	p0 =	slt.u32 s16, $0x18  }
0x3b8: {  	v3 =	vmul.f32 $1.570796370e+00, v3;
	v5 =	vld [tilespmem:s9+$0x20];
	[tilespmem:s13+$0xE080] =	vst v0;
	s13 =	smov.u32 s5;
	s5 =	smov.u32 s9;
	s9 =	smov.u32 s6  }
.Ltmp14:
0x3b9: {  	s6 =	smov.u32 s17;
	[tilespmem:s11+$0xFFFFFFE0] =	vst v4;
	v2 =	vmul.f32 $1.570796370e+00, v2;
	v0 =	vld [tilespmem:s13+$0x30];
	(pc) =	sbr.rel @p0 .LBB2_30-.Ltmp14, $4  }
0x3ba: {  	v4 =	vld [tilespmem:s17+$0xFFFFFF80];
	[tilespmem:s19+$0xFFFFFFF0] =	vst v3;
	v1 =	vmul.f32 $1.570796370e+00, v1  }
0x3bb: {  	v7 =	vmul.f32 $1.570796370e+00, v7;
	v3 =	vld [tilespmem:s9+$0xFFFFFF90];
	[tilespmem:s4+$0x0] =	vst v2  }
0x3bc: {  	s12 =	sadd.s32 $0x80, s12;
	s11 =	sadd.s32 $0x80, s11;
	v6 =	vmul.f32 $1.570796370e+00, v6;
	v2 =	vld [tilespmem:s5+$0xFFFFFFA0];
	[tilespmem:s0+$0x10] =	vst v1;
	s0 =	smov.u32 s4  }
0x3bd: {  	s18 =	sor.u32 $0x50, s12;
	s17 =	sadd.s32 $0x100, s17;
	s4 =	smov.u32 s19;
	[tilespmem:s11+$0x20] =	vst v7;
	v5 =	vmul.f32 $1.570796370e+00, v5;
	v1 =	vld [tilespmem:s13+$0xFFFFFFB0]  }
0x3be: {  	_ = 	snop  }
0x3bf: {  	v4 =	vmul.f32 $1.570796370e+00, v4;
	_ =	sdelay $0x1  }
0x3c0: {  	v7 =	vld [tilespmem:s6+$0x10];
	[tilespmem:s11+$0xFFFFFFE0] =	vst v4  }
0x3c1: {  	v4 =	vld [tilespmem:s6+$0xFFFFFF90];
	_ =	sdelay $0x2  }
0x3c2: {  	v3 =	vmul.f32 $1.570796370e+00, v3  }
0x3c3: {  	[tilespmem:s18+$0xE080] =	vst v6;
	s13 =	sadd.s32 $0x80, s12;
	v6 =	vmul.f32 $1.570796370e+00, v7  }
0x3c4: {  	s16 =	sor.u32 $0x50, s13;
	[tilespmem:s7+$0xFFFFFFF0] =	vst v3;
	v7 =	vld [tilespmem:s9+$0x20];
	v3 =	vmul.f32 $1.570796370e+00, v4  }
0x3c5: {  	[tilespmem:s16+$0xE080] =	vst v6;
	v4 =	vld [tilespmem:s9+$0xFFFFFFA0]  }
0x3c6: {  	v6 =	vld [tilespmem:s6+$0x20];
	[tilespmem:s11+$0xFFFFFFF0] =	vst v3  }
0x3c7: {  	v3 =	vld [tilespmem:s6+$0xFFFFFFA0]  }
0x3c8: {  	s20 =	sor.u32 $0x60, s10;
	v2 =	vmul.f32 $1.570796370e+00, v2  }
0x3c9: {  	[tilespmem:s20+$0xE080] =	vst v5;
	v5 =	vmul.f32 $1.570796370e+00, v7  }
0x3ca: {  	s22 =	sor.u32 $0x60, s12;
	[tilespmem:s4+$0x0] =	vst v2;
	v2 =	vld [tilespmem:s5+$0x30];
	v4 =	vmul.f32 $1.570796370e+00, v4  }
0x3cb: {  	[tilespmem:s22+$0xE080] =	vst v5;
	v5 =	vld [tilespmem:s5+$0xFFFFFFB0];
	v6 =	vmul.f32 $1.570796370e+00, v6  }
0x3cc: {  	s23 =	sor.u32 $0x60, s13;
	[tilespmem:s7+$0x0] =	vst v4;
	v4 =	vld [tilespmem:s9+$0x30];
	v3 =	vmul.f32 $1.570796370e+00, v3  }
0x3cd: {  	v0 =	vmul.f32 $1.570796370e+00, v0;
	[tilespmem:s23+$0xE080] =	vst v6;
	v6 =	vld [tilespmem:s9+$0xFFFFFFB0]  }
0x3ce: {  	v1 =	vmul.f32 $1.570796370e+00, v1;
	s9 =	sor.u32 $0x70, s8;
	[tilespmem:s11+$0x0] =	vst v3;
	v3 =	vld [tilespmem:s6+$0x30]  }
0x3cf: {  	[tilespmem:s9+$0xE080] =	vst v0;
	v0 =	vmul.f32 $1.570796370e+00, v2;
	v2 =	vld [tilespmem:s6+$0xFFFFFFB0]  }
0x3d0: {  	s10 =	sor.u32 $0x70, s10;
	[tilespmem:s0+$0x10] =	vst v1;
	v1 =	vmul.f32 $1.570796370e+00, v5  }
0x3d1: {  	[tilespmem:s10+$0xE080] =	vst v0;
	v0 =	vmul.f32 $1.570796370e+00, v4  }
0x3d2: {  	s16 =	sor.u32 $0x70, s12;
	[tilespmem:s4+$0x10] =	vst v1;
	v1 =	vmul.f32 $1.570796370e+00, v6  }
0x3d3: {  	[tilespmem:s16+$0xE080] =	vst v0;
	v0 =	vmul.f32 $1.570796370e+00, v3  }
0x3d4: {  	s17 =	sor.u32 $0x70, s13;
	[tilespmem:s7+$0x10] =	vst v1;
	v1 =	vmul.f32 $1.570796370e+00, v2  }
0x3d5: {  	[tilespmem:s17+$0xE080] =	vst v0  }
0x3d6: {  	[tilespmem:s11+$0x10] =	vst v1  }
0x3d7: {  	s18 =	simm.s32 $0xE080;
	s0 =	rddreg [dreg:$0x12]  }
0x3d8: {  	[hbm4b:s0+s26] =	stream.strided.scatter [tilespmem:s18], [sflag:$0xE], $0x680, s14, s26, $0x38;
	[tilespmem:$0xF400] =	vst v63  }
0x3d9: {  	_ =	swait.ge [sflag:s15], $0xD00  }
0x3da: {  	[sflag:s15] =	ssyncset.done $0x0  }
0x3db: {  	s19 =	simm.s32 $0xA080;
	[sflag:s15] =	ssyncadd.s32 $0xFFFFF300  }
0x3dc: {  	v0 =	vld [tilespmem:s19+$0x0];
	_ =	sdelay $0x3  }
0x3dd: {  	v1 =	vld [tilespmem:s19+$0xFFFFFF80]  }
0x3de: {  	v0 =	vmul.f32 $1.570796370e+00, v0  }
0x3df: {  	s5 =	simm.s32 $0xA180;
	s0 =	simm.s32 $0xE720  }
0x3e0: {  	v2 =	vld [tilespmem:s5+$0x0];
	[tilespmem:s0+$0x20] =	vst v0  }
0x3e1: {  	v0 =	vld [tilespmem:s19+$0x10]  }
0x3e2: {  	v1 =	vmul.f32 $1.570796370e+00, v1;
	_ =	sdelay $0x1  }
0x3e3: {  	[tilespmem:s0+$0xFFFFFFE0] =	vst v1;
	v1 =	vld [tilespmem:s5+$0xFFFFFF80]  }
0x3e4: {  	v2 =	vmul.f32 $1.570796370e+00, v2;
	v3 =	vld [tilespmem:s19+$0xFFFFFF90]  }
0x3e5: {  	s8 =	simm.s32 $0x40;
	s9 =	simm.s32 $0xA280;
	s4 =	simm.s32 $0xE7A0;
	v0 =	vmul.f32 $1.570796370e+00, v0  }
0x3e6: {  	s20 =	sor.u32 $0x50, s8;
	[tilespmem:s4+$0x20] =	vst v2;
	v2 =	vld [tilespmem:s9+$0x0]  }
0x3e7: {  	v4 =	vld [tilespmem:s5+$0x10];
	[tilespmem:s20+$0xE700] =	vst v0  }
0x3e8: {  	v0 =	vmul.f32 $1.570796370e+00, v1;
	v1 =	vld [tilespmem:s19+$0x20]  }
0x3e9: {  	v3 =	vmul.f32 $1.570796370e+00, v3  }
0x3ea: {  	[tilespmem:s4+$0xFFFFFFE0] =	vst v0;
	v0 =	vld [tilespmem:s9+$0xFFFFFF80]  }
0x3eb: {  	s10 =	simm.s32 $0xC0;
	v2 =	vmul.f32 $1.570796370e+00, v2;
	[tilespmem:s0+$0xFFFFFFF0] =	vst v3;
	v3 =	vld [tilespmem:s5+$0xFFFFFF90]  }
0x3ec: {  	s6 =	simm.s32 $0xA380;
	s7 =	simm.s32 $0xE820;
	v4 =	vmul.f32 $1.570796370e+00, v4;
	v5 =	vld [tilespmem:s19+$0xFFFFFFA0]  }
0x3ed: {  	s22 =	sor.u32 $0x50, s10;
	[tilespmem:s7+$0x20] =	vst v2;
	v2 =	vld [tilespmem:s6+$0x0];
	v1 =	vmul.f32 $1.570796370e+00, v1  }
0x3ee: {  	s23 =	sor.u32 $0x60, s8;
	[tilespmem:s22+$0xE700] =	vst v4;
	v6 =	vld [tilespmem:s9+$0x10]  }
0x3ef: {  	v4 =	vmul.f32 $1.570796370e+00, v0;
	[tilespmem:s23+$0xE700] =	vst v1;
	v1 =	vld [tilespmem:s5+$0x20]  }
0x3f0: {  	v3 =	vmul.f32 $1.570796370e+00, v3;
	v0 =	vld [tilespmem:s19+$0x30]  }
0x3f1: {  	v5 =	vmul.f32 $1.570796370e+00, v5;
	[tilespmem:s7+$0xFFFFFFE0] =	vst v4;
	v4 =	vld [tilespmem:s6+$0xFFFFFF80]  }
0x3f2: {  	v7 =	vmul.f32 $1.570796370e+00, v2;
	[tilespmem:s4+$0xFFFFFFF0] =	vst v3;
	v3 =	vld [tilespmem:s9+$0xFFFFFF90]  }
0x3f3: {  	s12 =	simm.s32 $0x140;
	s11 =	simm.s32 $0xE8A0;
	v6 =	vmul.f32 $1.570796370e+00, v6;
	[tilespmem:s0+$0x0] =	vst v5;
	v2 =	vld [tilespmem:s5+$0xFFFFFFA0]  }
0x3f4: {  	s16 =	simm.s32 $0x6;
	s17 =	simm.s32 $0xA480;
	s18 =	sor.u32 $0x50, s12;
	[tilespmem:s11+$0x20] =	vst v7;
	v5 =	vmul.f32 $1.570796370e+00, v1;
	v1 =	vld [tilespmem:s19+$0xFFFFFFB0]  }
.LBB2_32:
0x3f5: {  	v7 =	vld [tilespmem:s17+$0x0];
	[tilespmem:s18+$0xE700] =	vst v6;
	s13 =	sor.u32 $0x60, s10;
	v0 =	vmul.f32 $1.570796370e+00, v0;
	s19 =	smov.u32 s7;
	s7 =	smov.u32 s11  }
0x3f6: {  	s16 =	sadd.s32 $0x2, s16;
	v6 =	vld [tilespmem:s6+$0x10];
	[tilespmem:s13+$0xE700] =	vst v5;
	s13 =	sor.u32 $0x70, s8  }
0x3f7: {  	v4 =	vmul.f32 $1.570796370e+00, v4;
	s8 =	smov.u32 s10;
	s10 =	smov.u32 s12;
	p0 =	slt.u32 s16, $0x18  }
0x3f8: {  	v3 =	vmul.f32 $1.570796370e+00, v3;
	v5 =	vld [tilespmem:s9+$0x20];
	[tilespmem:s13+$0xE700] =	vst v0;
	s13 =	smov.u32 s5;
	s5 =	smov.u32 s9;
	s9 =	smov.u32 s6  }
.Ltmp15:
0x3f9: {  	s6 =	smov.u32 s17;
	[tilespmem:s11+$0xFFFFFFE0] =	vst v4;
	v2 =	vmul.f32 $1.570796370e+00, v2;
	v0 =	vld [tilespmem:s13+$0x30];
	(pc) =	sbr.rel @p0 .LBB2_32-.Ltmp15, $4  }
0x3fa: {  	v4 =	vld [tilespmem:s17+$0xFFFFFF80];
	[tilespmem:s19+$0xFFFFFFF0] =	vst v3;
	v1 =	vmul.f32 $1.570796370e+00, v1  }
0x3fb: {  	v7 =	vmul.f32 $1.570796370e+00, v7;
	v3 =	vld [tilespmem:s9+$0xFFFFFF90];
	[tilespmem:s4+$0x0] =	vst v2  }
0x3fc: {  	s12 =	sadd.s32 $0x80, s12;
	s11 =	sadd.s32 $0x80, s11;
	v6 =	vmul.f32 $1.570796370e+00, v6;
	v2 =	vld [tilespmem:s5+$0xFFFFFFA0];
	[tilespmem:s0+$0x10] =	vst v1;
	s0 =	smov.u32 s4  }
0x3fd: {  	s18 =	sor.u32 $0x50, s12;
	s17 =	sadd.s32 $0x100, s17;
	s4 =	smov.u32 s19;
	[tilespmem:s11+$0x20] =	vst v7;
	v5 =	vmul.f32 $1.570796370e+00, v5;
	v1 =	vld [tilespmem:s13+$0xFFFFFFB0]  }
0x3fe: {  	_ = 	snop  }
0x3ff: {  	v4 =	vmul.f32 $1.570796370e+00, v4;
	_ =	sdelay $0x1  }
0x400: {  	v7 =	vld [tilespmem:s6+$0x10];
	[tilespmem:s11+$0xFFFFFFE0] =	vst v4  }
0x401: {  	v4 =	vld [tilespmem:s6+$0xFFFFFF90];
	_ =	sdelay $0x2  }
0x402: {  	v3 =	vmul.f32 $1.570796370e+00, v3  }
0x403: {  	[tilespmem:s18+$0xE700] =	vst v6;
	s13 =	sadd.s32 $0x80, s12;
	v6 =	vmul.f32 $1.570796370e+00, v7  }
0x404: {  	s16 =	sor.u32 $0x50, s13;
	[tilespmem:s7+$0xFFFFFFF0] =	vst v3;
	v7 =	vld [tilespmem:s9+$0x20];
	v3 =	vmul.f32 $1.570796370e+00, v4  }
0x405: {  	[tilespmem:s16+$0xE700] =	vst v6;
	v4 =	vld [tilespmem:s9+$0xFFFFFFA0]  }
0x406: {  	v6 =	vld [tilespmem:s6+$0x20];
	[tilespmem:s11+$0xFFFFFFF0] =	vst v3  }
0x407: {  	v3 =	vld [tilespmem:s6+$0xFFFFFFA0]  }
0x408: {  	s20 =	sor.u32 $0x60, s10;
	v2 =	vmul.f32 $1.570796370e+00, v2  }
0x409: {  	[tilespmem:s20+$0xE700] =	vst v5;
	v5 =	vmul.f32 $1.570796370e+00, v7  }
0x40a: {  	s22 =	sor.u32 $0x60, s12;
	[tilespmem:s4+$0x0] =	vst v2;
	v2 =	vld [tilespmem:s5+$0x30];
	v4 =	vmul.f32 $1.570796370e+00, v4  }
0x40b: {  	[tilespmem:s22+$0xE700] =	vst v5;
	v5 =	vld [tilespmem:s5+$0xFFFFFFB0];
	v6 =	vmul.f32 $1.570796370e+00, v6  }
0x40c: {  	s23 =	sor.u32 $0x60, s13;
	[tilespmem:s7+$0x0] =	vst v4;
	v4 =	vld [tilespmem:s9+$0x30];
	v3 =	vmul.f32 $1.570796370e+00, v3  }
0x40d: {  	v0 =	vmul.f32 $1.570796370e+00, v0;
	[tilespmem:s23+$0xE700] =	vst v6;
	v6 =	vld [tilespmem:s9+$0xFFFFFFB0]  }
0x40e: {  	v1 =	vmul.f32 $1.570796370e+00, v1;
	s9 =	sor.u32 $0x70, s8;
	[tilespmem:s11+$0x0] =	vst v3;
	v3 =	vld [tilespmem:s6+$0x30]  }
0x40f: {  	[tilespmem:s9+$0xE700] =	vst v0;
	v0 =	vmul.f32 $1.570796370e+00, v2;
	v2 =	vld [tilespmem:s6+$0xFFFFFFB0]  }
0x410: {  	s10 =	sor.u32 $0x70, s10;
	[tilespmem:s0+$0x10] =	vst v1;
	v1 =	vmul.f32 $1.570796370e+00, v5  }
0x411: {  	[tilespmem:s10+$0xE700] =	vst v0;
	v0 =	vmul.f32 $1.570796370e+00, v4  }
0x412: {  	s16 =	sor.u32 $0x70, s12;
	[tilespmem:s4+$0x10] =	vst v1;
	v1 =	vmul.f32 $1.570796370e+00, v6  }
0x413: {  	[tilespmem:s16+$0xE700] =	vst v0;
	v0 =	vmul.f32 $1.570796370e+00, v3  }
0x414: {  	s17 =	sor.u32 $0x70, s13;
	[tilespmem:s7+$0x10] =	vst v1;
	v1 =	vmul.f32 $1.570796370e+00, v2  }
0x415: {  	[tilespmem:s17+$0xE700] =	vst v0  }
0x416: {  	[tilespmem:s11+$0x10] =	vst v1  }
0x417: {  	s18 =	simm.s32 $0xE700;
	s0 =	rddreg [dreg:$0x13]  }
0x418: {  	[hbm4b:s0+s26] =	stream.strided.scatter [tilespmem:s18], [sflag:$0xF], $0x680, s14, s26, $0x38;
	[tilespmem:$0xF400] =	vst v63  }
0x419: {  	_ =	swait.ge [sflag:s25], $0xD00  }
0x41a: {  	[sflag:s25] =	ssyncset.done $0x0  }
0x41b: {  	s19 =	simm.s32 $0xB080;
	[sflag:s25] =	ssyncadd.s32 $0xFFFFF300  }
0x41c: {  	v0 =	vld [tilespmem:s19+$0x0];
	_ =	sdelay $0x3  }
0x41d: {  	v1 =	vld [tilespmem:s19+$0xFFFFFF80]  }
0x41e: {  	v0 =	vmul.f32 $1.570796370e+00, v0  }
0x41f: {  	s5 =	simm.s32 $0xB180;
	s0 =	simm.s32 $0xEDA0  }
0x420: {  	v2 =	vld [tilespmem:s5+$0x0];
	[tilespmem:s0+$0x20] =	vst v0  }
0x421: {  	v0 =	vld [tilespmem:s19+$0x10]  }
0x422: {  	v1 =	vmul.f32 $1.570796370e+00, v1;
	_ =	sdelay $0x1  }
0x423: {  	[tilespmem:s0+$0xFFFFFFE0] =	vst v1;
	v1 =	vld [tilespmem:s5+$0xFFFFFF80]  }
0x424: {  	v2 =	vmul.f32 $1.570796370e+00, v2;
	v3 =	vld [tilespmem:s19+$0xFFFFFF90]  }
0x425: {  	s8 =	simm.s32 $0x40;
	s9 =	simm.s32 $0xB280;
	s4 =	simm.s32 $0xEE20;
	v0 =	vmul.f32 $1.570796370e+00, v0  }
0x426: {  	s20 =	sor.u32 $0x50, s8;
	[tilespmem:s4+$0x20] =	vst v2;
	v2 =	vld [tilespmem:s9+$0x0]  }
0x427: {  	v4 =	vld [tilespmem:s5+$0x10];
	[tilespmem:s20+$0xED80] =	vst v0  }
0x428: {  	v0 =	vmul.f32 $1.570796370e+00, v1;
	v1 =	vld [tilespmem:s19+$0x20]  }
0x429: {  	v3 =	vmul.f32 $1.570796370e+00, v3  }
0x42a: {  	[tilespmem:s4+$0xFFFFFFE0] =	vst v0;
	v0 =	vld [tilespmem:s9+$0xFFFFFF80]  }
0x42b: {  	s10 =	simm.s32 $0xC0;
	v2 =	vmul.f32 $1.570796370e+00, v2;
	[tilespmem:s0+$0xFFFFFFF0] =	vst v3;
	v3 =	vld [tilespmem:s5+$0xFFFFFF90]  }
0x42c: {  	s6 =	simm.s32 $0xB380;
	s7 =	simm.s32 $0xEEA0;
	v4 =	vmul.f32 $1.570796370e+00, v4;
	v5 =	vld [tilespmem:s19+$0xFFFFFFA0]  }
0x42d: {  	s22 =	sor.u32 $0x50, s10;
	[tilespmem:s7+$0x20] =	vst v2;
	v2 =	vld [tilespmem:s6+$0x0];
	v1 =	vmul.f32 $1.570796370e+00, v1  }
0x42e: {  	s23 =	sor.u32 $0x60, s8;
	[tilespmem:s22+$0xED80] =	vst v4;
	v6 =	vld [tilespmem:s9+$0x10]  }
0x42f: {  	v4 =	vmul.f32 $1.570796370e+00, v0;
	[tilespmem:s23+$0xED80] =	vst v1;
	v1 =	vld [tilespmem:s5+$0x20]  }
0x430: {  	v3 =	vmul.f32 $1.570796370e+00, v3;
	v0 =	vld [tilespmem:s19+$0x30]  }
0x431: {  	v5 =	vmul.f32 $1.570796370e+00, v5;
	[tilespmem:s7+$0xFFFFFFE0] =	vst v4;
	v4 =	vld [tilespmem:s6+$0xFFFFFF80]  }
0x432: {  	v7 =	vmul.f32 $1.570796370e+00, v2;
	[tilespmem:s4+$0xFFFFFFF0] =	vst v3;
	v3 =	vld [tilespmem:s9+$0xFFFFFF90]  }
0x433: {  	s12 =	simm.s32 $0x140;
	s11 =	simm.s32 $0xEF20;
	v6 =	vmul.f32 $1.570796370e+00, v6;
	[tilespmem:s0+$0x0] =	vst v5;
	v2 =	vld [tilespmem:s5+$0xFFFFFFA0]  }
0x434: {  	s16 =	simm.s32 $0x6;
	s17 =	simm.s32 $0xB480;
	s18 =	sor.u32 $0x50, s12;
	[tilespmem:s11+$0x20] =	vst v7;
	v5 =	vmul.f32 $1.570796370e+00, v1;
	v1 =	vld [tilespmem:s19+$0xFFFFFFB0]  }
.LBB2_34:
0x435: {  	v7 =	vld [tilespmem:s17+$0x0];
	[tilespmem:s18+$0xED80] =	vst v6;
	s13 =	sor.u32 $0x60, s10;
	v0 =	vmul.f32 $1.570796370e+00, v0;
	s19 =	smov.u32 s7;
	s7 =	smov.u32 s11  }
0x436: {  	s16 =	sadd.s32 $0x2, s16;
	v6 =	vld [tilespmem:s6+$0x10];
	[tilespmem:s13+$0xED80] =	vst v5;
	s13 =	sor.u32 $0x70, s8  }
0x437: {  	v4 =	vmul.f32 $1.570796370e+00, v4;
	s8 =	smov.u32 s10;
	s10 =	smov.u32 s12;
	p0 =	slt.u32 s16, $0x18  }
0x438: {  	v3 =	vmul.f32 $1.570796370e+00, v3;
	v5 =	vld [tilespmem:s9+$0x20];
	[tilespmem:s13+$0xED80] =	vst v0;
	s13 =	smov.u32 s5;
	s5 =	smov.u32 s9;
	s9 =	smov.u32 s6  }
.Ltmp16:
0x439: {  	s6 =	smov.u32 s17;
	[tilespmem:s11+$0xFFFFFFE0] =	vst v4;
	v2 =	vmul.f32 $1.570796370e+00, v2;
	v0 =	vld [tilespmem:s13+$0x30];
	(pc) =	sbr.rel @p0 .LBB2_34-.Ltmp16, $4  }
0x43a: {  	v4 =	vld [tilespmem:s17+$0xFFFFFF80];
	[tilespmem:s19+$0xFFFFFFF0] =	vst v3;
	v1 =	vmul.f32 $1.570796370e+00, v1  }
0x43b: {  	v7 =	vmul.f32 $1.570796370e+00, v7;
	v3 =	vld [tilespmem:s9+$0xFFFFFF90];
	[tilespmem:s4+$0x0] =	vst v2  }
0x43c: {  	s12 =	sadd.s32 $0x80, s12;
	s11 =	sadd.s32 $0x80, s11;
	v6 =	vmul.f32 $1.570796370e+00, v6;
	v2 =	vld [tilespmem:s5+$0xFFFFFFA0];
	[tilespmem:s0+$0x10] =	vst v1;
	s0 =	smov.u32 s4  }
0x43d: {  	s18 =	sor.u32 $0x50, s12;
	s17 =	sadd.s32 $0x100, s17;
	s4 =	smov.u32 s19;
	[tilespmem:s11+$0x20] =	vst v7;
	v5 =	vmul.f32 $1.570796370e+00, v5;
	v1 =	vld [tilespmem:s13+$0xFFFFFFB0]  }
0x43e: {  	_ = 	snop  }
0x43f: {  	v4 =	vmul.f32 $1.570796370e+00, v4;
	_ =	sdelay $0x1  }
0x440: {  	v7 =	vld [tilespmem:s6+$0x10];
	[tilespmem:s11+$0xFFFFFFE0] =	vst v4  }
0x441: {  	v4 =	vld [tilespmem:s6+$0xFFFFFF90];
	_ =	sdelay $0x2  }
0x442: {  	v3 =	vmul.f32 $1.570796370e+00, v3  }
0x443: {  	[tilespmem:s18+$0xED80] =	vst v6;
	s13 =	sadd.s32 $0x80, s12;
	v47 =	vmul.f32 $1.570796370e+00, v7  }
0x444: {  	v48 =	vld [tilespmem:s9+$0x20];
	s16 =	sor.u32 $0x50, s13;
	[tilespmem:s7+$0xFFFFFFF0] =	vst v3;
	v49 =	vmul.f32 $1.570796370e+00, v4  }
0x445: {  	v50 =	vld [tilespmem:s9+$0xFFFFFFA0];
	[tilespmem:s16+$0xED80] =	vst v47  }
0x446: {  	v6 =	vld [tilespmem:s6+$0x20];
	[tilespmem:s11+$0xFFFFFFF0] =	vst v49  }
0x447: {  	s20 =	sor.u32 $0x60, s10;
	v2 =	vmul.f32 $1.570796370e+00, v2;
	v3 =	vld [tilespmem:s6+$0xFFFFFFA0]  }
0x448: {  	[tilespmem:s20+$0xED80] =	vst v5  }
0x449: {  	v52 =	vld [tilespmem:s5+$0x30];
	[tilespmem:s4+$0x0] =	vst v2;
	v51 =	vmul.f32 $1.570796370e+00, v48  }
0x44a: {  	s22 =	sor.u32 $0x60, s12;
	v53 =	vld [tilespmem:s5+$0xFFFFFFB0];
	v4 =	vmul.f32 $1.570796370e+00, v50  }
0x44b: {  	[tilespmem:s22+$0xED80] =	vst v51;
	v6 =	vmul.f32 $1.570796370e+00, v6  }
0x44c: {  	s23 =	sor.u32 $0x60, s13;
	v54 =	vld [tilespmem:s9+$0x30];
	[tilespmem:s7+$0x0] =	vst v4;
	v3 =	vmul.f32 $1.570796370e+00, v3  }
0x44d: {  	v1 =	vmul.f32 $1.570796370e+00, v1;
	v55 =	vld [tilespmem:s9+$0xFFFFFFB0];
	[tilespmem:s23+$0xED80] =	vst v6  }
0x44e: {  	v57 =	vmul.f32 $1.570796370e+00, v52;
	v56 =	vld [tilespmem:s6+$0x30];
	[tilespmem:s11+$0x0] =	vst v3  }
0x44f: {  	s10 =	sor.u32 $0x70, s10;
	[tilespmem:s0+$0x10] =	vst v1;
	v59 =	vmul.f32 $1.570796370e+00, v53;
	v58 =	vld [tilespmem:s6+$0xFFFFFFB0]  }
0x450: {  	v0 =	vmul.f32 $1.570796370e+00, v0;
	[tilespmem:s10+$0xED80] =	vst v57  }
0x451: {  	s9 =	sor.u32 $0x70, s8;
	[tilespmem:s4+$0x10] =	vst v59;
	v60 =	vmul.f32 $1.570796370e+00, v54  }
0x452: {  	s12 =	sor.u32 $0x70, s12;
	[tilespmem:s9+$0xED80] =	vst v0;
	v61 =	vmul.f32 $1.570796370e+00, v55  }
0x453: {  	[tilespmem:s12+$0xED80] =	vst v60;
	v62 =	vmul.f32 $1.570796370e+00, v56  }
0x454: {  	s16 =	sor.u32 $0x70, s13;
	[tilespmem:s7+$0x10] =	vst v61;
	v63 =	vmul.f32 $1.570796370e+00, v58  }
0x455: {  	[tilespmem:s16+$0xED80] =	vst v62  }
0x456: {  	[tilespmem:s11+$0x10] =	vst v63  }
0x457: {  	s17 =	simm.s32 $0xED80;
	s18 =	simm.s32 $0x9;
	s0 =	rddreg [dreg:$0x14]  }
0x458: {  	[hbm4b:s0+s26] =	stream.strided.scatter [tilespmem:s17], [sflag:$0x10], $0x680, s14, s26, $0x38;
	[tilespmem:$0xF400] =	vst v63  }
0x459: {  	_ =	swait.ge [sflag:s18], $0x680  }
0x45a: {  	[sflag:s18] =	ssyncset.done $0x0  }
0x45b: {  	s19 =	simm.s32 $0xA;
	[sflag:s18] =	ssyncadd.s32 $0xFFFFF980  }
0x45c: {  	_ =	swait.ge [sflag:s19], $0x680  }
0x45d: {  	[sflag:s19] =	ssyncset.done $0x0  }
0x45e: {  	s20 =	simm.s32 $0xB;
	[sflag:s19] =	ssyncadd.s32 $0xFFFFF980  }
0x45f: {  	_ =	swait.ge [sflag:s20], $0x680  }
0x460: {  	[sflag:s20] =	ssyncset.done $0x0  }
0x461: {  	[sflag:s20] =	ssyncadd.s32 $0xFFFFF980  }
0x462: {  	_ =	swait.ge [sflag:s28], $0x680  }
0x463: {  	[sflag:s28] =	ssyncset.done $0x0  }
0x464: {  	[sflag:s28] =	ssyncadd.s32 $0xFFFFF980  }
0x465: {  	_ =	swait.ge [sflag:s29], $0x680  }
0x466: {  	[sflag:s29] =	ssyncset.done $0x0  }
0x467: {  	[sflag:s29] =	ssyncadd.s32 $0xFFFFF980  }
0x468: {  	_ =	swait.ge [sflag:s2], $0x680  }
0x469: {  	[sflag:s2] =	ssyncset.done $0x0  }
0x46a: {  	[sflag:s2] =	ssyncadd.s32 $0xFFFFF980  }
0x46b: {  	_ =	swait.ge [sflag:s21], $0x680  }
0x46c: {  	[sflag:s21] =	ssyncset.done $0x0  }
0x46d: {  	[sflag:s21] =	ssyncadd.s32 $0xFFFFF980  }
0x46e: {  	_ =	swait.ge [sflag:s31], $0x680  }
0x46f: {  	s22 =	rddreg [dreg:$0x16]  }
0x470: {  	s23 =	rddreg [dreg:$0x15];
	s4 =	sadd.s32 $0x1, s22  }
0x471: {  	p0 =	sne.s32 s4, s23  }
.Ltmp17:
0x472: {  	_ = 	snop;
	(pc) =	sbr.rel @p0 .LBB2_1-.Ltmp17, $3  }
0x473: {  	_ =	sdelay $0x1  }
0x474: {  	[sflag:s31] =	ssyncset.done $0x0  }
0x475: {  	[sflag:s31] =	ssyncadd.s32 $0xFFFFF980  }
0x476: {  	_ =	sfence.sel $0x180000  }
0x477: {  	[bflag:$0x0] =	sbarrier.arrive $0xFFFF  }
0x478: {  	_ =	strace $0x90000047  }
0x479: {  	s0 =	stileid.u32;
	[bflag:$0x2] =	sbarrier.arrive $0xFFFF  }
0x47a: {  	p0 =	sne.s32 s0, $0x0;
	s0 =	rddreg [dreg:$0x2]  }
0x47b: {  	s0 =	sadd.s32 @!p0 $0x100000, s0  }
0x47c: {  	[sflag:s0] =	ssyncadd.tile.s32 @!p0 $0x1;
	_ =	shalt  }
.Lfunc_end2:
_tile_overlayer_lowered:
.L_overlay_start_2:
0x47d: {  	(tag) =	ssettag $0x2  }
0x47e: {  	s0 =	rddreg [dreg:$0x0];
	s2 =	stileid.u32  }
0x47f: {  	s1 =	rddreg [dreg:$0x1];
	p0 =	sne.s32 s2, $0x0  }
0x480: {  	s3 =	rddreg [dreg:$0x2];
	[bflag:$0x3] =	sbarrier.arrive $0xFFFF;
	s2 =	simm.s32 @!p0 $0x1C11  }
0x481: {  	[timem:s3], [sflag:s2] =	dma.local @!p0 [hbm:s0], s1  }
0x482: {  	s0 =	simm.s32 @!p0 $0x11  }
0x483: {  	_ =	swait.ge @!p0 [sflag:s0], s1  }
0x484: {  	s1 =	ssub.s32 @!p0 $0x0, s1;
	[sflag:s0] =	ssyncset.done @!p0 $0x0  }
0x485: {  	[sflag:s0] =	ssyncadd.s32 @!p0 s1  }
0x486: {  	[bflag:$0x3] =	sbarrier.arrive $0xFFFF  }
0x487: {  	_ =	shalt  }

</sc_bundles>
